<compile_context>
chip_gen: v7x
topology: tpu7x:2x2x1
jax: 0.10.2.dev20260603
libtpu: 0.0.44.dev20260713+nightly
codegen_flags: <defaults>
</compile_context>

<pallas_src>
import functools

import jax
import jax.numpy as jnp
import numpy as np
from jax import lax
from jax.experimental import pallas as pl
from jax.experimental.pallas import tpu as pltpu
from jax.experimental.pallas import tpu_sc as plsc

_B = 4096
_K = 30
_FPF = 80
_CTRL = 32
_HID = 2048
_TRUNK = 1024
_IPP = 8
_EMB = [('action', 400, 32), ('jumps', 8, 4), ('character', 34, 12),
        ('l_cancel', 4, 2), ('hurtbox', 4, 2), ('ground', 128, 8),
        ('last_attack', 64, 8), ('state_age', 128, 8)]
_STAGE = ('stage', 32, 8)
_HEADS = [('continuous', 8), ('binary', 6), ('velocity', 10), ('dynamics', 16),
          ('p0_action', 400), ('p1_action', 400), ('p0_jumps', 8), ('p1_jumps', 8),
          ('p0_l_cancel', 4), ('p1_l_cancel', 4), ('p0_hurtbox', 4), ('p1_hurtbox', 4),
          ('p0_ground', 128), ('p1_ground', 128), ('p0_last_attack', 64),
          ('p1_last_attack', 64)]
_EMB_PER_FRAME = 2 * sum(d for _, _, d in _EMB) + _STAGE[2]
_FRAME = _FPF + _EMB_PER_FRAME
_NF = _K * _FPF
_NE = _K * _EMB_PER_FRAME
_IN = _FRAME * _K + _CTRL
_HOUT = sum(o for _, o in _HEADS)
_HPAD = 1280

_BT = 256


def _mlp_body(xf_ref, xe_ref, xc_ref, w1f_ref, w1e_ref, w1c_ref, b1_ref,
              w2_ref, b2_ref, wh_ref, bh_ref, out_ref):
    f32 = jnp.float32
    h = jnp.dot(xf_ref[...], w1f_ref[...], preferred_element_type=f32)
    h += jnp.dot(xe_ref[...], w1e_ref[...], preferred_element_type=f32)
    h += jnp.dot(xc_ref[...], w1c_ref[...], preferred_element_type=f32)
    h = jnp.maximum(h + b1_ref[...], 0.0).astype(jnp.bfloat16)
    h2 = jnp.dot(h, w2_ref[...], preferred_element_type=f32)
    h2 = jnp.maximum(h2 + b2_ref[...], 0.0).astype(jnp.bfloat16)
    out_ref[...] = jnp.dot(h2, wh_ref[...], preferred_element_type=f32) + bh_ref[...]


def _mlp(xf, xe, xc, w1f, w1e, w1c, b1, w2, b2, wh, bh):
    const = lambda i: (0, 0)
    return pl.pallas_call(
        _mlp_body,
        grid=(_B // _BT,),
        in_specs=[
            pl.BlockSpec((_BT, _NF), lambda i: (i, 0)),
            pl.BlockSpec((_BT, _NE), lambda i: (i, 0)),
            pl.BlockSpec((_BT, _CTRL), lambda i: (i, 0)),
            pl.BlockSpec((_NF, _HID), const),
            pl.BlockSpec((_NE, _HID), const),
            pl.BlockSpec((_CTRL, _HID), const),
            pl.BlockSpec((1, _HID), const),
            pl.BlockSpec((_HID, _TRUNK), const),
            pl.BlockSpec((1, _TRUNK), const),
            pl.BlockSpec((_TRUNK, _HPAD), const),
            pl.BlockSpec((1, _HPAD), const),
        ],
        out_specs=pl.BlockSpec((_BT, _HPAD), lambda i: (i, 0)),
        out_shape=jax.ShapeDtypeStruct((_B, _HPAD), jnp.float32),
        compiler_params=pltpu.CompilerParams(
            dimension_semantics=("arbitrary",),
        ),
    )(xf, xe, xc, w1f, w1e, w1c, b1, w2, b2, wh, bh)


_SLOT_TABLE = list(range(8)) + list(range(8)) + [8]
_TAB_DIMS = [d for _, _, d in _EMB] + [_STAGE[2]]
_TAB_VOCAB = [v for _, v, _ in _EMB] + [_STAGE[1]]
_TAB_WOFF = np.concatenate([[0], np.cumsum(
    [v * d // 2 for v, d in zip(_TAB_VOCAB, _TAB_DIMS)])]).astype(np.int32)
_TAB_WORDS = int(_TAB_WOFF[-1])
_TAB_WPAD = (_TAB_WORDS + 15) // 16 * 16
_SLOT_DW = [_TAB_DIMS[t] // 2 for t in _SLOT_TABLE]
_SLOT_CWO = np.concatenate([[0], np.cumsum(_SLOT_DW)]).astype(np.int32)
_WPF = int(_SLOT_CWO[-1])
_NSLOT = 2 * _IPP + 1
_NEW = _K * _WPF
_BC = 16
_NW = 32


def _sc_gather_body(tab_hbm, idx_hbm, out_hbm, tab_v, idx_v, out_v):
    wid = lax.axis_index("c") * 16 + lax.axis_index("s")
    pltpu.sync_copy(tab_hbm, tab_v)
    nidx = _NSLOT * _K
    rows_i = lax.iota(jnp.int32, 16) * nidx
    rows_o = lax.iota(jnp.int32, 16) * _NEW
    chunks = _B // _BC // _NW

    def chunk_body(i, carry):
        b0 = (wid * chunks + i) * _BC
        pltpu.sync_copy(idx_hbm.at[pl.ds(b0 * nidx, _BC * nidx)], idx_v)

        @plsc.parallel_loop(0, _K)
        def k_body(k):
            for s in range(_NSLOT):
                idxv = plsc.load_gather(idx_v, [rows_i + (k * _NSLOT + s)])
                wbase = idxv * _SLOT_DW[s] + int(_TAB_WOFF[_SLOT_TABLE[s]])
                obase = rows_o + (k * _WPF + int(_SLOT_CWO[s]))
                for j in range(_SLOT_DW[s]):
                    data = plsc.load_gather(tab_v, [wbase + j])
                    plsc.store_scatter(out_v, [obase + j], data)
        pltpu.sync_copy(out_v, out_hbm.at[pl.ds(b0 * _NEW, _BC * _NEW)])
        return carry

    lax.fori_loop(0, chunks, chunk_body, 0)


def _sc_gather(tab_words, idx_flat):
    mesh = plsc.VectorSubcoreMesh(core_axis_name="c", subcore_axis_name="s")
    f = functools.partial(
        pl.kernel,
        mesh=mesh,
        out_type=jax.ShapeDtypeStruct((_B * _NEW,), jnp.int32),
        scratch_types=[
            pltpu.VMEM((_TAB_WPAD,), jnp.int32),
            pltpu.VMEM((_BC * _NSLOT * _K,), jnp.int32),
            pltpu.VMEM((_BC * _NEW,), jnp.int32),
        ],
        compiler_params=pltpu.CompilerParams(needs_layout_passes=False),
    )(_sc_gather_body)
    return f(tab_words, idx_flat)


def _pack_tables(params):
    parts = []
    for name, v, d in _EMB + [_STAGE]:
        e = params[name + '_embed'].astype(jnp.bfloat16)
        parts.append(lax.bitcast_convert_type(
            e.reshape(v, d // 2, 2), jnp.int32).reshape(-1))
    flat = jnp.concatenate(parts)
    return jnp.pad(flat, (0, _TAB_WPAD - _TAB_WORDS))


def _gather_emb_sc(int_ctx, params):
    tab_words = _pack_tables(params)
    idx_flat = int_ctx.reshape(_B * _K * _NSLOT)
    words = _sc_gather(tab_words, idx_flat).reshape(_B, _NEW)
    return lax.bitcast_convert_type(words, jnp.bfloat16).reshape(_B, _NE)


def kernel(float_ctx, int_ctx, next_ctrl, params):
    bf16 = jnp.bfloat16
    xf = float_ctx.reshape(_B, _NF).astype(bf16)
    xc = next_ctrl.astype(bf16)
    xe = _gather_emb_sc(int_ctx, params)

    w1_3d = params['W1'][:_FRAME * _K].reshape(_K, _FRAME, _HID)
    w1f = w1_3d[:, :_FPF, :].reshape(_NF, _HID).astype(bf16)
    w1e = w1_3d[:, _FPF:, :].reshape(_NE, _HID).astype(bf16)
    w1c = params['W1'][_FRAME * _K:].astype(bf16)
    b1 = params['b1'].reshape(1, _HID)
    w2 = params['W2'].astype(bf16)
    b2 = params['b2'].reshape(1, _TRUNK)
    wh = jnp.concatenate([params[n + '_W'] for n, _ in _HEADS], axis=1)
    wh = jnp.pad(wh, ((0, 0), (0, _HPAD - _HOUT))).astype(bf16)
    bh = jnp.pad(jnp.concatenate([params[n + '_b'] for n, _ in _HEADS]),
                 (0, _HPAD - _HOUT)).reshape(1, _HPAD)

    out = _mlp(xf, xe, xc, w1f, w1e, w1c, b1, w2, b2, wh, bh)

    res, off = {}, 0
    for name, o in _HEADS:
        res[name] = out[:, off:off + o]
        off += o
    return res

# --- scband reference (transcript-rebuilt; emitter-appended) ---
"""Pipeline reference for scband-frame-stack-mlp-35940286333294 (READ-ONLY COPY).

The authoritative reference and input builder live on the scoring server;
editing this copy changes nothing except your own understanding.
"""

import jax, jax.numpy as jnp
import numpy as np

B = 4096
K = 30
FLOAT_PER_FRAME = 80
CTRL_DIM = 32
HIDDEN = 2048
TRUNK = 1024
IPP = 8
EMB_SPECS = [('action', 400, 32), ('jumps', 8, 4), ('character', 34, 12), ('l_cancel', 4, 2), ('hurtbox', 4, 2), ('ground', 128, 8), ('last_attack', 64, 8), ('state_age', 128, 8)]
STAGE_SPEC = ('stage', 32, 8)
HEAD_SPECS = [('continuous', 8), ('binary', 6), ('velocity', 10), ('dynamics', 16), ('p0_action', 400), ('p1_action', 400), ('p0_jumps', 8), ('p1_jumps', 8), ('p0_l_cancel', 4), ('p1_l_cancel', 4), ('p0_hurtbox', 4), ('p1_hurtbox', 4), ('p0_ground', 128), ('p1_ground', 128), ('p0_last_attack', 64), ('p1_last_attack', 64)]
FRAME_DIM = FLOAT_PER_FRAME + 2 * sum(d for _, _, d in EMB_SPECS) + STAGE_SPEC[2]
INPUT_DIM = FRAME_DIM * K + CTRL_DIM


def setup_inputs(seed: int = 0) -> dict:
    key = jax.random.key(seed)
    ki = iter(jax.random.split(key, 64))
    float_ctx = jax.random.normal(next(ki), (B, K, FLOAT_PER_FRAME), dtype=jnp.float32)
    int_ctx = jax.random.randint(next(ki), (B, K, 2 * IPP + 1), 0, 4, dtype=jnp.int32)
    next_ctrl = jax.random.normal(next(ki), (B, CTRL_DIM), dtype=jnp.float32)
    params = {}
    for name, v, d in EMB_SPECS + [STAGE_SPEC]:
        params[name + '_embed'] = jax.random.normal(next(ki), (v, d), dtype=jnp.float32) * 0.02
    params['W1'] = jax.random.normal(next(ki), (INPUT_DIM, HIDDEN), dtype=jnp.float32) * 0.02
    params['b1'] = jnp.zeros((HIDDEN,), jnp.float32)
    params['W2'] = jax.random.normal(next(ki), (HIDDEN, TRUNK), dtype=jnp.float32) * 0.02
    params['b2'] = jnp.zeros((TRUNK,), jnp.float32)
    for name, o in HEAD_SPECS:
        params[name + '_W'] = jax.random.normal(next(ki), (TRUNK, o), dtype=jnp.float32) * 0.02
        params[name + '_b'] = jnp.zeros((o,), jnp.float32)
    return {'float_ctx': float_ctx, 'int_ctx': int_ctx, 'next_ctrl': next_ctrl, 'params': params}


def _forward(float_ctx, int_ctx, next_ctrl, params):
    parts = [float_ctx]
    for base in (0, IPP):
        for j, (name, _, _) in enumerate(EMB_SPECS):
            parts.append(params[name + '_embed'][int_ctx[:, :, base + j]])
    parts.append(params['stage_embed'][int_ctx[:, :, 2 * IPP]])
    frame_enc = jnp.concatenate(parts, axis=-1)
    x = jnp.concatenate([frame_enc.reshape(frame_enc.shape[0], -1), next_ctrl], axis=-1)
    h = jax.nn.relu(x @ params['W1'] + params['b1'])
    h = jax.nn.relu(h @ params['W2'] + params['b2'])
    return {name: h @ params[name + '_W'] + params[name + '_b'] for name, _ in HEAD_SPECS}


def reference(float_ctx, int_ctx, next_ctrl, params):
    return _forward(float_ctx, int_ctx, next_ctrl, params)

if __name__ == "__main__":
    import jax
    _d = setup_inputs()
    print(jax.jit(kernel)(*tuple(_d.values())))

</pallas_src>

<mosaic_0001>
#map = affine_map<(d0, d1) -> (0)>
module attributes {stable_mosaic.version = 14 : i64} {
  func.func @_sc_gather_body(%arg0: i32, %arg1: i32, %arg2: memref<8048xi32, #tpu.memory_space<hbm>>, %arg3: memref<2088960xi32, #tpu.memory_space<hbm>>, %arg4: memref<9830400xi32, #tpu.memory_space<hbm>>, %arg5: memref<8048xi32, #tpu.memory_space<vmem>>, %arg6: memref<8160xi32, #tpu.memory_space<vmem>>, %arg7: memref<38400xi32, #tpu.memory_space<vmem>>) attributes {dimension_semantics = [#tpu.dimension_semantics<core_parallel>, #tpu.dimension_semantics<subcore_parallel>], iteration_bounds = array<i64: 2, 16>, scalar_prefetch = 0 : i64, scratch_operands = 3 : i64, tpu.core_type = #tpu.core_type<sc_vector_subcore>, window_params = [{transform_indices = #map}, {transform_indices = #map}, {transform_indices = #map}]} {
    %mul3A = arith.constant 16 : i32
    %mul3A_0 = arith.muli %arg0, %mul3A : i32
    %add3A = arith.addi %mul3A_0, %arg1 : i32
    "tpu.region"() ({
      %run_scoped3A = tpu.sem_alloc : memref<!tpu.dma_semaphore, #tpu.memory_space<semaphore_mem>>
      tpu.enqueue_dma source(%arg2 : memref<8048xi32, #tpu.memory_space<hbm>>) target(%arg5 : memref<8048xi32, #tpu.memory_space<vmem>>) target_semaphore(%run_scoped3A : memref<!tpu.dma_semaphore, #tpu.memory_space<semaphore_mem>>)
      tpu.wait_dma2 semaphore(%run_scoped3A : memref<!tpu.dma_semaphore, #tpu.memory_space<semaphore_mem>>) src(%arg2 : memref<8048xi32, #tpu.memory_space<hbm>>) dst(%arg5 : memref<8048xi32, #tpu.memory_space<vmem>>)
      tpu.yield
    }) : () -> ()
    %iota3A = tpu.iota {dimensions = array<i32: 0>} : vector<16xi32>
    %mul3A_1 = arith.constant 510 : i32
    %mul3A_2 = vector.broadcast %mul3A_1 : i32 to vector<16xi32>
    %mul3A_3 = arith.muli %iota3A, %mul3A_2 : vector<16xi32>
    %iota3A_4 = tpu.iota {dimensions = array<i32: 0>} : vector<16xi32>
    %mul3A_5 = arith.constant 2400 : i32
    %mul3A_6 = vector.broadcast %mul3A_5 : i32 to vector<16xi32>
    %mul3A_7 = arith.muli %iota3A_4, %mul3A_6 : vector<16xi32>
    %scan3A = arith.constant 0 : i32
    %scan3A_8 = arith.constant 0 : i32
    %scan3A_9 = arith.constant 8 : i32
    %scan3A_10 = arith.addi %scan3A_8, %scan3A_9 : i32
    %scan3A_11 = arith.constant 1 : i32
    scf.for %scan3A_13 = %scan3A_8 to %scan3A_10 step %scan3A_11  : i32 {
      %mul3A_14 = arith.constant 8 : i32
      %mul3A_15 = arith.muli %add3A, %mul3A_14 : i32
      %add3A_16 = arith.addi %mul3A_15, %scan3A_13 : i32
      %mul3A_17 = arith.constant 16 : i32
      %mul3A_18 = arith.muli %add3A_16, %mul3A_17 : i32
      %mul3A_19 = arith.constant 510 : i32
      %mul3A_20 = arith.muli %mul3A_18, %mul3A_19 : i32
      "tpu.region"() ({
        %run_scoped3A = tpu.sem_alloc : memref<!tpu.dma_semaphore, #tpu.memory_space<semaphore_mem>>
        %dma_start3A = tpu.memref_slice %arg3[%mul3A_20] : memref<2088960xi32, #tpu.memory_space<hbm>> -> memref<8160xi32, #tpu.memory_space<hbm>>
        %dma_start3A_25 = tpu.memref_slice %arg3[%mul3A_20] : memref<2088960xi32, #tpu.memory_space<hbm>> -> memref<8160xi32, #tpu.memory_space<hbm>>
        tpu.enqueue_dma source(%dma_start3A_25 : memref<8160xi32, #tpu.memory_space<hbm>>) target(%arg6 : memref<8160xi32, #tpu.memory_space<vmem>>) target_semaphore(%run_scoped3A : memref<!tpu.dma_semaphore, #tpu.memory_space<semaphore_mem>>)
        %dma_wait3A = tpu.memref_slice %arg3[%mul3A_20] : memref<2088960xi32, #tpu.memory_space<hbm>> -> memref<8160xi32, #tpu.memory_space<hbm>>
        %dma_wait3A_26 = tpu.memref_slice %arg3[%mul3A_20] : memref<2088960xi32, #tpu.memory_space<hbm>> -> memref<8160xi32, #tpu.memory_space<hbm>>
        tpu.wait_dma2 semaphore(%run_scoped3A : memref<!tpu.dma_semaphore, #tpu.memory_space<semaphore_mem>>) src(%dma_wait3A_26 : memref<8160xi32, #tpu.memory_space<hbm>>) dst(%arg6 : memref<8160xi32, #tpu.memory_space<vmem>>)
        tpu.yield
      }) : () -> ()
      %parallel_loop3A = arith.constant 0 : i32
      %parallel_loop3A_21 = arith.constant 30 : i32
      %parallel_loop3A_22 = arith.constant 1 : i32
      scf.for %parallel_loop3A_25 = %parallel_loop3A to %parallel_loop3A_21 step %parallel_loop3A_22  : i32 {
        %parallel_loop3A_26 = arith.constant 17 : i32
        %parallel_loop3A_27 = arith.muli %parallel_loop3A_25, %parallel_loop3A_26 : i32
        %parallel_loop3A_28 = arith.constant 0 : i32
        %parallel_loop3A_29 = arith.addi %parallel_loop3A_27, %parallel_loop3A_28 : i32
        %parallel_loop3A_30 = vector.broadcast %parallel_loop3A_29 : i32 to vector<16xi32>
        %parallel_loop3A_31 = arith.addi %mul3A_3, %parallel_loop3A_30 : vector<16xi32>
        %parallel_loop3A_32 = tpu.vector_load_idx %arg6[%parallel_loop3A_31] : memref<8160xi32, #tpu.memory_space<vmem>>[vector<16xi32>], vector<16xi32>,
        %parallel_loop3A_33 = arith.constant 16 : i32
        %parallel_loop3A_34 = vector.broadcast %parallel_loop3A_33 : i32 to vector<16xi32>
        %parallel_loop3A_35 = arith.muli %parallel_loop3A_32, %parallel_loop3A_34 : vector<16xi32>
        %parallel_loop3A_36 = arith.constant 0 : i32
        %parallel_loop3A_37 = vector.broadcast %parallel_loop3A_36 : i32 to vector<16xi32>
        %parallel_loop3A_38 = arith.addi %parallel_loop3A_35, %parallel_loop3A_37 : vector<16xi32>
        %parallel_loop3A_39 = arith.constant 80 : i32
        %parallel_loop3A_40 = arith.muli %parallel_loop3A_25, %parallel_loop3A_39 : i32
        %parallel_loop3A_41 = arith.constant 0 : i32
        %parallel_loop3A_42 = arith.addi %parallel_loop3A_40, %parallel_loop3A_41 : i32
        %parallel_loop3A_43 = vector.broadcast %parallel_loop3A_42 : i32 to vector<16xi32>
        %parallel_loop3A_44 = arith.addi %mul3A_7, %parallel_loop3A_43 : vector<16xi32>
        %parallel_loop3A_45 = arith.constant 0 : i32
        %parallel_loop3A_46 = vector.broadcast %parallel_loop3A_45 : i32 to vector<16xi32>
        %parallel_loop3A_47 = arith.addi %parallel_loop3A_38, %parallel_loop3A_46 : vector<16xi32>
        %parallel_loop3A_48 = tpu.vector_load_idx %arg5[%parallel_loop3A_47] : memref<8048xi32, #tpu.memory_space<vmem>>[vector<16xi32>], vector<16xi32>,
        %parallel_loop3A_49 = arith.constant 0 : i32
        %parallel_loop3A_50 = vector.broadcast %parallel_loop3A_49 : i32 to vector<16xi32>
        %parallel_loop3A_51 = arith.addi %parallel_loop3A_44, %parallel_loop3A_50 : vector<16xi32>
        tpu.vector_store_idx %arg7[%parallel_loop3A_51], %parallel_loop3A_48 : memref<38400xi32, #tpu.memory_space<vmem>>[vector<16xi32>], vector<16xi32>,
        %parallel_loop3A_52 = arith.constant 1 : i32
        %parallel_loop3A_53 = vector.broadcast %parallel_loop3A_52 : i32 to vector<16xi32>
        %parallel_loop3A_54 = arith.addi %parallel_loop3A_38, %parallel_loop3A_53 : vector<16xi32>
        %parallel_loop3A_55 = tpu.vector_load_idx %arg5[%parallel_loop3A_54] : memref<8048xi32, #tpu.memory_space<vmem>>[vector<16xi32>], vector<16xi32>,
        %parallel_loop3A_56 = arith.constant 1 : i32
        %parallel_loop3A_57 = vector.broadcast %parallel_loop3A_56 : i32 to vector<16xi32>
        %parallel_loop3A_58 = arith.addi %parallel_loop3A_44, %parallel_loop3A_57 : vector<16xi32>
        tpu.vector_store_idx %arg7[%parallel_loop3A_58], %parallel_loop3A_55 : memref<38400xi32, #tpu.memory_space<vmem>>[vector<16xi32>], vector<16xi32>,
        %parallel_loop3A_59 = arith.constant 2 : i32
        %parallel_loop3A_60 = vector.broadcast %parallel_loop3A_59 : i32 to vector<16xi32>
        %parallel_loop3A_61 = arith.addi %parallel_loop3A_38, %parallel_loop3A_60 : vector<16xi32>
        %parallel_loop3A_62 = tpu.vector_load_idx %arg5[%parallel_loop3A_61] : memref<8048xi32, #tpu.memory_space<vmem>>[vector<16xi32>], vector<16xi32>,
        %parallel_loop3A_63 = arith.constant 2 : i32
        %parallel_loop3A_64 = vector.broadcast %parallel_loop3A_63 : i32 to vector<16xi32>
        %parallel_loop3A_65 = arith.addi %parallel_loop3A_44, %parallel_loop3A_64 : vector<16xi32>
        tpu.vector_store_idx %arg7[%parallel_loop3A_65], %parallel_loop3A_62 : memref<38400xi32, #tpu.memory_space<vmem>>[vector<16xi32>], vector<16xi32>,
        %parallel_loop3A_66 = arith.constant 3 : i32
        %parallel_loop3A_67 = vector.broadcast %parallel_loop3A_66 : i32 to vector<16xi32>
        %parallel_loop3A_68 = arith.addi %parallel_loop3A_38, %parallel_loop3A_67 : vector<16xi32>
        %parallel_loop3A_69 = tpu.vector_load_idx %arg5[%parallel_loop3A_68] : memref<8048xi32, #tpu.memory_space<vmem>>[vector<16xi32>], vector<16xi32>,
        %parallel_loop3A_70 = arith.constant 3 : i32
        %parallel_loop3A_71 = vector.broadcast %parallel_loop3A_70 : i32 to vector<16xi32>
        %parallel_loop3A_72 = arith.addi %parallel_loop3A_44, %parallel_loop3A_71 : vector<16xi32>
        tpu.vector_store_idx %arg7[%parallel_loop3A_72], %parallel_loop3A_69 : memref<38400xi32, #tpu.memory_space<vmem>>[vector<16xi32>], vector<16xi32>,
        %parallel_loop3A_73 = arith.constant 4 : i32
        %parallel_loop3A_74 = vector.broadcast %parallel_loop3A_73 : i32 to vector<16xi32>
        %parallel_loop3A_75 = arith.addi %parallel_loop3A_38, %parallel_loop3A_74 : vector<16xi32>
        %parallel_loop3A_76 = tpu.vector_load_idx %arg5[%parallel_loop3A_75] : memref<8048xi32, #tpu.memory_space<vmem>>[vector<16xi32>], vector<16xi32>,
        %parallel_loop3A_77 = arith.constant 4 : i32
        %parallel_loop3A_78 = vector.broadcast %parallel_loop3A_77 : i32 to vector<16xi32>
        %parallel_loop3A_79 = arith.addi %parallel_loop3A_44, %parallel_loop3A_78 : vector<16xi32>
        tpu.vector_store_idx %arg7[%parallel_loop3A_79], %parallel_loop3A_76 : memref<38400xi32, #tpu.memory_space<vmem>>[vector<16xi32>], vector<16xi32>,
        %parallel_loop3A_80 = arith.constant 5 : i32
        %parallel_loop3A_81 = vector.broadcast %parallel_loop3A_80 : i32 to vector<16xi32>
        %parallel_loop3A_82 = arith.addi %parallel_loop3A_38, %parallel_loop3A_81 : vector<16xi32>
        %parallel_loop3A_83 = tpu.vector_load_idx %arg5[%parallel_loop3A_82] : memref<8048xi32, #tpu.memory_space<vmem>>[vector<16xi32>], vector<16xi32>,
        %parallel_loop3A_84 = arith.constant 5 : i32
        %parallel_loop3A_85 = vector.broadcast %parallel_loop3A_84 : i32 to vector<16xi32>
        %parallel_loop3A_86 = arith.addi %parallel_loop3A_44, %parallel_loop3A_85 : vector<16xi32>
        tpu.vector_store_idx %arg7[%parallel_loop3A_86], %parallel_loop3A_83 : memref<38400xi32, #tpu.memory_space<vmem>>[vector<16xi32>], vector<16xi32>,
        %parallel_loop3A_87 = arith.constant 6 : i32
        %parallel_loop3A_88 = vector.broadcast %parallel_loop3A_87 : i32 to vector<16xi32>
        %parallel_loop3A_89 = arith.addi %parallel_loop3A_38, %parallel_loop3A_88 : vector<16xi32>
        %parallel_loop3A_90 = tpu.vector_load_idx %arg5[%parallel_loop3A_89] : memref<8048xi32, #tpu.memory_space<vmem>>[vector<16xi32>], vector<16xi32>,
        %parallel_loop3A_91 = arith.constant 6 : i32
        %parallel_loop3A_92 = vector.broadcast %parallel_loop3A_91 : i32 to vector<16xi32>
        %parallel_loop3A_93 = arith.addi %parallel_loop3A_44, %parallel_loop3A_92 : vector<16xi32>
        tpu.vector_store_idx %arg7[%parallel_loop3A_93], %parallel_loop3A_90 : memref<38400xi32, #tpu.memory_space<vmem>>[vector<16xi32>], vector<16xi32>,
        %parallel_loop3A_94 = arith.constant 7 : i32
        %parallel_loop3A_95 = vector.broadcast %parallel_loop3A_94 : i32 to vector<16xi32>
        %parallel_loop3A_96 = arith.addi %parallel_loop3A_38, %parallel_loop3A_95 : vector<16xi32>
        %parallel_loop3A_97 = tpu.vector_load_idx %arg5[%parallel_loop3A_96] : memref<8048xi32, #tpu.memory_space<vmem>>[vector<16xi32>], vector<16xi32>,
        %parallel_loop3A_98 = arith.constant 7 : i32
        %parallel_loop3A_99 = vector.broadcast %parallel_loop3A_98 : i32 to vector<16xi32>
        %parallel_loop3A_100 = arith.addi %parallel_loop3A_44, %parallel_loop3A_99 : vector<16xi32>
        tpu.vector_store_idx %arg7[%parallel_loop3A_100], %parallel_loop3A_97 : memref<38400xi32, #tpu.memory_space<vmem>>[vector<16xi32>], vector<16xi32>,
        %parallel_loop3A_101 = arith.constant 8 : i32
        %parallel_loop3A_102 = vector.broadcast %parallel_loop3A_101 : i32 to vector<16xi32>
        %parallel_loop3A_103 = arith.addi %parallel_loop3A_38, %parallel_loop3A_102 : vector<16xi32>
        %parallel_loop3A_104 = tpu.vector_load_idx %arg5[%parallel_loop3A_103] : memref<8048xi32, #tpu.memory_space<vmem>>[vector<16xi32>], vector<16xi32>,
        %parallel_loop3A_105 = arith.constant 8 : i32
        %parallel_loop3A_106 = vector.broadcast %parallel_loop3A_105 : i32 to vector<16xi32>
        %parallel_loop3A_107 = arith.addi %parallel_loop3A_44, %parallel_loop3A_106 : vector<16xi32>
        tpu.vector_store_idx %arg7[%parallel_loop3A_107], %parallel_loop3A_104 : memref<38400xi32, #tpu.memory_space<vmem>>[vector<16xi32>], vector<16xi32>,
        %parallel_loop3A_108 = arith.constant 9 : i32
        %parallel_loop3A_109 = vector.broadcast %parallel_loop3A_108 : i32 to vector<16xi32>
        %parallel_loop3A_110 = arith.addi %parallel_loop3A_38, %parallel_loop3A_109 : vector<16xi32>
        %parallel_loop3A_111 = tpu.vector_load_idx %arg5[%parallel_loop3A_110] : memref<8048xi32, #tpu.memory_space<vmem>>[vector<16xi32>], vector<16xi32>,
        %parallel_loop3A_112 = arith.constant 9 : i32
        %parallel_loop3A_113 = vector.broadcast %parallel_loop3A_112 : i32 to vector<16xi32>
        %parallel_loop3A_114 = arith.addi %parallel_loop3A_44, %parallel_loop3A_113 : vector<16xi32>
        tpu.vector_store_idx %arg7[%parallel_loop3A_114], %parallel_loop3A_111 : memref<38400xi32, #tpu.memory_space<vmem>>[vector<16xi32>], vector<16xi32>,
        %parallel_loop3A_115 = arith.constant 10 : i32
        %parallel_loop3A_116 = vector.broadcast %parallel_loop3A_115 : i32 to vector<16xi32>
        %parallel_loop3A_117 = arith.addi %parallel_loop3A_38, %parallel_loop3A_116 : vector<16xi32>
        %parallel_loop3A_118 = tpu.vector_load_idx %arg5[%parallel_loop3A_117] : memref<8048xi32, #tpu.memory_space<vmem>>[vector<16xi32>], vector<16xi32>,
        %parallel_loop3A_119 = arith.constant 10 : i32
        %parallel_loop3A_120 = vector.broadcast %parallel_loop3A_119 : i32 to vector<16xi32>
        %parallel_loop3A_121 = arith.addi %parallel_loop3A_44, %parallel_loop3A_120 : vector<16xi32>
        tpu.vector_store_idx %arg7[%parallel_loop3A_121], %parallel_loop3A_118 : memref<38400xi32, #tpu.memory_space<vmem>>[vector<16xi32>], vector<16xi32>,
        %parallel_loop3A_122 = arith.constant 11 : i32
        %parallel_loop3A_123 = vector.broadcast %parallel_loop3A_122 : i32 to vector<16xi32>
        %parallel_loop3A_124 = arith.addi %parallel_loop3A_38, %parallel_loop3A_123 : vector<16xi32>
        %parallel_loop3A_125 = tpu.vector_load_idx %arg5[%parallel_loop3A_124] : memref<8048xi32, #tpu.memory_space<vmem>>[vector<16xi32>], vector<16xi32>,
        %parallel_loop3A_126 = arith.constant 11 : i32
        %parallel_loop3A_127 = vector.broadcast %parallel_loop3A_126 : i32 to vector<16xi32>
        %parallel_loop3A_128 = arith.addi %parallel_loop3A_44, %parallel_loop3A_127 : vector<16xi32>
        tpu.vector_store_idx %arg7[%parallel_loop3A_128], %parallel_loop3A_125 : memref<38400xi32, #tpu.memory_space<vmem>>[vector<16xi32>], vector<16xi32>,
        %parallel_loop3A_129 = arith.constant 12 : i32
        %parallel_loop3A_130 = vector.broadcast %parallel_loop3A_129 : i32 to vector<16xi32>
        %parallel_loop3A_131 = arith.addi %parallel_loop3A_38, %parallel_loop3A_130 : vector<16xi32>
        %parallel_loop3A_132 = tpu.vector_load_idx %arg5[%parallel_loop3A_131] : memref<8048xi32, #tpu.memory_space<vmem>>[vector<16xi32>], vector<16xi32>,
        %parallel_loop3A_133 = arith.constant 12 : i32
        %parallel_loop3A_134 = vector.broadcast %parallel_loop3A_133 : i32 to vector<16xi32>
        %parallel_loop3A_135 = arith.addi %parallel_loop3A_44, %parallel_loop3A_134 : vector<16xi32>
        tpu.vector_store_idx %arg7[%parallel_loop3A_135], %parallel_loop3A_132 : memref<38400xi32, #tpu.memory_space<vmem>>[vector<16xi32>], vector<16xi32>,
        %parallel_loop3A_136 = arith.constant 13 : i32
        %parallel_loop3A_137 = vector.broadcast %parallel_loop3A_136 : i32 to vector<16xi32>
        %parallel_loop3A_138 = arith.addi %parallel_loop3A_38, %parallel_loop3A_137 : vector<16xi32>
        %parallel_loop3A_139 = tpu.vector_load_idx %arg5[%parallel_loop3A_138] : memref<8048xi32, #tpu.memory_space<vmem>>[vector<16xi32>], vector<16xi32>,
        %parallel_loop3A_140 = arith.constant 13 : i32
        %parallel_loop3A_141 = vector.broadcast %parallel_loop3A_140 : i32 to vector<16xi32>
        %parallel_loop3A_142 = arith.addi %parallel_loop3A_44, %parallel_loop3A_141 : vector<16xi32>
        tpu.vector_store_idx %arg7[%parallel_loop3A_142], %parallel_loop3A_139 : memref<38400xi32, #tpu.memory_space<vmem>>[vector<16xi32>], vector<16xi32>,
        %parallel_loop3A_143 = arith.constant 14 : i32
        %parallel_loop3A_144 = vector.broadcast %parallel_loop3A_143 : i32 to vector<16xi32>
        %parallel_loop3A_145 = arith.addi %parallel_loop3A_38, %parallel_loop3A_144 : vector<16xi32>
        %parallel_loop3A_146 = tpu.vector_load_idx %arg5[%parallel_loop3A_145] : memref<8048xi32, #tpu.memory_space<vmem>>[vector<16xi32>], vector<16xi32>,
        %parallel_loop3A_147 = arith.constant 14 : i32
        %parallel_loop3A_148 = vector.broadcast %parallel_loop3A_147 : i32 to vector<16xi32>
        %parallel_loop3A_149 = arith.addi %parallel_loop3A_44, %parallel_loop3A_148 : vector<16xi32>
        tpu.vector_store_idx %arg7[%parallel_loop3A_149], %parallel_loop3A_146 : memref<38400xi32, #tpu.memory_space<vmem>>[vector<16xi32>], vector<16xi32>,
        %parallel_loop3A_150 = arith.constant 15 : i32
        %parallel_loop3A_151 = vector.broadcast %parallel_loop3A_150 : i32 to vector<16xi32>
        %parallel_loop3A_152 = arith.addi %parallel_loop3A_38, %parallel_loop3A_151 : vector<16xi32>
        %parallel_loop3A_153 = tpu.vector_load_idx %arg5[%parallel_loop3A_152] : memref<8048xi32, #tpu.memory_space<vmem>>[vector<16xi32>], vector<16xi32>,
        %parallel_loop3A_154 = arith.constant 15 : i32
        %parallel_loop3A_155 = vector.broadcast %parallel_loop3A_154 : i32 to vector<16xi32>
        %parallel_loop3A_156 = arith.addi %parallel_loop3A_44, %parallel_loop3A_155 : vector<16xi32>
        tpu.vector_store_idx %arg7[%parallel_loop3A_156], %parallel_loop3A_153 : memref<38400xi32, #tpu.memory_space<vmem>>[vector<16xi32>], vector<16xi32>,
        %parallel_loop3A_157 = arith.constant 17 : i32
        %parallel_loop3A_158 = arith.muli %parallel_loop3A_25, %parallel_loop3A_157 : i32
        %parallel_loop3A_159 = arith.constant 1 : i32
        %parallel_loop3A_160 = arith.addi %parallel_loop3A_158, %parallel_loop3A_159 : i32
        %parallel_loop3A_161 = vector.broadcast %parallel_loop3A_160 : i32 to vector<16xi32>
        %parallel_loop3A_162 = arith.addi %mul3A_3, %parallel_loop3A_161 : vector<16xi32>
        %parallel_loop3A_163 = tpu.vector_load_idx %arg6[%parallel_loop3A_162] : memref<8160xi32, #tpu.memory_space<vmem>>[vector<16xi32>], vector<16xi32>,
        %parallel_loop3A_164 = arith.constant 2 : i32
        %parallel_loop3A_165 = vector.broadcast %parallel_loop3A_164 : i32 to vector<16xi32>
        %parallel_loop3A_166 = arith.muli %parallel_loop3A_163, %parallel_loop3A_165 : vector<16xi32>
        %parallel_loop3A_167 = arith.constant 6400 : i32
        %parallel_loop3A_168 = vector.broadcast %parallel_loop3A_167 : i32 to vector<16xi32>
        %parallel_loop3A_169 = arith.addi %parallel_loop3A_166, %parallel_loop3A_168 : vector<16xi32>
        %parallel_loop3A_170 = arith.constant 80 : i32
        %parallel_loop3A_171 = arith.muli %parallel_loop3A_25, %parallel_loop3A_170 : i32
        %parallel_loop3A_172 = arith.constant 16 : i32
        %parallel_loop3A_173 = arith.addi %parallel_loop3A_171, %parallel_loop3A_172 : i32
        %parallel_loop3A_174 = vector.broadcast %parallel_loop3A_173 : i32 to vector<16xi32>
        %parallel_loop3A_175 = arith.addi %mul3A_7, %parallel_loop3A_174 : vector<16xi32>
        %parallel_loop3A_176 = arith.constant 0 : i32
        %parallel_loop3A_177 = vector.broadcast %parallel_loop3A_176 : i32 to vector<16xi32>
        %parallel_loop3A_178 = arith.addi %parallel_loop3A_169, %parallel_loop3A_177 : vector<16xi32>
        %parallel_loop3A_179 = tpu.vector_load_idx %arg5[%parallel_loop3A_178] : memref<8048xi32, #tpu.memory_space<vmem>>[vector<16xi32>], vector<16xi32>,
        %parallel_loop3A_180 = arith.constant 0 : i32
        %parallel_loop3A_181 = vector.broadcast %parallel_loop3A_180 : i32 to vector<16xi32>
        %parallel_loop3A_182 = arith.addi %parallel_loop3A_175, %parallel_loop3A_181 : vector<16xi32>
        tpu.vector_store_idx %arg7[%parallel_loop3A_182], %parallel_loop3A_179 : memref<38400xi32, #tpu.memory_space<vmem>>[vector<16xi32>], vector<16xi32>,
        %parallel_loop3A_183 = arith.constant 1 : i32
        %parallel_loop3A_184 = vector.broadcast %parallel_loop3A_183 : i32 to vector<16xi32>
        %parallel_loop3A_185 = arith.addi %parallel_loop3A_169, %parallel_loop3A_184 : vector<16xi32>
        %parallel_loop3A_186 = tpu.vector_load_idx %arg5[%parallel_loop3A_185] : memref<8048xi32, #tpu.memory_space<vmem>>[vector<16xi32>], vector<16xi32>,
        %parallel_loop3A_187 = arith.constant 1 : i32
        %parallel_loop3A_188 = vector.broadcast %parallel_loop3A_187 : i32 to vector<16xi32>
        %parallel_loop3A_189 = arith.addi %parallel_loop3A_175, %parallel_loop3A_188 : vector<16xi32>
        tpu.vector_store_idx %arg7[%parallel_loop3A_189], %parallel_loop3A_186 : memref<38400xi32, #tpu.memory_space<vmem>>[vector<16xi32>], vector<16xi32>,
        %parallel_loop3A_190 = arith.constant 17 : i32
        %parallel_loop3A_191 = arith.muli %parallel_loop3A_25, %parallel_loop3A_190 : i32
        %parallel_loop3A_192 = arith.constant 2 : i32
        %parallel_loop3A_193 = arith.addi %parallel_loop3A_191, %parallel_loop3A_192 : i32
        %parallel_loop3A_194 = vector.broadcast %parallel_loop3A_193 : i32 to vector<16xi32>
        %parallel_loop3A_195 = arith.addi %mul3A_3, %parallel_loop3A_194 : vector<16xi32>
        %parallel_loop3A_196 = tpu.vector_load_idx %arg6[%parallel_loop3A_195] : memref<8160xi32, #tpu.memory_space<vmem>>[vector<16xi32>], vector<16xi32>,
        %parallel_loop3A_197 = arith.constant 6 : i32
        %parallel_loop3A_198 = vector.broadcast %parallel_loop3A_197 : i32 to vector<16xi32>
        %parallel_loop3A_199 = arith.muli %parallel_loop3A_196, %parallel_loop3A_198 : vector<16xi32>
        %parallel_loop3A_200 = arith.constant 6416 : i32
        %parallel_loop3A_201 = vector.broadcast %parallel_loop3A_200 : i32 to vector<16xi32>
        %parallel_loop3A_202 = arith.addi %parallel_loop3A_199, %parallel_loop3A_201 : vector<16xi32>
        %parallel_loop3A_203 = arith.constant 80 : i32
        %parallel_loop3A_204 = arith.muli %parallel_loop3A_25, %parallel_loop3A_203 : i32
        %parallel_loop3A_205 = arith.constant 18 : i32
        %parallel_loop3A_206 = arith.addi %parallel_loop3A_204, %parallel_loop3A_205 : i32
        %parallel_loop3A_207 = vector.broadcast %parallel_loop3A_206 : i32 to vector<16xi32>
        %parallel_loop3A_208 = arith.addi %mul3A_7, %parallel_loop3A_207 : vector<16xi32>
        %parallel_loop3A_209 = arith.constant 0 : i32
        %parallel_loop3A_210 = vector.broadcast %parallel_loop3A_209 : i32 to vector<16xi32>
        %parallel_loop3A_211 = arith.addi %parallel_loop3A_202, %parallel_loop3A_210 : vector<16xi32>
        %parallel_loop3A_212 = tpu.vector_load_idx %arg5[%parallel_loop3A_211] : memref<8048xi32, #tpu.memory_space<vmem>>[vector<16xi32>], vector<16xi32>,
        %parallel_loop3A_213 = arith.constant 0 : i32
        %parallel_loop3A_214 = vector.broadcast %parallel_loop3A_213 : i32 to vector<16xi32>
        %parallel_loop3A_215 = arith.addi %parallel_loop3A_208, %parallel_loop3A_214 : vector<16xi32>
        tpu.vector_store_idx %arg7[%parallel_loop3A_215], %parallel_loop3A_212 : memref<38400xi32, #tpu.memory_space<vmem>>[vector<16xi32>], vector<16xi32>,
        %parallel_loop3A_216 = arith.constant 1 : i32
        %parallel_loop3A_217 = vector.broadcast %parallel_loop3A_216 : i32 to vector<16xi32>
        %parallel_loop3A_218 = arith.addi %parallel_loop3A_202, %parallel_loop3A_217 : vector<16xi32>
        %parallel_loop3A_219 = tpu.vector_load_idx %arg5[%parallel_loop3A_218] : memref<8048xi32, #tpu.memory_space<vmem>>[vector<16xi32>], vector<16xi32>,
        %parallel_loop3A_220 = arith.constant 1 : i32
        %parallel_loop3A_221 = vector.broadcast %parallel_loop3A_220 : i32 to vector<16xi32>
        %parallel_loop3A_222 = arith.addi %parallel_loop3A_208, %parallel_loop3A_221 : vector<16xi32>
        tpu.vector_store_idx %arg7[%parallel_loop3A_222], %parallel_loop3A_219 : memref<38400xi32, #tpu.memory_space<vmem>>[vector<16xi32>], vector<16xi32>,
        %parallel_loop3A_223 = arith.constant 2 : i32
        %parallel_loop3A_224 = vector.broadcast %parallel_loop3A_223 : i32 to vector<16xi32>
        %parallel_loop3A_225 = arith.addi %parallel_loop3A_202, %parallel_loop3A_224 : vector<16xi32>
        %parallel_loop3A_226 = tpu.vector_load_idx %arg5[%parallel_loop3A_225] : memref<8048xi32, #tpu.memory_space<vmem>>[vector<16xi32>], vector<16xi32>,
        %parallel_loop3A_227 = arith.constant 2 : i32
        %parallel_loop3A_228 = vector.broadcast %parallel_loop3A_227 : i32 to vector<16xi32>
        %parallel_loop3A_229 = arith.addi %parallel_loop3A_208, %parallel_loop3A_228 : vector<16xi32>
        tpu.vector_store_idx %arg7[%parallel_loop3A_229], %parallel_loop3A_226 : memref<38400xi32, #tpu.memory_space<vmem>>[vector<16xi32>], vector<16xi32>,
        %parallel_loop3A_230 = arith.constant 3 : i32
        %parallel_loop3A_231 = vector.broadcast %parallel_loop3A_230 : i32 to vector<16xi32>
        %parallel_loop3A_232 = arith.addi %parallel_loop3A_202, %parallel_loop3A_231 : vector<16xi32>
        %parallel_loop3A_233 = tpu.vector_load_idx %arg5[%parallel_loop3A_232] : memref<8048xi32, #tpu.memory_space<vmem>>[vector<16xi32>], vector<16xi32>,
        %parallel_loop3A_234 = arith.constant 3 : i32
        %parallel_loop3A_235 = vector.broadcast %parallel_loop3A_234 : i32 to vector<16xi32>
        %parallel_loop3A_236 = arith.addi %parallel_loop3A_208, %parallel_loop3A_235 : vector<16xi32>
        tpu.vector_store_idx %arg7[%parallel_loop3A_236], %parallel_loop3A_233 : memref<38400xi32, #tpu.memory_space<vmem>>[vector<16xi32>], vector<16xi32>,
        %parallel_loop3A_237 = arith.constant 4 : i32
        %parallel_loop3A_238 = vector.broadcast %parallel_loop3A_237 : i32 to vector<16xi32>
        %parallel_loop3A_239 = arith.addi %parallel_loop3A_202, %parallel_loop3A_238 : vector<16xi32>
        %parallel_loop3A_240 = tpu.vector_load_idx %arg5[%parallel_loop3A_239] : memref<8048xi32, #tpu.memory_space<vmem>>[vector<16xi32>], vector<16xi32>,
        %parallel_loop3A_241 = arith.constant 4 : i32
        %parallel_loop3A_242 = vector.broadcast %parallel_loop3A_241 : i32 to vector<16xi32>
        %parallel_loop3A_243 = arith.addi %parallel_loop3A_208, %parallel_loop3A_242 : vector<16xi32>
        tpu.vector_store_idx %arg7[%parallel_loop3A_243], %parallel_loop3A_240 : memref<38400xi32, #tpu.memory_space<vmem>>[vector<16xi32>], vector<16xi32>,
        %parallel_loop3A_244 = arith.constant 5 : i32
        %parallel_loop3A_245 = vector.broadcast %parallel_loop3A_244 : i32 to vector<16xi32>
        %parallel_loop3A_246 = arith.addi %parallel_loop3A_202, %parallel_loop3A_245 : vector<16xi32>
        %parallel_loop3A_247 = tpu.vector_load_idx %arg5[%parallel_loop3A_246] : memref<8048xi32, #tpu.memory_space<vmem>>[vector<16xi32>], vector<16xi32>,
        %parallel_loop3A_248 = arith.constant 5 : i32
        %parallel_loop3A_249 = vector.broadcast %parallel_loop3A_248 : i32 to vector<16xi32>
        %parallel_loop3A_250 = arith.addi %parallel_loop3A_208, %parallel_loop3A_249 : vector<16xi32>
        tpu.vector_store_idx %arg7[%parallel_loop3A_250], %parallel_loop3A_247 : memref<38400xi32, #tpu.memory_space<vmem>>[vector<16xi32>], vector<16xi32>,
        %parallel_loop3A_251 = arith.constant 17 : i32
        %parallel_loop3A_252 = arith.muli %parallel_loop3A_25, %parallel_loop3A_251 : i32
        %parallel_loop3A_253 = arith.constant 3 : i32
        %parallel_loop3A_254 = arith.addi %parallel_loop3A_252, %parallel_loop3A_253 : i32
        %parallel_loop3A_255 = vector.broadcast %parallel_loop3A_254 : i32 to vector<16xi32>
        %parallel_loop3A_256 = arith.addi %mul3A_3, %parallel_loop3A_255 : vector<16xi32>
        %parallel_loop3A_257 = tpu.vector_load_idx %arg6[%parallel_loop3A_256] : memref<8160xi32, #tpu.memory_space<vmem>>[vector<16xi32>], vector<16xi32>,
        %parallel_loop3A_258 = arith.constant 1 : i32
        %parallel_loop3A_259 = vector.broadcast %parallel_loop3A_258 : i32 to vector<16xi32>
        %parallel_loop3A_260 = arith.muli %parallel_loop3A_257, %parallel_loop3A_259 : vector<16xi32>
        %parallel_loop3A_261 = arith.constant 6620 : i32
        %parallel_loop3A_262 = vector.broadcast %parallel_loop3A_261 : i32 to vector<16xi32>
        %parallel_loop3A_263 = arith.addi %parallel_loop3A_260, %parallel_loop3A_262 : vector<16xi32>
        %parallel_loop3A_264 = arith.constant 80 : i32
        %parallel_loop3A_265 = arith.muli %parallel_loop3A_25, %parallel_loop3A_264 : i32
        %parallel_loop3A_266 = arith.constant 24 : i32
        %parallel_loop3A_267 = arith.addi %parallel_loop3A_265, %parallel_loop3A_266 : i32
        %parallel_loop3A_268 = vector.broadcast %parallel_loop3A_267 : i32 to vector<16xi32>
        %parallel_loop3A_269 = arith.addi %mul3A_7, %parallel_loop3A_268 : vector<16xi32>
        %parallel_loop3A_270 = arith.constant 0 : i32
        %parallel_loop3A_271 = vector.broadcast %parallel_loop3A_270 : i32 to vector<16xi32>
        %parallel_loop3A_272 = arith.addi %parallel_loop3A_263, %parallel_loop3A_271 : vector<16xi32>
        %parallel_loop3A_273 = tpu.vector_load_idx %arg5[%parallel_loop3A_272] : memref<8048xi32, #tpu.memory_space<vmem>>[vector<16xi32>], vector<16xi32>,
        %parallel_loop3A_274 = arith.constant 0 : i32
        %parallel_loop3A_275 = vector.broadcast %parallel_loop3A_274 : i32 to vector<16xi32>
        %parallel_loop3A_276 = arith.addi %parallel_loop3A_269, %parallel_loop3A_275 : vector<16xi32>
        tpu.vector_store_idx %arg7[%parallel_loop3A_276], %parallel_loop3A_273 : memref<38400xi32, #tpu.memory_space<vmem>>[vector<16xi32>], vector<16xi32>,
        %parallel_loop3A_277 = arith.constant 17 : i32
        %parallel_loop3A_278 = arith.muli %parallel_loop3A_25, %parallel_loop3A_277 : i32
        %parallel_loop3A_279 = arith.constant 4 : i32
        %parallel_loop3A_280 = arith.addi %parallel_loop3A_278, %parallel_loop3A_279 : i32
        %parallel_loop3A_281 = vector.broadcast %parallel_loop3A_280 : i32 to vector<16xi32>
        %parallel_loop3A_282 = arith.addi %mul3A_3, %parallel_loop3A_281 : vector<16xi32>
        %parallel_loop3A_283 = tpu.vector_load_idx %arg6[%parallel_loop3A_282] : memref<8160xi32, #tpu.memory_space<vmem>>[vector<16xi32>], vector<16xi32>,
        %parallel_loop3A_284 = arith.constant 1 : i32
        %parallel_loop3A_285 = vector.broadcast %parallel_loop3A_284 : i32 to vector<16xi32>
        %parallel_loop3A_286 = arith.muli %parallel_loop3A_283, %parallel_loop3A_285 : vector<16xi32>
        %parallel_loop3A_287 = arith.constant 6624 : i32
        %parallel_loop3A_288 = vector.broadcast %parallel_loop3A_287 : i32 to vector<16xi32>
        %parallel_loop3A_289 = arith.addi %parallel_loop3A_286, %parallel_loop3A_288 : vector<16xi32>
        %parallel_loop3A_290 = arith.constant 80 : i32
        %parallel_loop3A_291 = arith.muli %parallel_loop3A_25, %parallel_loop3A_290 : i32
        %parallel_loop3A_292 = arith.constant 25 : i32
        %parallel_loop3A_293 = arith.addi %parallel_loop3A_291, %parallel_loop3A_292 : i32
        %parallel_loop3A_294 = vector.broadcast %parallel_loop3A_293 : i32 to vector<16xi32>
        %parallel_loop3A_295 = arith.addi %mul3A_7, %parallel_loop3A_294 : vector<16xi32>
        %parallel_loop3A_296 = arith.constant 0 : i32
        %parallel_loop3A_297 = vector.broadcast %parallel_loop3A_296 : i32 to vector<16xi32>
        %parallel_loop3A_298 = arith.addi %parallel_loop3A_289, %parallel_loop3A_297 : vector<16xi32>
        %parallel_loop3A_299 = tpu.vector_load_idx %arg5[%parallel_loop3A_298] : memref<8048xi32, #tpu.memory_space<vmem>>[vector<16xi32>], vector<16xi32>,
        %parallel_loop3A_300 = arith.constant 0 : i32
        %parallel_loop3A_301 = vector.broadcast %parallel_loop3A_300 : i32 to vector<16xi32>
        %parallel_loop3A_302 = arith.addi %parallel_loop3A_295, %parallel_loop3A_301 : vector<16xi32>
        tpu.vector_store_idx %arg7[%parallel_loop3A_302], %parallel_loop3A_299 : memref<38400xi32, #tpu.memory_space<vmem>>[vector<16xi32>], vector<16xi32>,
        %parallel_loop3A_303 = arith.constant 17 : i32
        %parallel_loop3A_304 = arith.muli %parallel_loop3A_25, %parallel_loop3A_303 : i32
        %parallel_loop3A_305 = arith.constant 5 : i32
        %parallel_loop3A_306 = arith.addi %parallel_loop3A_304, %parallel_loop3A_305 : i32
        %parallel_loop3A_307 = vector.broadcast %parallel_loop3A_306 : i32 to vector<16xi32>
        %parallel_loop3A_308 = arith.addi %mul3A_3, %parallel_loop3A_307 : vector<16xi32>
        %parallel_loop3A_309 = tpu.vector_load_idx %arg6[%parallel_loop3A_308] : memref<8160xi32, #tpu.memory_space<vmem>>[vector<16xi32>], vector<16xi32>,
        %parallel_loop3A_310 = arith.constant 4 : i32
        %parallel_loop3A_311 = vector.broadcast %parallel_loop3A_310 : i32 to vector<16xi32>
        %parallel_loop3A_312 = arith.muli %parallel_loop3A_309, %parallel_loop3A_311 : vector<16xi32>
        %parallel_loop3A_313 = arith.constant 6628 : i32
        %parallel_loop3A_314 = vector.broadcast %parallel_loop3A_313 : i32 to vector<16xi32>
        %parallel_loop3A_315 = arith.addi %parallel_loop3A_312, %parallel_loop3A_314 : vector<16xi32>
        %parallel_loop3A_316 = arith.constant 80 : i32
        %parallel_loop3A_317 = arith.muli %parallel_loop3A_25, %parallel_loop3A_316 : i32
        %parallel_loop3A_318 = arith.constant 26 : i32
        %parallel_loop3A_319 = arith.addi %parallel_loop3A_317, %parallel_loop3A_318 : i32
        %parallel_loop3A_320 = vector.broadcast %parallel_loop3A_319 : i32 to vector<16xi32>
        %parallel_loop3A_321 = arith.addi %mul3A_7, %parallel_loop3A_320 : vector<16xi32>
        %parallel_loop3A_322 = arith.constant 0 : i32
        %parallel_loop3A_323 = vector.broadcast %parallel_loop3A_322 : i32 to vector<16xi32>
        %parallel_loop3A_324 = arith.addi %parallel_loop3A_315, %parallel_loop3A_323 : vector<16xi32>
        %parallel_loop3A_325 = tpu.vector_load_idx %arg5[%parallel_loop3A_324] : memref<8048xi32, #tpu.memory_space<vmem>>[vector<16xi32>], vector<16xi32>,
        %parallel_loop3A_326 = arith.constant 0 : i32
        %parallel_loop3A_327 = vector.broadcast %parallel_loop3A_326 : i32 to vector<16xi32>
        %parallel_loop3A_328 = arith.addi %parallel_loop3A_321, %parallel_loop3A_327 : vector<16xi32>
        tpu.vector_store_idx %arg7[%parallel_loop3A_328], %parallel_loop3A_325 : memref<38400xi32, #tpu.memory_space<vmem>>[vector<16xi32>], vector<16xi32>,
        %parallel_loop3A_329 = arith.constant 1 : i32
        %parallel_loop3A_330 = vector.broadcast %parallel_loop3A_329 : i32 to vector<16xi32>
        %parallel_loop3A_331 = arith.addi %parallel_loop3A_315, %parallel_loop3A_330 : vector<16xi32>
        %parallel_loop3A_332 = tpu.vector_load_idx %arg5[%parallel_loop3A_331] : memref<8048xi32, #tpu.memory_space<vmem>>[vector<16xi32>], vector<16xi32>,
        %parallel_loop3A_333 = arith.constant 1 : i32
        %parallel_loop3A_334 = vector.broadcast %parallel_loop3A_333 : i32 to vector<16xi32>
        %parallel_loop3A_335 = arith.addi %parallel_loop3A_321, %parallel_loop3A_334 : vector<16xi32>
        tpu.vector_store_idx %arg7[%parallel_loop3A_335], %parallel_loop3A_332 : memref<38400xi32, #tpu.memory_space<vmem>>[vector<16xi32>], vector<16xi32>,
        %parallel_loop3A_336 = arith.constant 2 : i32
        %parallel_loop3A_337 = vector.broadcast %parallel_loop3A_336 : i32 to vector<16xi32>
        %parallel_loop3A_338 = arith.addi %parallel_loop3A_315, %parallel_loop3A_337 : vector<16xi32>
        %parallel_loop3A_339 = tpu.vector_load_idx %arg5[%parallel_loop3A_338] : memref<8048xi32, #tpu.memory_space<vmem>>[vector<16xi32>], vector<16xi32>,
        %parallel_loop3A_340 = arith.constant 2 : i32
        %parallel_loop3A_341 = vector.broadcast %parallel_loop3A_340 : i32 to vector<16xi32>
        %parallel_loop3A_342 = arith.addi %parallel_loop3A_321, %parallel_loop3A_341 : vector<16xi32>
        tpu.vector_store_idx %arg7[%parallel_loop3A_342], %parallel_loop3A_339 : memref<38400xi32, #tpu.memory_space<vmem>>[vector<16xi32>], vector<16xi32>,
        %parallel_loop3A_343 = arith.constant 3 : i32
        %parallel_loop3A_344 = vector.broadcast %parallel_loop3A_343 : i32 to vector<16xi32>
        %parallel_loop3A_345 = arith.addi %parallel_loop3A_315, %parallel_loop3A_344 : vector<16xi32>
        %parallel_loop3A_346 = tpu.vector_load_idx %arg5[%parallel_loop3A_345] : memref<8048xi32, #tpu.memory_space<vmem>>[vector<16xi32>], vector<16xi32>,
        %parallel_loop3A_347 = arith.constant 3 : i32
        %parallel_loop3A_348 = vector.broadcast %parallel_loop3A_347 : i32 to vector<16xi32>
        %parallel_loop3A_349 = arith.addi %parallel_loop3A_321, %parallel_loop3A_348 : vector<16xi32>
        tpu.vector_store_idx %arg7[%parallel_loop3A_349], %parallel_loop3A_346 : memref<38400xi32, #tpu.memory_space<vmem>>[vector<16xi32>], vector<16xi32>,
        %parallel_loop3A_350 = arith.constant 17 : i32
        %parallel_loop3A_351 = arith.muli %parallel_loop3A_25, %parallel_loop3A_350 : i32
        %parallel_loop3A_352 = arith.constant 6 : i32
        %parallel_loop3A_353 = arith.addi %parallel_loop3A_351, %parallel_loop3A_352 : i32
        %parallel_loop3A_354 = vector.broadcast %parallel_loop3A_353 : i32 to vector<16xi32>
        %parallel_loop3A_355 = arith.addi %mul3A_3, %parallel_loop3A_354 : vector<16xi32>
        %parallel_loop3A_356 = tpu.vector_load_idx %arg6[%parallel_loop3A_355] : memref<8160xi32, #tpu.memory_space<vmem>>[vector<16xi32>], vector<16xi32>,
        %parallel_loop3A_357 = arith.constant 4 : i32
        %parallel_loop3A_358 = vector.broadcast %parallel_loop3A_357 : i32 to vector<16xi32>
        %parallel_loop3A_359 = arith.muli %parallel_loop3A_356, %parallel_loop3A_358 : vector<16xi32>
        %parallel_loop3A_360 = arith.constant 7140 : i32
        %parallel_loop3A_361 = vector.broadcast %parallel_loop3A_360 : i32 to vector<16xi32>
        %parallel_loop3A_362 = arith.addi %parallel_loop3A_359, %parallel_loop3A_361 : vector<16xi32>
        %parallel_loop3A_363 = arith.constant 80 : i32
        %parallel_loop3A_364 = arith.muli %parallel_loop3A_25, %parallel_loop3A_363 : i32
        %parallel_loop3A_365 = arith.constant 30 : i32
        %parallel_loop3A_366 = arith.addi %parallel_loop3A_364, %parallel_loop3A_365 : i32
        %parallel_loop3A_367 = vector.broadcast %parallel_loop3A_366 : i32 to vector<16xi32>
        %parallel_loop3A_368 = arith.addi %mul3A_7, %parallel_loop3A_367 : vector<16xi32>
        %parallel_loop3A_369 = arith.constant 0 : i32
        %parallel_loop3A_370 = vector.broadcast %parallel_loop3A_369 : i32 to vector<16xi32>
        %parallel_loop3A_371 = arith.addi %parallel_loop3A_362, %parallel_loop3A_370 : vector<16xi32>
        %parallel_loop3A_372 = tpu.vector_load_idx %arg5[%parallel_loop3A_371] : memref<8048xi32, #tpu.memory_space<vmem>>[vector<16xi32>], vector<16xi32>,
        %parallel_loop3A_373 = arith.constant 0 : i32
        %parallel_loop3A_374 = vector.broadcast %parallel_loop3A_373 : i32 to vector<16xi32>
        %parallel_loop3A_375 = arith.addi %parallel_loop3A_368, %parallel_loop3A_374 : vector<16xi32>
        tpu.vector_store_idx %arg7[%parallel_loop3A_375], %parallel_loop3A_372 : memref<38400xi32, #tpu.memory_space<vmem>>[vector<16xi32>], vector<16xi32>,
        %parallel_loop3A_376 = arith.constant 1 : i32
        %parallel_loop3A_377 = vector.broadcast %parallel_loop3A_376 : i32 to vector<16xi32>
        %parallel_loop3A_378 = arith.addi %parallel_loop3A_362, %parallel_loop3A_377 : vector<16xi32>
        %parallel_loop3A_379 = tpu.vector_load_idx %arg5[%parallel_loop3A_378] : memref<8048xi32, #tpu.memory_space<vmem>>[vector<16xi32>], vector<16xi32>,
        %parallel_loop3A_380 = arith.constant 1 : i32
        %parallel_loop3A_381 = vector.broadcast %parallel_loop3A_380 : i32 to vector<16xi32>
        %parallel_loop3A_382 = arith.addi %parallel_loop3A_368, %parallel_loop3A_381 : vector<16xi32>
        tpu.vector_store_idx %arg7[%parallel_loop3A_382], %parallel_loop3A_379 : memref<38400xi32, #tpu.memory_space<vmem>>[vector<16xi32>], vector<16xi32>,
        %parallel_loop3A_383 = arith.constant 2 : i32
        %parallel_loop3A_384 = vector.broadcast %parallel_loop3A_383 : i32 to vector<16xi32>
        %parallel_loop3A_385 = arith.addi %parallel_loop3A_362, %parallel_loop3A_384 : vector<16xi32>
        %parallel_loop3A_386 = tpu.vector_load_idx %arg5[%parallel_loop3A_385] : memref<8048xi32, #tpu.memory_space<vmem>>[vector<16xi32>], vector<16xi32>,
        %parallel_loop3A_387 = arith.constant 2 : i32
        %parallel_loop3A_388 = vector.broadcast %parallel_loop3A_387 : i32 to vector<16xi32>
        %parallel_loop3A_389 = arith.addi %parallel_loop3A_368, %parallel_loop3A_388 : vector<16xi32>
        tpu.vector_store_idx %arg7[%parallel_loop3A_389], %parallel_loop3A_386 : memref<38400xi32, #tpu.memory_space<vmem>>[vector<16xi32>], vector<16xi32>,
        %parallel_loop3A_390 = arith.constant 3 : i32
        %parallel_loop3A_391 = vector.broadcast %parallel_loop3A_390 : i32 to vector<16xi32>
        %parallel_loop3A_392 = arith.addi %parallel_loop3A_362, %parallel_loop3A_391 : vector<16xi32>
        %parallel_loop3A_393 = tpu.vector_load_idx %arg5[%parallel_loop3A_392] : memref<8048xi32, #tpu.memory_space<vmem>>[vector<16xi32>], vector<16xi32>,
        %parallel_loop3A_394 = arith.constant 3 : i32
        %parallel_loop3A_395 = vector.broadcast %parallel_loop3A_394 : i32 to vector<16xi32>
        %parallel_loop3A_396 = arith.addi %parallel_loop3A_368, %parallel_loop3A_395 : vector<16xi32>
        tpu.vector_store_idx %arg7[%parallel_loop3A_396], %parallel_loop3A_393 : memref<38400xi32, #tpu.memory_space<vmem>>[vector<16xi32>], vector<16xi32>,
        %parallel_loop3A_397 = arith.constant 17 : i32
        %parallel_loop3A_398 = arith.muli %parallel_loop3A_25, %parallel_loop3A_397 : i32
        %parallel_loop3A_399 = arith.constant 7 : i32
        %parallel_loop3A_400 = arith.addi %parallel_loop3A_398, %parallel_loop3A_399 : i32
        %parallel_loop3A_401 = vector.broadcast %parallel_loop3A_400 : i32 to vector<16xi32>
        %parallel_loop3A_402 = arith.addi %mul3A_3, %parallel_loop3A_401 : vector<16xi32>
        %parallel_loop3A_403 = tpu.vector_load_idx %arg6[%parallel_loop3A_402] : memref<8160xi32, #tpu.memory_space<vmem>>[vector<16xi32>], vector<16xi32>,
        %parallel_loop3A_404 = arith.constant 4 : i32
        %parallel_loop3A_405 = vector.broadcast %parallel_loop3A_404 : i32 to vector<16xi32>
        %parallel_loop3A_406 = arith.muli %parallel_loop3A_403, %parallel_loop3A_405 : vector<16xi32>
        %parallel_loop3A_407 = arith.constant 7396 : i32
        %parallel_loop3A_408 = vector.broadcast %parallel_loop3A_407 : i32 to vector<16xi32>
        %parallel_loop3A_409 = arith.addi %parallel_loop3A_406, %parallel_loop3A_408 : vector<16xi32>
        %parallel_loop3A_410 = arith.constant 80 : i32
        %parallel_loop3A_411 = arith.muli %parallel_loop3A_25, %parallel_loop3A_410 : i32
        %parallel_loop3A_412 = arith.constant 34 : i32
        %parallel_loop3A_413 = arith.addi %parallel_loop3A_411, %parallel_loop3A_412 : i32
        %parallel_loop3A_414 = vector.broadcast %parallel_loop3A_413 : i32 to vector<16xi32>
        %parallel_loop3A_415 = arith.addi %mul3A_7, %parallel_loop3A_414 : vector<16xi32>
        %parallel_loop3A_416 = arith.constant 0 : i32
        %parallel_loop3A_417 = vector.broadcast %parallel_loop3A_416 : i32 to vector<16xi32>
        %parallel_loop3A_418 = arith.addi %parallel_loop3A_409, %parallel_loop3A_417 : vector<16xi32>
        %parallel_loop3A_419 = tpu.vector_load_idx %arg5[%parallel_loop3A_418] : memref<8048xi32, #tpu.memory_space<vmem>>[vector<16xi32>], vector<16xi32>,
        %parallel_loop3A_420 = arith.constant 0 : i32
        %parallel_loop3A_421 = vector.broadcast %parallel_loop3A_420 : i32 to vector<16xi32>
        %parallel_loop3A_422 = arith.addi %parallel_loop3A_415, %parallel_loop3A_421 : vector<16xi32>
        tpu.vector_store_idx %arg7[%parallel_loop3A_422], %parallel_loop3A_419 : memref<38400xi32, #tpu.memory_space<vmem>>[vector<16xi32>], vector<16xi32>,
        %parallel_loop3A_423 = arith.constant 1 : i32
        %parallel_loop3A_424 = vector.broadcast %parallel_loop3A_423 : i32 to vector<16xi32>
        %parallel_loop3A_425 = arith.addi %parallel_loop3A_409, %parallel_loop3A_424 : vector<16xi32>
        %parallel_loop3A_426 = tpu.vector_load_idx %arg5[%parallel_loop3A_425] : memref<8048xi32, #tpu.memory_space<vmem>>[vector<16xi32>], vector<16xi32>,
        %parallel_loop3A_427 = arith.constant 1 : i32
        %parallel_loop3A_428 = vector.broadcast %parallel_loop3A_427 : i32 to vector<16xi32>
        %parallel_loop3A_429 = arith.addi %parallel_loop3A_415, %parallel_loop3A_428 : vector<16xi32>
        tpu.vector_store_idx %arg7[%parallel_loop3A_429], %parallel_loop3A_426 : memref<38400xi32, #tpu.memory_space<vmem>>[vector<16xi32>], vector<16xi32>,
        %parallel_loop3A_430 = arith.constant 2 : i32
        %parallel_loop3A_431 = vector.broadcast %parallel_loop3A_430 : i32 to vector<16xi32>
        %parallel_loop3A_432 = arith.addi %parallel_loop3A_409, %parallel_loop3A_431 : vector<16xi32>
        %parallel_loop3A_433 = tpu.vector_load_idx %arg5[%parallel_loop3A_432] : memref<8048xi32, #tpu.memory_space<vmem>>[vector<16xi32>], vector<16xi32>,
        %parallel_loop3A_434 = arith.constant 2 : i32
        %parallel_loop3A_435 = vector.broadcast %parallel_loop3A_434 : i32 to vector<16xi32>
        %parallel_loop3A_436 = arith.addi %parallel_loop3A_415, %parallel_loop3A_435 : vector<16xi32>
        tpu.vector_store_idx %arg7[%parallel_loop3A_436], %parallel_loop3A_433 : memref<38400xi32, #tpu.memory_space<vmem>>[vector<16xi32>], vector<16xi32>,
        %parallel_loop3A_437 = arith.constant 3 : i32
        %parallel_loop3A_438 = vector.broadcast %parallel_loop3A_437 : i32 to vector<16xi32>
        %parallel_loop3A_439 = arith.addi %parallel_loop3A_409, %parallel_loop3A_438 : vector<16xi32>
        %parallel_loop3A_440 = tpu.vector_load_idx %arg5[%parallel_loop3A_439] : memref<8048xi32, #tpu.memory_space<vmem>>[vector<16xi32>], vector<16xi32>,
        %parallel_loop3A_441 = arith.constant 3 : i32
        %parallel_loop3A_442 = vector.broadcast %parallel_loop3A_441 : i32 to vector<16xi32>
        %parallel_loop3A_443 = arith.addi %parallel_loop3A_415, %parallel_loop3A_442 : vector<16xi32>
        tpu.vector_store_idx %arg7[%parallel_loop3A_443], %parallel_loop3A_440 : memref<38400xi32, #tpu.memory_space<vmem>>[vector<16xi32>], vector<16xi32>,
        %parallel_loop3A_444 = arith.constant 17 : i32
        %parallel_loop3A_445 = arith.muli %parallel_loop3A_25, %parallel_loop3A_444 : i32
        %parallel_loop3A_446 = arith.constant 8 : i32
        %parallel_loop3A_447 = arith.addi %parallel_loop3A_445, %parallel_loop3A_446 : i32
        %parallel_loop3A_448 = vector.broadcast %parallel_loop3A_447 : i32 to vector<16xi32>
        %parallel_loop3A_449 = arith.addi %mul3A_3, %parallel_loop3A_448 : vector<16xi32>
        %parallel_loop3A_450 = tpu.vector_load_idx %arg6[%parallel_loop3A_449] : memref<8160xi32, #tpu.memory_space<vmem>>[vector<16xi32>], vector<16xi32>,
        %parallel_loop3A_451 = arith.constant 16 : i32
        %parallel_loop3A_452 = vector.broadcast %parallel_loop3A_451 : i32 to vector<16xi32>
        %parallel_loop3A_453 = arith.muli %parallel_loop3A_450, %parallel_loop3A_452 : vector<16xi32>
        %parallel_loop3A_454 = arith.constant 0 : i32
        %parallel_loop3A_455 = vector.broadcast %parallel_loop3A_454 : i32 to vector<16xi32>
        %parallel_loop3A_456 = arith.addi %parallel_loop3A_453, %parallel_loop3A_455 : vector<16xi32>
        %parallel_loop3A_457 = arith.constant 80 : i32
        %parallel_loop3A_458 = arith.muli %parallel_loop3A_25, %parallel_loop3A_457 : i32
        %parallel_loop3A_459 = arith.constant 38 : i32
        %parallel_loop3A_460 = arith.addi %parallel_loop3A_458, %parallel_loop3A_459 : i32
        %parallel_loop3A_461 = vector.broadcast %parallel_loop3A_460 : i32 to vector<16xi32>
        %parallel_loop3A_462 = arith.addi %mul3A_7, %parallel_loop3A_461 : vector<16xi32>
        %parallel_loop3A_463 = arith.constant 0 : i32
        %parallel_loop3A_464 = vector.broadcast %parallel_loop3A_463 : i32 to vector<16xi32>
        %parallel_loop3A_465 = arith.addi %parallel_loop3A_456, %parallel_loop3A_464 : vector<16xi32>
        %parallel_loop3A_466 = tpu.vector_load_idx %arg5[%parallel_loop3A_465] : memref<8048xi32, #tpu.memory_space<vmem>>[vector<16xi32>], vector<16xi32>,
        %parallel_loop3A_467 = arith.constant 0 : i32
        %parallel_loop3A_468 = vector.broadcast %parallel_loop3A_467 : i32 to vector<16xi32>
        %parallel_loop3A_469 = arith.addi %parallel_loop3A_462, %parallel_loop3A_468 : vector<16xi32>
        tpu.vector_store_idx %arg7[%parallel_loop3A_469], %parallel_loop3A_466 : memref<38400xi32, #tpu.memory_space<vmem>>[vector<16xi32>], vector<16xi32>,
        %parallel_loop3A_470 = arith.constant 1 : i32
        %parallel_loop3A_471 = vector.broadcast %parallel_loop3A_470 : i32 to vector<16xi32>
        %parallel_loop3A_472 = arith.addi %parallel_loop3A_456, %parallel_loop3A_471 : vector<16xi32>
        %parallel_loop3A_473 = tpu.vector_load_idx %arg5[%parallel_loop3A_472] : memref<8048xi32, #tpu.memory_space<vmem>>[vector<16xi32>], vector<16xi32>,
        %parallel_loop3A_474 = arith.constant 1 : i32
        %parallel_loop3A_475 = vector.broadcast %parallel_loop3A_474 : i32 to vector<16xi32>
        %parallel_loop3A_476 = arith.addi %parallel_loop3A_462, %parallel_loop3A_475 : vector<16xi32>
        tpu.vector_store_idx %arg7[%parallel_loop3A_476], %parallel_loop3A_473 : memref<38400xi32, #tpu.memory_space<vmem>>[vector<16xi32>], vector<16xi32>,
        %parallel_loop3A_477 = arith.constant 2 : i32
        %parallel_loop3A_478 = vector.broadcast %parallel_loop3A_477 : i32 to vector<16xi32>
        %parallel_loop3A_479 = arith.addi %parallel_loop3A_456, %parallel_loop3A_478 : vector<16xi32>
        %parallel_loop3A_480 = tpu.vector_load_idx %arg5[%parallel_loop3A_479] : memref<8048xi32, #tpu.memory_space<vmem>>[vector<16xi32>], vector<16xi32>,
        %parallel_loop3A_481 = arith.constant 2 : i32
        %parallel_loop3A_482 = vector.broadcast %parallel_loop3A_481 : i32 to vector<16xi32>
        %parallel_loop3A_483 = arith.addi %parallel_loop3A_462, %parallel_loop3A_482 : vector<16xi32>
        tpu.vector_store_idx %arg7[%parallel_loop3A_483], %parallel_loop3A_480 : memref<38400xi32, #tpu.memory_space<vmem>>[vector<16xi32>], vector<16xi32>,
        %parallel_loop3A_484 = arith.constant 3 : i32
        %parallel_loop3A_485 = vector.broadcast %parallel_loop3A_484 : i32 to vector<16xi32>
        %parallel_loop3A_486 = arith.addi %parallel_loop3A_456, %parallel_loop3A_485 : vector<16xi32>
        %parallel_loop3A_487 = tpu.vector_load_idx %arg5[%parallel_loop3A_486] : memref<8048xi32, #tpu.memory_space<vmem>>[vector<16xi32>], vector<16xi32>,
        %parallel_loop3A_488 = arith.constant 3 : i32
        %parallel_loop3A_489 = vector.broadcast %parallel_loop3A_488 : i32 to vector<16xi32>
        %parallel_loop3A_490 = arith.addi %parallel_loop3A_462, %parallel_loop3A_489 : vector<16xi32>
        tpu.vector_store_idx %arg7[%parallel_loop3A_490], %parallel_loop3A_487 : memref<38400xi32, #tpu.memory_space<vmem>>[vector<16xi32>], vector<16xi32>,
        %parallel_loop3A_491 = arith.constant 4 : i32
        %parallel_loop3A_492 = vector.broadcast %parallel_loop3A_491 : i32 to vector<16xi32>
        %parallel_loop3A_493 = arith.addi %parallel_loop3A_456, %parallel_loop3A_492 : vector<16xi32>
        %parallel_loop3A_494 = tpu.vector_load_idx %arg5[%parallel_loop3A_493] : memref<8048xi32, #tpu.memory_space<vmem>>[vector<16xi32>], vector<16xi32>,
        %parallel_loop3A_495 = arith.constant 4 : i32
        %parallel_loop3A_496 = vector.broadcast %parallel_loop3A_495 : i32 to vector<16xi32>
        %parallel_loop3A_497 = arith.addi %parallel_loop3A_462, %parallel_loop3A_496 : vector<16xi32>
        tpu.vector_store_idx %arg7[%parallel_loop3A_497], %parallel_loop3A_494 : memref<38400xi32, #tpu.memory_space<vmem>>[vector<16xi32>], vector<16xi32>,
        %parallel_loop3A_498 = arith.constant 5 : i32
        %parallel_loop3A_499 = vector.broadcast %parallel_loop3A_498 : i32 to vector<16xi32>
        %parallel_loop3A_500 = arith.addi %parallel_loop3A_456, %parallel_loop3A_499 : vector<16xi32>
        %parallel_loop3A_501 = tpu.vector_load_idx %arg5[%parallel_loop3A_500] : memref<8048xi32, #tpu.memory_space<vmem>>[vector<16xi32>], vector<16xi32>,
        %parallel_loop3A_502 = arith.constant 5 : i32
        %parallel_loop3A_503 = vector.broadcast %parallel_loop3A_502 : i32 to vector<16xi32>
        %parallel_loop3A_504 = arith.addi %parallel_loop3A_462, %parallel_loop3A_503 : vector<16xi32>
        tpu.vector_store_idx %arg7[%parallel_loop3A_504], %parallel_loop3A_501 : memref<38400xi32, #tpu.memory_space<vmem>>[vector<16xi32>], vector<16xi32>,
        %parallel_loop3A_505 = arith.constant 6 : i32
        %parallel_loop3A_506 = vector.broadcast %parallel_loop3A_505 : i32 to vector<16xi32>
        %parallel_loop3A_507 = arith.addi %parallel_loop3A_456, %parallel_loop3A_506 : vector<16xi32>
        %parallel_loop3A_508 = tpu.vector_load_idx %arg5[%parallel_loop3A_507] : memref<8048xi32, #tpu.memory_space<vmem>>[vector<16xi32>], vector<16xi32>,
        %parallel_loop3A_509 = arith.constant 6 : i32
        %parallel_loop3A_510 = vector.broadcast %parallel_loop3A_509 : i32 to vector<16xi32>
        %parallel_loop3A_511 = arith.addi %parallel_loop3A_462, %parallel_loop3A_510 : vector<16xi32>
        tpu.vector_store_idx %arg7[%parallel_loop3A_511], %parallel_loop3A_508 : memref<38400xi32, #tpu.memory_space<vmem>>[vector<16xi32>], vector<16xi32>,
        %parallel_loop3A_512 = arith.constant 7 : i32
        %parallel_loop3A_513 = vector.broadcast %parallel_loop3A_512 : i32 to vector<16xi32>
        %parallel_loop3A_514 = arith.addi %parallel_loop3A_456, %parallel_loop3A_513 : vector<16xi32>
        %parallel_loop3A_515 = tpu.vector_load_idx %arg5[%parallel_loop3A_514] : memref<8048xi32, #tpu.memory_space<vmem>>[vector<16xi32>], vector<16xi32>,
        %parallel_loop3A_516 = arith.constant 7 : i32
        %parallel_loop3A_517 = vector.broadcast %parallel_loop3A_516 : i32 to vector<16xi32>
        %parallel_loop3A_518 = arith.addi %parallel_loop3A_462, %parallel_loop3A_517 : vector<16xi32>
        tpu.vector_store_idx %arg7[%parallel_loop3A_518], %parallel_loop3A_515 : memref<38400xi32, #tpu.memory_space<vmem>>[vector<16xi32>], vector<16xi32>,
        %parallel_loop3A_519 = arith.constant 8 : i32
        %parallel_loop3A_520 = vector.broadcast %parallel_loop3A_519 : i32 to vector<16xi32>
        %parallel_loop3A_521 = arith.addi %parallel_loop3A_456, %parallel_loop3A_520 : vector<16xi32>
        %parallel_loop3A_522 = tpu.vector_load_idx %arg5[%parallel_loop3A_521] : memref<8048xi32, #tpu.memory_space<vmem>>[vector<16xi32>], vector<16xi32>,
        %parallel_loop3A_523 = arith.constant 8 : i32
        %parallel_loop3A_524 = vector.broadcast %parallel_loop3A_523 : i32 to vector<16xi32>
        %parallel_loop3A_525 = arith.addi %parallel_loop3A_462, %parallel_loop3A_524 : vector<16xi32>
        tpu.vector_store_idx %arg7[%parallel_loop3A_525], %parallel_loop3A_522 : memref<38400xi32, #tpu.memory_space<vmem>>[vector<16xi32>], vector<16xi32>,
        %parallel_loop3A_526 = arith.constant 9 : i32
        %parallel_loop3A_527 = vector.broadcast %parallel_loop3A_526 : i32 to vector<16xi32>
        %parallel_loop3A_528 = arith.addi %parallel_loop3A_456, %parallel_loop3A_527 : vector<16xi32>
        %parallel_loop3A_529 = tpu.vector_load_idx %arg5[%parallel_loop3A_528] : memref<8048xi32, #tpu.memory_space<vmem>>[vector<16xi32>], vector<16xi32>,
        %parallel_loop3A_530 = arith.constant 9 : i32
        %parallel_loop3A_531 = vector.broadcast %parallel_loop3A_530 : i32 to vector<16xi32>
        %parallel_loop3A_532 = arith.addi %parallel_loop3A_462, %parallel_loop3A_531 : vector<16xi32>
        tpu.vector_store_idx %arg7[%parallel_loop3A_532], %parallel_loop3A_529 : memref<38400xi32, #tpu.memory_space<vmem>>[vector<16xi32>], vector<16xi32>,
        %parallel_loop3A_533 = arith.constant 10 : i32
        %parallel_loop3A_534 = vector.broadcast %parallel_loop3A_533 : i32 to vector<16xi32>
        %parallel_loop3A_535 = arith.addi %parallel_loop3A_456, %parallel_loop3A_534 : vector<16xi32>
        %parallel_loop3A_536 = tpu.vector_load_idx %arg5[%parallel_loop3A_535] : memref<8048xi32, #tpu.memory_space<vmem>>[vector<16xi32>], vector<16xi32>,
        %parallel_loop3A_537 = arith.constant 10 : i32
        %parallel_loop3A_538 = vector.broadcast %parallel_loop3A_537 : i32 to vector<16xi32>
        %parallel_loop3A_539 = arith.addi %parallel_loop3A_462, %parallel_loop3A_538 : vector<16xi32>
        tpu.vector_store_idx %arg7[%parallel_loop3A_539], %parallel_loop3A_536 : memref<38400xi32, #tpu.memory_space<vmem>>[vector<16xi32>], vector<16xi32>,
        %parallel_loop3A_540 = arith.constant 11 : i32
        %parallel_loop3A_541 = vector.broadcast %parallel_loop3A_540 : i32 to vector<16xi32>
        %parallel_loop3A_542 = arith.addi %parallel_loop3A_456, %parallel_loop3A_541 : vector<16xi32>
        %parallel_loop3A_543 = tpu.vector_load_idx %arg5[%parallel_loop3A_542] : memref<8048xi32, #tpu.memory_space<vmem>>[vector<16xi32>], vector<16xi32>,
        %parallel_loop3A_544 = arith.constant 11 : i32
        %parallel_loop3A_545 = vector.broadcast %parallel_loop3A_544 : i32 to vector<16xi32>
        %parallel_loop3A_546 = arith.addi %parallel_loop3A_462, %parallel_loop3A_545 : vector<16xi32>
        tpu.vector_store_idx %arg7[%parallel_loop3A_546], %parallel_loop3A_543 : memref<38400xi32, #tpu.memory_space<vmem>>[vector<16xi32>], vector<16xi32>,
        %parallel_loop3A_547 = arith.constant 12 : i32
        %parallel_loop3A_548 = vector.broadcast %parallel_loop3A_547 : i32 to vector<16xi32>
        %parallel_loop3A_549 = arith.addi %parallel_loop3A_456, %parallel_loop3A_548 : vector<16xi32>
        %parallel_loop3A_550 = tpu.vector_load_idx %arg5[%parallel_loop3A_549] : memref<8048xi32, #tpu.memory_space<vmem>>[vector<16xi32>], vector<16xi32>,
        %parallel_loop3A_551 = arith.constant 12 : i32
        %parallel_loop3A_552 = vector.broadcast %parallel_loop3A_551 : i32 to vector<16xi32>
        %parallel_loop3A_553 = arith.addi %parallel_loop3A_462, %parallel_loop3A_552 : vector<16xi32>
        tpu.vector_store_idx %arg7[%parallel_loop3A_553], %parallel_loop3A_550 : memref<38400xi32, #tpu.memory_space<vmem>>[vector<16xi32>], vector<16xi32>,
        %parallel_loop3A_554 = arith.constant 13 : i32
        %parallel_loop3A_555 = vector.broadcast %parallel_loop3A_554 : i32 to vector<16xi32>
        %parallel_loop3A_556 = arith.addi %parallel_loop3A_456, %parallel_loop3A_555 : vector<16xi32>
        %parallel_loop3A_557 = tpu.vector_load_idx %arg5[%parallel_loop3A_556] : memref<8048xi32, #tpu.memory_space<vmem>>[vector<16xi32>], vector<16xi32>,
        %parallel_loop3A_558 = arith.constant 13 : i32
        %parallel_loop3A_559 = vector.broadcast %parallel_loop3A_558 : i32 to vector<16xi32>
        %parallel_loop3A_560 = arith.addi %parallel_loop3A_462, %parallel_loop3A_559 : vector<16xi32>
        tpu.vector_store_idx %arg7[%parallel_loop3A_560], %parallel_loop3A_557 : memref<38400xi32, #tpu.memory_space<vmem>>[vector<16xi32>], vector<16xi32>,
        %parallel_loop3A_561 = arith.constant 14 : i32
        %parallel_loop3A_562 = vector.broadcast %parallel_loop3A_561 : i32 to vector<16xi32>
        %parallel_loop3A_563 = arith.addi %parallel_loop3A_456, %parallel_loop3A_562 : vector<16xi32>
        %parallel_loop3A_564 = tpu.vector_load_idx %arg5[%parallel_loop3A_563] : memref<8048xi32, #tpu.memory_space<vmem>>[vector<16xi32>], vector<16xi32>,
        %parallel_loop3A_565 = arith.constant 14 : i32
        %parallel_loop3A_566 = vector.broadcast %parallel_loop3A_565 : i32 to vector<16xi32>
        %parallel_loop3A_567 = arith.addi %parallel_loop3A_462, %parallel_loop3A_566 : vector<16xi32>
        tpu.vector_store_idx %arg7[%parallel_loop3A_567], %parallel_loop3A_564 : memref<38400xi32, #tpu.memory_space<vmem>>[vector<16xi32>], vector<16xi32>,
        %parallel_loop3A_568 = arith.constant 15 : i32
        %parallel_loop3A_569 = vector.broadcast %parallel_loop3A_568 : i32 to vector<16xi32>
        %parallel_loop3A_570 = arith.addi %parallel_loop3A_456, %parallel_loop3A_569 : vector<16xi32>
        %parallel_loop3A_571 = tpu.vector_load_idx %arg5[%parallel_loop3A_570] : memref<8048xi32, #tpu.memory_space<vmem>>[vector<16xi32>], vector<16xi32>,
        %parallel_loop3A_572 = arith.constant 15 : i32
        %parallel_loop3A_573 = vector.broadcast %parallel_loop3A_572 : i32 to vector<16xi32>
        %parallel_loop3A_574 = arith.addi %parallel_loop3A_462, %parallel_loop3A_573 : vector<16xi32>
        tpu.vector_store_idx %arg7[%parallel_loop3A_574], %parallel_loop3A_571 : memref<38400xi32, #tpu.memory_space<vmem>>[vector<16xi32>], vector<16xi32>,
        %parallel_loop3A_575 = arith.constant 17 : i32
        %parallel_loop3A_576 = arith.muli %parallel_loop3A_25, %parallel_loop3A_575 : i32
        %parallel_loop3A_577 = arith.constant 9 : i32
        %parallel_loop3A_578 = arith.addi %parallel_loop3A_576, %parallel_loop3A_577 : i32
        %parallel_loop3A_579 = vector.broadcast %parallel_loop3A_578 : i32 to vector<16xi32>
        %parallel_loop3A_580 = arith.addi %mul3A_3, %parallel_loop3A_579 : vector<16xi32>
        %parallel_loop3A_581 = tpu.vector_load_idx %arg6[%parallel_loop3A_580] : memref<8160xi32, #tpu.memory_space<vmem>>[vector<16xi32>], vector<16xi32>,
        %parallel_loop3A_582 = arith.constant 2 : i32
        %parallel_loop3A_583 = vector.broadcast %parallel_loop3A_582 : i32 to vector<16xi32>
        %parallel_loop3A_584 = arith.muli %parallel_loop3A_581, %parallel_loop3A_583 : vector<16xi32>
        %parallel_loop3A_585 = arith.constant 6400 : i32
        %parallel_loop3A_586 = vector.broadcast %parallel_loop3A_585 : i32 to vector<16xi32>
        %parallel_loop3A_587 = arith.addi %parallel_loop3A_584, %parallel_loop3A_586 : vector<16xi32>
        %parallel_loop3A_588 = arith.constant 80 : i32
        %parallel_loop3A_589 = arith.muli %parallel_loop3A_25, %parallel_loop3A_588 : i32
        %parallel_loop3A_590 = arith.constant 54 : i32
        %parallel_loop3A_591 = arith.addi %parallel_loop3A_589, %parallel_loop3A_590 : i32
        %parallel_loop3A_592 = vector.broadcast %parallel_loop3A_591 : i32 to vector<16xi32>
        %parallel_loop3A_593 = arith.addi %mul3A_7, %parallel_loop3A_592 : vector<16xi32>
        %parallel_loop3A_594 = arith.constant 0 : i32
        %parallel_loop3A_595 = vector.broadcast %parallel_loop3A_594 : i32 to vector<16xi32>
        %parallel_loop3A_596 = arith.addi %parallel_loop3A_587, %parallel_loop3A_595 : vector<16xi32>
        %parallel_loop3A_597 = tpu.vector_load_idx %arg5[%parallel_loop3A_596] : memref<8048xi32, #tpu.memory_space<vmem>>[vector<16xi32>], vector<16xi32>,
        %parallel_loop3A_598 = arith.constant 0 : i32
        %parallel_loop3A_599 = vector.broadcast %parallel_loop3A_598 : i32 to vector<16xi32>
        %parallel_loop3A_600 = arith.addi %parallel_loop3A_593, %parallel_loop3A_599 : vector<16xi32>
        tpu.vector_store_idx %arg7[%parallel_loop3A_600], %parallel_loop3A_597 : memref<38400xi32, #tpu.memory_space<vmem>>[vector<16xi32>], vector<16xi32>,
        %parallel_loop3A_601 = arith.constant 1 : i32
        %parallel_loop3A_602 = vector.broadcast %parallel_loop3A_601 : i32 to vector<16xi32>
        %parallel_loop3A_603 = arith.addi %parallel_loop3A_587, %parallel_loop3A_602 : vector<16xi32>
        %parallel_loop3A_604 = tpu.vector_load_idx %arg5[%parallel_loop3A_603] : memref<8048xi32, #tpu.memory_space<vmem>>[vector<16xi32>], vector<16xi32>,
        %parallel_loop3A_605 = arith.constant 1 : i32
        %parallel_loop3A_606 = vector.broadcast %parallel_loop3A_605 : i32 to vector<16xi32>
        %parallel_loop3A_607 = arith.addi %parallel_loop3A_593, %parallel_loop3A_606 : vector<16xi32>
        tpu.vector_store_idx %arg7[%parallel_loop3A_607], %parallel_loop3A_604 : memref<38400xi32, #tpu.memory_space<vmem>>[vector<16xi32>], vector<16xi32>,
        %parallel_loop3A_608 = arith.constant 17 : i32
        %parallel_loop3A_609 = arith.muli %parallel_loop3A_25, %parallel_loop3A_608 : i32
        %parallel_loop3A_610 = arith.constant 10 : i32
        %parallel_loop3A_611 = arith.addi %parallel_loop3A_609, %parallel_loop3A_610 : i32
        %parallel_loop3A_612 = vector.broadcast %parallel_loop3A_611 : i32 to vector<16xi32>
        %parallel_loop3A_613 = arith.addi %mul3A_3, %parallel_loop3A_612 : vector<16xi32>
        %parallel_loop3A_614 = tpu.vector_load_idx %arg6[%parallel_loop3A_613] : memref<8160xi32, #tpu.memory_space<vmem>>[vector<16xi32>], vector<16xi32>,
        %parallel_loop3A_615 = arith.constant 6 : i32
        %parallel_loop3A_616 = vector.broadcast %parallel_loop3A_615 : i32 to vector<16xi32>
        %parallel_loop3A_617 = arith.muli %parallel_loop3A_614, %parallel_loop3A_616 : vector<16xi32>
        %parallel_loop3A_618 = arith.constant 6416 : i32
        %parallel_loop3A_619 = vector.broadcast %parallel_loop3A_618 : i32 to vector<16xi32>
        %parallel_loop3A_620 = arith.addi %parallel_loop3A_617, %parallel_loop3A_619 : vector<16xi32>
        %parallel_loop3A_621 = arith.constant 80 : i32
        %parallel_loop3A_622 = arith.muli %parallel_loop3A_25, %parallel_loop3A_621 : i32
        %parallel_loop3A_623 = arith.constant 56 : i32
        %parallel_loop3A_624 = arith.addi %parallel_loop3A_622, %parallel_loop3A_623 : i32
        %parallel_loop3A_625 = vector.broadcast %parallel_loop3A_624 : i32 to vector<16xi32>
        %parallel_loop3A_626 = arith.addi %mul3A_7, %parallel_loop3A_625 : vector<16xi32>
        %parallel_loop3A_627 = arith.constant 0 : i32
        %parallel_loop3A_628 = vector.broadcast %parallel_loop3A_627 : i32 to vector<16xi32>
        %parallel_loop3A_629 = arith.addi %parallel_loop3A_620, %parallel_loop3A_628 : vector<16xi32>
        %parallel_loop3A_630 = tpu.vector_load_idx %arg5[%parallel_loop3A_629] : memref<8048xi32, #tpu.memory_space<vmem>>[vector<16xi32>], vector<16xi32>,
        %parallel_loop3A_631 = arith.constant 0 : i32
        %parallel_loop3A_632 = vector.broadcast %parallel_loop3A_631 : i32 to vector<16xi32>
        %parallel_loop3A_633 = arith.addi %parallel_loop3A_626, %parallel_loop3A_632 : vector<16xi32>
        tpu.vector_store_idx %arg7[%parallel_loop3A_633], %parallel_loop3A_630 : memref<38400xi32, #tpu.memory_space<vmem>>[vector<16xi32>], vector<16xi32>,
        %parallel_loop3A_634 = arith.constant 1 : i32
        %parallel_loop3A_635 = vector.broadcast %parallel_loop3A_634 : i32 to vector<16xi32>
        %parallel_loop3A_636 = arith.addi %parallel_loop3A_620, %parallel_loop3A_635 : vector<16xi32>
        %parallel_loop3A_637 = tpu.vector_load_idx %arg5[%parallel_loop3A_636] : memref<8048xi32, #tpu.memory_space<vmem>>[vector<16xi32>], vector<16xi32>,
        %parallel_loop3A_638 = arith.constant 1 : i32
        %parallel_loop3A_639 = vector.broadcast %parallel_loop3A_638 : i32 to vector<16xi32>
        %parallel_loop3A_640 = arith.addi %parallel_loop3A_626, %parallel_loop3A_639 : vector<16xi32>
        tpu.vector_store_idx %arg7[%parallel_loop3A_640], %parallel_loop3A_637 : memref<38400xi32, #tpu.memory_space<vmem>>[vector<16xi32>], vector<16xi32>,
        %parallel_loop3A_641 = arith.constant 2 : i32
        %parallel_loop3A_642 = vector.broadcast %parallel_loop3A_641 : i32 to vector<16xi32>
        %parallel_loop3A_643 = arith.addi %parallel_loop3A_620, %parallel_loop3A_642 : vector<16xi32>
        %parallel_loop3A_644 = tpu.vector_load_idx %arg5[%parallel_loop3A_643] : memref<8048xi32, #tpu.memory_space<vmem>>[vector<16xi32>], vector<16xi32>,
        %parallel_loop3A_645 = arith.constant 2 : i32
        %parallel_loop3A_646 = vector.broadcast %parallel_loop3A_645 : i32 to vector<16xi32>
        %parallel_loop3A_647 = arith.addi %parallel_loop3A_626, %parallel_loop3A_646 : vector<16xi32>
        tpu.vector_store_idx %arg7[%parallel_loop3A_647], %parallel_loop3A_644 : memref<38400xi32, #tpu.memory_space<vmem>>[vector<16xi32>], vector<16xi32>,
        %parallel_loop3A_648 = arith.constant 3 : i32
        %parallel_loop3A_649 = vector.broadcast %parallel_loop3A_648 : i32 to vector<16xi32>
        %parallel_loop3A_650 = arith.addi %parallel_loop3A_620, %parallel_loop3A_649 : vector<16xi32>
        %parallel_loop3A_651 = tpu.vector_load_idx %arg5[%parallel_loop3A_650] : memref<8048xi32, #tpu.memory_space<vmem>>[vector<16xi32>], vector<16xi32>,
        %parallel_loop3A_652 = arith.constant 3 : i32
        %parallel_loop3A_653 = vector.broadcast %parallel_loop3A_652 : i32 to vector<16xi32>
        %parallel_loop3A_654 = arith.addi %parallel_loop3A_626, %parallel_loop3A_653 : vector<16xi32>
        tpu.vector_store_idx %arg7[%parallel_loop3A_654], %parallel_loop3A_651 : memref<38400xi32, #tpu.memory_space<vmem>>[vector<16xi32>], vector<16xi32>,
        %parallel_loop3A_655 = arith.constant 4 : i32
        %parallel_loop3A_656 = vector.broadcast %parallel_loop3A_655 : i32 to vector<16xi32>
        %parallel_loop3A_657 = arith.addi %parallel_loop3A_620, %parallel_loop3A_656 : vector<16xi32>
        %parallel_loop3A_658 = tpu.vector_load_idx %arg5[%parallel_loop3A_657] : memref<8048xi32, #tpu.memory_space<vmem>>[vector<16xi32>], vector<16xi32>,
        %parallel_loop3A_659 = arith.constant 4 : i32
        %parallel_loop3A_660 = vector.broadcast %parallel_loop3A_659 : i32 to vector<16xi32>
        %parallel_loop3A_661 = arith.addi %parallel_loop3A_626, %parallel_loop3A_660 : vector<16xi32>
        tpu.vector_store_idx %arg7[%parallel_loop3A_661], %parallel_loop3A_658 : memref<38400xi32, #tpu.memory_space<vmem>>[vector<16xi32>], vector<16xi32>,
        %parallel_loop3A_662 = arith.constant 5 : i32
        %parallel_loop3A_663 = vector.broadcast %parallel_loop3A_662 : i32 to vector<16xi32>
        %parallel_loop3A_664 = arith.addi %parallel_loop3A_620, %parallel_loop3A_663 : vector<16xi32>
        %parallel_loop3A_665 = tpu.vector_load_idx %arg5[%parallel_loop3A_664] : memref<8048xi32, #tpu.memory_space<vmem>>[vector<16xi32>], vector<16xi32>,
        %parallel_loop3A_666 = arith.constant 5 : i32
        %parallel_loop3A_667 = vector.broadcast %parallel_loop3A_666 : i32 to vector<16xi32>
        %parallel_loop3A_668 = arith.addi %parallel_loop3A_626, %parallel_loop3A_667 : vector<16xi32>
        tpu.vector_store_idx %arg7[%parallel_loop3A_668], %parallel_loop3A_665 : memref<38400xi32, #tpu.memory_space<vmem>>[vector<16xi32>], vector<16xi32>,
        %parallel_loop3A_669 = arith.constant 17 : i32
        %parallel_loop3A_670 = arith.muli %parallel_loop3A_25, %parallel_loop3A_669 : i32
        %parallel_loop3A_671 = arith.constant 11 : i32
        %parallel_loop3A_672 = arith.addi %parallel_loop3A_670, %parallel_loop3A_671 : i32
        %parallel_loop3A_673 = vector.broadcast %parallel_loop3A_672 : i32 to vector<16xi32>
        %parallel_loop3A_674 = arith.addi %mul3A_3, %parallel_loop3A_673 : vector<16xi32>
        %parallel_loop3A_675 = tpu.vector_load_idx %arg6[%parallel_loop3A_674] : memref<8160xi32, #tpu.memory_space<vmem>>[vector<16xi32>], vector<16xi32>,
        %parallel_loop3A_676 = arith.constant 1 : i32
        %parallel_loop3A_677 = vector.broadcast %parallel_loop3A_676 : i32 to vector<16xi32>
        %parallel_loop3A_678 = arith.muli %parallel_loop3A_675, %parallel_loop3A_677 : vector<16xi32>
        %parallel_loop3A_679 = arith.constant 6620 : i32
        %parallel_loop3A_680 = vector.broadcast %parallel_loop3A_679 : i32 to vector<16xi32>
        %parallel_loop3A_681 = arith.addi %parallel_loop3A_678, %parallel_loop3A_680 : vector<16xi32>
        %parallel_loop3A_682 = arith.constant 80 : i32
        %parallel_loop3A_683 = arith.muli %parallel_loop3A_25, %parallel_loop3A_682 : i32
        %parallel_loop3A_684 = arith.constant 62 : i32
        %parallel_loop3A_685 = arith.addi %parallel_loop3A_683, %parallel_loop3A_684 : i32
        %parallel_loop3A_686 = vector.broadcast %parallel_loop3A_685 : i32 to vector<16xi32>
        %parallel_loop3A_687 = arith.addi %mul3A_7, %parallel_loop3A_686 : vector<16xi32>
        %parallel_loop3A_688 = arith.constant 0 : i32
        %parallel_loop3A_689 = vector.broadcast %parallel_loop3A_688 : i32 to vector<16xi32>
        %parallel_loop3A_690 = arith.addi %parallel_loop3A_681, %parallel_loop3A_689 : vector<16xi32>
        %parallel_loop3A_691 = tpu.vector_load_idx %arg5[%parallel_loop3A_690] : memref<8048xi32, #tpu.memory_space<vmem>>[vector<16xi32>], vector<16xi32>,
        %parallel_loop3A_692 = arith.constant 0 : i32
        %parallel_loop3A_693 = vector.broadcast %parallel_loop3A_692 : i32 to vector<16xi32>
        %parallel_loop3A_694 = arith.addi %parallel_loop3A_687, %parallel_loop3A_693 : vector<16xi32>
        tpu.vector_store_idx %arg7[%parallel_loop3A_694], %parallel_loop3A_691 : memref<38400xi32, #tpu.memory_space<vmem>>[vector<16xi32>], vector<16xi32>,
        %parallel_loop3A_695 = arith.constant 17 : i32
        %parallel_loop3A_696 = arith.muli %parallel_loop3A_25, %parallel_loop3A_695 : i32
        %parallel_loop3A_697 = arith.constant 12 : i32
        %parallel_loop3A_698 = arith.addi %parallel_loop3A_696, %parallel_loop3A_697 : i32
        %parallel_loop3A_699 = vector.broadcast %parallel_loop3A_698 : i32 to vector<16xi32>
        %parallel_loop3A_700 = arith.addi %mul3A_3, %parallel_loop3A_699 : vector<16xi32>
        %parallel_loop3A_701 = tpu.vector_load_idx %arg6[%parallel_loop3A_700] : memref<8160xi32, #tpu.memory_space<vmem>>[vector<16xi32>], vector<16xi32>,
        %parallel_loop3A_702 = arith.constant 1 : i32
        %parallel_loop3A_703 = vector.broadcast %parallel_loop3A_702 : i32 to vector<16xi32>
        %parallel_loop3A_704 = arith.muli %parallel_loop3A_701, %parallel_loop3A_703 : vector<16xi32>
        %parallel_loop3A_705 = arith.constant 6624 : i32
        %parallel_loop3A_706 = vector.broadcast %parallel_loop3A_705 : i32 to vector<16xi32>
        %parallel_loop3A_707 = arith.addi %parallel_loop3A_704, %parallel_loop3A_706 : vector<16xi32>
        %parallel_loop3A_708 = arith.constant 80 : i32
        %parallel_loop3A_709 = arith.muli %parallel_loop3A_25, %parallel_loop3A_708 : i32
        %parallel_loop3A_710 = arith.constant 63 : i32
        %parallel_loop3A_711 = arith.addi %parallel_loop3A_709, %parallel_loop3A_710 : i32
        %parallel_loop3A_712 = vector.broadcast %parallel_loop3A_711 : i32 to vector<16xi32>
        %parallel_loop3A_713 = arith.addi %mul3A_7, %parallel_loop3A_712 : vector<16xi32>
        %parallel_loop3A_714 = arith.constant 0 : i32
        %parallel_loop3A_715 = vector.broadcast %parallel_loop3A_714 : i32 to vector<16xi32>
        %parallel_loop3A_716 = arith.addi %parallel_loop3A_707, %parallel_loop3A_715 : vector<16xi32>
        %parallel_loop3A_717 = tpu.vector_load_idx %arg5[%parallel_loop3A_716] : memref<8048xi32, #tpu.memory_space<vmem>>[vector<16xi32>], vector<16xi32>,
        %parallel_loop3A_718 = arith.constant 0 : i32
        %parallel_loop3A_719 = vector.broadcast %parallel_loop3A_718 : i32 to vector<16xi32>
        %parallel_loop3A_720 = arith.addi %parallel_loop3A_713, %parallel_loop3A_719 : vector<16xi32>
        tpu.vector_store_idx %arg7[%parallel_loop3A_720], %parallel_loop3A_717 : memref<38400xi32, #tpu.memory_space<vmem>>[vector<16xi32>], vector<16xi32>,
        %parallel_loop3A_721 = arith.constant 17 : i32
        %parallel_loop3A_722 = arith.muli %parallel_loop3A_25, %parallel_loop3A_721 : i32
        %parallel_loop3A_723 = arith.constant 13 : i32
        %parallel_loop3A_724 = arith.addi %parallel_loop3A_722, %parallel_loop3A_723 : i32
        %parallel_loop3A_725 = vector.broadcast %parallel_loop3A_724 : i32 to vector<16xi32>
        %parallel_loop3A_726 = arith.addi %mul3A_3, %parallel_loop3A_725 : vector<16xi32>
        %parallel_loop3A_727 = tpu.vector_load_idx %arg6[%parallel_loop3A_726] : memref<8160xi32, #tpu.memory_space<vmem>>[vector<16xi32>], vector<16xi32>,
        %parallel_loop3A_728 = arith.constant 4 : i32
        %parallel_loop3A_729 = vector.broadcast %parallel_loop3A_728 : i32 to vector<16xi32>
        %parallel_loop3A_730 = arith.muli %parallel_loop3A_727, %parallel_loop3A_729 : vector<16xi32>
        %parallel_loop3A_731 = arith.constant 6628 : i32
        %parallel_loop3A_732 = vector.broadcast %parallel_loop3A_731 : i32 to vector<16xi32>
        %parallel_loop3A_733 = arith.addi %parallel_loop3A_730, %parallel_loop3A_732 : vector<16xi32>
        %parallel_loop3A_734 = arith.constant 80 : i32
        %parallel_loop3A_735 = arith.muli %parallel_loop3A_25, %parallel_loop3A_734 : i32
        %parallel_loop3A_736 = arith.constant 64 : i32
        %parallel_loop3A_737 = arith.addi %parallel_loop3A_735, %parallel_loop3A_736 : i32
        %parallel_loop3A_738 = vector.broadcast %parallel_loop3A_737 : i32 to vector<16xi32>
        %parallel_loop3A_739 = arith.addi %mul3A_7, %parallel_loop3A_738 : vector<16xi32>
        %parallel_loop3A_740 = arith.constant 0 : i32
        %parallel_loop3A_741 = vector.broadcast %parallel_loop3A_740 : i32 to vector<16xi32>
        %parallel_loop3A_742 = arith.addi %parallel_loop3A_733, %parallel_loop3A_741 : vector<16xi32>
        %parallel_loop3A_743 = tpu.vector_load_idx %arg5[%parallel_loop3A_742] : memref<8048xi32, #tpu.memory_space<vmem>>[vector<16xi32>], vector<16xi32>,
        %parallel_loop3A_744 = arith.constant 0 : i32
        %parallel_loop3A_745 = vector.broadcast %parallel_loop3A_744 : i32 to vector<16xi32>
        %parallel_loop3A_746 = arith.addi %parallel_loop3A_739, %parallel_loop3A_745 : vector<16xi32>
        tpu.vector_store_idx %arg7[%parallel_loop3A_746], %parallel_loop3A_743 : memref<38400xi32, #tpu.memory_space<vmem>>[vector<16xi32>], vector<16xi32>,
        %parallel_loop3A_747 = arith.constant 1 : i32
        %parallel_loop3A_748 = vector.broadcast %parallel_loop3A_747 : i32 to vector<16xi32>
        %parallel_loop3A_749 = arith.addi %parallel_loop3A_733, %parallel_loop3A_748 : vector<16xi32>
        %parallel_loop3A_750 = tpu.vector_load_idx %arg5[%parallel_loop3A_749] : memref<8048xi32, #tpu.memory_space<vmem>>[vector<16xi32>], vector<16xi32>,
        %parallel_loop3A_751 = arith.constant 1 : i32
        %parallel_loop3A_752 = vector.broadcast %parallel_loop3A_751 : i32 to vector<16xi32>
        %parallel_loop3A_753 = arith.addi %parallel_loop3A_739, %parallel_loop3A_752 : vector<16xi32>
        tpu.vector_store_idx %arg7[%parallel_loop3A_753], %parallel_loop3A_750 : memref<38400xi32, #tpu.memory_space<vmem>>[vector<16xi32>], vector<16xi32>,
        %parallel_loop3A_754 = arith.constant 2 : i32
        %parallel_loop3A_755 = vector.broadcast %parallel_loop3A_754 : i32 to vector<16xi32>
        %parallel_loop3A_756 = arith.addi %parallel_loop3A_733, %parallel_loop3A_755 : vector<16xi32>
        %parallel_loop3A_757 = tpu.vector_load_idx %arg5[%parallel_loop3A_756] : memref<8048xi32, #tpu.memory_space<vmem>>[vector<16xi32>], vector<16xi32>,
        %parallel_loop3A_758 = arith.constant 2 : i32
        %parallel_loop3A_759 = vector.broadcast %parallel_loop3A_758 : i32 to vector<16xi32>
        %parallel_loop3A_760 = arith.addi %parallel_loop3A_739, %parallel_loop3A_759 : vector<16xi32>
        tpu.vector_store_idx %arg7[%parallel_loop3A_760], %parallel_loop3A_757 : memref<38400xi32, #tpu.memory_space<vmem>>[vector<16xi32>], vector<16xi32>,
        %parallel_loop3A_761 = arith.constant 3 : i32
        %parallel_loop3A_762 = vector.broadcast %parallel_loop3A_761 : i32 to vector<16xi32>
        %parallel_loop3A_763 = arith.addi %parallel_loop3A_733, %parallel_loop3A_762 : vector<16xi32>
        %parallel_loop3A_764 = tpu.vector_load_idx %arg5[%parallel_loop3A_763] : memref<8048xi32, #tpu.memory_space<vmem>>[vector<16xi32>], vector<16xi32>,
        %parallel_loop3A_765 = arith.constant 3 : i32
        %parallel_loop3A_766 = vector.broadcast %parallel_loop3A_765 : i32 to vector<16xi32>
        %parallel_loop3A_767 = arith.addi %parallel_loop3A_739, %parallel_loop3A_766 : vector<16xi32>
        tpu.vector_store_idx %arg7[%parallel_loop3A_767], %parallel_loop3A_764 : memref<38400xi32, #tpu.memory_space<vmem>>[vector<16xi32>], vector<16xi32>,
        %parallel_loop3A_768 = arith.constant 17 : i32
        %parallel_loop3A_769 = arith.muli %parallel_loop3A_25, %parallel_loop3A_768 : i32
        %parallel_loop3A_770 = arith.constant 14 : i32
        %parallel_loop3A_771 = arith.addi %parallel_loop3A_769, %parallel_loop3A_770 : i32
        %parallel_loop3A_772 = vector.broadcast %parallel_loop3A_771 : i32 to vector<16xi32>
        %parallel_loop3A_773 = arith.addi %mul3A_3, %parallel_loop3A_772 : vector<16xi32>
        %parallel_loop3A_774 = tpu.vector_load_idx %arg6[%parallel_loop3A_773] : memref<8160xi32, #tpu.memory_space<vmem>>[vector<16xi32>], vector<16xi32>,
        %parallel_loop3A_775 = arith.constant 4 : i32
        %parallel_loop3A_776 = vector.broadcast %parallel_loop3A_775 : i32 to vector<16xi32>
        %parallel_loop3A_777 = arith.muli %parallel_loop3A_774, %parallel_loop3A_776 : vector<16xi32>
        %parallel_loop3A_778 = arith.constant 7140 : i32
        %parallel_loop3A_779 = vector.broadcast %parallel_loop3A_778 : i32 to vector<16xi32>
        %parallel_loop3A_780 = arith.addi %parallel_loop3A_777, %parallel_loop3A_779 : vector<16xi32>
        %parallel_loop3A_781 = arith.constant 80 : i32
        %parallel_loop3A_782 = arith.muli %parallel_loop3A_25, %parallel_loop3A_781 : i32
        %parallel_loop3A_783 = arith.constant 68 : i32
        %parallel_loop3A_784 = arith.addi %parallel_loop3A_782, %parallel_loop3A_783 : i32
        %parallel_loop3A_785 = vector.broadcast %parallel_loop3A_784 : i32 to vector<16xi32>
        %parallel_loop3A_786 = arith.addi %mul3A_7, %parallel_loop3A_785 : vector<16xi32>
        %parallel_loop3A_787 = arith.constant 0 : i32
        %parallel_loop3A_788 = vector.broadcast %parallel_loop3A_787 : i32 to vector<16xi32>
        %parallel_loop3A_789 = arith.addi %parallel_loop3A_780, %parallel_loop3A_788 : vector<16xi32>
        %parallel_loop3A_790 = tpu.vector_load_idx %arg5[%parallel_loop3A_789] : memref<8048xi32, #tpu.memory_space<vmem>>[vector<16xi32>], vector<16xi32>,
        %parallel_loop3A_791 = arith.constant 0 : i32
        %parallel_loop3A_792 = vector.broadcast %parallel_loop3A_791 : i32 to vector<16xi32>
        %parallel_loop3A_793 = arith.addi %parallel_loop3A_786, %parallel_loop3A_792 : vector<16xi32>
        tpu.vector_store_idx %arg7[%parallel_loop3A_793], %parallel_loop3A_790 : memref<38400xi32, #tpu.memory_space<vmem>>[vector<16xi32>], vector<16xi32>,
        %parallel_loop3A_794 = arith.constant 1 : i32
        %parallel_loop3A_795 = vector.broadcast %parallel_loop3A_794 : i32 to vector<16xi32>
        %parallel_loop3A_796 = arith.addi %parallel_loop3A_780, %parallel_loop3A_795 : vector<16xi32>
        %parallel_loop3A_797 = tpu.vector_load_idx %arg5[%parallel_loop3A_796] : memref<8048xi32, #tpu.memory_space<vmem>>[vector<16xi32>], vector<16xi32>,
        %parallel_loop3A_798 = arith.constant 1 : i32
        %parallel_loop3A_799 = vector.broadcast %parallel_loop3A_798 : i32 to vector<16xi32>
        %parallel_loop3A_800 = arith.addi %parallel_loop3A_786, %parallel_loop3A_799 : vector<16xi32>
        tpu.vector_store_idx %arg7[%parallel_loop3A_800], %parallel_loop3A_797 : memref<38400xi32, #tpu.memory_space<vmem>>[vector<16xi32>], vector<16xi32>,
        %parallel_loop3A_801 = arith.constant 2 : i32
        %parallel_loop3A_802 = vector.broadcast %parallel_loop3A_801 : i32 to vector<16xi32>
        %parallel_loop3A_803 = arith.addi %parallel_loop3A_780, %parallel_loop3A_802 : vector<16xi32>
        %parallel_loop3A_804 = tpu.vector_load_idx %arg5[%parallel_loop3A_803] : memref<8048xi32, #tpu.memory_space<vmem>>[vector<16xi32>], vector<16xi32>,
        %parallel_loop3A_805 = arith.constant 2 : i32
        %parallel_loop3A_806 = vector.broadcast %parallel_loop3A_805 : i32 to vector<16xi32>
        %parallel_loop3A_807 = arith.addi %parallel_loop3A_786, %parallel_loop3A_806 : vector<16xi32>
        tpu.vector_store_idx %arg7[%parallel_loop3A_807], %parallel_loop3A_804 : memref<38400xi32, #tpu.memory_space<vmem>>[vector<16xi32>], vector<16xi32>,
        %parallel_loop3A_808 = arith.constant 3 : i32
        %parallel_loop3A_809 = vector.broadcast %parallel_loop3A_808 : i32 to vector<16xi32>
        %parallel_loop3A_810 = arith.addi %parallel_loop3A_780, %parallel_loop3A_809 : vector<16xi32>
        %parallel_loop3A_811 = tpu.vector_load_idx %arg5[%parallel_loop3A_810] : memref<8048xi32, #tpu.memory_space<vmem>>[vector<16xi32>], vector<16xi32>,
        %parallel_loop3A_812 = arith.constant 3 : i32
        %parallel_loop3A_813 = vector.broadcast %parallel_loop3A_812 : i32 to vector<16xi32>
        %parallel_loop3A_814 = arith.addi %parallel_loop3A_786, %parallel_loop3A_813 : vector<16xi32>
        tpu.vector_store_idx %arg7[%parallel_loop3A_814], %parallel_loop3A_811 : memref<38400xi32, #tpu.memory_space<vmem>>[vector<16xi32>], vector<16xi32>,
        %parallel_loop3A_815 = arith.constant 17 : i32
        %parallel_loop3A_816 = arith.muli %parallel_loop3A_25, %parallel_loop3A_815 : i32
        %parallel_loop3A_817 = arith.constant 15 : i32
        %parallel_loop3A_818 = arith.addi %parallel_loop3A_816, %parallel_loop3A_817 : i32
        %parallel_loop3A_819 = vector.broadcast %parallel_loop3A_818 : i32 to vector<16xi32>
        %parallel_loop3A_820 = arith.addi %mul3A_3, %parallel_loop3A_819 : vector<16xi32>
        %parallel_loop3A_821 = tpu.vector_load_idx %arg6[%parallel_loop3A_820] : memref<8160xi32, #tpu.memory_space<vmem>>[vector<16xi32>], vector<16xi32>,
        %parallel_loop3A_822 = arith.constant 4 : i32
        %parallel_loop3A_823 = vector.broadcast %parallel_loop3A_822 : i32 to vector<16xi32>
        %parallel_loop3A_824 = arith.muli %parallel_loop3A_821, %parallel_loop3A_823 : vector<16xi32>
        %parallel_loop3A_825 = arith.constant 7396 : i32
        %parallel_loop3A_826 = vector.broadcast %parallel_loop3A_825 : i32 to vector<16xi32>
        %parallel_loop3A_827 = arith.addi %parallel_loop3A_824, %parallel_loop3A_826 : vector<16xi32>
        %parallel_loop3A_828 = arith.constant 80 : i32
        %parallel_loop3A_829 = arith.muli %parallel_loop3A_25, %parallel_loop3A_828 : i32
        %parallel_loop3A_830 = arith.constant 72 : i32
        %parallel_loop3A_831 = arith.addi %parallel_loop3A_829, %parallel_loop3A_830 : i32
        %parallel_loop3A_832 = vector.broadcast %parallel_loop3A_831 : i32 to vector<16xi32>
        %parallel_loop3A_833 = arith.addi %mul3A_7, %parallel_loop3A_832 : vector<16xi32>
        %parallel_loop3A_834 = arith.constant 0 : i32
        %parallel_loop3A_835 = vector.broadcast %parallel_loop3A_834 : i32 to vector<16xi32>
        %parallel_loop3A_836 = arith.addi %parallel_loop3A_827, %parallel_loop3A_835 : vector<16xi32>
        %parallel_loop3A_837 = tpu.vector_load_idx %arg5[%parallel_loop3A_836] : memref<8048xi32, #tpu.memory_space<vmem>>[vector<16xi32>], vector<16xi32>,
        %parallel_loop3A_838 = arith.constant 0 : i32
        %parallel_loop3A_839 = vector.broadcast %parallel_loop3A_838 : i32 to vector<16xi32>
        %parallel_loop3A_840 = arith.addi %parallel_loop3A_833, %parallel_loop3A_839 : vector<16xi32>
        tpu.vector_store_idx %arg7[%parallel_loop3A_840], %parallel_loop3A_837 : memref<38400xi32, #tpu.memory_space<vmem>>[vector<16xi32>], vector<16xi32>,
        %parallel_loop3A_841 = arith.constant 1 : i32
        %parallel_loop3A_842 = vector.broadcast %parallel_loop3A_841 : i32 to vector<16xi32>
        %parallel_loop3A_843 = arith.addi %parallel_loop3A_827, %parallel_loop3A_842 : vector<16xi32>
        %parallel_loop3A_844 = tpu.vector_load_idx %arg5[%parallel_loop3A_843] : memref<8048xi32, #tpu.memory_space<vmem>>[vector<16xi32>], vector<16xi32>,
        %parallel_loop3A_845 = arith.constant 1 : i32
        %parallel_loop3A_846 = vector.broadcast %parallel_loop3A_845 : i32 to vector<16xi32>
        %parallel_loop3A_847 = arith.addi %parallel_loop3A_833, %parallel_loop3A_846 : vector<16xi32>
        tpu.vector_store_idx %arg7[%parallel_loop3A_847], %parallel_loop3A_844 : memref<38400xi32, #tpu.memory_space<vmem>>[vector<16xi32>], vector<16xi32>,
        %parallel_loop3A_848 = arith.constant 2 : i32
        %parallel_loop3A_849 = vector.broadcast %parallel_loop3A_848 : i32 to vector<16xi32>
        %parallel_loop3A_850 = arith.addi %parallel_loop3A_827, %parallel_loop3A_849 : vector<16xi32>
        %parallel_loop3A_851 = tpu.vector_load_idx %arg5[%parallel_loop3A_850] : memref<8048xi32, #tpu.memory_space<vmem>>[vector<16xi32>], vector<16xi32>,
        %parallel_loop3A_852 = arith.constant 2 : i32
        %parallel_loop3A_853 = vector.broadcast %parallel_loop3A_852 : i32 to vector<16xi32>
        %parallel_loop3A_854 = arith.addi %parallel_loop3A_833, %parallel_loop3A_853 : vector<16xi32>
        tpu.vector_store_idx %arg7[%parallel_loop3A_854], %parallel_loop3A_851 : memref<38400xi32, #tpu.memory_space<vmem>>[vector<16xi32>], vector<16xi32>,
        %parallel_loop3A_855 = arith.constant 3 : i32
        %parallel_loop3A_856 = vector.broadcast %parallel_loop3A_855 : i32 to vector<16xi32>
        %parallel_loop3A_857 = arith.addi %parallel_loop3A_827, %parallel_loop3A_856 : vector<16xi32>
        %parallel_loop3A_858 = tpu.vector_load_idx %arg5[%parallel_loop3A_857] : memref<8048xi32, #tpu.memory_space<vmem>>[vector<16xi32>], vector<16xi32>,
        %parallel_loop3A_859 = arith.constant 3 : i32
        %parallel_loop3A_860 = vector.broadcast %parallel_loop3A_859 : i32 to vector<16xi32>
        %parallel_loop3A_861 = arith.addi %parallel_loop3A_833, %parallel_loop3A_860 : vector<16xi32>
        tpu.vector_store_idx %arg7[%parallel_loop3A_861], %parallel_loop3A_858 : memref<38400xi32, #tpu.memory_space<vmem>>[vector<16xi32>], vector<16xi32>,
        %parallel_loop3A_862 = arith.constant 17 : i32
        %parallel_loop3A_863 = arith.muli %parallel_loop3A_25, %parallel_loop3A_862 : i32
        %parallel_loop3A_864 = arith.constant 16 : i32
        %parallel_loop3A_865 = arith.addi %parallel_loop3A_863, %parallel_loop3A_864 : i32
        %parallel_loop3A_866 = vector.broadcast %parallel_loop3A_865 : i32 to vector<16xi32>
        %parallel_loop3A_867 = arith.addi %mul3A_3, %parallel_loop3A_866 : vector<16xi32>
        %parallel_loop3A_868 = tpu.vector_load_idx %arg6[%parallel_loop3A_867] : memref<8160xi32, #tpu.memory_space<vmem>>[vector<16xi32>], vector<16xi32>,
        %parallel_loop3A_869 = arith.constant 4 : i32
        %parallel_loop3A_870 = vector.broadcast %parallel_loop3A_869 : i32 to vector<16xi32>
        %parallel_loop3A_871 = arith.muli %parallel_loop3A_868, %parallel_loop3A_870 : vector<16xi32>
        %parallel_loop3A_872 = arith.constant 7908 : i32
        %parallel_loop3A_873 = vector.broadcast %parallel_loop3A_872 : i32 to vector<16xi32>
        %parallel_loop3A_874 = arith.addi %parallel_loop3A_871, %parallel_loop3A_873 : vector<16xi32>
        %parallel_loop3A_875 = arith.constant 80 : i32
        %parallel_loop3A_876 = arith.muli %parallel_loop3A_25, %parallel_loop3A_875 : i32
        %parallel_loop3A_877 = arith.constant 76 : i32
        %parallel_loop3A_878 = arith.addi %parallel_loop3A_876, %parallel_loop3A_877 : i32
        %parallel_loop3A_879 = vector.broadcast %parallel_loop3A_878 : i32 to vector<16xi32>
        %parallel_loop3A_880 = arith.addi %mul3A_7, %parallel_loop3A_879 : vector<16xi32>
        %parallel_loop3A_881 = arith.constant 0 : i32
        %parallel_loop3A_882 = vector.broadcast %parallel_loop3A_881 : i32 to vector<16xi32>
        %parallel_loop3A_883 = arith.addi %parallel_loop3A_874, %parallel_loop3A_882 : vector<16xi32>
        %parallel_loop3A_884 = tpu.vector_load_idx %arg5[%parallel_loop3A_883] : memref<8048xi32, #tpu.memory_space<vmem>>[vector<16xi32>], vector<16xi32>,
        %parallel_loop3A_885 = arith.constant 0 : i32
        %parallel_loop3A_886 = vector.broadcast %parallel_loop3A_885 : i32 to vector<16xi32>
        %parallel_loop3A_887 = arith.addi %parallel_loop3A_880, %parallel_loop3A_886 : vector<16xi32>
        tpu.vector_store_idx %arg7[%parallel_loop3A_887], %parallel_loop3A_884 : memref<38400xi32, #tpu.memory_space<vmem>>[vector<16xi32>], vector<16xi32>,
        %parallel_loop3A_888 = arith.constant 1 : i32
        %parallel_loop3A_889 = vector.broadcast %parallel_loop3A_888 : i32 to vector<16xi32>
        %parallel_loop3A_890 = arith.addi %parallel_loop3A_874, %parallel_loop3A_889 : vector<16xi32>
        %parallel_loop3A_891 = tpu.vector_load_idx %arg5[%parallel_loop3A_890] : memref<8048xi32, #tpu.memory_space<vmem>>[vector<16xi32>], vector<16xi32>,
        %parallel_loop3A_892 = arith.constant 1 : i32
        %parallel_loop3A_893 = vector.broadcast %parallel_loop3A_892 : i32 to vector<16xi32>
        %parallel_loop3A_894 = arith.addi %parallel_loop3A_880, %parallel_loop3A_893 : vector<16xi32>
        tpu.vector_store_idx %arg7[%parallel_loop3A_894], %parallel_loop3A_891 : memref<38400xi32, #tpu.memory_space<vmem>>[vector<16xi32>], vector<16xi32>,
        %parallel_loop3A_895 = arith.constant 2 : i32
        %parallel_loop3A_896 = vector.broadcast %parallel_loop3A_895 : i32 to vector<16xi32>
        %parallel_loop3A_897 = arith.addi %parallel_loop3A_874, %parallel_loop3A_896 : vector<16xi32>
        %parallel_loop3A_898 = tpu.vector_load_idx %arg5[%parallel_loop3A_897] : memref<8048xi32, #tpu.memory_space<vmem>>[vector<16xi32>], vector<16xi32>,
        %parallel_loop3A_899 = arith.constant 2 : i32
        %parallel_loop3A_900 = vector.broadcast %parallel_loop3A_899 : i32 to vector<16xi32>
        %parallel_loop3A_901 = arith.addi %parallel_loop3A_880, %parallel_loop3A_900 : vector<16xi32>
        tpu.vector_store_idx %arg7[%parallel_loop3A_901], %parallel_loop3A_898 : memref<38400xi32, #tpu.memory_space<vmem>>[vector<16xi32>], vector<16xi32>,
        %parallel_loop3A_902 = arith.constant 3 : i32
        %parallel_loop3A_903 = vector.broadcast %parallel_loop3A_902 : i32 to vector<16xi32>
        %parallel_loop3A_904 = arith.addi %parallel_loop3A_874, %parallel_loop3A_903 : vector<16xi32>
        %parallel_loop3A_905 = tpu.vector_load_idx %arg5[%parallel_loop3A_904] : memref<8048xi32, #tpu.memory_space<vmem>>[vector<16xi32>], vector<16xi32>,
        %parallel_loop3A_906 = arith.constant 3 : i32
        %parallel_loop3A_907 = vector.broadcast %parallel_loop3A_906 : i32 to vector<16xi32>
        %parallel_loop3A_908 = arith.addi %parallel_loop3A_880, %parallel_loop3A_907 : vector<16xi32>
        tpu.vector_store_idx %arg7[%parallel_loop3A_908], %parallel_loop3A_905 : memref<38400xi32, #tpu.memory_space<vmem>>[vector<16xi32>], vector<16xi32>,
      } {sc.loop_unroll_factor = 1 : i64, sc.parallel_access}
      %mul3A_23 = arith.constant 2400 : i32
      %mul3A_24 = arith.muli %mul3A_18, %mul3A_23 : i32
      "tpu.region"() ({
        %run_scoped3A = tpu.sem_alloc : memref<!tpu.dma_semaphore, #tpu.memory_space<semaphore_mem>>
        %dma_start3A = tpu.memref_slice %arg4[%mul3A_24] : memref<9830400xi32, #tpu.memory_space<hbm>> -> memref<38400xi32, #tpu.memory_space<hbm>>
        %dma_start3A_25 = tpu.memref_slice %arg4[%mul3A_24] : memref<9830400xi32, #tpu.memory_space<hbm>> -> memref<38400xi32, #tpu.memory_space<hbm>>
        tpu.enqueue_dma source(%arg7 : memref<38400xi32, #tpu.memory_space<vmem>>) target(%dma_start3A_25 : memref<38400xi32, #tpu.memory_space<hbm>>) target_semaphore(%run_scoped3A : memref<!tpu.dma_semaphore, #tpu.memory_space<semaphore_mem>>)
        %dma_wait3A = tpu.memref_slice %arg4[%mul3A_24] : memref<9830400xi32, #tpu.memory_space<hbm>> -> memref<38400xi32, #tpu.memory_space<hbm>>
        %dma_wait3A_26 = tpu.memref_slice %arg4[%mul3A_24] : memref<9830400xi32, #tpu.memory_space<hbm>> -> memref<38400xi32, #tpu.memory_space<hbm>>
        tpu.wait_dma2 semaphore(%run_scoped3A : memref<!tpu.dma_semaphore, #tpu.memory_space<semaphore_mem>>) src(%arg7 : memref<38400xi32, #tpu.memory_space<vmem>>) dst(%dma_wait3A_26 : memref<38400xi32, #tpu.memory_space<hbm>>)
        tpu.yield
      }) : () -> ()
    }
    %scan3A_12 = arith.constant 8 : i32
    return
  }
}

module attributes {stable_mosaic.version = 14 : i64} {
  func.func @_mlp_body(%arg0: i32, %arg1: memref<256x2400xbf16, #tpu.memory_space<vmem>>, %arg2: memref<256x4800xbf16, #tpu.memory_space<vmem>>, %arg3: memref<256x32xbf16, #tpu.memory_space<vmem>>, %arg4: memref<2400x2048xbf16, #tpu.memory_space<vmem>>, %arg5: memref<4800x2048xbf16, #tpu.memory_space<vmem>>, %arg6: memref<32x2048xbf16, #tpu.memory_space<vmem>>, %arg7: memref<1x2048xf32, #tpu.memory_space<vmem>>, %arg8: memref<2048x1024xbf16, #tpu.memory_space<vmem>>, %arg9: memref<1x1024xf32, #tpu.memory_space<vmem>>, %arg10: memref<1024x1280xbf16, #tpu.memory_space<vmem>>, %arg11: memref<1x1280xf32, #tpu.memory_space<vmem>>, %arg12: memref<256x1280xf32, #tpu.memory_space<vmem>>) attributes {dimension_semantics = [#tpu.dimension_semantics<arbitrary>], iteration_bounds = array<i64: 16>, scalar_prefetch = 0 : i64, scratch_operands = 0 : i64, tpu.core_type = #tpu.core_type<tc>, window_params = [{transform_indices = @transform_0, window_bounds = array<i64: 256, 2400>}, {transform_indices = @transform_1, window_bounds = array<i64: 256, 4800>}, {transform_indices = @transform_2, window_bounds = array<i64: 256, 32>}, {pipeline_mode = #tpu.pipeline_mode<synchronous>, transform_indices = @transform_3, window_bounds = array<i64: 2400, 2048>}, {pipeline_mode = #tpu.pipeline_mode<synchronous>, transform_indices = @transform_4, window_bounds = array<i64: 4800, 2048>}, {pipeline_mode = #tpu.pipeline_mode<synchronous>, transform_indices = @transform_5, window_bounds = array<i64: 32, 2048>}, {pipeline_mode = #tpu.pipeline_mode<synchronous>, transform_indices = @transform_6, window_bounds = array<i64: 1, 2048>}, {pipeline_mode = #tpu.pipeline_mode<synchronous>, transform_indices = @transform_7, window_bounds = array<i64: 2048, 1024>}, {pipeline_mode = #tpu.pipeline_mode<synchronous>, transform_indices = @transform_8, window_bounds = array<i64: 1, 1024>}, {pipeline_mode = #tpu.pipeline_mode<synchronous>, transform_indices = @transform_9, window_bounds = array<i64: 1024, 1280>}, {pipeline_mode = #tpu.pipeline_mode<synchronous>, transform_indices = @transform_10, window_bounds = array<i64: 1, 1280>}, {transform_indices = @transform_11, window_bounds = array<i64: 256, 1280>}]} {
    %get3A = arith.constant 0 : index
    %get3A_0 = arith.constant 0 : index
    %get3A_1 = vector.load %arg1[%get3A, %get3A_0] : memref<256x2400xbf16, #tpu.memory_space<vmem>>, vector<256x2400xbf16>
    %get3A_2 = arith.constant 0 : index
    %get3A_3 = arith.constant 0 : index
    %get3A_4 = vector.load %arg4[%get3A_2, %get3A_3] : memref<2400x2048xbf16, #tpu.memory_space<vmem>>, vector<2400x2048xbf16>
    %dot_general3A = arith.constant dense<0.000000e+00> : vector<256x2048xf32>
    %dot_general3A_5 = tpu.matmul %get3A_1, %get3A_4, %dot_general3A {dimension_numbers = #tpu.dot_dimension_numbers<[1], [0], [0], [1], [0, 0, 1, 1], [], []>, transpose_lhs_hint = false} : vector<256x2400xbf16>, vector<2400x2048xbf16>, vector<256x2048xf32> -> vector<256x2048xf32>
    %get3A_6 = arith.constant 0 : index
    %get3A_7 = arith.constant 0 : index
    %get3A_8 = vector.load %arg2[%get3A_6, %get3A_7] : memref<256x4800xbf16, #tpu.memory_space<vmem>>, vector<256x4800xbf16>
    %get3A_9 = arith.constant 0 : index
    %get3A_10 = arith.constant 0 : index
    %get3A_11 = vector.load %arg5[%get3A_9, %get3A_10] : memref<4800x2048xbf16, #tpu.memory_space<vmem>>, vector<4800x2048xbf16>
    %dot_general3A_12 = arith.constant dense<0.000000e+00> : vector<256x2048xf32>
    %dot_general3A_13 = tpu.matmul %get3A_8, %get3A_11, %dot_general3A_12 {dimension_numbers = #tpu.dot_dimension_numbers<[1], [0], [0], [1], [0, 0, 1, 1], [], []>, transpose_lhs_hint = false} : vector<256x4800xbf16>, vector<4800x2048xbf16>, vector<256x2048xf32> -> vector<256x2048xf32>
    %add3A = arith.addf %dot_general3A_5, %dot_general3A_13 : vector<256x2048xf32>
    %get3A_14 = arith.constant 0 : index
    %get3A_15 = arith.constant 0 : index
    %get3A_16 = vector.load %arg3[%get3A_14, %get3A_15] : memref<256x32xbf16, #tpu.memory_space<vmem>>, vector<256x32xbf16>
    %get3A_17 = arith.constant 0 : index
    %get3A_18 = arith.constant 0 : index
    %get3A_19 = vector.load %arg6[%get3A_17, %get3A_18] : memref<32x2048xbf16, #tpu.memory_space<vmem>>, vector<32x2048xbf16>
    %dot_general3A_20 = arith.constant dense<0.000000e+00> : vector<256x2048xf32>
    %dot_general3A_21 = tpu.matmul %get3A_16, %get3A_19, %dot_general3A_20 {dimension_numbers = #tpu.dot_dimension_numbers<[1], [0], [0], [1], [0, 0, 1, 1], [], []>, transpose_lhs_hint = false} : vector<256x32xbf16>, vector<32x2048xbf16>, vector<256x2048xf32> -> vector<256x2048xf32>
    %add3A_22 = arith.addf %add3A, %dot_general3A_21 : vector<256x2048xf32>
    %get3A_23 = arith.constant 0 : index
    %get3A_24 = arith.constant 0 : index
    %get3A_25 = vector.load %arg7[%get3A_23, %get3A_24] : memref<1x2048xf32, #tpu.memory_space<vmem>>, vector<1x2048xf32>
    %add3A_26 = vector.broadcast %get3A_25 : vector<1x2048xf32> to vector<256x2048xf32>
    %add3A_27 = arith.addf %add3A_22, %add3A_26 : vector<256x2048xf32>
    %max3A = arith.constant 0.000000e+00 : f32
    %max3A_28 = vector.broadcast %max3A : f32 to vector<256x2048xf32>
    %max3A_29 = arith.maximumf %add3A_27, %max3A_28 : vector<256x2048xf32>
    %convert_element_type3A = arith.truncf %max3A_29 : vector<256x2048xf32> to vector<256x2048xbf16>
    %get3A_30 = arith.constant 0 : index
    %get3A_31 = arith.constant 0 : index
    %get3A_32 = vector.load %arg8[%get3A_30, %get3A_31] : memref<2048x1024xbf16, #tpu.memory_space<vmem>>, vector<2048x1024xbf16>
    %dot_general3A_33 = arith.constant dense<0.000000e+00> : vector<256x1024xf32>
    %dot_general3A_34 = tpu.matmul %convert_element_type3A, %get3A_32, %dot_general3A_33 {dimension_numbers = #tpu.dot_dimension_numbers<[1], [0], [0], [1], [0, 0, 1, 1], [], []>, transpose_lhs_hint = false} : vector<256x2048xbf16>, vector<2048x1024xbf16>, vector<256x1024xf32> -> vector<256x1024xf32>
    %get3A_35 = arith.constant 0 : index
    %get3A_36 = arith.constant 0 : index
    %get3A_37 = vector.load %arg9[%get3A_35, %get3A_36] : memref<1x1024xf32, #tpu.memory_space<vmem>>, vector<1x1024xf32>
    %add3A_38 = vector.broadcast %get3A_37 : vector<1x1024xf32> to vector<256x1024xf32>
    %add3A_39 = arith.addf %dot_general3A_34, %add3A_38 : vector<256x1024xf32>
    %max3A_40 = arith.constant 0.000000e+00 : f32
    %max3A_41 = vector.broadcast %max3A_40 : f32 to vector<256x1024xf32>
    %max3A_42 = arith.maximumf %add3A_39, %max3A_41 : vector<256x1024xf32>
    %convert_element_type3A_43 = arith.truncf %max3A_42 : vector<256x1024xf32> to vector<256x1024xbf16>
    %get3A_44 = arith.constant 0 : index
    %get3A_45 = arith.constant 0 : index
    %get3A_46 = vector.load %arg10[%get3A_44, %get3A_45] : memref<1024x1280xbf16, #tpu.memory_space<vmem>>, vector<1024x1280xbf16>
    %dot_general3A_47 = arith.constant dense<0.000000e+00> : vector<256x1280xf32>
    %dot_general3A_48 = tpu.matmul %convert_element_type3A_43, %get3A_46, %dot_general3A_47 {dimension_numbers = #tpu.dot_dimension_numbers<[1], [0], [0], [1], [0, 0, 1, 1], [], []>, transpose_lhs_hint = false} : vector<256x1024xbf16>, vector<1024x1280xbf16>, vector<256x1280xf32> -> vector<256x1280xf32>
    %get3A_49 = arith.constant 0 : index
    %get3A_50 = arith.constant 0 : index
    %get3A_51 = vector.load %arg11[%get3A_49, %get3A_50] : memref<1x1280xf32, #tpu.memory_space<vmem>>, vector<1x1280xf32>
    %add3A_52 = vector.broadcast %get3A_51 : vector<1x1280xf32> to vector<256x1280xf32>
    %add3A_53 = arith.addf %dot_general3A_48, %add3A_52 : vector<256x1280xf32>
    %swap3A = arith.constant 0 : index
    %swap3A_54 = arith.constant 0 : index
    %swap3A_55 = vector.load %arg12[%swap3A, %swap3A_54] : memref<256x1280xf32, #tpu.memory_space<vmem>>, vector<256x1280xf32>
    tpu.vector_store %arg12[%swap3A, %swap3A_54], %add3A_53 {strides = array<i32>} : memref<256x1280xf32, #tpu.memory_space<vmem>>, vector<256x1280xf32>,
    return
  }
  func.func @transform_0(%arg0: i32) -> (i32, i32) {
    %c0_i32 = arith.constant 0 : i32
    %c0_i32_0 = arith.constant 0 : i32
    return %arg0, %c0_i32 : i32, i32
  }
  func.func @transform_1(%arg0: i32) -> (i32, i32) {
    %c0_i32 = arith.constant 0 : i32
    %c0_i32_0 = arith.constant 0 : i32
    return %arg0, %c0_i32 : i32, i32
  }
  func.func @transform_2(%arg0: i32) -> (i32, i32) {
    %c0_i32 = arith.constant 0 : i32
    %c0_i32_0 = arith.constant 0 : i32
    return %arg0, %c0_i32 : i32, i32
  }
  func.func @transform_3(%arg0: i32) -> (i32, i32) {
    %c0_i32 = arith.constant 0 : i32
    %c0_i32_0 = arith.constant 0 : i32
    %c0_i32_1 = arith.constant 0 : i32
    return %c0_i32, %c0_i32_0 : i32, i32
  }
  func.func @transform_4(%arg0: i32) -> (i32, i32) {
    %c0_i32 = arith.constant 0 : i32
    %c0_i32_0 = arith.constant 0 : i32
    %c0_i32_1 = arith.constant 0 : i32
    return %c0_i32, %c0_i32_0 : i32, i32
  }
  func.func @transform_5(%arg0: i32) -> (i32, i32) {
    %c0_i32 = arith.constant 0 : i32
    %c0_i32_0 = arith.constant 0 : i32
    %c0_i32_1 = arith.constant 0 : i32
    return %c0_i32, %c0_i32_0 : i32, i32
  }
  func.func @transform_6(%arg0: i32) -> (i32, i32) {
    %c0_i32 = arith.constant 0 : i32
    %c0_i32_0 = arith.constant 0 : i32
    %c0_i32_1 = arith.constant 0 : i32
    return %c0_i32, %c0_i32_0 : i32, i32
  }
  func.func @transform_7(%arg0: i32) -> (i32, i32) {
    %c0_i32 = arith.constant 0 : i32
    %c0_i32_0 = arith.constant 0 : i32
    %c0_i32_1 = arith.constant 0 : i32
    return %c0_i32, %c0_i32_0 : i32, i32
  }
  func.func @transform_8(%arg0: i32) -> (i32, i32) {
    %c0_i32 = arith.constant 0 : i32
    %c0_i32_0 = arith.constant 0 : i32
    %c0_i32_1 = arith.constant 0 : i32
    return %c0_i32, %c0_i32_0 : i32, i32
  }
  func.func @transform_9(%arg0: i32) -> (i32, i32) {
    %c0_i32 = arith.constant 0 : i32
    %c0_i32_0 = arith.constant 0 : i32
    %c0_i32_1 = arith.constant 0 : i32
    return %c0_i32, %c0_i32_0 : i32, i32
  }
  func.func @transform_10(%arg0: i32) -> (i32, i32) {
    %c0_i32 = arith.constant 0 : i32
    %c0_i32_0 = arith.constant 0 : i32
    %c0_i32_1 = arith.constant 0 : i32
    return %c0_i32, %c0_i32_0 : i32, i32
  }
  func.func @transform_11(%arg0: i32) -> (i32, i32) {
    %c0_i32 = arith.constant 0 : i32
    %c0_i32_0 = arith.constant 0 : i32
    return %arg0, %c0_i32 : i32, i32
  }
}

</mosaic_0001>

<sc_bundles>
// kernel: kernel.4.cloned.1.call-start
scs
__scs_entry_jumppad:
0x0: {  	(pc) =	sbr.rel $0x88, $3  }
0x1: {  	(tag) =	ssettag $0x0;
	lr =	simm.s32 $0x1  }
0x2: {  	[smem:$0x3F71] =	sst lr;
	_ =	strace $0xD0000000  }
0x3: {  	_ = 	snop  }
0x4: {  	_ = 	snop  }
0x5: {  	_ = 	snop  }
0x6: {  	_ = 	snop  }
0x7: {  	_ = 	snop  }
__scs_overlays_trampoline_lowered:
0x8: {  	[smem:$0x3F80] =	sst s0  }
0x9: {  	[smem:$0x3F81] =	sst s1  }
0xa: {  	[smem:$0x3F82] =	sst s2  }
0xb: {  	[smem:$0x3F83] =	sst s3  }
0xc: {  	[smem:$0x3F84] =	sst s4  }
0xd: {  	[smem:$0x3F85] =	sst s5  }
0xe: {  	[smem:$0x3F86] =	sst s6  }
0xf: {  	[smem:$0x3F87] =	sst s7  }
0x10: {  	[smem:$0x3F88] =	sst s8  }
0x11: {  	[smem:$0x3F89] =	sst s9;
	s0 =	simm.s32 @!p0 $0x0  }
0x12: {  	s1 =	sld [smem:$0x3F6F];
	s0 =	simm.s32 @p0 $0x1  }
0x13: {  	[smem:$0x3F8A] =	sst s0;
	s0 =	simm.s32 @!p1 $0x0  }
0x14: {  	s2 =	sld [smem:$0x3F6E];
	s0 =	simm.s32 @p1 $0x1  }
0x15: {  	[smem:$0x3F8B] =	sst s0;
	s0 =	simm.s32 @!p2 $0x0  }
0x16: {  	s3 =	sld [smem:$0x3FDB];
	s0 =	simm.s32 @p2 $0x1  }
0x17: {  	s4 =	simm.s32 $0x1BF5;
	[smem:$0x3F8D] =	sst s0  }
0x18: {  	s0 =	sld [smem:$0x3F70];
	_ =	swait.ge [sflag:s4], $0x0  }
0x19: {  	s7 =	sld [smem:$0x3F71]  }
0x1a: {  	s8 =	sadd.s32 $0xFFFFE003, lr  }
0x1b: {  	s9 =	sadd.s32 $0xFFFFFEF7, lr;
	s5 =	simm.s32 $0xFFFFFFFF;
	p2 =	slt.u32 s8, $0xFFFFF086  }
0x1c: {  	p1 =	slt.u32 s9, $0xF7A;
	s5 =	simm.s32 @!p2 $0x0  }
0x1d: {  	s5 =	simm.s32 @p1 $0x1;
	p0 =	seq.s32 s7, s2  }
0x1e: {  	s7 =	smul.u32 @!p0 $0xF7A, s2;
	p2 =	seq.s32 @!p0 s5, $0x0  }
0x1f: {  	s9 =	smul.u32 $0xF7A, s1;
	s8 =	simm.s32 @!p0 $0x1BF5;
	p2 =	por !p2, p0  }
0x20: {  	[sflag:s8] =	ssyncset.s32 @!p0 $0xFFFFF086;
	s6 =	sadd.s32 @!p0 s3, s7;
	s7 =	simm.s32 @!p0 $0x108  }
0x21: {  	s3 =	sadd.s32 s3, s9;
	s6 =	sadd.s32 @!p0 $0x88, s6;
	s7 =	simm.s32 @p2 $0x1082  }
0x22: {  	[simem:s7], [sflag:s8] =	dma.local @!p0 [hbm:s6], $0xF7A  }
0x23: {  	s9 =	sor.u32 $0xD0000000, s2;
	s6 =	simm.s32 $0x108;
	_ =	swait.ge @!p0 [sflag:s8], $0x0  }
0x24: {  	s3 =	sadd.s32 $0x88, s3;
	s6 =	simm.s32 @!p1 $0x1082;
	[sflag:s4] =	ssyncset.s32 $0xFFFFF086  }
0x25: {  	[simem:s6], [sflag:s4] =	dma.local [hbm:s3], $0xF7A  }
0x26: {  	[smem:$0x3F71] =	sst s1;
	(tag) =	ssettag s2;
	_ =	strace s9  }
0x27: {  	s1 =	sld [smem:$0x3F81]  }
0x28: {  	s2 =	sld [smem:$0x3F82]  }
0x29: {  	s4 =	sld [smem:$0x3F84]  }
0x2a: {  	p0 =	seq.s32 s5, $0x0;
	s5 =	sld [smem:$0x3F85]  }
0x2b: {  	s6 =	sld [smem:$0x3F86]  }
0x2c: {  	s7 =	sld [smem:$0x3F87]  }
0x2d: {  	s3 =	simm.s32 $0x108;
	s8 =	sld [smem:$0x3F88]  }
0x2e: {  	s3 =	simm.s32 @!p0 $0x1082;
	s9 =	sld [smem:$0x3F89]  }
0x2f: {  	lr =	sadd.s32 s0, s3;
	s0 =	sld [smem:$0x3F80]  }
0x30: {  	s3 =	sld [smem:$0x3F83]  }
0x31: {  	[smem:$0x3F8C] =	sst s10  }
0x32: {  	s10 =	sld [smem:$0x3F8A];
	_ =	sdelay $0x3  }
0x33: {  	p0 =	seq.s32 s10, $0x1;
	s10 =	sld [smem:$0x3F8C];
	_ =	sdelay $0x3  }
0x34: {  	[smem:$0x3F8C] =	sst s10  }
0x35: {  	s10 =	sld [smem:$0x3F8B];
	_ =	sdelay $0x3  }
0x36: {  	p1 =	seq.s32 s10, $0x1;
	s10 =	sld [smem:$0x3F8C];
	_ =	sdelay $0x3  }
0x37: {  	[smem:$0x3F8C] =	sst s10  }
0x38: {  	s10 =	sld [smem:$0x3F8D]  }
0x39: {  	_ = 	snop;
	(pc) =	sbr.ind lr, $3  }
0x3a: {  	_ = 	snop  }
0x3b: {  	_ = 	snop  }
0x3c: {  	p2 =	seq.s32 s10, $0x1;
	s10 =	sld [smem:$0x3F8C]  }
0x3d: {  	_ =	shalt  }
0x3e: {  	_ =	shalt  }
0x3f: {  	_ =	shalt  }
0x40: {  	_ =	shalt  }
0x41: {  	_ =	shalt  }
0x42: {  	_ =	shalt  }
0x43: {  	_ =	shalt  }
0x44: {  	_ =	shalt  }
0x45: {  	_ =	shalt  }
0x46: {  	_ =	shalt  }
0x47: {  	_ =	shalt  }
0x48: {  	_ =	shalt  }
0x49: {  	_ =	shalt  }
0x4a: {  	_ =	shalt  }
0x4b: {  	_ =	shalt  }
0x4c: {  	_ =	shalt  }
0x4d: {  	_ =	shalt  }
0x4e: {  	_ =	shalt  }
0x4f: {  	_ =	shalt  }
0x50: {  	_ =	shalt  }
0x51: {  	_ =	shalt  }
0x52: {  	_ =	shalt  }
0x53: {  	_ =	shalt  }
0x54: {  	_ =	shalt  }
0x55: {  	_ =	shalt  }
0x56: {  	_ =	shalt  }
0x57: {  	_ =	shalt  }
0x58: {  	_ =	shalt  }
0x59: {  	_ =	shalt  }
0x5a: {  	_ =	shalt  }
0x5b: {  	_ =	shalt  }
0x5c: {  	_ =	shalt  }
0x5d: {  	_ =	shalt  }
0x5e: {  	_ =	shalt  }
0x5f: {  	_ =	shalt  }
0x60: {  	_ =	shalt  }
0x61: {  	_ =	shalt  }
0x62: {  	_ =	shalt  }
0x63: {  	_ =	shalt  }
0x64: {  	_ =	shalt  }
0x65: {  	_ =	shalt  }
0x66: {  	_ =	shalt  }
0x67: {  	_ =	shalt  }
0x68: {  	_ =	shalt  }
0x69: {  	_ =	shalt  }
0x6a: {  	_ =	shalt  }
0x6b: {  	_ =	shalt  }
0x6c: {  	_ =	shalt  }
0x6d: {  	_ =	shalt  }
0x6e: {  	_ =	shalt  }
0x6f: {  	_ =	shalt  }
0x70: {  	_ =	shalt  }
0x71: {  	_ =	shalt  }
0x72: {  	_ =	shalt  }
0x73: {  	_ =	shalt  }
0x74: {  	_ =	shalt  }
0x75: {  	_ =	shalt  }
0x76: {  	_ =	shalt  }
0x77: {  	_ =	shalt  }
0x78: {  	_ =	shalt  }
0x79: {  	_ =	shalt  }
0x7a: {  	_ =	shalt  }
0x7b: {  	_ =	shalt  }
0x7c: {  	_ =	shalt  }
0x7d: {  	_ =	shalt  }
0x7e: {  	_ =	shalt  }
0x7f: {  	_ =	shalt  }
0x80: {  	_ =	shalt  }
0x81: {  	_ =	shalt  }
0x82: {  	_ =	shalt  }
0x83: {  	_ =	shalt  }
0x84: {  	_ =	shalt  }
0x85: {  	_ =	shalt  }
0x86: {  	_ =	shalt  }
0x87: {  	_ =	shalt  }
.Lfunc_end0:
.L_simem_size_0:
called_computation.2_lowered:
.L_overlay_start_0:
0x88: {  	s2 =	sld [smem:$0x3FD9]  }
0x89: {  	s3 =	sld [smem:$0x3FFE];
	_ =	sdelay $0x1  }
0x8a: {  	s1 =	srdreg.scid  }
0x8b: {  	s0 =	sand.u32 $0x1, s1  }
0x8c: {  	s14 =	sshll.u32 s0, $0xA;
	s2 =	sadd.s32 s3, s2  }
0x8d: {  	s2 =	sadd.s32 s2, s14  }
0x8e: {  	[smem:$0x3F98] =	sst s2  }
0x8f: {  	_ = 	snop  }
0x90: {  	s2 =	sld [smem:$0x3FD0];
	_ =	sdelay $0x3  }
0x91: {  	s15 =	simm.s32 $0xA;
	s4 =	simm.s32 $0x10;
	s2 =	sadd.s32 $0x1, s2  }
0x92: {  	[smem:s4], [sflag:s15] =	dma.local [hbm:s2], $0x1  }
0x93: {  	_ =	swait.eq [sflag:s15], $0x1  }
0x94: {  	[sflag:s15] =	ssyncset.done $0x0  }
0x95: {  	[sflag:s15] =	ssyncadd.s32 $0xFFFFFFFF  }
0x96: {  	s16 =	sld [smem:$0x15];
	(tm) =	ssettm $0x1  }
0x97: {  	s17 =	sld [smem:$0x3FFB];
	_ =	sdelay $0x3  }
0x98: {  	_ =	strace s17  }
0x99: {  	s3 =	sld [smem:$0x3FFC];
	_ =	sdelay $0x3  }
0x9a: {  	_ =	strace s3  }
0x9b: {  	s3 =	sld [smem:$0x3FFD];
	_ =	sdelay $0x3  }
0x9c: {  	_ =	strace s3  }
0x9d: {  	_ =	strace $0x8FFFFFFF  }
0x9e: {  	s18 =	sld [smem:$0x3FDB];
	_ =	sdelay $0x1  }
0x9f: {  	s19 =	simm.s32 $_scs_section_size  }
0xa0: {  	s5 =	simm.s32 $_size__tile_overlayer_lowered;
	s6 =	simm.s32 $_tile_overlayer_lowered  }
0xa1: {  	s22 =	simm.s32 $0x1BFF;
	s21 =	sshll.u32 s6, $0x1;
	s3 =	sadd.s32 s19, s18  }
0xa2: {  	s7 =	simm.s32 $0x0;
	s20 =	sshll.u32 s5, $0x1;
	s5 =	sadd.s32 s21, s3  }
0xa3: {  	[timem:s7], [sflag:s22] =	dma.local [hbm:s5], s20  }
0xa4: {  	_ =	swait.ge [sflag:s22], s20  }
0xa5: {  	s4 =	ssub.s32 $0x0, s20;
	[sflag:s22] =	ssyncset.done $0x0  }
0xa6: {  	[sflag:s22] =	ssyncadd.s32 s4;
	_ =	sdelay $0x1  }
0xa7: {  	s23 =	simm.s32 $0x1B8B  }
0xa8: {  	_ =	swait.ge [sflag:s23], $0x1  }
0xa9: {  	[sflag:s23] =	ssyncset.done $0x0  }
0xaa: {  	s25 =	simm.s32 $0x1B8E;
	s24 =	sld [smem:$0x3FFE];
	[sflag:s23] =	ssyncadd.s32 $0xFFFFFFFF  }
0xab: {  	s26 =	simm.s32 $execute0_lowered;
	[smem:$0x3FD2] =	sst s25  }
0xac: {  	s5 =	sshll.u32 s26, $0x1;
	_ =	strace $0x80000046;
	[dreg:$0x1] =	wrdreg $0xFFFFFFFF  }
0xad: {  	s28 =	simm.s32 $_size_execute0_lowered;
	s3 =	sadd.s32 s3, s5;
	[dreg:$0x0] =	wrdreg $0x0  }
0xae: {  	s5 =	sshll.u32 s28, $0x1;
	[dreg:$0x2] =	wrdreg s3  }
0xaf: {  	[dreg:$0x3] =	wrdreg s5  }
0xb0: {  	[dreg:$0x4] =	wrdreg $0xC0  }
0xb1: {  	_ =	task [dreg:s7], $0x5FFFF  }
0xb2: {  	[dreg:$0x1] =	wrdreg $0xFFFFFFFF  }
0xb3: {  	[dreg:$0x0] =	wrdreg $0x60  }
0xb4: {  	[dreg:$0x2] =	wrdreg s16  }
0xb5: {  	[dreg:$0x3] =	wrdreg s24  }
0xb6: {  	[dreg:$0x4] =	wrdreg $0x9  }
0xb7: {  	_ =	task.clear_ibuf [dreg:s7], $0x5FFFF;
	_ =	strace $0x90000046  }
0xb8: {  	s29 =	simm.s32 $0x9;
	_ =	strace $0x80000048  }
0xb9: {  	_ =	swait.ge [sflag:s29], $0x1  }
0xba: {  	[sflag:s29] =	ssyncadd.s32 $0xFFFFFFFF  }
0xbb: {  	_ =	strace $0x90000048  }
0xbc: {  	_ =	sfence  }
0xbd: {  	s30 =	sld [smem:$0x0];
	_ =	sdelay $0x2  }
0xbe: {  	s31 =	sshll.u32 s1, $0xD;
	s1 =	sshrl.u32 s1, $0x2  }
0xbf: {  	s3 =	sand.u32 $0x4000, s31;
	s1 =	sadd.s32 s1, s30  }
0xc0: {  	s0 =	sor.u32 s3, s0;
	s1 =	sshll.u32 s1, $0x11  }
0xc1: {  	s0 =	sor.u32 s1, s0  }
0xc2: {  	s0 =	sadd.s32 $0x8F2B, s0  }
0xc3: {  	[sflag:s0] =	ssyncadd.remote.s32 $0x1  }
0xc4: {  	_ =	sfence.sel $0xFFFF  }
0xc5: {  	[dreg:$0x0] =	wrdreg $0xFFFFFFFF;
	(pc) =	sbr.abs _section_cstart, $3  }
0xc6: {  	[dreg:$0x1] =	wrdreg $0xFFFFFFFF  }
0xc7: {  	_ =	task.clear_ibuf [dreg:s7], $0x2FFFF;
	_ =	strace $0x9FFFFFFF  }
0xc8: {  	(tm) =	ssettm $0x7FFFFFFF  }
0xc9: {  	_ =	shalt  }
tec
execute0_lowered:
.L_overlay_start_1:
0x0: {  	(tag) =	ssettag $0x1  }
0x1: {  	s0 =	rddreg [dreg:$0x1];
	v1 =	vlaneseq.u32;
	s2 =	simm.s32 $0x0;
	s1 =	srdreg.scid  }
0x2: {  	s4 =	stileid.u32;
	s8 =	simm.s32 $0x1;
	v0 =	vmul.u32 $0x960, v1;
	[smem:$0x7FF] =	sst s2  }
0x3: {  	s1 =	sand.u32 $0x1, s1;
	v1 =	vmul.u32 $0x1FE, v1;
	s3 =	sadd.s32 $0x204C00, s0;
	s0 =	sadd.s32 $0x4C00, s0  }
0x4: {  	s31 =	sshll.u32 s4, $0x3;
	_ =	strace $0x80000047;
	s29 =	ssub.s32 $0x2, s1;
	v2 =	vor.u32 $0x1, v0;
	v3 =	vor.u32 $0x2, v0;
	v4 =	vor.u32 $0x3, v0  }
0x5: {  	[dreg:$0x3] =	wrdreg s3;
	s1 =	sshll.u32 s1, $0x7;
	s30 =	sshrl.u32 s29, $0x1;
	v5 =	vor.u32 $0x4, v0;
	v6 =	vor.u32 $0x5, v0;
	v7 =	vor.u32 $0x6, v0  }
0x6: {  	[dreg:$0x4] =	wrdreg s0;
	v8 =	vor.u32 $0x7, v0;
	v9 =	vor.u32 $0x8, v0;
	v10 =	vor.u32 $0x9, v0;
	s1 =	sor.u32 s31, s1;
	s0 =	ssub.s32 s29, s30  }
0x7: {  	s9 =	simm.s32 $0x1F80;
	v11 =	vor.u32 $0xA, v0;
	v12 =	vor.u32 $0xB, v0;
	v13 =	vor.u32 $0xC, v0;
	[dreg:$0x5] =	wrdreg s1;
	s0 =	smax.u32 s0, $0x1  }
0x8: {  	s10 =	simm.s32 $0x3F80;
	v14 =	vor.u32 $0xD, v0;
	v15 =	vor.u32 $0xE, v0;
	v16 =	vor.u32 $0xF, v0;
	s1 =	simm.s32 $0x0;
	[dreg:$0x6] =	wrdreg s0  }
.LBB2_1:
0x9: {  	[dreg:$0x7] =	wrdreg s1  }
0xa: {  	s0 =	rddreg [dreg:$0x0]  }
0xb: {  	[tilespmem:s2], [sflag:$0x1] =	stream.linear.gather [hbm4b:s0+s2], $0x1F80, $0x38;
	[tilespmem:$0xD580] =	vst v63  }
0xc: {  	_ =	swait.ge [sflag:s8], $0x1F80  }
0xd: {  	[sflag:s8] =	ssyncset.done $0x0  }
0xe: {  	s12 =	simm.s32 $0x0;
	[sflag:s8] =	ssyncadd.s32 $0xFFFFE080  }
.LBB2_2:
0xf: {  	s0 =	rddreg [dreg:$0x5]  }
0x10: {  	s13 =	sadd.s32 s0, s12  }
0x11: {  	s0 =	smul.u32 $0x3FC, s13  }
0x12: {  	s1 =	simm.s32 $0x0;
	s3 =	rddreg [dreg:$0x3]  }
0x13: {  	v17 =	vadd.s32 s1, v1;
	s0 =	sadd.s32 s3, s0  }
0x14: {  	[tilespmem:s9], [sflag:$0x1] =	stream.linear.gather [hbm4b:s0+s2], $0x1FE0, $0x38;
	[tilespmem:$0xD580] =	vst v63  }
0x15: {  	_ =	swait.ge [sflag:s8], $0x1FE0  }
0x16: {  	[sflag:s8] =	ssyncset.done $0x0  }
0x17: {  	[sflag:s8] =	ssyncadd.s32 $0xFFFFE020  }
0x18: {  	v17 =	vld.idx.msk [tilespmem:v17+s9+$0x0], $0xffff;
	_ =	sdelay $0x4  }
0x19: {  	v17 =	vshll.u32 v17, $0x4;
	_ =	sdelay $0x3  }
0x1a: {  	s26 =	simm.s32 $0x0  }
0x1b: {  	v19 =	vadd.s32 s26, v0;
	v18 =	vld.idx.msk [tilespmem:v17+s2+$0x0], $0xffff  }
0x1c: {  	v20 =	vor.u32 $0x1, v17;
	_ =	sdelay $0x3  }
0x1d: {  	[tilespmem:v19+s10+$0x0] =	vst.idx.msk $0xffff, v18  }
0x1e: {  	v19 =	vadd.s32 s26, v2;
	v18 =	vld.idx.msk [tilespmem:v20+s2+$0x0], $0xffff  }
0x1f: {  	v20 =	vor.u32 $0x2, v17;
	_ =	sdelay $0x3  }
0x20: {  	[tilespmem:v19+s10+$0x0] =	vst.idx.msk $0xffff, v18  }
0x21: {  	v19 =	vadd.s32 s26, v3;
	v18 =	vld.idx.msk [tilespmem:v20+s2+$0x0], $0xffff  }
0x22: {  	v20 =	vor.u32 $0x3, v17;
	_ =	sdelay $0x3  }
0x23: {  	[tilespmem:v19+s10+$0x0] =	vst.idx.msk $0xffff, v18  }
0x24: {  	v19 =	vadd.s32 s26, v4;
	v18 =	vld.idx.msk [tilespmem:v20+s2+$0x0], $0xffff  }
0x25: {  	v20 =	vor.u32 $0x4, v17;
	_ =	sdelay $0x3  }
0x26: {  	[tilespmem:v19+s10+$0x0] =	vst.idx.msk $0xffff, v18  }
0x27: {  	v19 =	vadd.s32 s26, v5;
	v18 =	vld.idx.msk [tilespmem:v20+s2+$0x0], $0xffff  }
0x28: {  	v20 =	vor.u32 $0x5, v17;
	_ =	sdelay $0x3  }
0x29: {  	[tilespmem:v19+s10+$0x0] =	vst.idx.msk $0xffff, v18  }
0x2a: {  	v19 =	vadd.s32 s26, v6;
	v18 =	vld.idx.msk [tilespmem:v20+s2+$0x0], $0xffff  }
0x2b: {  	v20 =	vor.u32 $0x6, v17;
	_ =	sdelay $0x3  }
0x2c: {  	[tilespmem:v19+s10+$0x0] =	vst.idx.msk $0xffff, v18  }
0x2d: {  	v19 =	vadd.s32 s26, v7;
	v18 =	vld.idx.msk [tilespmem:v20+s2+$0x0], $0xffff  }
0x2e: {  	v20 =	vor.u32 $0x7, v17;
	_ =	sdelay $0x3  }
0x2f: {  	[tilespmem:v19+s10+$0x0] =	vst.idx.msk $0xffff, v18  }
0x30: {  	v19 =	vadd.s32 s26, v8;
	v18 =	vld.idx.msk [tilespmem:v20+s2+$0x0], $0xffff  }
0x31: {  	v20 =	vor.u32 $0x8, v17;
	_ =	sdelay $0x3  }
0x32: {  	[tilespmem:v19+s10+$0x0] =	vst.idx.msk $0xffff, v18  }
0x33: {  	v19 =	vadd.s32 s26, v9;
	v18 =	vld.idx.msk [tilespmem:v20+s2+$0x0], $0xffff  }
0x34: {  	v20 =	vor.u32 $0x9, v17;
	_ =	sdelay $0x3  }
0x35: {  	[tilespmem:v19+s10+$0x0] =	vst.idx.msk $0xffff, v18  }
0x36: {  	v19 =	vadd.s32 s26, v10;
	v18 =	vld.idx.msk [tilespmem:v20+s2+$0x0], $0xffff  }
0x37: {  	v20 =	vor.u32 $0xA, v17;
	_ =	sdelay $0x3  }
0x38: {  	[tilespmem:v19+s10+$0x0] =	vst.idx.msk $0xffff, v18  }
0x39: {  	v19 =	vadd.s32 s26, v11;
	v18 =	vld.idx.msk [tilespmem:v20+s2+$0x0], $0xffff  }
0x3a: {  	v20 =	vor.u32 $0xB, v17;
	_ =	sdelay $0x3  }
0x3b: {  	s3 =	simm.s32 $0x11;
	[tilespmem:v19+s10+$0x0] =	vst.idx.msk $0xffff, v18  }
0x3c: {  	v18 =	vadd.s32 s3, v1;
	v19 =	vld.idx.msk [tilespmem:v20+s2+$0x0], $0xffff;
	v20 =	vadd.s32 s26, v12  }
0x3d: {  	v21 =	vor.u32 $0xC, v17;
	_ =	sdelay $0x3  }
0x3e: {  	v18 =	vld.idx.msk [tilespmem:v18+s9+$0x0], $0xffff;
	[tilespmem:v20+s10+$0x0] =	vst.idx.msk $0xffff, v19  }
0x3f: {  	v20 =	vadd.s32 s26, v13;
	v19 =	vld.idx.msk [tilespmem:v21+s2+$0x0], $0xffff  }
0x40: {  	v21 =	vor.u32 $0xD, v17;
	_ =	sdelay $0x3  }
0x41: {  	v22 =	vshll.u32 v18, $0x4;
	[tilespmem:v20+s10+$0x0] =	vst.idx.msk $0xffff, v19  }
0x42: {  	v19 =	vadd.s32 s26, v14;
	v18 =	vld.idx.msk [tilespmem:v21+s2+$0x0], $0xffff  }
0x43: {  	v20 =	vor.u32 $0xE, v17;
	_ =	sdelay $0x1  }
0x44: {  	s4 =	simm.s32 $0x50  }
0x45: {  	v23 =	vadd.s32 s4, v0;
	v21 =	vld.idx.msk [tilespmem:v22+s2+$0x0], $0xffff  }
0x46: {  	v24 =	vor.u32 $0x1, v22;
	[tilespmem:v19+s10+$0x0] =	vst.idx.msk $0xffff, v18  }
0x47: {  	v19 =	vadd.s32 s26, v15;
	v18 =	vld.idx.msk [tilespmem:v20+s2+$0x0], $0xffff  }
0x48: {  	v17 =	vor.u32 $0xF, v17;
	_ =	sdelay $0x1  }
0x49: {  	[tilespmem:v23+s10+$0x0] =	vst.idx.msk $0xffff, v21  }
0x4a: {  	v21 =	vadd.s32 s4, v2;
	v20 =	vld.idx.msk [tilespmem:v24+s2+$0x0], $0xffff  }
0x4b: {  	v23 =	vor.u32 $0x2, v22;
	[tilespmem:v19+s10+$0x0] =	vst.idx.msk $0xffff, v18  }
0x4c: {  	s5 =	simm.s32 $0x1;
	v18 =	vadd.s32 s26, v16;
	v17 =	vld.idx.msk [tilespmem:v17+s2+$0x0], $0xffff  }
0x4d: {  	v19 =	vadd.s32 s5, v1;
	_ =	sdelay $0x1  }
0x4e: {  	[tilespmem:v21+s10+$0x0] =	vst.idx.msk $0xffff, v20  }
0x4f: {  	v21 =	vadd.s32 s4, v3;
	v20 =	vld.idx.msk [tilespmem:v23+s2+$0x0], $0xffff  }
0x50: {  	v23 =	vor.u32 $0x3, v22;
	[tilespmem:v18+s10+$0x0] =	vst.idx.msk $0xffff, v17  }
0x51: {  	v17 =	vld.idx.msk [tilespmem:v19+s9+$0x0], $0xffff;
	_ =	sdelay $0x2  }
0x52: {  	[tilespmem:v21+s10+$0x0] =	vst.idx.msk $0xffff, v20  }
0x53: {  	v19 =	vadd.s32 s4, v4;
	v18 =	vld.idx.msk [tilespmem:v23+s2+$0x0], $0xffff  }
0x54: {  	v20 =	vor.u32 $0x4, v22;
	v17 =	vshll.u32 v17, $0x1  }
0x55: {  	v21 =	vadd.s32 $0x1900, v17;
	_ =	sdelay $0x2  }
0x56: {  	[tilespmem:v19+s10+$0x0] =	vst.idx.msk $0xffff, v18  }
0x57: {  	s6 =	simm.s32 $0x10;
	v19 =	vadd.s32 s4, v5;
	v18 =	vld.idx.msk [tilespmem:v20+s2+$0x0], $0xffff  }
0x58: {  	v23 =	vadd.s32 s6, v0;
	v20 =	vor.u32 $0x5, v22;
	v21 =	vld.idx.msk [tilespmem:v21+s2+$0x0], $0xffff  }
0x59: {  	v17 =	vadd.s32 $0x1901, v17;
	_ =	sdelay $0x2  }
0x5a: {  	[tilespmem:v19+s10+$0x0] =	vst.idx.msk $0xffff, v18  }
0x5b: {  	v19 =	vadd.s32 s4, v6;
	v18 =	vld.idx.msk [tilespmem:v20+s2+$0x0], $0xffff;
	[tilespmem:v23+s10+$0x0] =	vst.idx.msk $0xffff, v21  }
0x5c: {  	s7 =	simm.s32 $0x2;
	v20 =	vor.u32 $0x6, v22;
	v21 =	vadd.s32 s6, v2;
	v17 =	vld.idx.msk [tilespmem:v17+s2+$0x0], $0xffff  }
0x5d: {  	v23 =	vadd.s32 s7, v1;
	_ =	sdelay $0x2  }
0x5e: {  	[tilespmem:v19+s10+$0x0] =	vst.idx.msk $0xffff, v18  }
0x5f: {  	v19 =	vadd.s32 s4, v7;
	v18 =	vld.idx.msk [tilespmem:v20+s2+$0x0], $0xffff;
	[tilespmem:v21+s10+$0x0] =	vst.idx.msk $0xffff, v17  }
0x60: {  	v17 =	vor.u32 $0x7, v22;
	v20 =	vld.idx.msk [tilespmem:v23+s9+$0x0], $0xffff;
	_ =	sdelay $0x3  }
0x61: {  	[tilespmem:v19+s10+$0x0] =	vst.idx.msk $0xffff, v18  }
0x62: {  	v18 =	vadd.s32 s4, v8;
	v17 =	vld.idx.msk [tilespmem:v17+s2+$0x0], $0xffff;
	v19 =	vmul.u32 $0x6, v20  }
0x63: {  	v20 =	vor.u32 $0x8, v22  }
0x64: {  	v21 =	vadd.s32 $0x1910, v19;
	_ =	sdelay $0x2  }
0x65: {  	[tilespmem:v18+s10+$0x0] =	vst.idx.msk $0xffff, v17  }
0x66: {  	s11 =	simm.s32 $0x12;
	v18 =	vadd.s32 s4, v9;
	v17 =	vld.idx.msk [tilespmem:v20+s2+$0x0], $0xffff  }
0x67: {  	v23 =	vadd.s32 s11, v0;
	v20 =	vor.u32 $0x9, v22;
	v21 =	vld.idx.msk [tilespmem:v21+s2+$0x0], $0xffff  }
0x68: {  	v24 =	vadd.s32 $0x1911, v19;
	_ =	sdelay $0x2  }
0x69: {  	[tilespmem:v18+s10+$0x0] =	vst.idx.msk $0xffff, v17  }
0x6a: {  	v18 =	vadd.s32 s4, v10;
	v17 =	vld.idx.msk [tilespmem:v20+s2+$0x0], $0xffff;
	[tilespmem:v23+s10+$0x0] =	vst.idx.msk $0xffff, v21  }
0x6b: {  	v20 =	vor.u32 $0xA, v22;
	v23 =	vadd.s32 s11, v2;
	v21 =	vld.idx.msk [tilespmem:v24+s2+$0x0], $0xffff  }
0x6c: {  	v24 =	vadd.s32 $0x1912, v19;
	_ =	sdelay $0x2  }
0x6d: {  	[tilespmem:v18+s10+$0x0] =	vst.idx.msk $0xffff, v17  }
0x6e: {  	v18 =	vadd.s32 s4, v11;
	v17 =	vld.idx.msk [tilespmem:v20+s2+$0x0], $0xffff;
	[tilespmem:v23+s10+$0x0] =	vst.idx.msk $0xffff, v21  }
0x6f: {  	v20 =	vor.u32 $0xB, v22;
	v23 =	vadd.s32 s11, v3;
	v21 =	vld.idx.msk [tilespmem:v24+s2+$0x0], $0xffff  }
0x70: {  	v24 =	vadd.s32 $0x1913, v19;
	_ =	sdelay $0x1  }
0x71: {  	s14 =	simm.s32 $0x22  }
0x72: {  	v25 =	vadd.s32 s14, v1;
	[tilespmem:v18+s10+$0x0] =	vst.idx.msk $0xffff, v17  }
0x73: {  	v18 =	vadd.s32 s4, v12;
	v17 =	vld.idx.msk [tilespmem:v20+s2+$0x0], $0xffff;
	[tilespmem:v23+s10+$0x0] =	vst.idx.msk $0xffff, v21  }
0x74: {  	v20 =	vor.u32 $0xC, v22;
	v23 =	vadd.s32 s11, v4;
	v21 =	vld.idx.msk [tilespmem:v24+s2+$0x0], $0xffff  }
0x75: {  	v24 =	vadd.s32 $0x1914, v19;
	_ =	sdelay $0x1  }
0x76: {  	v25 =	vld.idx.msk [tilespmem:v25+s9+$0x0], $0xffff  }
0x77: {  	[tilespmem:v18+s10+$0x0] =	vst.idx.msk $0xffff, v17  }
0x78: {  	v17 =	vld.idx.msk [tilespmem:v20+s2+$0x0], $0xffff;
	v20 =	vadd.s32 s4, v13;
	[tilespmem:v23+s10+$0x0] =	vst.idx.msk $0xffff, v21  }
0x79: {  	v21 =	vor.u32 $0xD, v22;
	v23 =	vld.idx.msk [tilespmem:v24+s2+$0x0], $0xffff;
	v24 =	vadd.s32 s11, v5  }
0x7a: {  	v19 =	vadd.s32 $0x1915, v19  }
0x7b: {  	v18 =	vshll.u32 v25, $0x4;
	_ =	sdelay $0x1  }
0x7c: {  	[tilespmem:v20+s10+$0x0] =	vst.idx.msk $0xffff, v17  }
0x7d: {  	v20 =	vadd.s32 s4, v14;
	v17 =	vld.idx.msk [tilespmem:v21+s2+$0x0], $0xffff;
	[tilespmem:v24+s10+$0x0] =	vst.idx.msk $0xffff, v23  }
0x7e: {  	s15 =	simm.s32 $0xA0;
	s16 =	simm.s32 $0x3;
	v21 =	vor.u32 $0xE, v22;
	v23 =	vadd.s32 s11, v6;
	v19 =	vld.idx.msk [tilespmem:v19+s2+$0x0], $0xffff  }
0x7f: {  	v26 =	vadd.s32 s16, v1;
	v25 =	vadd.s32 s15, v0;
	v24 =	vld.idx.msk [tilespmem:v18+s2+$0x0], $0xffff  }
0x80: {  	v27 =	vor.u32 $0x1, v18;
	_ =	sdelay $0x1  }
0x81: {  	[tilespmem:v20+s10+$0x0] =	vst.idx.msk $0xffff, v17  }
0x82: {  	v17 =	vld.idx.msk [tilespmem:v21+s2+$0x0], $0xffff;
	[tilespmem:v23+s10+$0x0] =	vst.idx.msk $0xffff, v19  }
0x83: {  	[tilespmem:v25+s10+$0x0] =	vst.idx.msk $0xffff, v24;
	v19 =	vadd.s32 s4, v15;
	v20 =	vld.idx.msk [tilespmem:v26+s9+$0x0], $0xffff  }
0x84: {  	v22 =	vor.u32 $0xF, v22;
	v21 =	vld.idx.msk [tilespmem:v27+s2+$0x0], $0xffff;
	v23 =	vadd.s32 s15, v2  }
0x85: {  	v24 =	vor.u32 $0x2, v18;
	_ =	sdelay $0x2  }
0x86: {  	[tilespmem:v19+s10+$0x0] =	vst.idx.msk $0xffff, v17;
	v17 =	vadd.s32 $0x19DC, v20  }
0x87: {  	s17 =	simm.s32 $0x12;
	[tilespmem:v23+s10+$0x0] =	vst.idx.msk $0xffff, v21;
	v19 =	vld.idx.msk [tilespmem:v22+s2+$0x0], $0xffff;
	v20 =	vadd.s32 s4, v16  }
0x88: {  	v23 =	vadd.s32 s17, v1;
	v21 =	vld.idx.msk [tilespmem:v24+s2+$0x0], $0xffff;
	v22 =	vadd.s32 s15, v3  }
0x89: {  	v24 =	vor.u32 $0x3, v18  }
0x8a: {  	s18 =	simm.s32 $0x18  }
0x8b: {  	s19 =	simm.s32 $0x4;
	v25 =	vadd.s32 s18, v0;
	v17 =	vld.idx.msk [tilespmem:v17+s2+$0x0], $0xffff  }
0x8c: {  	[tilespmem:v20+s10+$0x0] =	vst.idx.msk $0xffff, v19;
	v19 =	vadd.s32 s19, v1  }
0x8d: {  	[tilespmem:v22+s10+$0x0] =	vst.idx.msk $0xffff, v21;
	v20 =	vld.idx.msk [tilespmem:v23+s9+$0x0], $0xffff  }
0x8e: {  	v22 =	vadd.s32 s15, v4;
	v21 =	vld.idx.msk [tilespmem:v24+s2+$0x0], $0xffff  }
0x8f: {  	v23 =	vor.u32 $0x4, v18  }
0x90: {  	[tilespmem:v25+s10+$0x0] =	vst.idx.msk $0xffff, v17  }
0x91: {  	v17 =	vld.idx.msk [tilespmem:v19+s9+$0x0], $0xffff  }
0x92: {  	v19 =	vshll.u32 v20, $0x1  }
0x93: {  	[tilespmem:v22+s10+$0x0] =	vst.idx.msk $0xffff, v21;
	v20 =	vadd.s32 $0x1900, v19  }
0x94: {  	v22 =	vadd.s32 s15, v5;
	v21 =	vld.idx.msk [tilespmem:v23+s2+$0x0], $0xffff  }
0x95: {  	v23 =	vor.u32 $0x5, v18  }
0x96: {  	v17 =	vadd.s32 $0x19E0, v17  }
0x97: {  	s20 =	simm.s32 $0x60  }
0x98: {  	v24 =	vadd.s32 s20, v0;
	v20 =	vld.idx.msk [tilespmem:v20+s2+$0x0], $0xffff  }
0x99: {  	v19 =	vadd.s32 $0x1901, v19;
	[tilespmem:v22+s10+$0x0] =	vst.idx.msk $0xffff, v21  }
0x9a: {  	s21 =	simm.s32 $0x19;
	v22 =	vadd.s32 s15, v6;
	v21 =	vld.idx.msk [tilespmem:v23+s2+$0x0], $0xffff  }
0x9b: {  	s22 =	simm.s32 $0x5;
	v25 =	vadd.s32 s21, v0;
	v23 =	vor.u32 $0x6, v18;
	v17 =	vld.idx.msk [tilespmem:v17+s2+$0x0], $0xffff  }
0x9c: {  	v26 =	vadd.s32 s22, v1  }
0x9d: {  	[tilespmem:v24+s10+$0x0] =	vst.idx.msk $0xffff, v20  }
0x9e: {  	s23 =	simm.s32 $0x13;
	v20 =	vadd.s32 s20, v2;
	v19 =	vld.idx.msk [tilespmem:v19+s2+$0x0], $0xffff  }
0x9f: {  	[tilespmem:v22+s10+$0x0] =	vst.idx.msk $0xffff, v21;
	v21 =	vadd.s32 s23, v1  }
0xa0: {  	v22 =	vld.idx.msk [tilespmem:v23+s2+$0x0], $0xffff;
	[tilespmem:v25+s10+$0x0] =	vst.idx.msk $0xffff, v17  }
0xa1: {  	v17 =	vadd.s32 s15, v7;
	v23 =	vld.idx.msk [tilespmem:v26+s9+$0x0], $0xffff  }
0xa2: {  	v24 =	vor.u32 $0x7, v18  }
0xa3: {  	[tilespmem:v20+s10+$0x0] =	vst.idx.msk $0xffff, v19  }
0xa4: {  	v19 =	vld.idx.msk [tilespmem:v21+s9+$0x0], $0xffff  }
0xa5: {  	s24 =	simm.s32 $0x33  }
0xa6: {  	v20 =	vadd.s32 s24, v1;
	[tilespmem:v17+s10+$0x0] =	vst.idx.msk $0xffff, v22;
	v21 =	vshll.u32 v23, $0x2  }
0xa7: {  	v22 =	vadd.s32 s15, v8;
	v17 =	vld.idx.msk [tilespmem:v24+s2+$0x0], $0xffff;
	v23 =	vadd.s32 $0x19E4, v21  }
0xa8: {  	v24 =	vor.u32 $0x8, v18  }
0xa9: {  	v19 =	vmul.u32 $0x6, v19;
	_ =	sdelay $0x1  }
0xaa: {  	s4 =	simm.s32 $0x1A;
	v20 =	vld.idx.msk [tilespmem:v20+s9+$0x0], $0xffff;
	v25 =	vadd.s32 $0x1910, v19  }
0xab: {  	[tilespmem:v22+s10+$0x0] =	vst.idx.msk $0xffff, v17;
	v22 =	vld.idx.msk [tilespmem:v23+s2+$0x0], $0xffff;
	v23 =	vadd.s32 s4, v0  }
0xac: {  	v26 =	vadd.s32 s15, v9;
	v27 =	vadd.s32 $0x19E5, v21;
	v24 =	vld.idx.msk [tilespmem:v24+s2+$0x0], $0xffff  }
0xad: {  	v28 =	vor.u32 $0x9, v18  }
0xae: {  	s25 =	simm.s32 $0x62  }
0xaf: {  	v17 =	vshll.u32 v20, $0x4;
	v20 =	vld.idx.msk [tilespmem:v25+s2+$0x0], $0xffff;
	v25 =	vadd.s32 s25, v0  }
0xb0: {  	v29 =	vadd.s32 $0x1911, v19;
	[tilespmem:v23+s10+$0x0] =	vst.idx.msk $0xffff, v22  }
0xb1: {  	[tilespmem:v26+s10+$0x0] =	vst.idx.msk $0xffff, v24;
	v23 =	vadd.s32 s4, v2;
	v22 =	vld.idx.msk [tilespmem:v27+s2+$0x0], $0xffff  }
0xb2: {  	v26 =	vadd.s32 s15, v10;
	v24 =	vld.idx.msk [tilespmem:v28+s2+$0x0], $0xffff;
	v27 =	vadd.s32 $0x19E6, v21  }
0xb3: {  	s0 =	simm.s32 $0xF0;
	v28 =	vor.u32 $0xA, v18  }
0xb4: {  	v31 =	vadd.s32 s0, v0;
	v30 =	vld.idx.msk [tilespmem:v17+s2+$0x0], $0xffff;
	[tilespmem:v25+s10+$0x0] =	vst.idx.msk $0xffff, v20  }
0xb5: {  	v20 =	vor.u32 $0x1, v17;
	v25 =	vld.idx.msk [tilespmem:v29+s2+$0x0], $0xffff;
	v29 =	vadd.s32 s25, v2  }
0xb6: {  	[tilespmem:v23+s10+$0x0] =	vst.idx.msk $0xffff, v22;
	v22 =	vadd.s32 $0x1912, v19  }
0xb7: {  	[tilespmem:v26+s10+$0x0] =	vst.idx.msk $0xffff, v24;
	v24 =	vadd.s32 s4, v3;
	v23 =	vld.idx.msk [tilespmem:v27+s2+$0x0], $0xffff  }
0xb8: {  	v21 =	vadd.s32 $0x19E7, v21;
	v26 =	vld.idx.msk [tilespmem:v28+s2+$0x0], $0xffff;
	v27 =	vadd.s32 s15, v11  }
0xb9: {  	[tilespmem:v31+s10+$0x0] =	vst.idx.msk $0xffff, v30;
	v28 =	vor.u32 $0xB, v18  }
0xba: {  	v30 =	vadd.s32 s0, v2;
	v20 =	vld.idx.msk [tilespmem:v20+s2+$0x0], $0xffff;
	[tilespmem:v29+s10+$0x0] =	vst.idx.msk $0xffff, v25  }
0xbb: {  	v25 =	vor.u32 $0x2, v17;
	v29 =	vadd.s32 s25, v3;
	v22 =	vld.idx.msk [tilespmem:v22+s2+$0x0], $0xffff  }
0xbc: {  	[tilespmem:v24+s10+$0x0] =	vst.idx.msk $0xffff, v23;
	v23 =	vadd.s32 $0x1913, v19  }
0xbd: {  	s26 =	simm.s32 $0x6;
	[tilespmem:v27+s10+$0x0] =	vst.idx.msk $0xffff, v26;
	v24 =	vadd.s32 s4, v4;
	v21 =	vld.idx.msk [tilespmem:v21+s2+$0x0], $0xffff  }
0xbe: {  	v27 =	vadd.s32 s15, v12;
	v26 =	vld.idx.msk [tilespmem:v28+s2+$0x0], $0xffff;
	v28 =	vadd.s32 s26, v1  }
0xbf: {  	[tilespmem:v30+s10+$0x0] =	vst.idx.msk $0xffff, v20;
	v20 =	vor.u32 $0xC, v18  }
0xc0: {  	v30 =	vadd.s32 s0, v3;
	v25 =	vld.idx.msk [tilespmem:v25+s2+$0x0], $0xffff;
	[tilespmem:v29+s10+$0x0] =	vst.idx.msk $0xffff, v22  }
0xc1: {  	v22 =	vor.u32 $0x3, v17;
	v29 =	vadd.s32 s25, v4;
	v23 =	vld.idx.msk [tilespmem:v23+s2+$0x0], $0xffff  }
0xc2: {  	[tilespmem:v24+s10+$0x0] =	vst.idx.msk $0xffff, v21;
	v21 =	vadd.s32 $0x1914, v19  }
0xc3: {  	[tilespmem:v27+s10+$0x0] =	vst.idx.msk $0xffff, v26;
	v24 =	vld.idx.msk [tilespmem:v28+s9+$0x0], $0xffff  }
0xc4: {  	v26 =	vadd.s32 s15, v13;
	v20 =	vld.idx.msk [tilespmem:v20+s2+$0x0], $0xffff  }
0xc5: {  	v27 =	vor.u32 $0xD, v18;
	[tilespmem:v30+s10+$0x0] =	vst.idx.msk $0xffff, v25  }
0xc6: {  	v25 =	vadd.s32 s0, v4;
	v22 =	vld.idx.msk [tilespmem:v22+s2+$0x0], $0xffff;
	[tilespmem:v29+s10+$0x0] =	vst.idx.msk $0xffff, v23  }
0xc7: {  	v28 =	vadd.s32 s25, v5;
	v23 =	vor.u32 $0x4, v17;
	v21 =	vld.idx.msk [tilespmem:v21+s2+$0x0], $0xffff  }
0xc8: {  	v19 =	vadd.s32 $0x1915, v19;
	v24 =	vshll.u32 v24, $0x2  }
0xc9: {  	[tilespmem:v26+s10+$0x0] =	vst.idx.msk $0xffff, v20;
	v20 =	vadd.s32 $0x1BE4, v24  }
0xca: {  	v26 =	vld.idx.msk [tilespmem:v27+s2+$0x0], $0xffff;
	v27 =	vadd.s32 s15, v14  }
0xcb: {  	v29 =	vor.u32 $0xE, v18;
	[tilespmem:v25+s10+$0x0] =	vst.idx.msk $0xffff, v22  }
0xcc: {  	v22 =	vld.idx.msk [tilespmem:v23+s2+$0x0], $0xffff;
	v23 =	vadd.s32 s0, v5;
	[tilespmem:v28+s10+$0x0] =	vst.idx.msk $0xffff, v21  }
0xcd: {  	s5 =	simm.s32 $0x14;
	s6 =	simm.s32 $0x1E;
	v25 =	vadd.s32 s25, v6;
	v21 =	vor.u32 $0x5, v17;
	v19 =	vld.idx.msk [tilespmem:v19+s2+$0x0], $0xffff  }
0xce: {  	v30 =	vadd.s32 s6, v0;
	v28 =	vadd.s32 s5, v1;
	v20 =	vld.idx.msk [tilespmem:v20+s2+$0x0], $0xffff  }
0xcf: {  	[tilespmem:v27+s10+$0x0] =	vst.idx.msk $0xffff, v26;
	v26 =	vadd.s32 $0x1BE5, v24  }
0xd0: {  	v27 =	vld.idx.msk [tilespmem:v29+s2+$0x0], $0xffff;
	v29 =	vadd.s32 s15, v15  }
0xd1: {  	v18 =	vor.u32 $0xF, v18;
	[tilespmem:v23+s10+$0x0] =	vst.idx.msk $0xffff, v22  }
0xd2: {  	v21 =	vld.idx.msk [tilespmem:v21+s2+$0x0], $0xffff;
	[tilespmem:v25+s10+$0x0] =	vst.idx.msk $0xffff, v19  }
0xd3: {  	v19 =	vadd.s32 s0, v6;
	v22 =	vld.idx.msk [tilespmem:v28+s9+$0x0], $0xffff;
	[tilespmem:v30+s10+$0x0] =	vst.idx.msk $0xffff, v20  }
0xd4: {  	v25 =	vadd.s32 s6, v2;
	v20 =	vor.u32 $0x6, v17;
	v23 =	vld.idx.msk [tilespmem:v26+s2+$0x0], $0xffff  }
0xd5: {  	[tilespmem:v29+s10+$0x0] =	vst.idx.msk $0xffff, v27;
	v26 =	vadd.s32 $0x1BE6, v24  }
0xd6: {  	s7 =	simm.s32 $0x23;
	v27 =	vadd.s32 s15, v16;
	v18 =	vld.idx.msk [tilespmem:v18+s2+$0x0], $0xffff  }
0xd7: {  	s11 =	simm.s32 $0x44;
	v28 =	vadd.s32 s7, v1  }
0xd8: {  	[tilespmem:v19+s10+$0x0] =	vst.idx.msk $0xffff, v21;
	v21 =	vadd.s32 s11, v1  }
0xd9: {  	v19 =	vadd.s32 $0x19DC, v22;
	v20 =	vld.idx.msk [tilespmem:v20+s2+$0x0], $0xffff;
	v22 =	vadd.s32 s0, v7;
	[tilespmem:v25+s10+$0x0] =	vst.idx.msk $0xffff, v23  }
0xda: {  	v25 =	vor.u32 $0x7, v17;
	v23 =	vld.idx.msk [tilespmem:v26+s2+$0x0], $0xffff;
	v26 =	vadd.s32 s6, v3  }
0xdb: {  	v24 =	vadd.s32 $0x1BE7, v24;
	[tilespmem:v27+s10+$0x0] =	vst.idx.msk $0xffff, v18  }
0xdc: {  	v27 =	vld.idx.msk [tilespmem:v28+s9+$0x0], $0xffff  }
0xdd: {  	v18 =	vld.idx.msk [tilespmem:v21+s9+$0x0], $0xffff  }
0xde: {  	s14 =	simm.s32 $0x68;
	v19 =	vld.idx.msk [tilespmem:v19+s2+$0x0], $0xffff;
	[tilespmem:v22+s10+$0x0] =	vst.idx.msk $0xffff, v20  }
0xdf: {  	s15 =	simm.s32 $0x15;
	v20 =	vadd.s32 s14, v0;
	v21 =	vld.idx.msk [tilespmem:v25+s2+$0x0], $0xffff;
	[tilespmem:v26+s10+$0x0] =	vst.idx.msk $0xffff, v23  }
0xe0: {  	s16 =	simm.s32 $0x7;
	v22 =	vadd.s32 s15, v1;
	v23 =	vld.idx.msk [tilespmem:v24+s2+$0x0], $0xffff;
	v24 =	vadd.s32 s6, v4  }
0xe1: {  	v25 =	vadd.s32 s16, v1;
	_ =	sdelay $0x2  }
0xe2: {  	[tilespmem:v20+s10+$0x0] =	vst.idx.msk $0xffff, v19  }
0xe3: {  	v19 =	vld.idx.msk [tilespmem:v22+s9+$0x0], $0xffff;
	[tilespmem:v24+s10+$0x0] =	vst.idx.msk $0xffff, v23  }
0xe4: {  	v20 =	vld.idx.msk [tilespmem:v25+s9+$0x0], $0xffff  }
0xe5: {  	v22 =	vshll.u32 v27, $0x1  }
0xe6: {  	v23 =	vadd.s32 $0x1900, v22;
	_ =	sdelay $0x1  }
0xe7: {  	v19 =	vadd.s32 $0x19E0, v19  }
0xe8: {  	v20 =	vshll.u32 v20, $0x2  }
0xe9: {  	s17 =	simm.s32 $0xB0;
	v24 =	vadd.s32 $0x1CE4, v20  }
0xea: {  	v25 =	vadd.s32 s17, v0;
	v23 =	vld.idx.msk [tilespmem:v23+s2+$0x0], $0xffff  }
0xeb: {  	s18 =	simm.s32 $0x69;
	v22 =	vadd.s32 $0x1901, v22  }
0xec: {  	s19 =	simm.s32 $0x16;
	v26 =	vadd.s32 s18, v0;
	v19 =	vld.idx.msk [tilespmem:v19+s2+$0x0], $0xffff  }
0xed: {  	s20 =	simm.s32 $0x22;
	v27 =	vadd.s32 s19, v1  }
0xee: {  	v28 =	vadd.s32 s20, v0;
	v24 =	vld.idx.msk [tilespmem:v24+s2+$0x0], $0xffff  }
0xef: {  	[tilespmem:v25+s10+$0x0] =	vst.idx.msk $0xffff, v23;
	v23 =	vadd.s32 $0x1CE5, v20  }
0xf0: {  	s21 =	simm.s32 $0x24;
	v25 =	vadd.s32 s17, v2;
	v22 =	vld.idx.msk [tilespmem:v22+s2+$0x0], $0xffff  }
0xf1: {  	v29 =	vadd.s32 s21, v1;
	[tilespmem:v26+s10+$0x0] =	vst.idx.msk $0xffff, v19  }
0xf2: {  	v19 =	vld.idx.msk [tilespmem:v27+s9+$0x0], $0xffff  }
0xf3: {  	[tilespmem:v28+s10+$0x0] =	vst.idx.msk $0xffff, v24  }
0xf4: {  	v24 =	vadd.s32 s20, v2;
	v23 =	vld.idx.msk [tilespmem:v23+s2+$0x0], $0xffff  }
0xf5: {  	[tilespmem:v25+s10+$0x0] =	vst.idx.msk $0xffff, v22;
	v22 =	vadd.s32 $0x1CE6, v20  }
0xf6: {  	v25 =	vld.idx.msk [tilespmem:v29+s9+$0x0], $0xffff  }
0xf7: {  	v19 =	vshll.u32 v19, $0x2  }
0xf8: {  	v26 =	vadd.s32 $0x19E4, v19  }
0xf9: {  	[tilespmem:v24+s10+$0x0] =	vst.idx.msk $0xffff, v23  }
0xfa: {  	v23 =	vadd.s32 s20, v3;
	v22 =	vld.idx.msk [tilespmem:v22+s2+$0x0], $0xffff  }
0xfb: {  	v20 =	vadd.s32 $0x1CE7, v20;
	v25 =	vmul.u32 $0x6, v25;
	v24 =	vadd.s32 s0, v8  }
0xfc: {  	s22 =	simm.s32 $0x6A;
	v27 =	vor.u32 $0x8, v17  }
0xfd: {  	v29 =	vadd.s32 s22, v0;
	v28 =	vadd.s32 $0x1910, v25;
	v26 =	vld.idx.msk [tilespmem:v26+s2+$0x0], $0xffff  }
0xfe: {  	v30 =	vadd.s32 $0x19E5, v19  }
0xff: {  	[tilespmem:v23+s10+$0x0] =	vst.idx.msk $0xffff, v22  }
0x100: {  	s23 =	simm.s32 $0x8;
	[tilespmem:v24+s10+$0x0] =	vst.idx.msk $0xffff, v21;
	v21 =	vadd.s32 s20, v4;
	v20 =	vld.idx.msk [tilespmem:v20+s2+$0x0], $0xffff  }
0x101: {  	s24 =	simm.s32 $0xB2;
	v24 =	vadd.s32 s23, v1;
	v22 =	vld.idx.msk [tilespmem:v27+s2+$0x0], $0xffff;
	v23 =	vadd.s32 s0, v9  }
0x102: {  	v31 =	vadd.s32 s24, v0;
	v27 =	vor.u32 $0x9, v17;
	v28 =	vld.idx.msk [tilespmem:v28+s2+$0x0], $0xffff;
	[tilespmem:v29+s10+$0x0] =	vst.idx.msk $0xffff, v26  }
0x103: {  	v26 =	vadd.s32 $0x1911, v25;
	v29 =	vld.idx.msk [tilespmem:v30+s2+$0x0], $0xffff;
	v30 =	vadd.s32 s22, v2  }
0x104: {  	v32 =	vadd.s32 $0x19E6, v19  }
0x105: {  	[tilespmem:v21+s10+$0x0] =	vst.idx.msk $0xffff, v20  }
0x106: {  	[tilespmem:v23+s10+$0x0] =	vst.idx.msk $0xffff, v22;
	v20 =	vld.idx.msk [tilespmem:v24+s9+$0x0], $0xffff  }
0x107: {  	v22 =	vadd.s32 s0, v10;
	[tilespmem:v31+s10+$0x0] =	vst.idx.msk $0xffff, v28;
	v21 =	vld.idx.msk [tilespmem:v27+s2+$0x0], $0xffff  }
0x108: {  	v23 =	vor.u32 $0xA, v17;
	v24 =	vld.idx.msk [tilespmem:v26+s2+$0x0], $0xffff;
	v26 =	vadd.s32 s24, v2;
	[tilespmem:v30+s10+$0x0] =	vst.idx.msk $0xffff, v29  }
0x109: {  	v27 =	vadd.s32 $0x1912, v25;
	v29 =	vadd.s32 s22, v3;
	v28 =	vld.idx.msk [tilespmem:v32+s2+$0x0], $0xffff  }
0x10a: {  	v19 =	vadd.s32 $0x19E7, v19  }
0x10b: {  	v20 =	vshll.u32 v20, $0x4  }
0x10c: {  	[tilespmem:v22+s10+$0x0] =	vst.idx.msk $0xffff, v21  }
0x10d: {  	v22 =	vadd.s32 s0, v11;
	v21 =	vld.idx.msk [tilespmem:v23+s2+$0x0], $0xffff;
	[tilespmem:v26+s10+$0x0] =	vst.idx.msk $0xffff, v24  }
0x10e: {  	v23 =	vor.u32 $0xB, v17;
	v26 =	vadd.s32 s24, v3;
	v24 =	vld.idx.msk [tilespmem:v27+s2+$0x0], $0xffff;
	[tilespmem:v29+s10+$0x0] =	vst.idx.msk $0xffff, v28  }
0x10f: {  	s26 =	simm.s32 $0x26;
	s25 =	simm.s32 $0x17;
	v27 =	vadd.s32 $0x1913, v25;
	v28 =	vadd.s32 s22, v4;
	v19 =	vld.idx.msk [tilespmem:v19+s2+$0x0], $0xffff  }
0x110: {  	v31 =	vadd.s32 s26, v0;
	v29 =	vadd.s32 s25, v1;
	v30 =	vld.idx.msk [tilespmem:v20+s2+$0x0], $0xffff  }
0x111: {  	v44 =	vor.u32 $0x1, v20  }
0x112: {  	[tilespmem:v22+s10+$0x0] =	vst.idx.msk $0xffff, v21  }
0x113: {  	v22 =	vadd.s32 s0, v12;
	v21 =	vld.idx.msk [tilespmem:v23+s2+$0x0], $0xffff;
	[tilespmem:v26+s10+$0x0] =	vst.idx.msk $0xffff, v24  }
0x114: {  	v23 =	vor.u32 $0xC, v17;
	v26 =	vadd.s32 s24, v4;
	v24 =	vld.idx.msk [tilespmem:v27+s2+$0x0], $0xffff;
	[tilespmem:v28+s10+$0x0] =	vst.idx.msk $0xffff, v19  }
0x115: {  	v19 =	vadd.s32 $0x1914, v25;
	v27 =	vld.idx.msk [tilespmem:v29+s9+$0x0], $0xffff;
	[tilespmem:v31+s10+$0x0] =	vst.idx.msk $0xffff, v30  }
0x116: {  	v29 =	vadd.s32 s26, v2;
	v28 =	vld.idx.msk [tilespmem:v44+s2+$0x0], $0xffff  }
0x117: {  	v30 =	vor.u32 $0x2, v20  }
0x118: {  	[tilespmem:v22+s10+$0x0] =	vst.idx.msk $0xffff, v21  }
0x119: {  	v22 =	vadd.s32 s0, v13;
	v21 =	vld.idx.msk [tilespmem:v23+s2+$0x0], $0xffff;
	[tilespmem:v26+s10+$0x0] =	vst.idx.msk $0xffff, v24  }
0x11a: {  	v23 =	vor.u32 $0xD, v17;
	v24 =	vadd.s32 s24, v5;
	v19 =	vld.idx.msk [tilespmem:v19+s2+$0x0], $0xffff  }
0x11b: {  	v25 =	vadd.s32 $0x1915, v25;
	v26 =	vshll.u32 v27, $0x2;
	[tilespmem:v29+s10+$0x0] =	vst.idx.msk $0xffff, v28  }
0x11c: {  	v28 =	vadd.s32 $0x1BE4, v26;
	v29 =	vadd.s32 s26, v3;
	v27 =	vld.idx.msk [tilespmem:v30+s2+$0x0], $0xffff  }
0x11d: {  	v30 =	vor.u32 $0x3, v20  }
0x11e: {  	[tilespmem:v22+s10+$0x0] =	vst.idx.msk $0xffff, v21  }
0x11f: {  	v22 =	vadd.s32 s0, v14;
	v21 =	vld.idx.msk [tilespmem:v23+s2+$0x0], $0xffff;
	[tilespmem:v24+s10+$0x0] =	vst.idx.msk $0xffff, v19  }
0x120: {  	s3 =	simm.s32 $0x25;
	s5 =	simm.s32 $0x6E;
	v23 =	vor.u32 $0xE, v17;
	v24 =	vld.idx.msk [tilespmem:v25+s2+$0x0], $0xffff;
	v25 =	vadd.s32 s24, v6  }
0x121: {  	v45 =	vadd.s32 s5, v0;
	v31 =	vadd.s32 s3, v1;
	v28 =	vld.idx.msk [tilespmem:v28+s2+$0x0], $0xffff;
	[tilespmem:v29+s10+$0x0] =	vst.idx.msk $0xffff, v27  }
0x122: {  	v27 =	vadd.s32 $0x1BE5, v26;
	v29 =	vld.idx.msk [tilespmem:v30+s2+$0x0], $0xffff;
	v30 =	vadd.s32 s26, v4  }
0x123: {  	v33 =	vor.u32 $0x4, v20  }
0x124: {  	v19 =	vshll.u32 v18, $0x4;
	[tilespmem:v22+s10+$0x0] =	vst.idx.msk $0xffff, v21  }
0x125: {  	v18 =	vld.idx.msk [tilespmem:v23+s2+$0x0], $0xffff;
	[tilespmem:v25+s10+$0x0] =	vst.idx.msk $0xffff, v24  }
0x126: {  	v21 =	vadd.s32 s0, v15;
	v22 =	vld.idx.msk [tilespmem:v31+s9+$0x0], $0xffff;
	[tilespmem:v45+s10+$0x0] =	vst.idx.msk $0xffff, v28  }
0x127: {  	v17 =	vor.u32 $0xF, v17;
	v24 =	vadd.s32 s5, v2;
	v23 =	vld.idx.msk [tilespmem:v27+s2+$0x0], $0xffff;
	[tilespmem:v30+s10+$0x0] =	vst.idx.msk $0xffff, v29  }
0x128: {  	s1 =	simm.s32 $0x140;
	v25 =	vadd.s32 $0x1BE6, v26;
	v28 =	vadd.s32 s26, v5;
	v27 =	vld.idx.msk [tilespmem:v33+s2+$0x0], $0xffff  }
0x129: {  	v31 =	vor.u32 $0x5, v20;
	v29 =	vld.idx.msk [tilespmem:v19+s2+$0x0], $0xffff;
	v30 =	vadd.s32 s1, v0  }
0x12a: {  	v46 =	vor.u32 $0x1, v19  }
0x12b: {  	[tilespmem:v21+s10+$0x0] =	vst.idx.msk $0xffff, v18  }
0x12c: {  	s6 =	simm.s32 $0x34;
	v18 =	vadd.s32 s0, v16;
	v17 =	vld.idx.msk [tilespmem:v17+s2+$0x0], $0xffff;
	v22 =	vadd.s32 $0x19DC, v22;
	[tilespmem:v24+s10+$0x0] =	vst.idx.msk $0xffff, v23  }
0x12d: {  	v21 =	vadd.s32 s6, v1;
	v24 =	vadd.s32 s5, v3;
	v23 =	vld.idx.msk [tilespmem:v25+s2+$0x0], $0xffff;
	[tilespmem:v28+s10+$0x0] =	vst.idx.msk $0xffff, v27  }
0x12e: {  	[tilespmem:v30+s10+$0x0] =	vst.idx.msk $0xffff, v29;
	v25 =	vadd.s32 $0x1BE7, v26;
	v27 =	vadd.s32 s26, v6;
	v26 =	vld.idx.msk [tilespmem:v31+s2+$0x0], $0xffff  }
0x12f: {  	v29 =	vadd.s32 s1, v2;
	v30 =	vor.u32 $0x6, v20;
	v28 =	vld.idx.msk [tilespmem:v46+s2+$0x0], $0xffff  }
0x130: {  	v31 =	vor.u32 $0x2, v19  }
0x131: {  	s7 =	simm.s32 $0xB8;
	[tilespmem:v18+s10+$0x0] =	vst.idx.msk $0xffff, v17;
	v18 =	vld.idx.msk [tilespmem:v22+s2+$0x0], $0xffff  }
0x132: {  	s11 =	simm.s32 $0x26;
	v17 =	vld.idx.msk [tilespmem:v21+s9+$0x0], $0xffff;
	v21 =	vadd.s32 s7, v0;
	[tilespmem:v24+s10+$0x0] =	vst.idx.msk $0xffff, v23  }
0x133: {  	s14 =	simm.s32 $0x18;
	v22 =	vadd.s32 s11, v1;
	v24 =	vadd.s32 s5, v4;
	v23 =	vld.idx.msk [tilespmem:v25+s2+$0x0], $0xffff;
	[tilespmem:v27+s10+$0x0] =	vst.idx.msk $0xffff, v26  }
0x134: {  	[tilespmem:v29+s10+$0x0] =	vst.idx.msk $0xffff, v28;
	v25 =	vadd.s32 s14, v1;
	v27 =	vadd.s32 s26, v7;
	v26 =	vld.idx.msk [tilespmem:v30+s2+$0x0], $0xffff  }
0x135: {  	v29 =	vadd.s32 s1, v3;
	v28 =	vld.idx.msk [tilespmem:v31+s2+$0x0], $0xffff;
	v30 =	vor.u32 $0x7, v20  }
0x136: {  	v31 =	vor.u32 $0x3, v19  }
0x137: {  	[tilespmem:v21+s10+$0x0] =	vst.idx.msk $0xffff, v18  }
0x138: {  	v17 =	vshll.u32 v17, $0x1;
	v18 =	vld.idx.msk [tilespmem:v22+s9+$0x0], $0xffff;
	[tilespmem:v24+s10+$0x0] =	vst.idx.msk $0xffff, v23  }
0x139: {  	v21 =	vadd.s32 $0x1900, v17;
	v22 =	vld.idx.msk [tilespmem:v25+s9+$0x0], $0xffff;
	[tilespmem:v27+s10+$0x0] =	vst.idx.msk $0xffff, v26  }
0x13a: {  	v24 =	vadd.s32 s26, v8;
	[tilespmem:v29+s10+$0x0] =	vst.idx.msk $0xffff, v28;
	v23 =	vld.idx.msk [tilespmem:v30+s2+$0x0], $0xffff  }
0x13b: {  	v25 =	vld.idx.msk [tilespmem:v31+s2+$0x0], $0xffff;
	v26 =	vadd.s32 s1, v4;
	v27 =	vor.u32 $0x8, v20  }
0x13c: {  	v28 =	vor.u32 $0x4, v19  }
0x13d: {  	s15 =	simm.s32 $0x100  }
0x13e: {  	v29 =	vadd.s32 s15, v0;
	v21 =	vld.idx.msk [tilespmem:v21+s2+$0x0], $0xffff;
	v18 =	vadd.s32 $0x19E0, v18  }
0x13f: {  	v17 =	vadd.s32 $0x1901, v17;
	v22 =	vshll.u32 v22, $0x2;
	[tilespmem:v24+s10+$0x0] =	vst.idx.msk $0xffff, v23  }
0x140: {  	[tilespmem:v26+s10+$0x0] =	vst.idx.msk $0xffff, v25;
	v25 =	vadd.s32 s26, v9;
	v23 =	vadd.s32 $0x1CE4, v22;
	v24 =	vld.idx.msk [tilespmem:v27+s2+$0x0], $0xffff  }
0x141: {  	v26 =	vld.idx.msk [tilespmem:v28+s2+$0x0], $0xffff;
	v28 =	vor.u32 $0x9, v20;
	v27 =	vadd.s32 s1, v5  }
0x142: {  	s16 =	simm.s32 $0xB9;
	v30 =	vor.u32 $0x5, v19  }
0x143: {  	s17 =	simm.s32 $0x27;
	[tilespmem:v29+s10+$0x0] =	vst.idx.msk $0xffff, v21;
	v18 =	vld.idx.msk [tilespmem:v18+s2+$0x0], $0xffff;
	v21 =	vadd.s32 s16, v0  }
0x144: {  	s18 =	simm.s32 $0x35;
	s5 =	simm.s32 $0x72;
	v31 =	vadd.s32 s17, v1;
	v29 =	vadd.s32 s15, v2;
	v17 =	vld.idx.msk [tilespmem:v17+s2+$0x0], $0xffff  }
0x145: {  	v47 =	vadd.s32 s18, v1;
	v48 =	vadd.s32 s5, v0;
	v23 =	vld.idx.msk [tilespmem:v23+s2+$0x0], $0xffff;
	[tilespmem:v25+s10+$0x0] =	vst.idx.msk $0xffff, v24  }
0x146: {  	[tilespmem:v27+s10+$0x0] =	vst.idx.msk $0xffff, v26;
	v24 =	vadd.s32 $0x1CE5, v22;
	v26 =	vadd.s32 s26, v10;
	v25 =	vld.idx.msk [tilespmem:v28+s2+$0x0], $0xffff  }
0x147: {  	v27 =	vld.idx.msk [tilespmem:v30+s2+$0x0], $0xffff;
	v28 =	vadd.s32 s1, v6;
	v30 =	vor.u32 $0xA, v20  }
0x148: {  	v34 =	vor.u32 $0x6, v19;
	[tilespmem:v21+s10+$0x0] =	vst.idx.msk $0xffff, v18  }
0x149: {  	[tilespmem:v29+s10+$0x0] =	vst.idx.msk $0xffff, v17;
	v17 =	vld.idx.msk [tilespmem:v31+s9+$0x0], $0xffff  }
0x14a: {  	v18 =	vld.idx.msk [tilespmem:v47+s9+$0x0], $0xffff;
	[tilespmem:v48+s10+$0x0] =	vst.idx.msk $0xffff, v23  }
0x14b: {  	v23 =	vadd.s32 s5, v2;
	v21 =	vld.idx.msk [tilespmem:v24+s2+$0x0], $0xffff;
	[tilespmem:v26+s10+$0x0] =	vst.idx.msk $0xffff, v25  }
0x14c: {  	v24 =	vadd.s32 $0x1CE6, v22;
	[tilespmem:v28+s10+$0x0] =	vst.idx.msk $0xffff, v27;
	v26 =	vadd.s32 s26, v11;
	v25 =	vld.idx.msk [tilespmem:v30+s2+$0x0], $0xffff  }
0x14d: {  	v29 =	vor.u32 $0xB, v20;
	v28 =	vadd.s32 s1, v7;
	v27 =	vld.idx.msk [tilespmem:v34+s2+$0x0], $0xffff  }
0x14e: {  	v17 =	vshll.u32 v17, $0x2;
	v30 =	vor.u32 $0x7, v19  }
0x14f: {  	v31 =	vadd.s32 $0x19E4, v17;
	v32 =	vmul.u32 $0x6, v18  }
0x150: {  	[tilespmem:v23+s10+$0x0] =	vst.idx.msk $0xffff, v21  }
0x151: {  	v18 =	vadd.s32 $0x1910, v32;
	v23 =	vadd.s32 s5, v3;
	v21 =	vld.idx.msk [tilespmem:v24+s2+$0x0], $0xffff;
	[tilespmem:v26+s10+$0x0] =	vst.idx.msk $0xffff, v25  }
0x152: {  	v22 =	vadd.s32 $0x1CE7, v22;
	[tilespmem:v28+s10+$0x0] =	vst.idx.msk $0xffff, v27;
	v25 =	vadd.s32 s26, v12;
	v24 =	vld.idx.msk [tilespmem:v29+s2+$0x0], $0xffff  }
0x153: {  	s19 =	simm.s32 $0xBA;
	v27 =	vadd.s32 s1, v8;
	v28 =	vor.u32 $0xC, v20;
	v26 =	vld.idx.msk [tilespmem:v30+s2+$0x0], $0xffff  }
0x154: {  	v29 =	vor.u32 $0x8, v19;
	v30 =	vld.idx.msk [tilespmem:v31+s2+$0x0], $0xffff;
	v31 =	vadd.s32 s19, v0  }
0x155: {  	s20 =	simm.s32 $0x102;
	s6 =	simm.s32 $0x55;
	v49 =	vadd.s32 $0x19E5, v17  }
0x156: {  	v35 =	vadd.s32 s20, v0;
	v50 =	vadd.s32 s6, v1;
	v18 =	vld.idx.msk [tilespmem:v18+s2+$0x0], $0xffff;
	[tilespmem:v23+s10+$0x0] =	vst.idx.msk $0xffff, v21  }
0x157: {  	s21 =	simm.s32 $0x19;
	v21 =	vadd.s32 $0x1911, v32;
	v23 =	vadd.s32 s5, v4;
	v22 =	vld.idx.msk [tilespmem:v22+s2+$0x0], $0xffff;
	[tilespmem:v25+s10+$0x0] =	vst.idx.msk $0xffff, v24  }
0x158: {  	[tilespmem:v27+s10+$0x0] =	vst.idx.msk $0xffff, v26;
	v24 =	vadd.s32 s21, v1;
	v26 =	vadd.s32 s26, v13;
	v25 =	vld.idx.msk [tilespmem:v28+s2+$0x0], $0xffff  }
0x159: {  	[tilespmem:v31+s10+$0x0] =	vst.idx.msk $0xffff, v30;
	v27 =	vld.idx.msk [tilespmem:v29+s2+$0x0], $0xffff;
	v28 =	vadd.s32 s1, v9;
	v29 =	vor.u32 $0xD, v20  }
0x15a: {  	v51 =	vadd.s32 s19, v2;
	v30 =	vor.u32 $0x9, v19;
	v31 =	vld.idx.msk [tilespmem:v49+s2+$0x0], $0xffff  }
0x15b: {  	v34 =	vld.idx.msk [tilespmem:v50+s9+$0x0], $0xffff;
	[tilespmem:v35+s10+$0x0] =	vst.idx.msk $0xffff, v18;
	v18 =	vadd.s32 $0x19E6, v17  }
0x15c: {  	v21 =	vld.idx.msk [tilespmem:v21+s2+$0x0], $0xffff;
	[tilespmem:v23+s10+$0x0] =	vst.idx.msk $0xffff, v22;
	v22 =	vadd.s32 s20, v2  }
0x15d: {  	v23 =	vld.idx.msk [tilespmem:v24+s9+$0x0], $0xffff;
	v24 =	vadd.s32 $0x1912, v32;
	[tilespmem:v26+s10+$0x0] =	vst.idx.msk $0xffff, v25  }
0x15e: {  	[tilespmem:v28+s10+$0x0] =	vst.idx.msk $0xffff, v27;
	v26 =	vadd.s32 s26, v14;
	v25 =	vld.idx.msk [tilespmem:v29+s2+$0x0], $0xffff  }
0x15f: {  	v28 =	vadd.s32 s1, v10;
	[tilespmem:v51+s10+$0x0] =	vst.idx.msk $0xffff, v31;
	v27 =	vld.idx.msk [tilespmem:v30+s2+$0x0], $0xffff;
	v29 =	vor.u32 $0xE, v20  }
0x160: {  	v52 =	vadd.s32 s19, v3;
	v30 =	vor.u32 $0xA, v19;
	v31 =	vld.idx.msk [tilespmem:v18+s2+$0x0], $0xffff  }
0x161: {  	v53 =	vadd.s32 $0x19E7, v17;
	[tilespmem:v22+s10+$0x0] =	vst.idx.msk $0xffff, v21  }
0x162: {  	v22 =	vadd.s32 s20, v3;
	v18 =	vshll.u32 v23, $0x4;
	v21 =	vld.idx.msk [tilespmem:v24+s2+$0x0], $0xffff  }
0x163: {  	v23 =	vadd.s32 $0x1913, v32;
	[tilespmem:v26+s10+$0x0] =	vst.idx.msk $0xffff, v25  }
0x164: {  	v17 =	vshll.u32 v34, $0x4;
	[tilespmem:v28+s10+$0x0] =	vst.idx.msk $0xffff, v27;
	v25 =	vadd.s32 s26, v15;
	v24 =	vld.idx.msk [tilespmem:v29+s2+$0x0], $0xffff  }
0x165: {  	v20 =	vor.u32 $0xF, v20;
	v27 =	vadd.s32 s1, v11;
	[tilespmem:v52+s10+$0x0] =	vst.idx.msk $0xffff, v31;
	v26 =	vld.idx.msk [tilespmem:v30+s2+$0x0], $0xffff  }
0x166: {  	s22 =	simm.s32 $0x28;
	s7 =	simm.s32 $0x76;
	v28 =	vor.u32 $0xB, v19;
	v29 =	vld.idx.msk [tilespmem:v53+s2+$0x0], $0xffff;
	v30 =	vadd.s32 s19, v4  }
0x167: {  	v55 =	vadd.s32 s7, v0;
	v31 =	vadd.s32 s22, v1;
	v54 =	vld.idx.msk [tilespmem:v18+s2+$0x0], $0xffff;
	[tilespmem:v22+s10+$0x0] =	vst.idx.msk $0xffff, v21  }
0x168: {  	s0 =	simm.s32 $0x190;
	v21 =	vor.u32 $0x1, v18;
	v22 =	vld.idx.msk [tilespmem:v23+s2+$0x0], $0xffff;
	v23 =	vadd.s32 s20, v4  }
0x169: {  	v36 =	vadd.s32 s0, v0;
	v37 =	vadd.s32 $0x1914, v32;
	v56 =	vld.idx.msk [tilespmem:v17+s2+$0x0], $0xffff;
	[tilespmem:v25+s10+$0x0] =	vst.idx.msk $0xffff, v24  }
0x16a: {  	s23 =	simm.s32 $0x9;
	v24 =	vor.u32 $0x1, v17;
	[tilespmem:v27+s10+$0x0] =	vst.idx.msk $0xffff, v26;
	v25 =	vadd.s32 s26, v16;
	v20 =	vld.idx.msk [tilespmem:v20+s2+$0x0], $0xffff  }
0x16b: {  	v27 =	vadd.s32 s1, v12;
	[tilespmem:v30+s10+$0x0] =	vst.idx.msk $0xffff, v29;
	v26 =	vld.idx.msk [tilespmem:v28+s2+$0x0], $0xffff;
	v28 =	vadd.s32 s23, v1  }
0x16c: {  	v29 =	vor.u32 $0xC, v19;
	v30 =	vld.idx.msk [tilespmem:v31+s9+$0x0], $0xffff;
	[tilespmem:v55+s10+$0x0] =	vst.idx.msk $0xffff, v54  }
0x16d: {  	v31 =	vadd.s32 s7, v2;
	v21 =	vld.idx.msk [tilespmem:v21+s2+$0x0], $0xffff;
	[tilespmem:v23+s10+$0x0] =	vst.idx.msk $0xffff, v22  }
0x16e: {  	v57 =	vadd.s32 s20, v5;
	[tilespmem:v36+s10+$0x0] =	vst.idx.msk $0xffff, v56;
	v22 =	vor.u32 $0x2, v18;
	v23 =	vld.idx.msk [tilespmem:v37+s2+$0x0], $0xffff  }
0x16f: {  	v32 =	vadd.s32 $0x1915, v32;
	v24 =	vld.idx.msk [tilespmem:v24+s2+$0x0], $0xffff;
	[tilespmem:v25+s10+$0x0] =	vst.idx.msk $0xffff, v20  }
0x170: {  	v20 =	vadd.s32 s0, v2;
	[tilespmem:v27+s10+$0x0] =	vst.idx.msk $0xffff, v26;
	v25 =	vld.idx.msk [tilespmem:v28+s9+$0x0], $0xffff  }
0x171: {  	v26 =	vor.u32 $0x2, v17;
	v27 =	vld.idx.msk [tilespmem:v29+s2+$0x0], $0xffff;
	v28 =	vadd.s32 s1, v13  }
0x172: {  	v29 =	vor.u32 $0xD, v19;
	[tilespmem:v31+s10+$0x0] =	vst.idx.msk $0xffff, v21;
	v21 =	vshll.u32 v30, $0x2  }
0x173: {  	v22 =	vld.idx.msk [tilespmem:v22+s2+$0x0], $0xffff;
	v30 =	vadd.s32 $0x1BE4, v21;
	[tilespmem:v57+s10+$0x0] =	vst.idx.msk $0xffff, v23;
	v23 =	vadd.s32 s7, v3  }
0x174: {  	v58 =	vadd.s32 s20, v6;
	s24 =	simm.s32 $0x36;
	v59 =	vor.u32 $0x3, v18;
	v31 =	vld.idx.msk [tilespmem:v32+s2+$0x0], $0xffff  }
0x175: {  	[tilespmem:v20+s10+$0x0] =	vst.idx.msk $0xffff, v24;
	v20 =	vadd.s32 s24, v1;
	v24 =	vshll.u32 v25, $0x1  }
0x176: {  	v25 =	vld.idx.msk [tilespmem:v26+s2+$0x0], $0xffff;
	v26 =	vadd.s32 s0, v3;
	[tilespmem:v28+s10+$0x0] =	vst.idx.msk $0xffff, v27;
	v27 =	vadd.s32 $0x1900, v24  }
0x177: {  	v60 =	vadd.s32 s1, v14;
	s25 =	simm.s32 $0xBE;
	v28 =	vor.u32 $0x3, v17;
	v29 =	vld.idx.msk [tilespmem:v29+s2+$0x0], $0xffff  }
0x178: {  	v62 =	vadd.s32 s25, v0;
	v61 =	vor.u32 $0xE, v19;
	v30 =	vld.idx.msk [tilespmem:v30+s2+$0x0], $0xffff;
	[tilespmem:v23+s10+$0x0] =	vst.idx.msk $0xffff, v22  }
0x179: {  	v22 =	vadd.s32 $0x1BE5, v21;
	[tilespmem:v58+s10+$0x0] =	vst.idx.msk $0xffff, v31;
	v23 =	vld.idx.msk [tilespmem:v59+s2+$0x0], $0xffff  }
0x17a: {  	s26 =	simm.s32 $0x36;
	v31 =	vadd.s32 s7, v4;
	v20 =	vld.idx.msk [tilespmem:v20+s9+$0x0], $0xffff  }
0x17b: {  	[tilespmem:v26+s10+$0x0] =	vst.idx.msk $0xffff, v25;
	v25 =	vor.u32 $0x4, v18;
	v26 =	vld.idx.msk [tilespmem:v27+s2+$0x0], $0xffff;
	v27 =	vadd.s32 s26, v0  }
0x17c: {  	v63 =	vadd.s32 s0, v4;
	v24 =	vadd.s32 $0x1901, v24;
	v28 =	vld.idx.msk [tilespmem:v28+s2+$0x0], $0xffff;
	[tilespmem:v60+s10+$0x0] =	vst.idx.msk $0xffff, v29  }
0x17d: {  	v38 =	vadd.s32 s1, v15;
	v29 =	vor.u32 $0x4, v17;
	v37 =	vld.idx.msk [tilespmem:v61+s2+$0x0], $0xffff;
	[tilespmem:v62+s10+$0x0] =	vst.idx.msk $0xffff, v30  }
0x17e: {  	v19 =	vor.u32 $0xF, v19;
	v30 =	vadd.s32 s25, v2;
	v22 =	vld.idx.msk [tilespmem:v22+s2+$0x0], $0xffff  }
0x17f: {  	v39 =	vadd.s32 $0x1BE6, v21;
	[tilespmem:v31+s10+$0x0] =	vst.idx.msk $0xffff, v23  }
0x180: {  	v20 =	vadd.s32 $0x19DC, v20;
	v23 =	vld.idx.msk [tilespmem:v25+s2+$0x0], $0xffff;
	v25 =	vadd.s32 s7, v5;
	[tilespmem:v27+s10+$0x0] =	vst.idx.msk $0xffff, v26  }
0x181: {  	s5 =	simm.s32 $0xA;
	[tilespmem:v63+s10+$0x0] =	vst.idx.msk $0xffff, v28;
	v26 =	vor.u32 $0x5, v18;
	v27 =	vadd.s32 s26, v2;
	v24 =	vld.idx.msk [tilespmem:v24+s2+$0x0], $0xffff  }
0x182: {  	v31 =	vadd.s32 s5, v1;
	v28 =	vld.idx.msk [tilespmem:v29+s2+$0x0], $0xffff;
	v29 =	vadd.s32 s0, v5;
	[tilespmem:v38+s10+$0x0] =	vst.idx.msk $0xffff, v37  }
0x183: {  	v41 =	vadd.s32 s1, v16;
	s6 =	simm.s32 $0x45;
	v40 =	vor.u32 $0x5, v17;
	v19 =	vld.idx.msk [tilespmem:v19+s2+$0x0], $0xffff;
	[tilespmem:v30+s10+$0x0] =	vst.idx.msk $0xffff, v22  }
0x184: {  	v42 =	vadd.s32 s25, v3;
	v22 =	vadd.s32 s6, v1;
	v30 =	vld.idx.msk [tilespmem:v39+s2+$0x0], $0xffff  }
0x185: {  	v21 =	vadd.s32 $0x1BE7, v21;
	v20 =	vld.idx.msk [tilespmem:v20+s2+$0x0], $0xffff;
	[tilespmem:v25+s10+$0x0] =	vst.idx.msk $0xffff, v23  }
0x186: {  	s11 =	simm.s32 $0x108;
	v25 =	vadd.s32 s7, v6;
	v23 =	vld.idx.msk [tilespmem:v26+s2+$0x0], $0xffff;
	[tilespmem:v27+s10+$0x0] =	vst.idx.msk $0xffff, v24  }
0x187: {  	s14 =	simm.s32 $0x37;
	v26 =	vor.u32 $0x6, v18;
	[tilespmem:v29+s10+$0x0] =	vst.idx.msk $0xffff, v28;
	v24 =	vadd.s32 s11, v0;
	v27 =	vld.idx.msk [tilespmem:v31+s9+$0x0], $0xffff  }
0x188: {  	v28 =	vld.idx.msk [tilespmem:v40+s2+$0x0], $0xffff;
	[tilespmem:v41+s10+$0x0] =	vst.idx.msk $0xffff, v19;
	v19 =	vadd.s32 s14, v1  }
0x189: {  	v29 =	vadd.s32 s0, v6;
	v22 =	vld.idx.msk [tilespmem:v22+s9+$0x0], $0xffff;
	[tilespmem:v42+s10+$0x0] =	vst.idx.msk $0xffff, v30  }
0x18a: {  	s15 =	simm.s32 $0x29;
	v31 =	vadd.s32 s25, v4;
	v30 =	vor.u32 $0x6, v17;
	v21 =	vld.idx.msk [tilespmem:v21+s2+$0x0], $0xffff  }
0x18b: {  	[tilespmem:v25+s10+$0x0] =	vst.idx.msk $0xffff, v23;
	v23 =	vadd.s32 s15, v1  }
0x18c: {  	[tilespmem:v24+s10+$0x0] =	vst.idx.msk $0xffff, v20;
	v20 =	vld.idx.msk [tilespmem:v26+s2+$0x0], $0xffff;
	v24 =	vadd.s32 s7, v7;
	v25 =	vmul.u32 $0x6, v27  }
0x18d: {  	v26 =	vor.u32 $0x7, v18;
	v19 =	vld.idx.msk [tilespmem:v19+s9+$0x0], $0xffff  }
0x18e: {  	[tilespmem:v29+s10+$0x0] =	vst.idx.msk $0xffff, v28;
	v22 =	vshll.u32 v22, $0x1;
	v27 =	vadd.s32 $0x1910, v25  }
0x18f: {  	s16 =	simm.s32 $0x66;
	v28 =	vld.idx.msk [tilespmem:v30+s2+$0x0], $0xffff;
	v29 =	vadd.s32 $0x1900, v22;
	[tilespmem:v31+s10+$0x0] =	vst.idx.msk $0xffff, v21  }
0x190: {  	v30 =	vadd.s32 s0, v7;
	v21 =	vadd.s32 s16, v1;
	v23 =	vld.idx.msk [tilespmem:v23+s9+$0x0], $0xffff  }
0x191: {  	v31 =	vor.u32 $0x7, v17;
	[tilespmem:v24+s10+$0x0] =	vst.idx.msk $0xffff, v20  }
0x192: {  	s17 =	simm.s32 $0x38;
	v24 =	vadd.s32 s7, v8;
	v20 =	vld.idx.msk [tilespmem:v26+s2+$0x0], $0xffff;
	v19 =	vadd.s32 $0x19E0, v19  }
0x193: {  	s18 =	simm.s32 $0x150;
	v43 =	vadd.s32 s17, v0;
	v26 =	vor.u32 $0x8, v18;
	v27 =	vld.idx.msk [tilespmem:v27+s2+$0x0], $0xffff  }
0x194: {  	v44 =	vadd.s32 s18, v0;
	v45 =	vadd.s32 $0x1911, v25;
	v29 =	vld.idx.msk [tilespmem:v29+s2+$0x0], $0xffff  }
0x195: {  	v22 =	vadd.s32 $0x1901, v22;
	[tilespmem:v30+s10+$0x0] =	vst.idx.msk $0xffff, v28;
	v21 =	vld.idx.msk [tilespmem:v21+s9+$0x0], $0xffff;
	v23 =	vshll.u32 v23, $0x2  }
0x196: {  	s19 =	simm.s32 $0x109;
	v30 =	vadd.s32 s0, v8;
	v28 =	vld.idx.msk [tilespmem:v31+s2+$0x0], $0xffff;
	v31 =	vadd.s32 $0x1CE4, v23  }
0x197: {  	v46 =	vor.u32 $0x8, v17;
	v47 =	vadd.s32 s19, v0;
	s20 =	simm.s32 $0x38;
	v19 =	vld.idx.msk [tilespmem:v19+s2+$0x0], $0xffff;
	[tilespmem:v24+s10+$0x0] =	vst.idx.msk $0xffff, v20  }
0x198: {  	v20 =	vadd.s32 s20, v1;
	v24 =	vld.idx.msk [tilespmem:v26+s2+$0x0], $0xffff;
	v26 =	vadd.s32 s7, v9;
	[tilespmem:v43+s10+$0x0] =	vst.idx.msk $0xffff, v27  }
0x199: {  	v48 =	vadd.s32 s17, v2;
	[tilespmem:v44+s10+$0x0] =	vst.idx.msk $0xffff, v29;
	v27 =	vor.u32 $0x9, v18;
	v29 =	vld.idx.msk [tilespmem:v45+s2+$0x0], $0xffff  }
0x19a: {  	s21 =	simm.s32 $0x46;
	v49 =	vadd.s32 s18, v2;
	s22 =	simm.s32 $0xC2;
	v50 =	vadd.s32 $0x1912, v25;
	v22 =	vld.idx.msk [tilespmem:v22+s2+$0x0], $0xffff  }
0x19b: {  	[tilespmem:v30+s10+$0x0] =	vst.idx.msk $0xffff, v28;
	v28 =	vadd.s32 s21, v1;
	v30 =	vld.idx.msk [tilespmem:v31+s2+$0x0], $0xffff;
	v31 =	vadd.s32 s22, v0  }
0x19c: {  	v51 =	vadd.s32 $0x1CE5, v23;
	v35 =	vld.idx.msk [tilespmem:v46+s2+$0x0], $0xffff;
	[tilespmem:v47+s10+$0x0] =	vst.idx.msk $0xffff, v19  }
0x19d: {  	v20 =	vld.idx.msk [tilespmem:v20+s9+$0x0], $0xffff;
	[tilespmem:v26+s10+$0x0] =	vst.idx.msk $0xffff, v24  }
0x19e: {  	v19 =	vshll.u32 v21, $0x4;
	v24 =	vadd.s32 s7, v10;
	v21 =	vld.idx.msk [tilespmem:v27+s2+$0x0], $0xffff;
	[tilespmem:v48+s10+$0x0] =	vst.idx.msk $0xffff, v29  }
0x19f: {  	v27 =	vadd.s32 s17, v3;
	[tilespmem:v49+s10+$0x0] =	vst.idx.msk $0xffff, v22;
	v22 =	vor.u32 $0xA, v18;
	v26 =	vld.idx.msk [tilespmem:v50+s2+$0x0], $0xffff  }
0x1a0: {  	v29 =	vadd.s32 s0, v9;
	v28 =	vld.idx.msk [tilespmem:v28+s9+$0x0], $0xffff;
	[tilespmem:v31+s10+$0x0] =	vst.idx.msk $0xffff, v30;
	v30 =	vadd.s32 $0x1913, v25  }
0x1a1: {  	v53 =	vadd.s32 s22, v2;
	v31 =	vor.u32 $0x9, v17;
	v52 =	vld.idx.msk [tilespmem:v51+s2+$0x0], $0xffff  }
0x1a2: {  	s4 =	simm.s32 $0x1E0;
	v54 =	vadd.s32 $0x1CE6, v23;
	v20 =	vshll.u32 v20, $0x2  }
0x1a3: {  	v56 =	vadd.s32 s4, v0;
	v55 =	vld.idx.msk [tilespmem:v19+s2+$0x0], $0xffff;
	v38 =	vadd.s32 $0x19E4, v20;
	[tilespmem:v24+s10+$0x0] =	vst.idx.msk $0xffff, v21  }
0x1a4: {  	v39 =	vadd.s32 s7, v11;
	v24 =	vor.u32 $0x1, v19;
	v22 =	vld.idx.msk [tilespmem:v22+s2+$0x0], $0xffff;
	[tilespmem:v27+s10+$0x0] =	vst.idx.msk $0xffff, v26  }
0x1a5: {  	[tilespmem:v29+s10+$0x0] =	vst.idx.msk $0xffff, v35;
	v21 =	vmul.u32 $0x6, v28;
	v26 =	vor.u32 $0xB, v18;
	v28 =	vadd.s32 s17, v4;
	v27 =	vld.idx.msk [tilespmem:v30+s2+$0x0], $0xffff  }
0x1a6: {  	v29 =	vld.idx.msk [tilespmem:v31+s2+$0x0], $0xffff;
	[tilespmem:v53+s10+$0x0] =	vst.idx.msk $0xffff, v52;
	v30 =	vadd.s32 $0x1914, v25  }
0x1a7: {  	s23 =	simm.s32 $0x10A;
	v57 =	vadd.s32 s22, v3;
	v31 =	vadd.s32 $0x1910, v21;
	v32 =	vld.idx.msk [tilespmem:v54+s2+$0x0], $0xffff  }
0x1a8: {  	v59 =	vadd.s32 s23, v0;
	v23 =	vadd.s32 $0x1CE7, v23;
	[tilespmem:v56+s10+$0x0] =	vst.idx.msk $0xffff, v55;
	v58 =	vld.idx.msk [tilespmem:v38+s2+$0x0], $0xffff  }
0x1a9: {  	v60 =	vadd.s32 s0, v10;
	v61 =	vadd.s32 $0x19E5, v20;
	v24 =	vld.idx.msk [tilespmem:v24+s2+$0x0], $0xffff;
	[tilespmem:v39+s10+$0x0] =	vst.idx.msk $0xffff, v22  }
0x1aa: {  	v62 =	vadd.s32 s7, v12;
	v22 =	vor.u32 $0xA, v17;
	v26 =	vld.idx.msk [tilespmem:v26+s2+$0x0], $0xffff;
	[tilespmem:v28+s10+$0x0] =	vst.idx.msk $0xffff, v27  }
0x1ab: {  	s24 =	simm.s32 $0x152;
	v27 =	vor.u32 $0xC, v18;
	v28 =	vld.idx.msk [tilespmem:v30+s2+$0x0], $0xffff;
	v30 =	vadd.s32 s17, v5  }
0x1ac: {  	v63 =	vadd.s32 s24, v0;
	v25 =	vadd.s32 $0x1915, v25;
	v31 =	vld.idx.msk [tilespmem:v31+s2+$0x0], $0xffff;
	[tilespmem:v57+s10+$0x0] =	vst.idx.msk $0xffff, v32  }
0x1ad: {  	s25 =	simm.s32 $0x2A;
	v42 =	vadd.s32 s22, v4;
	v41 =	vadd.s32 $0x1911, v21;
	v23 =	vld.idx.msk [tilespmem:v23+s2+$0x0], $0xffff;
	[tilespmem:v59+s10+$0x0] =	vst.idx.msk $0xffff, v58  }
0x1ae: {  	v43 =	vadd.s32 s25, v1;
	v44 =	vadd.s32 s23, v2;
	[tilespmem:v60+s10+$0x0] =	vst.idx.msk $0xffff, v29;
	v29 =	vld.idx.msk [tilespmem:v61+s2+$0x0], $0xffff  }
0x1af: {  	v45 =	vadd.s32 s0, v11;
	v46 =	vadd.s32 $0x19E6, v20;
	v22 =	vld.idx.msk [tilespmem:v22+s2+$0x0], $0xffff;
	[tilespmem:v62+s10+$0x0] =	vst.idx.msk $0xffff, v26  }
0x1b0: {  	v47 =	vadd.s32 s7, v13;
	v26 =	vor.u32 $0xB, v17;
	v27 =	vld.idx.msk [tilespmem:v27+s2+$0x0], $0xffff;
	[tilespmem:v30+s10+$0x0] =	vst.idx.msk $0xffff, v28  }
0x1b1: {  	s26 =	simm.s32 $0xB;
	[tilespmem:v63+s10+$0x0] =	vst.idx.msk $0xffff, v31;
	v28 =	vor.u32 $0xD, v18;
	v30 =	vadd.s32 s17, v6;
	v25 =	vld.idx.msk [tilespmem:v25+s2+$0x0], $0xffff  }
0x1b2: {  	v31 =	vadd.s32 s4, v2;
	v32 =	vld.idx.msk [tilespmem:v41+s2+$0x0], $0xffff;
	[tilespmem:v42+s10+$0x0] =	vst.idx.msk $0xffff, v23;
	v23 =	vadd.s32 s26, v1  }
0x1b3: {  	v48 =	vor.u32 $0x2, v19;
	v49 =	vadd.s32 s24, v2;
	v34 =	vld.idx.msk [tilespmem:v43+s9+$0x0], $0xffff;
	[tilespmem:v44+s10+$0x0] =	vst.idx.msk $0xffff, v29  }
0x1b4: {  	v50 =	vadd.s32 s23, v3;
	[tilespmem:v45+s10+$0x0] =	vst.idx.msk $0xffff, v22;
	v22 =	vadd.s32 $0x1912, v21;
	v29 =	vld.idx.msk [tilespmem:v46+s2+$0x0], $0xffff  }
0x1b5: {  	v51 =	vadd.s32 s0, v12;
	v52 =	vadd.s32 $0x19E7, v20;
	v26 =	vld.idx.msk [tilespmem:v26+s2+$0x0], $0xffff;
	[tilespmem:v47+s10+$0x0] =	vst.idx.msk $0xffff, v27  }
0x1b6: {  	v53 =	vadd.s32 s7, v14;
	v27 =	vor.u32 $0xC, v17;
	v28 =	vld.idx.msk [tilespmem:v28+s2+$0x0], $0xffff;
	[tilespmem:v30+s10+$0x0] =	vst.idx.msk $0xffff, v25  }
0x1b7: {  	[tilespmem:v31+s10+$0x0] =	vst.idx.msk $0xffff, v24;
	v24 =	vor.u32 $0xE, v18;
	v23 =	vld.idx.msk [tilespmem:v23+s9+$0x0], $0xffff  }
0x1b8: {  	v25 =	vld.idx.msk [tilespmem:v48+s2+$0x0], $0xffff;
	v30 =	vadd.s32 s4, v3;
	[tilespmem:v49+s10+$0x0] =	vst.idx.msk $0xffff, v32;
	v20 =	vshll.u32 v34, $0x4  }
0x1b9: {  	v54 =	vadd.s32 s24, v3;
	v31 =	vor.u32 $0x3, v19;
	v22 =	vld.idx.msk [tilespmem:v22+s2+$0x0], $0xffff;
	[tilespmem:v50+s10+$0x0] =	vst.idx.msk $0xffff, v29  }
0x1ba: {  	s6 =	simm.s32 $0x39;
	v55 =	vadd.s32 s23, v4;
	[tilespmem:v51+s10+$0x0] =	vst.idx.msk $0xffff, v26;
	v26 =	vadd.s32 $0x1913, v21;
	v29 =	vld.idx.msk [tilespmem:v52+s2+$0x0], $0xffff  }
0x1bb: {  	v56 =	vadd.s32 s6, v1;
	v27 =	vld.idx.msk [tilespmem:v27+s2+$0x0], $0xffff;
	[tilespmem:v53+s10+$0x0] =	vst.idx.msk $0xffff, v28  }
0x1bc: {  	v28 =	vadd.s32 s7, v15;
	v24 =	vld.idx.msk [tilespmem:v24+s2+$0x0], $0xffff;
	v23 =	vadd.s32 $0x19DC, v23  }
0x1bd: {  	s1 =	simm.s32 $0xC6;
	v57 =	vadd.s32 s0, v13;
	v18 =	vor.u32 $0xF, v18;
	[tilespmem:v30+s10+$0x0] =	vst.idx.msk $0xffff, v25;
	v25 =	vld.idx.msk [tilespmem:v20+s2+$0x0], $0xffff  }
0x1be: {  	v58 =	vadd.s32 s1, v0;
	v30 =	vor.u32 $0xD, v17;
	v31 =	vld.idx.msk [tilespmem:v31+s2+$0x0], $0xffff;
	[tilespmem:v54+s10+$0x0] =	vst.idx.msk $0xffff, v22  }
0x1bf: {  	v59 =	vadd.s32 s24, v4;
	v22 =	vor.u32 $0x1, v20;
	v26 =	vld.idx.msk [tilespmem:v26+s2+$0x0], $0xffff;
	[tilespmem:v55+s10+$0x0] =	vst.idx.msk $0xffff, v29  }
0x1c0: {  	s11 =	simm.s32 $0x3E;
	v60 =	vadd.s32 $0x1914, v21;
	v29 =	vadd.s32 s4, v4;
	v34 =	vld.idx.msk [tilespmem:v56+s9+$0x0], $0xffff  }
0x1c1: {  	s14 =	simm.s32 $0xC;
	v61 =	vor.u32 $0x4, v19;
	[tilespmem:v28+s10+$0x0] =	vst.idx.msk $0xffff, v24;
	v24 =	vadd.s32 s11, v0;
	v23 =	vld.idx.msk [tilespmem:v23+s2+$0x0], $0xffff  }
0x1c2: {  	s15 =	simm.s32 $0x1A;
	[tilespmem:v57+s10+$0x0] =	vst.idx.msk $0xffff, v27;
	v27 =	vadd.s32 s7, v16;
	v28 =	vadd.s32 s14, v1;
	v18 =	vld.idx.msk [tilespmem:v18+s2+$0x0], $0xffff  }
0x1c3: {  	v62 =	vadd.s32 s0, v14;
	v30 =	vld.idx.msk [tilespmem:v30+s2+$0x0], $0xffff;
	[tilespmem:v58+s10+$0x0] =	vst.idx.msk $0xffff, v25;
	v25 =	vadd.s32 s15, v1  }
0x1c4: {  	v40 =	vadd.s32 s1, v2;
	v63 =	vor.u32 $0xE, v17;
	v22 =	vld.idx.msk [tilespmem:v22+s2+$0x0], $0xffff;
	[tilespmem:v59+s10+$0x0] =	vst.idx.msk $0xffff, v26  }
0x1c5: {  	v26 =	vor.u32 $0x2, v20;
	[tilespmem:v29+s10+$0x0] =	vst.idx.msk $0xffff, v31;
	v29 =	vld.idx.msk [tilespmem:v60+s2+$0x0], $0xffff;
	v31 =	vadd.s32 s24, v5  }
0x1c6: {  	v21 =	vadd.s32 $0x1915, v21;
	v41 =	vld.idx.msk [tilespmem:v61+s2+$0x0], $0xffff;
	[tilespmem:v24+s10+$0x0] =	vst.idx.msk $0xffff, v23  }
0x1c7: {  	v23 =	vshll.u32 v34, $0x2;
	[tilespmem:v27+s10+$0x0] =	vst.idx.msk $0xffff, v18;
	v18 =	vld.idx.msk [tilespmem:v28+s9+$0x0], $0xffff  }
0x1c8: {  	[tilespmem:v62+s10+$0x0] =	vst.idx.msk $0xffff, v30;
	v24 =	vadd.s32 s4, v5;
	v27 =	vadd.s32 $0x1BE4, v23;
	v25 =	vld.idx.msk [tilespmem:v25+s9+$0x0], $0xffff  }
0x1c9: {  	v30 =	vadd.s32 s0, v15;
	v28 =	vld.idx.msk [tilespmem:v63+s2+$0x0], $0xffff;
	[tilespmem:v40+s10+$0x0] =	vst.idx.msk $0xffff, v22;
	v22 =	vor.u32 $0x5, v19  }
0x1ca: {  	v17 =	vor.u32 $0xF, v17;
	v26 =	vld.idx.msk [tilespmem:v26+s2+$0x0], $0xffff;
	[tilespmem:v31+s10+$0x0] =	vst.idx.msk $0xffff, v29;
	v29 =	vadd.s32 s1, v3  }
0x1cb: {  	s16 =	simm.s32 $0x47;
	v42 =	vor.u32 $0x3, v20;
	v31 =	vadd.s32 s24, v6;
	v21 =	vld.idx.msk [tilespmem:v21+s2+$0x0], $0xffff  }
0x1cc: {  	v43 =	vadd.s32 s16, v1  }
0x1cd: {  	s17 =	simm.s32 $0x10E;
	[tilespmem:v24+s10+$0x0] =	vst.idx.msk $0xffff, v41;
	v24 =	vld.idx.msk [tilespmem:v27+s2+$0x0], $0xffff;
	v18 =	vadd.s32 $0x19E0, v18;
	v25 =	vshll.u32 v25, $0x1  }
0x1ce: {  	v22 =	vld.idx.msk [tilespmem:v22+s2+$0x0], $0xffff;
	[tilespmem:v30+s10+$0x0] =	vst.idx.msk $0xffff, v28;
	v27 =	vadd.s32 s17, v0;
	v28 =	vadd.s32 $0x1900, v25  }
0x1cf: {  	v30 =	vadd.s32 $0x1BE5, v23;
	v17 =	vld.idx.msk [tilespmem:v17+s2+$0x0], $0xffff;
	[tilespmem:v29+s10+$0x0] =	vst.idx.msk $0xffff, v26;
	v26 =	vadd.s32 s4, v6  }
0x1d0: {  	v29 =	vor.u32 $0x6, v19;
	[tilespmem:v31+s10+$0x0] =	vst.idx.msk $0xffff, v21;
	v21 =	vld.idx.msk [tilespmem:v42+s2+$0x0], $0xffff;
	v31 =	vadd.s32 s1, v4  }
0x1d1: {  	s18 =	simm.s32 $0x56;
	s19 =	simm.s32 $0x3F;
	v45 =	vadd.s32 s0, v16;
	v46 =	vor.u32 $0x4, v20;
	v44 =	vld.idx.msk [tilespmem:v43+s9+$0x0], $0xffff  }
0x1d2: {  	s20 =	simm.s32 $0xD;
	s21 =	simm.s32 $0x86;
	v47 =	vadd.s32 s18, v1;
	v48 =	vadd.s32 s19, v0;
	v18 =	vld.idx.msk [tilespmem:v18+s2+$0x0], $0xffff  }
0x1d3: {  	[tilespmem:v27+s10+$0x0] =	vst.idx.msk $0xffff, v24;
	v27 =	vadd.s32 s20, v1;
	v24 =	vld.idx.msk [tilespmem:v28+s2+$0x0], $0xffff;
	v28 =	vadd.s32 s21, v0  }
0x1d4: {  	v25 =	vadd.s32 $0x1901, v25;
	v30 =	vld.idx.msk [tilespmem:v30+s2+$0x0], $0xffff;
	[tilespmem:v26+s10+$0x0] =	vst.idx.msk $0xffff, v22;
	v22 =	vadd.s32 s17, v2  }
0x1d5: {  	v26 =	vld.idx.msk [tilespmem:v29+s2+$0x0], $0xffff;
	v29 =	vadd.s32 $0x1BE6, v23;
	[tilespmem:v31+s10+$0x0] =	vst.idx.msk $0xffff, v21  }
0x1d6: {  	[tilespmem:v45+s10+$0x0] =	vst.idx.msk $0xffff, v17;
	v31 =	vadd.s32 s1, v5;
	v17 =	vld.idx.msk [tilespmem:v46+s2+$0x0], $0xffff;
	v21 =	vadd.s32 $0x19DC, v44  }
0x1d7: {  	s22 =	simm.s32 $0x77;
	v50 =	vor.u32 $0x5, v20;
	v49 =	vld.idx.msk [tilespmem:v47+s9+$0x0], $0xffff;
	[tilespmem:v48+s10+$0x0] =	vst.idx.msk $0xffff, v18  }
0x1d8: {  	v51 =	vadd.s32 s4, v7;
	v18 =	vadd.s32 s22, v1;
	v27 =	vld.idx.msk [tilespmem:v27+s9+$0x0], $0xffff;
	[tilespmem:v28+s10+$0x0] =	vst.idx.msk $0xffff, v24  }
0x1d9: {  	s23 =	simm.s32 $0x1B;
	[tilespmem:v22+s10+$0x0] =	vst.idx.msk $0xffff, v30;
	v22 =	vor.u32 $0x7, v19;
	v24 =	vld.idx.msk [tilespmem:v25+s2+$0x0], $0xffff;
	v25 =	vadd.s32 s21, v2  }
0x1da: {  	s24 =	simm.s32 $0x158;
	v30 =	vadd.s32 s23, v1;
	v28 =	vld.idx.msk [tilespmem:v29+s2+$0x0], $0xffff;
	v29 =	vadd.s32 s17, v3  }
0x1db: {  	s25 =	simm.s32 $0x48;
	v23 =	vadd.s32 $0x1BE7, v23;
	v21 =	vld.idx.msk [tilespmem:v21+s2+$0x0], $0xffff;
	[tilespmem:v31+s10+$0x0] =	vst.idx.msk $0xffff, v17;
	v17 =	vadd.s32 s24, v0  }
0x1dc: {  	v52 =	vadd.s32 s25, v1;
	v53 =	vadd.s32 s1, v6;
	v31 =	vld.idx.msk [tilespmem:v50+s2+$0x0], $0xffff  }
0x1dd: {  	[tilespmem:v51+s10+$0x0] =	vst.idx.msk $0xffff, v26;
	v54 =	vld.idx.msk [tilespmem:v18+s9+$0x0], $0xffff;
	v18 =	vor.u32 $0x6, v20;
	v26 =	vshll.u32 v27, $0x2  }
0x1de: {  	v22 =	vld.idx.msk [tilespmem:v22+s2+$0x0], $0xffff;
	v27 =	vadd.s32 $0x19E4, v26;
	[tilespmem:v25+s10+$0x0] =	vst.idx.msk $0xffff, v24  }
0x1df: {  	[tilespmem:v29+s10+$0x0] =	vst.idx.msk $0xffff, v28;
	v24 =	vshll.u32 v49, $0x1;
	v29 =	vadd.s32 s4, v8;
	v25 =	vld.idx.msk [tilespmem:v30+s9+$0x0], $0xffff  }
0x1e0: {  	s26 =	simm.s32 $0x3A;
	v23 =	vld.idx.msk [tilespmem:v23+s2+$0x0], $0xffff;
	[tilespmem:v17+s10+$0x0] =	vst.idx.msk $0xffff, v21;
	v17 =	vadd.s32 $0x1900, v24;
	v21 =	vadd.s32 s17, v4  }
0x1e1: {  	v30 =	vadd.s32 s26, v1;
	v28 =	vld.idx.msk [tilespmem:v52+s9+$0x0], $0xffff;
	[tilespmem:v53+s10+$0x0] =	vst.idx.msk $0xffff, v31  }
0x1e2: {  	s3 =	simm.s32 $0x40;
	v55 =	vor.u32 $0x8, v19;
	v56 =	vadd.s32 s1, v7;
	v31 =	vld.idx.msk [tilespmem:v18+s2+$0x0], $0xffff  }
0x1e3: {  	v57 =	vor.u32 $0x7, v20;
	v58 =	vadd.s32 s3, v0;
	v27 =	vld.idx.msk [tilespmem:v27+s2+$0x0], $0xffff  }
0x1e4: {  	s7 =	simm.s32 $0x1A0;
	v59 =	vadd.s32 $0x19E5, v26;
	[tilespmem:v29+s10+$0x0] =	vst.idx.msk $0xffff, v22  }
0x1e5: {  	v22 =	vadd.s32 s7, v0;
	v18 =	vmul.u32 $0x6, v25;
	v25 =	vld.idx.msk [tilespmem:v17+s2+$0x0], $0xffff;
	[tilespmem:v21+s10+$0x0] =	vst.idx.msk $0xffff, v23;
	v17 =	vshll.u32 v54, $0x4  }
0x1e6: {  	v24 =	vadd.s32 $0x1901, v24;
	v21 =	vld.idx.msk [tilespmem:v30+s9+$0x0], $0xffff  }
0x1e7: {  	v29 =	vld.idx.msk [tilespmem:v55+s2+$0x0], $0xffff;
	v23 =	vadd.s32 $0x1910, v18;
	[tilespmem:v56+s10+$0x0] =	vst.idx.msk $0xffff, v31  }
0x1e8: {  	v28 =	vadd.s32 $0x19E0, v28;
	v30 =	vld.idx.msk [tilespmem:v57+s2+$0x0], $0xffff;
	[tilespmem:v58+s10+$0x0] =	vst.idx.msk $0xffff, v27;
	v27 =	vadd.s32 s4, v9  }
0x1e9: {  	v60 =	vor.u32 $0x9, v19;
	v61 =	vadd.s32 s3, v2;
	v31 =	vld.idx.msk [tilespmem:v59+s2+$0x0], $0xffff  }
0x1ea: {  	v63 =	vadd.s32 s1, v8;
	v42 =	vadd.s32 $0x19E6, v26;
	v62 =	vld.idx.msk [tilespmem:v17+s2+$0x0], $0xffff;
	[tilespmem:v22+s10+$0x0] =	vst.idx.msk $0xffff, v25  }
0x1eb: {  	s11 =	simm.s32 $0x88;
	v22 =	vshll.u32 v21, $0x2;
	v21 =	vor.u32 $0x8, v20;
	v24 =	vld.idx.msk [tilespmem:v24+s2+$0x0], $0xffff  }
0x1ec: {  	v43 =	vadd.s32 s11, v0;
	v23 =	vld.idx.msk [tilespmem:v23+s2+$0x0], $0xffff;
	v25 =	vadd.s32 $0x1CE4, v22  }
0x1ed: {  	s14 =	simm.s32 $0x57;
	s15 =	simm.s32 $0x159;
	v28 =	vld.idx.msk [tilespmem:v28+s2+$0x0], $0xffff;
	[tilespmem:v27+s10+$0x0] =	vst.idx.msk $0xffff, v29;
	v27 =	vadd.s32 s7, v2;
	v29 =	vadd.s32 $0x1911, v18  }
0x1ee: {  	s16 =	simm.s32 $0x49;
	v45 =	vadd.s32 s15, v0;
	v44 =	vadd.s32 s14, v1;
	v32 =	vld.idx.msk [tilespmem:v60+s2+$0x0], $0xffff;
	[tilespmem:v61+s10+$0x0] =	vst.idx.msk $0xffff, v31  }
0x1ef: {  	v46 =	vadd.s32 s3, v3;
	[tilespmem:v63+s10+$0x0] =	vst.idx.msk $0xffff, v30;
	v31 =	vadd.s32 s16, v1;
	v30 =	vld.idx.msk [tilespmem:v42+s2+$0x0], $0xffff  }
0x1f0: {  	v47 =	vadd.s32 s1, v9;
	v26 =	vadd.s32 $0x19E7, v26;
	s17 =	simm.s32 $0x112;
	v21 =	vld.idx.msk [tilespmem:v21+s2+$0x0], $0xffff  }
0x1f1: {  	v48 =	vor.u32 $0x9, v20;
	v25 =	vld.idx.msk [tilespmem:v25+s2+$0x0], $0xffff;
	[tilespmem:v43+s10+$0x0] =	vst.idx.msk $0xffff, v23;
	v23 =	vadd.s32 s17, v0  }
0x1f2: {  	s28 =	simm.s32 $0x230;
	[tilespmem:v27+s10+$0x0] =	vst.idx.msk $0xffff, v24;
	v24 =	vld.idx.msk [tilespmem:v29+s2+$0x0], $0xffff;
	v27 =	vadd.s32 $0x1CE5, v22;
	v29 =	vadd.s32 s11, v2  }
0x1f3: {  	v50 =	vadd.s32 $0x1912, v18;
	[tilespmem:v45+s10+$0x0] =	vst.idx.msk $0xffff, v28;
	v28 =	vadd.s32 s28, v0;
	v49 =	vld.idx.msk [tilespmem:v44+s9+$0x0], $0xffff  }
0x1f4: {  	v40 =	vadd.s32 s4, v10;
	v51 =	vor.u32 $0x1, v17;
	v31 =	vld.idx.msk [tilespmem:v31+s9+$0x0], $0xffff;
	[tilespmem:v46+s10+$0x0] =	vst.idx.msk $0xffff, v30  }
0x1f5: {  	s18 =	simm.s32 $0xE;
	v30 =	vor.u32 $0xA, v19;
	[tilespmem:v47+s10+$0x0] =	vst.idx.msk $0xffff, v21;
	v21 =	vld.idx.msk [tilespmem:v26+s2+$0x0], $0xffff;
	v26 =	vadd.s32 s3, v4  }
0x1f6: {  	v52 =	vadd.s32 s18, v1;
	[tilespmem:v23+s10+$0x0] =	vst.idx.msk $0xffff, v25;
	v23 =	vld.idx.msk [tilespmem:v48+s2+$0x0], $0xffff;
	v25 =	vadd.s32 s1, v10  }
0x1f7: {  	v27 =	vld.idx.msk [tilespmem:v27+s2+$0x0], $0xffff;
	[tilespmem:v29+s10+$0x0] =	vst.idx.msk $0xffff, v24;
	v24 =	vadd.s32 s17, v2;
	v29 =	vor.u32 $0xA, v20  }
0x1f8: {  	v54 =	vadd.s32 s11, v3;
	v53 =	vadd.s32 $0x1CE6, v22;
	[tilespmem:v28+s10+$0x0] =	vst.idx.msk $0xffff, v62;
	v28 =	vld.idx.msk [tilespmem:v50+s2+$0x0], $0xffff  }
0x1f9: {  	v55 =	vadd.s32 $0x1913, v18;
	[tilespmem:v40+s10+$0x0] =	vst.idx.msk $0xffff, v32;
	v36 =	vld.idx.msk [tilespmem:v51+s2+$0x0], $0xffff;
	v31 =	vshll.u32 v31, $0x2  }
0x1fa: {  	v56 =	vadd.s32 s4, v11;
	v30 =	vld.idx.msk [tilespmem:v30+s2+$0x0], $0xffff;
	v57 =	vadd.s32 $0x19E4, v31;
	[tilespmem:v26+s10+$0x0] =	vst.idx.msk $0xffff, v21;
	v21 =	vmul.u32 $0x6, v49  }
0x1fb: {  	v26 =	vor.u32 $0xB, v19;
	[tilespmem:v25+s10+$0x0] =	vst.idx.msk $0xffff, v23;
	v23 =	vld.idx.msk [tilespmem:v52+s9+$0x0], $0xffff  }
0x1fc: {  	[tilespmem:v24+s10+$0x0] =	vst.idx.msk $0xffff, v27;
	v24 =	vld.idx.msk [tilespmem:v29+s2+$0x0], $0xffff;
	v25 =	vadd.s32 $0x1910, v21;
	v27 =	vadd.s32 s1, v11  }
0x1fd: {  	v58 =	vor.u32 $0xB, v20;
	v29 =	vld.idx.msk [tilespmem:v53+s2+$0x0], $0xffff;
	[tilespmem:v54+s10+$0x0] =	vst.idx.msk $0xffff, v28;
	v28 =	vadd.s32 s17, v3  }
0x1fe: {  	s19 =	simm.s32 $0x15A;
	v59 =	vadd.s32 s11, v4;
	v22 =	vadd.s32 $0x1CE7, v22;
	v32 =	vld.idx.msk [tilespmem:v55+s2+$0x0], $0xffff  }
0x1ff: {  	v60 =	vadd.s32 s19, v0;
	v61 =	vadd.s32 $0x1914, v18;
	[tilespmem:v56+s10+$0x0] =	vst.idx.msk $0xffff, v30;
	v30 =	vld.idx.msk [tilespmem:v57+s2+$0x0], $0xffff  }
0x200: {  	s20 =	simm.s32 $0x1A2;
	v62 =	vadd.s32 $0x19E5, v31;
	v49 =	vadd.s32 s28, v2;
	v26 =	vld.idx.msk [tilespmem:v26+s2+$0x0], $0xffff;
	v23 =	vshll.u32 v23, $0x2  }
0x201: {  	v25 =	vld.idx.msk [tilespmem:v25+s2+$0x0], $0xffff;
	[tilespmem:v27+s10+$0x0] =	vst.idx.msk $0xffff, v24;
	v24 =	vadd.s32 $0x1BE4, v23;
	v27 =	vadd.s32 s20, v0  }
0x202: {  	v63 =	vadd.s32 s1, v12;
	v50 =	vor.u32 $0x2, v17;
	[tilespmem:v28+s10+$0x0] =	vst.idx.msk $0xffff, v29;
	v28 =	vld.idx.msk [tilespmem:v58+s2+$0x0], $0xffff  }
0x203: {  	v44 =	vadd.s32 s17, v4;
	v29 =	vadd.s32 $0x1911, v21;
	v22 =	vld.idx.msk [tilespmem:v22+s2+$0x0], $0xffff;
	[tilespmem:v59+s10+$0x0] =	vst.idx.msk $0xffff, v32  }
0x204: {  	s21 =	simm.s32 $0x3B;
	v45 =	vor.u32 $0xC, v20;
	v47 =	vadd.s32 s11, v5;
	[tilespmem:v60+s10+$0x0] =	vst.idx.msk $0xffff, v30;
	v30 =	vld.idx.msk [tilespmem:v61+s2+$0x0], $0xffff  }
0x205: {  	s22 =	simm.s32 $0x44;
	v46 =	vadd.s32 s21, v1;
	v48 =	vadd.s32 s19, v2;
	[tilespmem:v49+s10+$0x0] =	vst.idx.msk $0xffff, v36;
	v38 =	vld.idx.msk [tilespmem:v62+s2+$0x0], $0xffff  }
0x206: {  	v18 =	vadd.s32 $0x1915, v18;
	v24 =	vld.idx.msk [tilespmem:v24+s2+$0x0], $0xffff;
	[tilespmem:v27+s10+$0x0] =	vst.idx.msk $0xffff, v25;
	v27 =	vadd.s32 s22, v0  }
0x207: {  	v57 =	vadd.s32 s28, v3;
	v33 =	vld.idx.msk [tilespmem:v50+s2+$0x0], $0xffff;
	v25 =	vadd.s32 $0x19E6, v31;
	[tilespmem:v63+s10+$0x0] =	vst.idx.msk $0xffff, v28  }
0x208: {  	v53 =	vadd.s32 s20, v2;
	v58 =	vor.u32 $0x3, v17;
	v29 =	vld.idx.msk [tilespmem:v29+s2+$0x0], $0xffff;
	[tilespmem:v44+s10+$0x0] =	vst.idx.msk $0xffff, v22  }
0x209: {  	v28 =	vadd.s32 $0x1BE5, v23;
	v22 =	vadd.s32 s4, v12;
	v51 =	vld.idx.msk [tilespmem:v45+s2+$0x0], $0xffff;
	[tilespmem:v47+s10+$0x0] =	vst.idx.msk $0xffff, v30  }
0x20a: {  	v52 =	vor.u32 $0xC, v19;
	v35 =	vld.idx.msk [tilespmem:v46+s9+$0x0], $0xffff;
	v30 =	vadd.s32 s1, v13;
	[tilespmem:v48+s10+$0x0] =	vst.idx.msk $0xffff, v38  }
0x20b: {  	v54 =	vor.u32 $0xD, v20;
	v55 =	vld.idx.msk [tilespmem:v18+s2+$0x0], $0xffff;
	[tilespmem:v27+s10+$0x0] =	vst.idx.msk $0xffff, v24;
	v24 =	vadd.s32 s11, v6  }
0x20c: {  	s23 =	simm.s32 $0x1C;
	v41 =	vadd.s32 $0x1912, v21;
	[tilespmem:v57+s10+$0x0] =	vst.idx.msk $0xffff, v33;
	v25 =	vld.idx.msk [tilespmem:v25+s2+$0x0], $0xffff;
	v27 =	vadd.s32 s19, v3  }
0x20d: {  	v56 =	vadd.s32 s23, v1;
	v34 =	vld.idx.msk [tilespmem:v58+s2+$0x0], $0xffff;
	[tilespmem:v53+s10+$0x0] =	vst.idx.msk $0xffff, v29  }
0x20e: {  	v28 =	vld.idx.msk [tilespmem:v28+s2+$0x0], $0xffff;
	[tilespmem:v22+s10+$0x0] =	vst.idx.msk $0xffff, v26;
	v22 =	vadd.s32 $0x19E7, v31;
	v26 =	vadd.s32 s22, v2  }
0x20f: {  	v61 =	vadd.s32 s4, v13;
	v31 =	vld.idx.msk [tilespmem:v52+s2+$0x0], $0xffff;
	[tilespmem:v30+s10+$0x0] =	vst.idx.msk $0xffff, v51;
	v30 =	vadd.s32 $0x1BE6, v23  }
0x210: {  	v60 =	vadd.s32 s1, v14;
	v18 =	vshll.u32 v35, $0x4;
	v29 =	vld.idx.msk [tilespmem:v54+s2+$0x0], $0xffff;
	[tilespmem:v24+s10+$0x0] =	vst.idx.msk $0xffff, v55  }
0x211: {  	v59 =	vld.idx.msk [tilespmem:v41+s2+$0x0], $0xffff;
	v24 =	vadd.s32 s20, v3;
	[tilespmem:v27+s10+$0x0] =	vst.idx.msk $0xffff, v25;
	v25 =	vor.u32 $0xE, v20  }
0x212: {  	v62 =	vadd.s32 $0x1913, v21;
	v27 =	vld.idx.msk [tilespmem:v56+s9+$0x0], $0xffff  }
0x213: {  	s24 =	simm.s32 $0x4A;
	v22 =	vld.idx.msk [tilespmem:v22+s2+$0x0], $0xffff;
	[tilespmem:v26+s10+$0x0] =	vst.idx.msk $0xffff, v28;
	v26 =	vor.u32 $0xD, v19;
	v28 =	vadd.s32 s19, v4  }
0x214: {  	s31 =	simm.s32 $0x116;
	v63 =	vadd.s32 s24, v1;
	v45 =	vadd.s32 s22, v3;
	v30 =	vld.idx.msk [tilespmem:v30+s2+$0x0], $0xffff;
	[tilespmem:v61+s10+$0x0] =	vst.idx.msk $0xffff, v31  }
0x215: {  	v46 =	vadd.s32 s31, v0;
	v23 =	vadd.s32 $0x1BE7, v23;
	v44 =	vld.idx.msk [tilespmem:v18+s2+$0x0], $0xffff;
	[tilespmem:v60+s10+$0x0] =	vst.idx.msk $0xffff, v29  }
0x216: {  	v31 =	vadd.s32 s1, v15;
	[tilespmem:v24+s10+$0x0] =	vst.idx.msk $0xffff, v59;
	v24 =	vor.u32 $0x1, v18;
	v25 =	vld.idx.msk [tilespmem:v25+s2+$0x0], $0xffff  }
0x217: {  	v47 =	vadd.s32 s20, v4;
	v29 =	vld.idx.msk [tilespmem:v62+s2+$0x0], $0xffff;
	v27 =	vadd.s32 $0x19DC, v27  }
0x218: {  	v20 =	vor.u32 $0xF, v20;
	v26 =	vld.idx.msk [tilespmem:v26+s2+$0x0], $0xffff;
	[tilespmem:v28+s10+$0x0] =	vst.idx.msk $0xffff, v22;
	v22 =	vadd.s32 s28, v4  }
0x219: {  	v49 =	vadd.s32 s4, v14;
	v28 =	vadd.s32 $0x1914, v21;
	v32 =	vld.idx.msk [tilespmem:v63+s9+$0x0], $0xffff;
	[tilespmem:v45+s10+$0x0] =	vst.idx.msk $0xffff, v30  }
0x21a: {  	v48 =	vadd.s32 s22, v4;
	v30 =	vor.u32 $0x4, v17;
	[tilespmem:v46+s10+$0x0] =	vst.idx.msk $0xffff, v44;
	v23 =	vld.idx.msk [tilespmem:v23+s2+$0x0], $0xffff  }
0x21b: {  	s25 =	simm.s32 $0xF;
	v51 =	vor.u32 $0xE, v19;
	v24 =	vld.idx.msk [tilespmem:v24+s2+$0x0], $0xffff;
	[tilespmem:v31+s10+$0x0] =	vst.idx.msk $0xffff, v25  }
0x21c: {  	s26 =	simm.s32 $0x8E;
	v50 =	vadd.s32 s25, v1;
	v31 =	vadd.s32 s31, v2;
	v25 =	vld.idx.msk [tilespmem:v27+s2+$0x0], $0xffff;
	[tilespmem:v47+s10+$0x0] =	vst.idx.msk $0xffff, v29  }
0x21d: {  	s5 =	simm.s32 $0x1D;
	v53 =	vor.u32 $0x2, v18;
	v27 =	vadd.s32 s26, v0;
	v29 =	vld.idx.msk [tilespmem:v20+s2+$0x0], $0xffff;
	[tilespmem:v22+s10+$0x0] =	vst.idx.msk $0xffff, v34  }
0x21e: {  	s6 =	simm.s32 $0x2B;
	v52 =	vadd.s32 s5, v1;
	v54 =	vadd.s32 s1, v16;
	v22 =	vld.idx.msk [tilespmem:v28+s2+$0x0], $0xffff;
	[tilespmem:v49+s10+$0x0] =	vst.idx.msk $0xffff, v26  }
0x21f: {  	v28 =	vadd.s32 s20, v5;
	v30 =	vld.idx.msk [tilespmem:v30+s2+$0x0], $0xffff;
	[tilespmem:v48+s10+$0x0] =	vst.idx.msk $0xffff, v23;
	v23 =	vadd.s32 s6, v1  }
0x220: {  	v21 =	vadd.s32 $0x1915, v21;
	v55 =	vld.idx.msk [tilespmem:v51+s2+$0x0], $0xffff  }
0x221: {  	v20 =	vshll.u32 v32, $0x2;
	v26 =	vld.idx.msk [tilespmem:v50+s9+$0x0], $0xffff;
	[tilespmem:v31+s10+$0x0] =	vst.idx.msk $0xffff, v24  }
0x222: {  	[tilespmem:v27+s10+$0x0] =	vst.idx.msk $0xffff, v25;
	v25 =	vadd.s32 s28, v5;
	v27 =	vadd.s32 $0x1BE4, v20;
	v57 =	vld.idx.msk [tilespmem:v53+s2+$0x0], $0xffff  }
0x223: {  	v56 =	vadd.s32 s4, v15;
	v31 =	vor.u32 $0x5, v17;
	[tilespmem:v54+s10+$0x0] =	vst.idx.msk $0xffff, v29;
	v24 =	vld.idx.msk [tilespmem:v52+s9+$0x0], $0xffff  }
0x224: {  	[tilespmem:v28+s10+$0x0] =	vst.idx.msk $0xffff, v22;
	v22 =	vor.u32 $0xF, v19;
	v28 =	vadd.s32 s31, v3;
	v23 =	vld.idx.msk [tilespmem:v23+s9+$0x0], $0xffff  }
0x225: {  	s7 =	simm.s32 $0x58;
	v58 =	vadd.s32 s20, v6;
	v59 =	vor.u32 $0x3, v18;
	v29 =	vld.idx.msk [tilespmem:v21+s2+$0x0], $0xffff  }
0x226: {  	v60 =	vadd.s32 s7, v1;
	v19 =	vshll.u32 v26, $0x2  }
0x227: {  	s29 =	simm.s32 $0x4C;
	s3 =	simm.s32 $0x15E;
	[tilespmem:v25+s10+$0x0] =	vst.idx.msk $0xffff, v30;
	v30 =	vld.idx.msk [tilespmem:v27+s2+$0x0], $0xffff;
	v61 =	vadd.s32 $0x1CE4, v19  }
0x228: {  	s30 =	simm.s32 $0x21;
	s0 =	simm.s32 $0x10;
	s15 =	simm.s32 $0x18C;
	[tilespmem:v56+s10+$0x0] =	vst.idx.msk $0xffff, v55;
	v21 =	vld.idx.msk [tilespmem:v31+s2+$0x0], $0xffff;
	v31 =	vadd.s32 s3, v0;
	v62 =	vadd.s32 $0x19E0, v24  }
0x229: {  	s14 =	simm.s32 $0xEC;
	s18 =	simm.s32 $0x13C;
	s16 =	simm.s32 $0x1DC;
	v63 =	vadd.s32 $0x1BE5, v20;
	v22 =	vld.idx.msk [tilespmem:v22+s2+$0x0], $0xffff;
	[tilespmem:v28+s10+$0x0] =	vst.idx.msk $0xffff, v57;
	v26 =	vshll.u32 v23, $0x1  }
0x22a: {  	s21 =	simm.s32 $0x54;
	s17 =	simm.s32 $0x27C;
	s23 =	simm.s32 $0x76;
	v24 =	vadd.s32 s28, v6;
	[tilespmem:v58+s10+$0x0] =	vst.idx.msk $0xffff, v29;
	v28 =	vld.idx.msk [tilespmem:v59+s2+$0x0], $0xffff;
	v36 =	vadd.s32 $0x1900, v26  }
0x22b: {  	s25 =	simm.s32 $0x43;
	s24 =	simm.s32 $0x65;
	s11 =	simm.s32 $0x67;
	v32 =	vadd.s32 s31, v4;
	v25 =	vor.u32 $0x6, v17;
	v27 =	vld.idx.msk [tilespmem:v60+s9+$0x0], $0xffff  }
0x22c: {  	v33 =	vadd.s32 s4, v16;
	s22 =	simm.s32 $0x32;
	s5 =	simm.s32 $0x1E;
	v35 =	vor.u32 $0x4, v18;
	s7 =	simm.s32 $0x48;
	v23 =	vld.idx.msk [tilespmem:v61+s2+$0x0], $0xffff  }
0x22d: {  	v37 =	vadd.s32 s11, v1;
	s4 =	simm.s32 $0x2CC;
	s19 =	simm.s32 $0x22C;
	s26 =	simm.s32 $0x8F;
	v29 =	vadd.s32 s7, v0;
	[tilespmem:v31+s10+$0x0] =	vst.idx.msk $0xffff, v30;
	v34 =	vld.idx.msk [tilespmem:v62+s2+$0x0], $0xffff  }
0x22e: {  	s1 =	simm.s32 $0x87;
	s20 =	simm.s32 $0x9C;
	v38 =	vadd.s32 s26, v0;
	s26 =	simm.s32 $0x87;
	v30 =	vadd.s32 $0x1CE5, v19;
	v31 =	vld.idx.msk [tilespmem:v63+s2+$0x0], $0xffff  }
.LBB2_3:
0x22f: {  	p0 =	sne.s32 s4, $0x95C;
	[tilespmem:v24+s10+$0x0] =	vst.idx.msk $0xffff, v21;
	v21 =	vadd.s32 s3, v2;
	s6 =	sadd.s32 $0xFFFFFFEA, s14;
	v24 =	vld.idx.msk [tilespmem:v36+s2+$0x0], $0xffff;
	v36 =	vadd.s32 s5, v1  }
0x230: {  	v39 =	vadd.s32 $0x1BE6, v20;
	v25 =	vld.idx.msk [tilespmem:v25+s2+$0x0], $0xffff;
	[tilespmem:v32+s10+$0x0] =	vst.idx.msk $0xffff, v28;
	v28 =	vadd.s32 s6, v0  }
0x231: {  	v26 =	vadd.s32 $0x1901, v26;
	[tilespmem:v33+s10+$0x0] =	vst.idx.msk $0xffff, v22;
	v22 =	vld.idx.msk [tilespmem:v35+s2+$0x0], $0xffff  }
0x232: {  	s1 =	sadd.s32 $0x11, s1;
	v27 =	vadd.s32 $0x19DC, v27;
	v33 =	vadd.s32 s31, v5;
	v32 =	vld.idx.msk [tilespmem:v37+s9+$0x0], $0xffff;
	[tilespmem:v29+s10+$0x0] =	vst.idx.msk $0xffff, v23  }
0x233: {  	s5 =	sadd.s32 $0xFFFFFFF0, s1;
	v23 =	vor.u32 $0x5, v18;
	[tilespmem:v38+s10+$0x0] =	vst.idx.msk $0xffff, v34;
	v29 =	vld.idx.msk [tilespmem:v30+s2+$0x0], $0xffff  }
0x234: {  	v30 =	vadd.s32 s5, v1;
	[tilespmem:v21+s10+$0x0] =	vst.idx.msk $0xffff, v31;
	v21 =	vld.idx.msk [tilespmem:v36+s9+$0x0], $0xffff;
	v31 =	vadd.s32 s7, v2  }
0x235: {  	v34 =	vadd.s32 s28, v7;
	v35 =	vld.idx.msk [tilespmem:v39+s2+$0x0], $0xffff;
	[tilespmem:v28+s10+$0x0] =	vst.idx.msk $0xffff, v24;
	v24 =	vadd.s32 $0x1CE6, v19  }
0x236: {  	v36 =	vadd.s32 s3, v3;
	v28 =	vor.u32 $0x7, v17;
	v26 =	vld.idx.msk [tilespmem:v26+s2+$0x0], $0xffff  }
0x237: {  	v20 =	vadd.s32 $0x1BE7, v20;
	s5 =	sadd.s32 $0xFFFFFFCC, s16;
	v27 =	vld.idx.msk [tilespmem:v27+s2+$0x0], $0xffff;
	[tilespmem:v33+s10+$0x0] =	vst.idx.msk $0xffff, v22;
	v22 =	vadd.s32 s6, v2;
	s6 =	sadd.s32 $0xFFFFFFFA, s22  }
0x238: {  	v33 =	vadd.s32 s5, v0;
	s5 =	sadd.s32 $0xFFFFFFF4, s24;
	v23 =	vld.idx.msk [tilespmem:v23+s2+$0x0], $0xffff;
	v37 =	vadd.s32 s6, v1  }
0x239: {  	v39 =	vadd.s32 s31, v6;
	v38 =	vadd.s32 s5, v1;
	v30 =	vld.idx.msk [tilespmem:v30+s9+$0x0], $0xffff;
	[tilespmem:v31+s10+$0x0] =	vst.idx.msk $0xffff, v29  }
0x23a: {  	v29 =	vshll.u32 v21, $0x2;
	[tilespmem:v34+s10+$0x0] =	vst.idx.msk $0xffff, v25;
	v25 =	vor.u32 $0x6, v18;
	v21 =	vld.idx.msk [tilespmem:v24+s2+$0x0], $0xffff  }
0x23b: {  	v31 =	vadd.s32 s7, v3;
	v24 =	vld.idx.msk [tilespmem:v28+s2+$0x0], $0xffff;
	[tilespmem:v36+s10+$0x0] =	vst.idx.msk $0xffff, v35;
	v28 =	vadd.s32 $0x19E4, v29  }
0x23c: {  	v19 =	vadd.s32 $0x1CE7, v19;
	v20 =	vld.idx.msk [tilespmem:v20+s2+$0x0], $0xffff;
	[tilespmem:v22+s10+$0x0] =	vst.idx.msk $0xffff, v26  }
0x23d: {  	v22 =	vshll.u32 v32, $0x1;
	[tilespmem:v33+s10+$0x0] =	vst.idx.msk $0xffff, v27;
	v26 =	vld.idx.msk [tilespmem:v37+s9+$0x0], $0xffff  }
0x23e: {  	v27 =	vadd.s32 $0x1900, v22;
	v33 =	vadd.s32 s3, v4;
	s3 =	sadd.s32 $0xFFFFFFF7, s21;
	v32 =	vld.idx.msk [tilespmem:v38+s9+$0x0], $0xffff;
	[tilespmem:v39+s10+$0x0] =	vst.idx.msk $0xffff, v23  }
0x23f: {  	v23 =	vadd.s32 s28, v8;
	v34 =	vadd.s32 s3, v1;
	v25 =	vld.idx.msk [tilespmem:v25+s2+$0x0], $0xffff  }
0x240: {  	v35 =	vor.u32 $0x8, v17;
	v36 =	vadd.s32 s31, v7;
	s3 =	sadd.s32 $0xFFFFFFF4, s20;
	v28 =	vld.idx.msk [tilespmem:v28+s2+$0x0], $0xffff;
	[tilespmem:v31+s10+$0x0] =	vst.idx.msk $0xffff, v21  }
0x241: {  	v37 =	vadd.s32 s3, v0;
	v31 =	vor.u32 $0x7, v18;
	v38 =	vld.idx.msk [tilespmem:v19+s2+$0x0], $0xffff  }
0x242: {  	v40 =	vadd.s32 s7, v4;
	v39 =	vadd.s32 $0x19E5, v29  }
0x243: {  	v21 =	vmul.u32 $0x6, v26;
	v27 =	vld.idx.msk [tilespmem:v27+s2+$0x0], $0xffff;
	[tilespmem:v33+s10+$0x0] =	vst.idx.msk $0xffff, v20;
	v20 =	vadd.s32 s0, v1;
	s0 =	smov.u32 s30;
	s30 =	smov.u32 s22;
	s22 =	smov.u32 s25  }
0x244: {  	s5 =	sadd.s32 $0xFFFFFFC4, s19;
	v19 =	vshll.u32 v30, $0x4;
	s25 =	smov.u32 s21;
	s21 =	smov.u32 s24;
	[tilespmem:v23+s10+$0x0] =	vst.idx.msk $0xffff, v24;
	v23 =	vld.idx.msk [tilespmem:v34+s9+$0x0], $0xffff  }
0x245: {  	v26 =	vadd.s32 s5, v0;
	s24 =	smov.u32 s23;
	s23 =	smov.u32 s26;
	s26 =	smov.u32 s1;
	v24 =	vld.idx.msk [tilespmem:v35+s2+$0x0], $0xffff;
	[tilespmem:v36+s10+$0x0] =	vst.idx.msk $0xffff, v25;
	v25 =	vadd.s32 $0x1910, v21  }
0x246: {  	v22 =	vadd.s32 $0x1901, v22;
	v30 =	vld.idx.msk [tilespmem:v31+s2+$0x0], $0xffff;
	[tilespmem:v37+s10+$0x0] =	vst.idx.msk $0xffff, v28  }
0x247: {  	v28 =	vadd.s32 s28, v9;
	v31 =	vadd.s32 $0x19E0, v32;
	v32 =	vld.idx.msk [tilespmem:v39+s2+$0x0], $0xffff;
	[tilespmem:v40+s10+$0x0] =	vst.idx.msk $0xffff, v38  }
0x248: {  	v33 =	vor.u32 $0x9, v17;
	v34 =	vadd.s32 s3, v2;
	v20 =	vld.idx.msk [tilespmem:v20+s9+$0x0], $0xffff  }
0x249: {  	v36 =	vadd.s32 s31, v8;
	v37 =	vadd.s32 $0x19E6, v29;
	v35 =	vld.idx.msk [tilespmem:v19+s2+$0x0], $0xffff  }
0x24a: {  	s7 =	sadd.s32 $0xFFFFFFEC, s14;
	v23 =	vshll.u32 v23, $0x2;
	[tilespmem:v26+s10+$0x0] =	vst.idx.msk $0xffff, v27;
	v26 =	vor.u32 $0x8, v18;
	v25 =	vld.idx.msk [tilespmem:v25+s2+$0x0], $0xffff  }
0x24b: {  	v38 =	vadd.s32 s7, v0;
	v27 =	vadd.s32 $0x1CE4, v23;
	v22 =	vld.idx.msk [tilespmem:v22+s2+$0x0], $0xffff  }
0x24c: {  	s6 =	sadd.s32 $0xFFFFFFCD, s16;
	[tilespmem:v28+s10+$0x0] =	vst.idx.msk $0xffff, v24;
	v24 =	vadd.s32 s5, v2;
	s5 =	sadd.s32 $0xFFFFFFF2, s24;
	v28 =	vld.idx.msk [tilespmem:v31+s2+$0x0], $0xffff;
	v31 =	vadd.s32 $0x1911, v21  }
0x24d: {  	v40 =	vadd.s32 s6, v0;
	v33 =	vld.idx.msk [tilespmem:v33+s2+$0x0], $0xffff;
	v39 =	vadd.s32 s5, v1;
	s5 =	sadd.s32 $0xFFFFFFF5, s21;
	[tilespmem:v34+s10+$0x0] =	vst.idx.msk $0xffff, v32  }
0x24e: {  	v34 =	vshll.u32 v20, $0x2;
	v32 =	vadd.s32 s5, v1;
	[tilespmem:v36+s10+$0x0] =	vst.idx.msk $0xffff, v30;
	v30 =	vld.idx.msk [tilespmem:v37+s2+$0x0], $0xffff  }
0x24f: {  	v36 =	vadd.s32 $0x1EE4, v34;
	v20 =	vld.idx.msk [tilespmem:v26+s2+$0x0], $0xffff;
	v26 =	vadd.s32 s3, v3  }
0x250: {  	s6 =	sadd.s32 $0xFFFFFFD6, s15;
	v37 =	vadd.s32 s31, v9;
	v27 =	vld.idx.msk [tilespmem:v27+s2+$0x0], $0xffff;
	[tilespmem:v38+s10+$0x0] =	vst.idx.msk $0xffff, v25;
	v25 =	vadd.s32 $0x19E7, v29  }
0x251: {  	[tilespmem:v24+s10+$0x0] =	vst.idx.msk $0xffff, v22;
	v22 =	vadd.s32 s6, v0;
	v24 =	vor.u32 $0x9, v18;
	v29 =	vld.idx.msk [tilespmem:v31+s2+$0x0], $0xffff  }
0x252: {  	s11 =	sadd.s32 $0xFFFFFFB4, s4;
	v38 =	vadd.s32 s7, v2;
	v31 =	vld.idx.msk [tilespmem:v39+s9+$0x0], $0xffff;
	[tilespmem:v40+s10+$0x0] =	vst.idx.msk $0xffff, v28;
	v28 =	vadd.s32 $0x1CE5, v23  }
0x253: {  	v39 =	vadd.s32 s11, v0;
	v40 =	vadd.s32 $0x1912, v21;
	v32 =	vld.idx.msk [tilespmem:v32+s9+$0x0], $0xffff  }
0x254: {  	v42 =	vadd.s32 s28, v10;
	v41 =	vor.u32 $0x1, v19;
	[tilespmem:v26+s10+$0x0] =	vst.idx.msk $0xffff, v30;
	v26 =	vld.idx.msk [tilespmem:v36+s2+$0x0], $0xffff  }
0x255: {  	v30 =	vor.u32 $0xA, v17;
	[tilespmem:v37+s10+$0x0] =	vst.idx.msk $0xffff, v20;
	v20 =	vld.idx.msk [tilespmem:v25+s2+$0x0], $0xffff;
	v25 =	vadd.s32 s29, v0  }
0x256: {  	[tilespmem:v22+s10+$0x0] =	vst.idx.msk $0xffff, v27;
	v22 =	vld.idx.msk [tilespmem:v24+s2+$0x0], $0xffff;
	v24 =	vadd.s32 s3, v4;
	s3 =	sadd.s32 $0xFFFFFFFE, s0;
	v27 =	vadd.s32 $0x1EE5, v34  }
0x257: {  	v36 =	vadd.s32 s31, v10;
	v28 =	vld.idx.msk [tilespmem:v28+s2+$0x0], $0xffff;
	[tilespmem:v38+s10+$0x0] =	vst.idx.msk $0xffff, v29;
	v29 =	vadd.s32 s3, v1  }
0x258: {  	v37 =	vor.u32 $0xA, v18;
	[tilespmem:v39+s10+$0x0] =	vst.idx.msk $0xffff, v35;
	v35 =	vadd.s32 s6, v2;
	v38 =	vld.idx.msk [tilespmem:v40+s2+$0x0], $0xffff  }
0x259: {  	v40 =	vadd.s32 s7, v3;
	v39 =	vld.idx.msk [tilespmem:v41+s2+$0x0], $0xffff;
	[tilespmem:v42+s10+$0x0] =	vst.idx.msk $0xffff, v33;
	v33 =	vadd.s32 $0x1CE6, v23  }
0x25a: {  	v32 =	vshll.u32 v32, $0x2;
	v41 =	vadd.s32 $0x1913, v21;
	v30 =	vld.idx.msk [tilespmem:v30+s2+$0x0], $0xffff;
	[tilespmem:v25+s10+$0x0] =	vst.idx.msk $0xffff, v26  }
0x25b: {  	v25 =	vadd.s32 s28, v11;
	v26 =	vadd.s32 $0x19E4, v32;
	[tilespmem:v24+s10+$0x0] =	vst.idx.msk $0xffff, v20;
	v24 =	vld.idx.msk [tilespmem:v27+s2+$0x0], $0xffff  }
0x25c: {  	v27 =	vor.u32 $0xB, v17;
	v20 =	vmul.u32 $0x6, v31;
	[tilespmem:v36+s10+$0x0] =	vst.idx.msk $0xffff, v22;
	v22 =	vld.idx.msk [tilespmem:v29+s9+$0x0], $0xffff;
	v29 =	vadd.s32 s29, v2  }
0x25d: {  	v31 =	vadd.s32 $0x1EE6, v34;
	[tilespmem:v35+s10+$0x0] =	vst.idx.msk $0xffff, v28;
	v28 =	vld.idx.msk [tilespmem:v37+s2+$0x0], $0xffff  }
0x25e: {  	v36 =	vadd.s32 s31, v11;
	v35 =	vadd.s32 $0x1910, v20;
	v33 =	vld.idx.msk [tilespmem:v33+s2+$0x0], $0xffff;
	[tilespmem:v40+s10+$0x0] =	vst.idx.msk $0xffff, v38  }
0x25f: {  	v37 =	vadd.s32 s6, v3;
	v38 =	vor.u32 $0xB, v18;
	v40 =	vld.idx.msk [tilespmem:v41+s2+$0x0], $0xffff  }
0x260: {  	s5 =	sadd.s32 $0xFFFFFFCE, s16;
	v23 =	vadd.s32 $0x1CE7, v23;
	[tilespmem:v25+s10+$0x0] =	vst.idx.msk $0xffff, v30;
	v25 =	vld.idx.msk [tilespmem:v26+s2+$0x0], $0xffff;
	v26 =	vadd.s32 s7, v4  }
0x261: {  	v41 =	vadd.s32 $0x1914, v21;
	v30 =	vadd.s32 s5, v0;
	v27 =	vld.idx.msk [tilespmem:v27+s2+$0x0], $0xffff;
	[tilespmem:v29+s10+$0x0] =	vst.idx.msk $0xffff, v24  }
0x262: {  	v24 =	vadd.s32 s11, v2;
	v29 =	vadd.s32 $0x19E5, v32;
	v22 =	vshll.u32 v22, $0x2;
	v31 =	vld.idx.msk [tilespmem:v31+s2+$0x0], $0xffff  }
0x263: {  	s3 =	sadd.s32 $0xFFFFFFC6, s19;
	v35 =	vld.idx.msk [tilespmem:v35+s2+$0x0], $0xffff;
	[tilespmem:v36+s10+$0x0] =	vst.idx.msk $0xffff, v28;
	v28 =	vadd.s32 $0x1BE4, v22;
	v36 =	vadd.s32 s29, v3  }
0x264: {  	v42 =	vadd.s32 s3, v0;
	v34 =	vadd.s32 $0x1EE7, v34;
	[tilespmem:v37+s10+$0x0] =	vst.idx.msk $0xffff, v33;
	v33 =	vld.idx.msk [tilespmem:v38+s2+$0x0], $0xffff  }
0x265: {  	v37 =	vadd.s32 $0x1911, v20;
	v38 =	vadd.s32 s31, v12;
	v23 =	vld.idx.msk [tilespmem:v23+s2+$0x0], $0xffff;
	[tilespmem:v26+s10+$0x0] =	vst.idx.msk $0xffff, v40  }
0x266: {  	v26 =	vor.u32 $0xC, v18;
	[tilespmem:v30+s10+$0x0] =	vst.idx.msk $0xffff, v25;
	v25 =	vadd.s32 s6, v4;
	s6 =	sadd.s32 $0xFFFFFFF8, s25;
	v30 =	vld.idx.msk [tilespmem:v41+s2+$0x0], $0xffff  }
0x267: {  	[tilespmem:v24+s10+$0x0] =	vst.idx.msk $0xffff, v39;
	v24 =	vld.idx.msk [tilespmem:v29+s2+$0x0], $0xffff;
	v29 =	vadd.s32 s6, v1;
	v39 =	vadd.s32 s7, v5  }
0x268: {  	v21 =	vadd.s32 $0x1915, v21;
	v40 =	vadd.s32 s5, v2;
	s6 =	sadd.s32 $0xFFFFFFF8, s20;
	v28 =	vld.idx.msk [tilespmem:v28+s2+$0x0], $0xffff;
	[tilespmem:v36+s10+$0x0] =	vst.idx.msk $0xffff, v31  }
0x269: {  	v31 =	vadd.s32 $0x19E6, v32;
	[tilespmem:v42+s10+$0x0] =	vst.idx.msk $0xffff, v35;
	v35 =	vadd.s32 s6, v0;
	v34 =	vld.idx.msk [tilespmem:v34+s2+$0x0], $0xffff  }
0x26a: {  	v36 =	vld.idx.msk [tilespmem:v37+s2+$0x0], $0xffff;
	[tilespmem:v38+s10+$0x0] =	vst.idx.msk $0xffff, v33;
	v33 =	vadd.s32 $0x1BE5, v22;
	v37 =	vadd.s32 s29, v4;
	s29 =	smov.u32 s20;
	s20 =	smov.u32 s14;
	s14 =	smov.u32 s18  }
0x26b: {  	v41 =	vadd.s32 s28, v12;
	v38 =	vor.u32 $0x2, v19;
	s18 =	smov.u32 s15;
	s15 =	smov.u32 s16;
	s16 =	smov.u32 s19;
	[tilespmem:v25+s10+$0x0] =	vst.idx.msk $0xffff, v23;
	v23 =	vld.idx.msk [tilespmem:v26+s2+$0x0], $0xffff  }
0x26c: {  	s19 =	smov.u32 s17;
	s17 =	smov.u32 s4;
	v25 =	vor.u32 $0xC, v17;
	v26 =	vld.idx.msk [tilespmem:v29+s9+$0x0], $0xffff;
	v29 =	vadd.s32 s31, v13;
	[tilespmem:v39+s10+$0x0] =	vst.idx.msk $0xffff, v30  }
0x26d: {  	v30 =	vadd.s32 s3, v2;
	[tilespmem:v40+s10+$0x0] =	vst.idx.msk $0xffff, v24;
	v24 =	vor.u32 $0xD, v18;
	v21 =	vld.idx.msk [tilespmem:v21+s2+$0x0], $0xffff  }
0x26e: {  	v39 =	vadd.s32 $0x1912, v20;
	v40 =	vadd.s32 s7, v6;
	s7 =	sadd.s32 $0xFFFFFFFB, s30;
	v31 =	vld.idx.msk [tilespmem:v31+s2+$0x0], $0xffff;
	[tilespmem:v35+s10+$0x0] =	vst.idx.msk $0xffff, v28  }
0x26f: {  	v28 =	vadd.s32 s5, v3;
	v35 =	vadd.s32 s7, v1;
	v33 =	vld.idx.msk [tilespmem:v33+s2+$0x0], $0xffff;
	[tilespmem:v37+s10+$0x0] =	vst.idx.msk $0xffff, v34  }
0x270: {  	v34 =	vld.idx.msk [tilespmem:v38+s2+$0x0], $0xffff;
	[tilespmem:v41+s10+$0x0] =	vst.idx.msk $0xffff, v27;
	v27 =	vadd.s32 $0x19E7, v32;
	v32 =	vadd.s32 s6, v2  }
0x271: {  	v25 =	vld.idx.msk [tilespmem:v25+s2+$0x0], $0xffff;
	[tilespmem:v29+s10+$0x0] =	vst.idx.msk $0xffff, v23;
	v23 =	vadd.s32 $0x1BE6, v22  }
0x272: {  	v29 =	vadd.s32 s11, v3;
	v26 =	vshll.u32 v26, $0x4;
	[tilespmem:v30+s10+$0x0] =	vst.idx.msk $0xffff, v36;
	v24 =	vld.idx.msk [tilespmem:v24+s2+$0x0], $0xffff  }
0x273: {  	v37 =	vadd.s32 s31, v14;
	v30 =	vor.u32 $0x3, v19;
	v36 =	vld.idx.msk [tilespmem:v39+s2+$0x0], $0xffff;
	[tilespmem:v40+s10+$0x0] =	vst.idx.msk $0xffff, v21  }
0x274: {  	v21 =	vadd.s32 s3, v3;
	[tilespmem:v28+s10+$0x0] =	vst.idx.msk $0xffff, v31;
	v28 =	vor.u32 $0xE, v18;
	v31 =	vld.idx.msk [tilespmem:v35+s9+$0x0], $0xffff  }
0x275: {  	v38 =	vadd.s32 $0x1913, v20;
	v35 =	vadd.s32 s28, v13;
	v27 =	vld.idx.msk [tilespmem:v27+s2+$0x0], $0xffff;
	[tilespmem:v32+s10+$0x0] =	vst.idx.msk $0xffff, v33  }
0x276: {  	v32 =	vor.u32 $0xD, v17;
	v33 =	vadd.s32 s5, v4;
	s5 =	sadd.s32 $0xFFFFFFF6, s21;
	v23 =	vld.idx.msk [tilespmem:v23+s2+$0x0], $0xffff  }
0x277: {  	v39 =	vadd.s32 s6, v3;
	[tilespmem:v29+s10+$0x0] =	vst.idx.msk $0xffff, v34;
	v29 =	vadd.s32 s5, v1;
	s5 =	sadd.s32 $0xFFFFFFDA, s18;
	v34 =	vld.idx.msk [tilespmem:v26+s2+$0x0], $0xffff  }
0x278: {  	v22 =	vadd.s32 $0x1BE7, v22;
	v30 =	vld.idx.msk [tilespmem:v30+s2+$0x0], $0xffff;
	v40 =	vadd.s32 s5, v0;
	[tilespmem:v37+s10+$0x0] =	vst.idx.msk $0xffff, v24  }
0x279: {  	[tilespmem:v21+s10+$0x0] =	vst.idx.msk $0xffff, v36;
	v21 =	vor.u32 $0x1, v26;
	v24 =	vld.idx.msk [tilespmem:v28+s2+$0x0], $0xffff  }
0x27a: {  	v28 =	vadd.s32 s31, v15;
	v31 =	vadd.s32 $0x19DC, v31;
	[tilespmem:v35+s10+$0x0] =	vst.idx.msk $0xffff, v25;
	v25 =	vld.idx.msk [tilespmem:v38+s2+$0x0], $0xffff  }
0x27b: {  	v35 =	vadd.s32 s3, v4;
	v32 =	vld.idx.msk [tilespmem:v32+s2+$0x0], $0xffff;
	[tilespmem:v33+s10+$0x0] =	vst.idx.msk $0xffff, v27;
	v27 =	vor.u32 $0xF, v18;
	v18 =	vmov v26  }
0x27c: {  	v26 =	vadd.s32 s11, v4;
	v33 =	vadd.s32 $0x1914, v20;
	v29 =	vld.idx.msk [tilespmem:v29+s9+$0x0], $0xffff;
	[tilespmem:v39+s10+$0x0] =	vst.idx.msk $0xffff, v23  }
0x27d: {  	v36 =	vadd.s32 s28, v14;
	v23 =	vor.u32 $0x4, v19;
	[tilespmem:v40+s10+$0x0] =	vst.idx.msk $0xffff, v34;
	v22 =	vld.idx.msk [tilespmem:v22+s2+$0x0], $0xffff  }
0x27e: {  	v37 =	vadd.s32 s6, v4;
	s6 =	sadd.s32 $0xFFFFFFFF, s0;
	v34 =	vor.u32 $0xE, v17;
	v21 =	vld.idx.msk [tilespmem:v21+s2+$0x0], $0xffff  }
0x27f: {  	s7 =	sadd.s32 $0xFFFFFFF2, s20;
	v38 =	vadd.s32 s5, v2;
	[tilespmem:v28+s10+$0x0] =	vst.idx.msk $0xffff, v24;
	v24 =	vld.idx.msk [tilespmem:v31+s2+$0x0], $0xffff;
	v28 =	vadd.s32 s6, v1  }
0x280: {  	v31 =	vadd.s32 s7, v0;
	s6 =	sadd.s32 $0xFFFFFFFC, s30;
	[tilespmem:v35+s10+$0x0] =	vst.idx.msk $0xffff, v25;
	v25 =	vor.u32 $0x2, v18;
	v27 =	vld.idx.msk [tilespmem:v27+s2+$0x0], $0xffff  }
0x281: {  	s7 =	sadd.s32 $0xFFFFFFF9, s22;
	[tilespmem:v26+s10+$0x0] =	vst.idx.msk $0xffff, v30;
	v26 =	vld.idx.msk [tilespmem:v33+s2+$0x0], $0xffff;
	v30 =	vadd.s32 s31, v16;
	v33 =	vadd.s32 s6, v1;
	s31 =	smov.u32 s5  }
0x282: {  	v35 =	vadd.s32 s7, v1;
	v23 =	vld.idx.msk [tilespmem:v23+s2+$0x0], $0xffff;
	[tilespmem:v36+s10+$0x0] =	vst.idx.msk $0xffff, v32;
	v32 =	vadd.s32 s3, v5  }
0x283: {  	v36 =	vadd.s32 $0x1915, v20;
	v34 =	vld.idx.msk [tilespmem:v34+s2+$0x0], $0xffff;
	[tilespmem:v37+s10+$0x0] =	vst.idx.msk $0xffff, v22  }
0x284: {  	[tilespmem:v38+s10+$0x0] =	vst.idx.msk $0xffff, v21;
	v21 =	vld.idx.msk [tilespmem:v28+s9+$0x0], $0xffff  }
0x285: {  	v20 =	vshll.u32 v29, $0x2;
	v25 =	vld.idx.msk [tilespmem:v25+s2+$0x0], $0xffff;
	[tilespmem:v31+s10+$0x0] =	vst.idx.msk $0xffff, v24  }
0x286: {  	v22 =	vadd.s32 s11, v5;
	v24 =	vadd.s32 $0x1BE4, v20;
	[tilespmem:v30+s10+$0x0] =	vst.idx.msk $0xffff, v27;
	v27 =	vld.idx.msk [tilespmem:v33+s9+$0x0], $0xffff  }
0x287: {  	v29 =	vadd.s32 s28, v15;
	v28 =	vor.u32 $0x5, v19;
	[tilespmem:v32+s10+$0x0] =	vst.idx.msk $0xffff, v26;
	v26 =	vld.idx.msk [tilespmem:v35+s9+$0x0], $0xffff  }
0x288: {  	v30 =	vor.u32 $0xF, v17;
	v17 =	vmov v19;
	v32 =	vadd.s32 s31, v3;
	v31 =	vld.idx.msk [tilespmem:v36+s2+$0x0], $0xffff  }
0x289: {  	v33 =	vadd.s32 s3, v6;
	s3 =	sadd.s32 $0xFFFFFFF3, s24;
	v35 =	vor.u32 $0x3, v18  }
0x28a: {  	v37 =	vadd.s32 s3, v1;
	v19 =	vshll.u32 v21, $0x2  }
0x28b: {  	s3 =	sadd.s32 $0xFFFFFFD2, s15;
	[tilespmem:v22+s10+$0x0] =	vst.idx.msk $0xffff, v23;
	v38 =	vld.idx.msk [tilespmem:v24+s2+$0x0], $0xffff;
	v23 =	vadd.s32 $0x1CE4, v19  }
0x28c: {  	v21 =	vld.idx.msk [tilespmem:v28+s2+$0x0], $0xffff;
	[tilespmem:v29+s10+$0x0] =	vst.idx.msk $0xffff, v34;
	v29 =	vadd.s32 s3, v0;
	v34 =	vadd.s32 $0x19E0, v27  }
0x28d: {  	v26 =	vshll.u32 v26, $0x1;
	v22 =	vld.idx.msk [tilespmem:v30+s2+$0x0], $0xffff;
	v30 =	vadd.s32 $0x1BE5, v20;
	[tilespmem:v32+s10+$0x0] =	vst.idx.msk $0xffff, v25  }
.Ltmp0:
0x28e: {  	v24 =	vadd.s32 s11, v6;
	v36 =	vadd.s32 $0x1900, v26;
	[tilespmem:v33+s10+$0x0] =	vst.idx.msk $0xffff, v31;
	v28 =	vld.idx.msk [tilespmem:v35+s2+$0x0], $0xffff;
	(pc) =	sbr.rel @p0 .LBB2_3-.Ltmp0, $4  }
0x28f: {  	v25 =	vor.u32 $0x6, v17;
	v32 =	vadd.s32 s31, v4;
	v27 =	vld.idx.msk [tilespmem:v37+s9+$0x0], $0xffff  }
0x290: {  	s7 =	sadd.s32 $0xFFFFFFFC, s29;
	s5 =	sadd.s32 $0xFFFFFFF1, s23;
	v33 =	vadd.s32 s28, v16;
	v35 =	vor.u32 $0x4, v18;
	s28 =	smov.u32 s11;
	v23 =	vld.idx.msk [tilespmem:v23+s2+$0x0], $0xffff  }
0x291: {  	v37 =	vadd.s32 s5, v1;
	s5 =	sadd.s32 $0xFFFFFFF3, s20;
	[tilespmem:v29+s10+$0x0] =	vst.idx.msk $0xffff, v38;
	v34 =	vld.idx.msk [tilespmem:v34+s2+$0x0], $0xffff;
	v29 =	vadd.s32 s7, v0  }
0x292: {  	s4 =	sadd.s32 $0x50, s4;
	v38 =	vadd.s32 s5, v0;
	s5 =	sadd.s32 $0xFFFFFFFD, s30;
	v31 =	vld.idx.msk [tilespmem:v30+s2+$0x0], $0xffff;
	v30 =	vadd.s32 $0x1CE5, v19  }
0x293: {  	_ =	sdelay $0x1  }
0x294: {  	v39 =	vadd.s32 s5, v1;
	v41 =	vadd.s32 s3, v2  }
0x295: {  	s1 =	sadd.s32 $0xFFFFFFEA, s14;
	v54 =	vadd.s32 $0x1BE6, v20  }
0x296: {  	v36 =	vld.idx.msk [tilespmem:v36+s2+$0x0], $0xffff;
	[tilespmem:v32+s10+$0x0] =	vst.idx.msk $0xffff, v28;
	v40 =	vadd.s32 s1, v0;
	v27 =	vadd.s32 $0x19DC, v27  }
0x297: {  	v26 =	vadd.s32 $0x1901, v26;
	[tilespmem:v33+s10+$0x0] =	vst.idx.msk $0xffff, v22;
	v57 =	vadd.s32 s31, v5;
	v55 =	vld.idx.msk [tilespmem:v35+s2+$0x0], $0xffff  }
0x298: {  	v58 =	vor.u32 $0x5, v18;
	v56 =	vld.idx.msk [tilespmem:v37+s9+$0x0], $0xffff;
	[tilespmem:v38+s10+$0x0] =	vst.idx.msk $0xffff, v34  }
0x299: {  	v34 =	vld.idx.msk [tilespmem:v39+s9+$0x0], $0xffff;
	[tilespmem:v41+s10+$0x0] =	vst.idx.msk $0xffff, v31  }
0x29a: {  	v61 =	vadd.s32 s3, v3;
	s11 =	sadd.s32 $0xFFFFFFCC, s16;
	v60 =	vld.idx.msk [tilespmem:v54+s2+$0x0], $0xffff  }
0x29b: {  	s4 =	sadd.s32 $0xFFFFFFF4, s24;
	v42 =	vadd.s32 s11, v0;
	[tilespmem:v40+s10+$0x0] =	vst.idx.msk $0xffff, v36;
	v40 =	vadd.s32 $0x1BE7, v20;
	v27 =	vld.idx.msk [tilespmem:v27+s2+$0x0], $0xffff  }
0x29c: {  	s6 =	sadd.s32 $0xFFFFFFFA, s22;
	v59 =	vadd.s32 s1, v2;
	v43 =	vadd.s32 s4, v1;
	[tilespmem:v57+s10+$0x0] =	vst.idx.msk $0xffff, v55;
	v26 =	vld.idx.msk [tilespmem:v26+s2+$0x0], $0xffff  }
0x29d: {  	[tilespmem:v24+s10+$0x0] =	vst.idx.msk $0xffff, v21;
	v45 =	vadd.s32 s31, v6;
	v62 =	vadd.s32 s6, v1;
	v44 =	vld.idx.msk [tilespmem:v58+s2+$0x0], $0xffff  }
0x29e: {  	v63 =	vadd.s32 s28, v7;
	v47 =	vor.u32 $0x6, v18;
	v25 =	vld.idx.msk [tilespmem:v25+s2+$0x0], $0xffff;
	[tilespmem:v29+s10+$0x0] =	vst.idx.msk $0xffff, v23  }
0x29f: {  	v30 =	vld.idx.msk [tilespmem:v30+s2+$0x0], $0xffff;
	v41 =	vor.u32 $0x7, v17;
	v33 =	vshll.u32 v34, $0x2;
	[tilespmem:v61+s10+$0x0] =	vst.idx.msk $0xffff, v60  }
0x2a0: {  	v53 =	vadd.s32 s7, v2;
	v46 =	vadd.s32 $0x19E4, v33;
	[tilespmem:v42+s10+$0x0] =	vst.idx.msk $0xffff, v27;
	v50 =	vld.idx.msk [tilespmem:v40+s2+$0x0], $0xffff  }
0x2a1: {  	v48 =	vshll.u32 v56, $0x1;
	v55 =	vadd.s32 $0x1CE6, v19;
	[tilespmem:v59+s10+$0x0] =	vst.idx.msk $0xffff, v26;
	v22 =	vld.idx.msk [tilespmem:v43+s9+$0x0], $0xffff  }
0x2a2: {  	v52 =	vadd.s32 s3, v4;
	s5 =	sadd.s32 $0xFFFFFFF7, s21;
	v51 =	vadd.s32 $0x1900, v48;
	[tilespmem:v45+s10+$0x0] =	vst.idx.msk $0xffff, v44;
	v49 =	vld.idx.msk [tilespmem:v62+s9+$0x0], $0xffff  }
0x2a3: {  	[tilespmem:v63+s10+$0x0] =	vst.idx.msk $0xffff, v25;
	v54 =	vadd.s32 s5, v1;
	v60 =	vadd.s32 s31, v7;
	v26 =	vld.idx.msk [tilespmem:v47+s2+$0x0], $0xffff  }
0x2a4: {  	s1 =	sadd.s32 $0xFFFFFFF4, s20;
	v56 =	vadd.s32 s28, v8;
	v23 =	vld.idx.msk [tilespmem:v41+s2+$0x0], $0xffff;
	v62 =	vor.u32 $0x7, v18  }
0x2a5: {  	v57 =	vor.u32 $0x8, v17;
	[tilespmem:v53+s10+$0x0] =	vst.idx.msk $0xffff, v30;
	v59 =	vadd.s32 s1, v0;
	v58 =	vld.idx.msk [tilespmem:v46+s2+$0x0], $0xffff  }
0x2a6: {  	s4 =	sadd.s32 $0xFFFFFFC4, s19;
	v61 =	vadd.s32 $0x19E5, v33;
	v29 =	vld.idx.msk [tilespmem:v55+s2+$0x0], $0xffff  }
0x2a7: {  	v63 =	vadd.s32 s4, v0;
	v28 =	vld.idx.msk [tilespmem:v51+s2+$0x0], $0xffff;
	[tilespmem:v52+s10+$0x0] =	vst.idx.msk $0xffff, v50;
	v22 =	vadd.s32 $0x19E0, v22;
	v20 =	vmul.u32 $0x6, v49  }
0x2a8: {  	v21 =	vadd.s32 $0x1901, v48;
	v25 =	vld.idx.msk [tilespmem:v54+s9+$0x0], $0xffff;
	[tilespmem:v60+s10+$0x0] =	vst.idx.msk $0xffff, v26  }
0x2a9: {  	v45 =	vadd.s32 s31, v8;
	[tilespmem:v56+s10+$0x0] =	vst.idx.msk $0xffff, v23;
	v24 =	vld.idx.msk [tilespmem:v62+s2+$0x0], $0xffff;
	v40 =	vadd.s32 $0x1910, v20  }
0x2aa: {  	v41 =	vadd.s32 s28, v9;
	v47 =	vor.u32 $0x8, v18;
	v23 =	vld.idx.msk [tilespmem:v57+s2+$0x0], $0xffff;
	[tilespmem:v59+s10+$0x0] =	vst.idx.msk $0xffff, v58  }
0x2ab: {  	s6 =	sadd.s32 $0xFFFFFFF2, s23;
	s11 =	sadd.s32 $0xFFFFFFCD, s16;
	v43 =	vor.u32 $0x9, v17;
	v44 =	vadd.s32 s1, v2;
	v42 =	vld.idx.msk [tilespmem:v61+s2+$0x0], $0xffff  }
0x2ac: {  	v53 =	vadd.s32 s6, v1;
	s6 =	sadd.s32 $0xFFFFFFF5, s24;
	v46 =	vadd.s32 $0x19E6, v33;
	[tilespmem:v63+s10+$0x0] =	vst.idx.msk $0xffff, v28;
	v54 =	vadd.s32 s11, v0;
	v22 =	vld.idx.msk [tilespmem:v22+s2+$0x0], $0xffff  }
0x2ad: {  	s3 =	sadd.s32 $0xFFFFFFEC, s14;
	v55 =	vadd.s32 s6, v1;
	v21 =	vld.idx.msk [tilespmem:v21+s2+$0x0], $0xffff;
	v25 =	vshll.u32 v25, $0x2  }
0x2ae: {  	v50 =	vadd.s32 s3, v0;
	v49 =	vadd.s32 $0x1CE4, v25;
	[tilespmem:v45+s10+$0x0] =	vst.idx.msk $0xffff, v24;
	v48 =	vld.idx.msk [tilespmem:v40+s2+$0x0], $0xffff  }
0x2af: {  	v52 =	vadd.s32 $0x1911, v20;
	[tilespmem:v41+s10+$0x0] =	vst.idx.msk $0xffff, v23;
	v58 =	vadd.s32 s31, v9;
	v27 =	vld.idx.msk [tilespmem:v47+s2+$0x0], $0xffff  }
0x2b0: {  	v51 =	vadd.s32 s4, v2;
	v60 =	vor.u32 $0x9, v18;
	v32 =	vld.idx.msk [tilespmem:v43+s2+$0x0], $0xffff;
	[tilespmem:v44+s10+$0x0] =	vst.idx.msk $0xffff, v42  }
0x2b1: {  	v42 =	vadd.s32 s7, v3;
	[tilespmem:v54+s10+$0x0] =	vst.idx.msk $0xffff, v22;
	v56 =	vld.idx.msk [tilespmem:v46+s2+$0x0], $0xffff  }
0x2b2: {  	v19 =	vadd.s32 $0x1CE7, v19;
	v57 =	vadd.s32 s1, v3;
	s11 =	sadd.s32 $0xFFFFFFD6, s15;
	v26 =	vld.idx.msk [tilespmem:v55+s9+$0x0], $0xffff  }
0x2b3: {  	v33 =	vadd.s32 $0x19E7, v33;
	v59 =	vadd.s32 s11, v0;
	v30 =	vld.idx.msk [tilespmem:v49+s2+$0x0], $0xffff;
	[tilespmem:v50+s10+$0x0] =	vst.idx.msk $0xffff, v48  }
0x2b4: {  	v63 =	vadd.s32 s3, v2;
	v62 =	vadd.s32 $0x1CE5, v25;
	[tilespmem:v58+s10+$0x0] =	vst.idx.msk $0xffff, v27;
	v61 =	vld.idx.msk [tilespmem:v52+s2+$0x0], $0xffff  }
0x2b5: {  	v43 =	vadd.s32 $0x1912, v20;
	[tilespmem:v51+s10+$0x0] =	vst.idx.msk $0xffff, v21;
	v49 =	vadd.s32 s31, v10;
	v48 =	vld.idx.msk [tilespmem:v60+s2+$0x0], $0xffff  }
0x2b6: {  	v38 =	vld.idx.msk [tilespmem:v53+s9+$0x0], $0xffff;
	v44 =	vadd.s32 s28, v10;
	v52 =	vor.u32 $0xA, v18;
	[tilespmem:v42+s10+$0x0] =	vst.idx.msk $0xffff, v29  }
0x2b7: {  	v45 =	vor.u32 $0xA, v17;
	[tilespmem:v57+s10+$0x0] =	vst.idx.msk $0xffff, v56;
	v19 =	vld.idx.msk [tilespmem:v19+s2+$0x0], $0xffff;
	v26 =	vshll.u32 v26, $0x2  }
0x2b8: {  	s6 =	sadd.s32 $0xFFFFFFFE, s30;
	v47 =	vadd.s32 s1, v4;
	v46 =	vld.idx.msk [tilespmem:v33+s2+$0x0], $0xffff;
	[tilespmem:v59+s10+$0x0] =	vst.idx.msk $0xffff, v30;
	v57 =	vadd.s32 $0x19E4, v26  }
0x2b9: {  	v51 =	vadd.s32 s11, v2;
	v50 =	vadd.s32 s6, v1;
	v23 =	vld.idx.msk [tilespmem:v62+s2+$0x0], $0xffff;
	[tilespmem:v63+s10+$0x0] =	vst.idx.msk $0xffff, v61  }
0x2ba: {  	v53 =	vadd.s32 $0x1CE6, v25;
	v54 =	vadd.s32 s3, v3;
	[tilespmem:v49+s10+$0x0] =	vst.idx.msk $0xffff, v48;
	v22 =	vld.idx.msk [tilespmem:v43+s2+$0x0], $0xffff  }
0x2bb: {  	v55 =	vadd.s32 $0x1913, v20;
	v21 =	vmul.u32 $0x6, v38;
	[tilespmem:v44+s10+$0x0] =	vst.idx.msk $0xffff, v32;
	v62 =	vadd.s32 s31, v11;
	v60 =	vld.idx.msk [tilespmem:v52+s2+$0x0], $0xffff  }
0x2bc: {  	v40 =	vor.u32 $0xB, v18;
	v24 =	vld.idx.msk [tilespmem:v45+s2+$0x0], $0xffff  }
0x2bd: {  	s4 =	sadd.s32 $0xFFFFFFCE, s16;
	v56 =	vadd.s32 s28, v11;
	v61 =	vadd.s32 $0x1910, v21;
	[tilespmem:v47+s10+$0x0] =	vst.idx.msk $0xffff, v46;
	v42 =	vld.idx.msk [tilespmem:v57+s2+$0x0], $0xffff  }
0x2be: {  	v58 =	vor.u32 $0xB, v17;
	v43 =	vadd.s32 s4, v0;
	v59 =	vld.idx.msk [tilespmem:v50+s9+$0x0], $0xffff;
	[tilespmem:v51+s10+$0x0] =	vst.idx.msk $0xffff, v23  }
0x2bf: {  	v45 =	vadd.s32 $0x19E5, v26;
	v63 =	vadd.s32 s11, v3;
	v29 =	vld.idx.msk [tilespmem:v53+s2+$0x0], $0xffff;
	[tilespmem:v54+s10+$0x0] =	vst.idx.msk $0xffff, v22  }
0x2c0: {  	v41 =	vadd.s32 s3, v4;
	v25 =	vadd.s32 $0x1CE7, v25;
	[tilespmem:v62+s10+$0x0] =	vst.idx.msk $0xffff, v60;
	v32 =	vld.idx.msk [tilespmem:v55+s2+$0x0], $0xffff  }
0x2c1: {  	s1 =	sadd.s32 $0xFFFFFFC6, s19;
	v44 =	vadd.s32 $0x1914, v20;
	v50 =	vadd.s32 s31, v12;
	v48 =	vld.idx.msk [tilespmem:v40+s2+$0x0], $0xffff  }
0x2c2: {  	v52 =	vor.u32 $0xC, v18;
	[tilespmem:v56+s10+$0x0] =	vst.idx.msk $0xffff, v24;
	v47 =	vadd.s32 s1, v0;
	v30 =	vld.idx.msk [tilespmem:v61+s2+$0x0], $0xffff  }
0x2c3: {  	v49 =	vadd.s32 $0x1911, v21;
	v27 =	vld.idx.msk [tilespmem:v58+s2+$0x0], $0xffff;
	[tilespmem:v43+s10+$0x0] =	vst.idx.msk $0xffff, v42;
	v28 =	vshll.u32 v59, $0x2  }
0x2c4: {  	v56 =	vadd.s32 s4, v2;
	v37 =	vld.idx.msk [tilespmem:v45+s2+$0x0], $0xffff;
	v46 =	vadd.s32 $0x1BE4, v28;
	[tilespmem:v63+s10+$0x0] =	vst.idx.msk $0xffff, v29  }
0x2c5: {  	v57 =	vadd.s32 $0x19E6, v26;
	v51 =	vadd.s32 s11, v4;
	s11 =	sadd.s32 $0xFFFFFFF8, s21;
	v25 =	vld.idx.msk [tilespmem:v25+s2+$0x0], $0xffff;
	[tilespmem:v41+s10+$0x0] =	vst.idx.msk $0xffff, v32  }
0x2c6: {  	v54 =	vadd.s32 s11, v1;
	v55 =	vadd.s32 s3, v5;
	[tilespmem:v50+s10+$0x0] =	vst.idx.msk $0xffff, v48;
	v53 =	vld.idx.msk [tilespmem:v44+s2+$0x0], $0xffff  }
0x2c7: {  	v20 =	vadd.s32 $0x1915, v20;
	[tilespmem:v47+s10+$0x0] =	vst.idx.msk $0xffff, v30;
	v63 =	vadd.s32 s31, v13;
	v61 =	vld.idx.msk [tilespmem:v52+s2+$0x0], $0xffff  }
0x2c8: {  	s6 =	sadd.s32 $0xFFFFFFF8, s20;
	v45 =	vor.u32 $0xD, v18;
	v29 =	vld.idx.msk [tilespmem:v49+s2+$0x0], $0xffff;
	v44 =	vadd.s32 s1, v2  }
0x2c9: {  	v58 =	vadd.s32 s6, v0;
	v47 =	vadd.s32 $0x1912, v21;
	[tilespmem:v56+s10+$0x0] =	vst.idx.msk $0xffff, v37;
	v23 =	vld.idx.msk [tilespmem:v46+s2+$0x0], $0xffff  }
0x2ca: {  	v60 =	vadd.s32 s28, v12;
	v59 =	vadd.s32 $0x1BE5, v28;
	v30 =	vld.idx.msk [tilespmem:v57+s2+$0x0], $0xffff;
	[tilespmem:v51+s10+$0x0] =	vst.idx.msk $0xffff, v25  }
0x2cb: {  	v62 =	vor.u32 $0xC, v17;
	v50 =	vadd.s32 s4, v3;
	v35 =	vld.idx.msk [tilespmem:v54+s9+$0x0], $0xffff;
	[tilespmem:v55+s10+$0x0] =	vst.idx.msk $0xffff, v53  }
0x2cc: {  	v26 =	vadd.s32 $0x19E7, v26;
	s11 =	sadd.s32 $0xFFFFFFFB, s22;
	v48 =	vadd.s32 s3, v6;
	[tilespmem:v63+s10+$0x0] =	vst.idx.msk $0xffff, v61;
	v46 =	vld.idx.msk [tilespmem:v20+s2+$0x0], $0xffff  }
0x2cd: {  	v49 =	vadd.s32 s11, v1;
	[tilespmem:v44+s10+$0x0] =	vst.idx.msk $0xffff, v29;
	v55 =	vadd.s32 s31, v14;
	v54 =	vld.idx.msk [tilespmem:v45+s2+$0x0], $0xffff  }
0x2ce: {  	v57 =	vadd.s32 s1, v3;
	v56 =	vld.idx.msk [tilespmem:v47+s2+$0x0], $0xffff;
	[tilespmem:v58+s10+$0x0] =	vst.idx.msk $0xffff, v23;
	v58 =	vor.u32 $0xE, v18  }
0x2cf: {  	[tilespmem:v60+s10+$0x0] =	vst.idx.msk $0xffff, v27;
	v51 =	vadd.s32 s6, v2;
	v61 =	vadd.s32 $0x1913, v21;
	v22 =	vld.idx.msk [tilespmem:v59+s2+$0x0], $0xffff  }
0x2d0: {  	v52 =	vld.idx.msk [tilespmem:v62+s2+$0x0], $0xffff;
	v53 =	vadd.s32 $0x1BE6, v28;
	[tilespmem:v50+s10+$0x0] =	vst.idx.msk $0xffff, v30  }
0x2d1: {  	v60 =	vadd.s32 s28, v13;
	v26 =	vld.idx.msk [tilespmem:v26+s2+$0x0], $0xffff;
	v20 =	vshll.u32 v35, $0x4;
	[tilespmem:v48+s10+$0x0] =	vst.idx.msk $0xffff, v46  }
0x2d2: {  	v62 =	vor.u32 $0xD, v17;
	v63 =	vadd.s32 s4, v4;
	s4 =	sadd.s32 $0xFFFFFFF6, s24;
	[tilespmem:v55+s10+$0x0] =	vst.idx.msk $0xffff, v54;
	v59 =	vld.idx.msk [tilespmem:v49+s9+$0x0], $0xffff  }
0x2d3: {  	v42 =	vadd.s32 s4, v1;
	[tilespmem:v57+s10+$0x0] =	vst.idx.msk $0xffff, v56;
	v29 =	vld.idx.msk [tilespmem:v58+s2+$0x0], $0xffff;
	v49 =	vadd.s32 s31, v15  }
0x2d4: {  	v50 =	vadd.s32 s1, v4;
	v18 =	vor.u32 $0xF, v18;
	v48 =	vld.idx.msk [tilespmem:v61+s2+$0x0], $0xffff;
	[tilespmem:v51+s10+$0x0] =	vst.idx.msk $0xffff, v22  }
0x2d5: {  	v43 =	vadd.s32 s6, v3;
	s4 =	sadd.s32 $0xFFFFFFDA, s15;
	v51 =	vadd.s32 $0x1914, v21;
	v25 =	vld.idx.msk [tilespmem:v53+s2+$0x0], $0xffff  }
0x2d6: {  	[tilespmem:v60+s10+$0x0] =	vst.idx.msk $0xffff, v52;
	v45 =	vadd.s32 s4, v0;
	v46 =	vadd.s32 $0x1BE7, v28;
	v44 =	vld.idx.msk [tilespmem:v20+s2+$0x0], $0xffff  }
0x2d7: {  	v52 =	vadd.s32 s28, v14;
	v47 =	vor.u32 $0x1, v20;
	v22 =	vld.idx.msk [tilespmem:v62+s2+$0x0], $0xffff;
	[tilespmem:v63+s10+$0x0] =	vst.idx.msk $0xffff, v26  }
0x2d8: {  	s5 =	sadd.s32 $0xFFFFFFFF, s30;
	v27 =	vld.idx.msk [tilespmem:v42+s9+$0x0], $0xffff;
	v53 =	vor.u32 $0xE, v17;
	[tilespmem:v49+s10+$0x0] =	vst.idx.msk $0xffff, v29  }
0x2d9: {  	v56 =	vadd.s32 s5, v1;
	s5 =	sadd.s32 $0xFFFFFFF9, s25;
	v23 =	vadd.s32 $0x19DC, v59;
	v59 =	vadd.s32 s31, v16;
	[tilespmem:v50+s10+$0x0] =	vst.idx.msk $0xffff, v48;
	v18 =	vld.idx.msk [tilespmem:v18+s2+$0x0], $0xffff  }
0x2da: {  	v61 =	vadd.s32 s5, v1;
	v62 =	vadd.s32 s1, v5;
	v26 =	vld.idx.msk [tilespmem:v51+s2+$0x0], $0xffff;
	[tilespmem:v43+s10+$0x0] =	vst.idx.msk $0xffff, v25  }
0x2db: {  	v54 =	vadd.s32 s6, v4;
	v21 =	vadd.s32 $0x1915, v21;
	[tilespmem:v45+s10+$0x0] =	vst.idx.msk $0xffff, v44;
	v24 =	vld.idx.msk [tilespmem:v46+s2+$0x0], $0xffff  }
0x2dc: {  	v55 =	vadd.s32 s4, v2;
	[tilespmem:v52+s10+$0x0] =	vst.idx.msk $0xffff, v22;
	v28 =	vld.idx.msk [tilespmem:v47+s2+$0x0], $0xffff  }
0x2dd: {  	s6 =	sadd.s32 $0xFFFFFFF2, s14;
	v57 =	vor.u32 $0x2, v20;
	v63 =	vadd.s32 s7, v4;
	v25 =	vld.idx.msk [tilespmem:v53+s2+$0x0], $0xffff;
	v27 =	vshll.u32 v27, $0x2  }
0x2de: {  	s11 =	sadd.s32 $0xFFFFFFFC, s22;
	v58 =	vadd.s32 s6, v0;
	v40 =	vadd.s32 $0x1BE4, v27;
	v23 =	vld.idx.msk [tilespmem:v23+s2+$0x0], $0xffff;
	[tilespmem:v59+s10+$0x0] =	vst.idx.msk $0xffff, v18  }
0x2df: {  	v41 =	vadd.s32 s28, v15;
	v60 =	vadd.s32 s11, v1;
	[tilespmem:v62+s10+$0x0] =	vst.idx.msk $0xffff, v26;
	v42 =	vld.idx.msk [tilespmem:v61+s9+$0x0], $0xffff  }
0x2e0: {  	v17 =	vor.u32 $0xF, v17;
	v21 =	vld.idx.msk [tilespmem:v21+s2+$0x0], $0xffff;
	[tilespmem:v54+s10+$0x0] =	vst.idx.msk $0xffff, v24  }
0x2e1: {  	s6 =	sadd.s32 $0xFFFFFFF3, s23;
	v44 =	vadd.s32 s1, v6;
	[tilespmem:v55+s10+$0x0] =	vst.idx.msk $0xffff, v28;
	v38 =	vld.idx.msk [tilespmem:v56+s9+$0x0], $0xffff  }
0x2e2: {  	[tilespmem:v63+s10+$0x0] =	vst.idx.msk $0xffff, v19;
	v19 =	vadd.s32 s6, v1;
	v29 =	vld.idx.msk [tilespmem:v57+s2+$0x0], $0xffff  }
0x2e3: {  	v39 =	vadd.s32 s0, v1;
	s0 =	sadd.s32 $0xFFFFFFD2, s16;
	v43 =	vadd.s32 s4, v3;
	[tilespmem:v58+s10+$0x0] =	vst.idx.msk $0xffff, v23;
	v23 =	vld.idx.msk [tilespmem:v40+s2+$0x0], $0xffff  }
0x2e4: {  	v48 =	vadd.s32 s0, v0;
	v45 =	vor.u32 $0x3, v20;
	[tilespmem:v41+s10+$0x0] =	vst.idx.msk $0xffff, v25;
	v18 =	vld.idx.msk [tilespmem:v60+s9+$0x0], $0xffff  }
0x2e5: {  	s7 =	sadd.s32 $0xFFFFFFF1, s26;
	v53 =	vadd.s32 s28, v16;
	v49 =	vadd.s32 $0x1BE5, v27;
	v17 =	vld.idx.msk [tilespmem:v17+s2+$0x0], $0xffff  }
0x2e6: {  	v55 =	vadd.s32 s7, v1;
	v22 =	vshll.u32 v42, $0x1;
	[tilespmem:v44+s10+$0x0] =	vst.idx.msk $0xffff, v21  }
0x2e7: {  	v51 =	vadd.s32 $0x1900, v22;
	v19 =	vld.idx.msk [tilespmem:v19+s9+$0x0], $0xffff;
	v24 =	vshll.u32 v38, $0x2  }
0x2e8: {  	v46 =	vld.idx.msk [tilespmem:v39+s9+$0x0], $0xffff;
	[tilespmem:v43+s10+$0x0] =	vst.idx.msk $0xffff, v29;
	v47 =	vadd.s32 $0x1CE4, v24  }
0x2e9: {  	v52 =	vadd.s32 s4, v4;
	v50 =	vld.idx.msk [tilespmem:v45+s2+$0x0], $0xffff;
	[tilespmem:v48+s10+$0x0] =	vst.idx.msk $0xffff, v23;
	v18 =	vadd.s32 $0x19E0, v18  }
0x2ea: {  	v59 =	vadd.s32 s0, v2;
	v54 =	vor.u32 $0x4, v20;
	[tilespmem:v53+s10+$0x0] =	vst.idx.msk $0xffff, v17;
	v30 =	vld.idx.msk [tilespmem:v49+s2+$0x0], $0xffff  }
0x2eb: {  	s31 =	sadd.s32 $0xFFFFFFEA, s18;
	v61 =	vadd.s32 $0x1BE6, v27;
	v63 =	vld.idx.msk [tilespmem:v55+s9+$0x0], $0xffff  }
0x2ec: {  	s1 =	sadd.s32 $0xFFFFFFFC, s20;
	v62 =	vadd.s32 s31, v0;
	v26 =	vld.idx.msk [tilespmem:v51+s2+$0x0], $0xffff;
	v19 =	vadd.s32 $0x19DC, v19  }
0x2ed: {  	s11 =	sadd.s32 $0xFFFFFFF3, s14;
	v56 =	vadd.s32 s1, v0;
	v22 =	vadd.s32 $0x1901, v22;
	v33 =	vld.idx.msk [tilespmem:v47+s2+$0x0], $0xffff  }
0x2ee: {  	s28 =	sadd.s32 $0xFFFFFFFD, s22;
	v57 =	vadd.s32 s11, v0;
	v58 =	vadd.s32 $0x1CE5, v24;
	[tilespmem:v52+s10+$0x0] =	vst.idx.msk $0xffff, v50;
	v18 =	vld.idx.msk [tilespmem:v18+s2+$0x0], $0xffff  }
0x2ef: {  	v28 =	vshll.u32 v46, $0x2;
	v40 =	vadd.s32 s4, v5;
	v60 =	vadd.s32 s28, v1;
	v17 =	vld.idx.msk [tilespmem:v54+s2+$0x0], $0xffff;
	[tilespmem:v59+s10+$0x0] =	vst.idx.msk $0xffff, v30  }
0x2f0: {  	s6 =	sadd.s32 $0xFFFFFFCC, s19;
	v42 =	vadd.s32 $0x1EE4, v28;
	v47 =	vadd.s32 s0, v3;
	v45 =	vld.idx.msk [tilespmem:v61+s2+$0x0], $0xffff  }
0x2f1: {  	v27 =	vadd.s32 $0x1BE7, v27;
	v49 =	vadd.s32 s6, v0;
	[tilespmem:v62+s10+$0x0] =	vst.idx.msk $0xffff, v26;
	v19 =	vld.idx.msk [tilespmem:v19+s2+$0x0], $0xffff  }
0x2f2: {  	v41 =	vor.u32 $0x5, v20;
	s11 =	sadd.s32 $0xFFFFFFF4, s23;
	v48 =	vadd.s32 s31, v2;
	v22 =	vld.idx.msk [tilespmem:v22+s2+$0x0], $0xffff;
	[tilespmem:v56+s10+$0x0] =	vst.idx.msk $0xffff, v33  }
0x2f3: {  	s7 =	sadd.s32 $0xFFFFFFFA, s25;
	v44 =	vadd.s32 s1, v2;
	v50 =	vadd.s32 s11, v1;
	[tilespmem:v57+s10+$0x0] =	vst.idx.msk $0xffff, v18;
	v18 =	vld.idx.msk [tilespmem:v58+s2+$0x0], $0xffff  }
0x2f4: {  	[tilespmem:v40+s10+$0x0] =	vst.idx.msk $0xffff, v17;
	v17 =	vadd.s32 s7, v1;
	v43 =	vld.idx.msk [tilespmem:v60+s9+$0x0], $0xffff  }
0x2f5: {  	v46 =	vadd.s32 $0x1CE6, v24;
	v23 =	vld.idx.msk [tilespmem:v42+s2+$0x0], $0xffff;
	v29 =	vshll.u32 v63, $0x1;
	[tilespmem:v47+s10+$0x0] =	vst.idx.msk $0xffff, v45  }
0x2f6: {  	s28 =	sadd.s32 $0xFFFFFFF7, s24;
	v58 =	vadd.s32 $0x1900, v29;
	v27 =	vld.idx.msk [tilespmem:v27+s2+$0x0], $0xffff;
	[tilespmem:v49+s10+$0x0] =	vst.idx.msk $0xffff, v19;
	v19 =	vadd.s32 s0, v4  }
0x2f7: {  	v51 =	vadd.s32 s4, v6;
	v57 =	vadd.s32 s28, v1;
	v31 =	vld.idx.msk [tilespmem:v41+s2+$0x0], $0xffff;
	[tilespmem:v48+s10+$0x0] =	vst.idx.msk $0xffff, v22  }
0x2f8: {  	v32 =	vld.idx.msk [tilespmem:v50+s9+$0x0], $0xffff;
	[tilespmem:v44+s10+$0x0] =	vst.idx.msk $0xffff, v18;
	v18 =	vor.u32 $0x6, v20  }
0x2f9: {  	v17 =	vld.idx.msk [tilespmem:v17+s9+$0x0], $0xffff;
	v25 =	vshll.u32 v43, $0x2  }
0x2fa: {  	v53 =	vadd.s32 s1, v3;
	v21 =	vld.idx.msk [tilespmem:v46+s2+$0x0], $0xffff;
	v52 =	vadd.s32 $0x19E4, v25  }
0x2fb: {  	v55 =	vadd.s32 $0x1CE7, v24;
	s6 =	sadd.s32 $0xFFFFFFC4, s17;
	v54 =	vadd.s32 s29, v0;
	v41 =	vld.idx.msk [tilespmem:v58+s2+$0x0], $0xffff;
	[tilespmem:v19+s10+$0x0] =	vst.idx.msk $0xffff, v27  }
0x2fc: {  	v42 =	vadd.s32 s6, v0;
	v56 =	vadd.s32 $0x1EE5, v28;
	[tilespmem:v51+s10+$0x0] =	vst.idx.msk $0xffff, v31;
	v27 =	vld.idx.msk [tilespmem:v57+s9+$0x0], $0xffff  }
0x2fd: {  	v59 =	vadd.s32 s4, v7;
	v29 =	vadd.s32 $0x1901, v29;
	v18 =	vld.idx.msk [tilespmem:v18+s2+$0x0], $0xffff  }
0x2fe: {  	s31 =	sadd.s32 $0xFFFFFFF4, s14;
	v60 =	vor.u32 $0x7, v20  }
0x2ff: {  	v61 =	vadd.s32 s31, v0;
	v43 =	vadd.s32 $0x19E0, v32;
	[tilespmem:v53+s10+$0x0] =	vst.idx.msk $0xffff, v21;
	v26 =	vld.idx.msk [tilespmem:v52+s2+$0x0], $0xffff  }
0x300: {  	v63 =	vadd.s32 s1, v4;
	[tilespmem:v54+s10+$0x0] =	vst.idx.msk $0xffff, v23;
	v62 =	vadd.s32 $0x19E5, v25;
	v22 =	vld.idx.msk [tilespmem:v55+s2+$0x0], $0xffff  }
0x301: {  	v24 =	vld.idx.msk [tilespmem:v56+s2+$0x0], $0xffff;
	[tilespmem:v42+s10+$0x0] =	vst.idx.msk $0xffff, v41;
	v21 =	vmul.u32 $0x6, v17;
	v17 =	vadd.s32 s30, v1;
	v23 =	vshll.u32 v27, $0x2  }
0x302: {  	v40 =	vadd.s32 s29, v2;
	v29 =	vld.idx.msk [tilespmem:v29+s2+$0x0], $0xffff;
	v49 =	vadd.s32 $0x1CE4, v23;
	[tilespmem:v59+s10+$0x0] =	vst.idx.msk $0xffff, v18  }
0x303: {  	v51 =	vadd.s32 s6, v2;
	v18 =	vadd.s32 $0x1910, v21;
	v30 =	vld.idx.msk [tilespmem:v60+s2+$0x0], $0xffff  }
0x304: {  	s11 =	sadd.s32 $0xFFFFFFCD, s19;
	v46 =	vadd.s32 s4, v8;
	v19 =	vadd.s32 $0x1EE6, v28;
	[tilespmem:v61+s10+$0x0] =	vst.idx.msk $0xffff, v26;
	v26 =	vld.idx.msk [tilespmem:v43+s2+$0x0], $0xffff  }
0x305: {  	s7 =	sadd.s32 $0xFFFFFFF2, s26;
	v54 =	vadd.s32 s11, v0;
	v48 =	vor.u32 $0x8, v20;
	[tilespmem:v63+s10+$0x0] =	vst.idx.msk $0xffff, v22;
	v44 =	vld.idx.msk [tilespmem:v62+s2+$0x0], $0xffff  }
0x306: {  	s1 =	sadd.s32 $0xFFFFFFD6, s16;
	v45 =	vadd.s32 s31, v2;
	v53 =	vadd.s32 s7, v1;
	v17 =	vld.idx.msk [tilespmem:v17+s9+$0x0], $0xffff  }
0x307: {  	s28 =	sadd.s32 $0xFFFFFFF5, s23;
	s0 =	sadd.s32 $0xFFFFFFEC, s18;
	v47 =	vadd.s32 $0x19E6, v25;
	[tilespmem:v40+s10+$0x0] =	vst.idx.msk $0xffff, v24;
	v60 =	vadd.s32 s1, v0;
	v31 =	vld.idx.msk [tilespmem:v49+s2+$0x0], $0xffff  }
0x308: {  	v50 =	vadd.s32 s0, v0;
	v55 =	vadd.s32 s28, v1;
	[tilespmem:v51+s10+$0x0] =	vst.idx.msk $0xffff, v29;
	v18 =	vld.idx.msk [tilespmem:v18+s2+$0x0], $0xffff  }
0x309: {  	v19 =	vld.idx.msk [tilespmem:v19+s2+$0x0], $0xffff;
	v40 =	vadd.s32 $0x1CE5, v23;
	[tilespmem:v46+s10+$0x0] =	vst.idx.msk $0xffff, v30  }
0x30a: {  	v52 =	vadd.s32 $0x1911, v21;
	v59 =	vadd.s32 s4, v9;
	v27 =	vld.idx.msk [tilespmem:v48+s2+$0x0], $0xffff;
	[tilespmem:v54+s10+$0x0] =	vst.idx.msk $0xffff, v26  }
0x30b: {  	v61 =	vor.u32 $0x9, v20;
	v63 =	vld.idx.msk [tilespmem:v53+s9+$0x0], $0xffff;
	[tilespmem:v45+s10+$0x0] =	vst.idx.msk $0xffff, v44;
	v17 =	vshll.u32 v17, $0x2  }
0x30c: {  	v57 =	vadd.s32 s31, v3;
	v56 =	vld.idx.msk [tilespmem:v47+s2+$0x0], $0xffff;
	v58 =	vadd.s32 $0x1EE4, v17;
	[tilespmem:v60+s10+$0x0] =	vst.idx.msk $0xffff, v31  }
0x30d: {  	v62 =	vadd.s32 s29, v3;
	v22 =	vld.idx.msk [tilespmem:v55+s9+$0x0], $0xffff;
	[tilespmem:v50+s10+$0x0] =	vst.idx.msk $0xffff, v18;
	v18 =	vadd.s32 $0x19E7, v25  }
0x30e: {  	v28 =	vadd.s32 $0x1EE7, v28;
	v26 =	vld.idx.msk [tilespmem:v40+s2+$0x0], $0xffff;
	v50 =	vadd.s32 s1, v2  }
0x30f: {  	v41 =	vadd.s32 s0, v2;
	v34 =	vld.idx.msk [tilespmem:v52+s2+$0x0], $0xffff;
	v52 =	vadd.s32 $0x1CE6, v23;
	[tilespmem:v59+s10+$0x0] =	vst.idx.msk $0xffff, v27  }
0x310: {  	v42 =	vadd.s32 $0x1912, v21;
	v48 =	vadd.s32 s4, v10;
	v47 =	vld.idx.msk [tilespmem:v61+s2+$0x0], $0xffff  }
0x311: {  	v51 =	vor.u32 $0xA, v20;
	v36 =	vmul.u32 $0x6, v63;
	v44 =	vadd.s32 s20, v0;
	[tilespmem:v57+s10+$0x0] =	vst.idx.msk $0xffff, v56;
	v43 =	vld.idx.msk [tilespmem:v58+s2+$0x0], $0xffff  }
0x312: {  	v45 =	vadd.s32 s31, v4;
	[tilespmem:v62+s10+$0x0] =	vst.idx.msk $0xffff, v19;
	v46 =	vadd.s32 $0x1EE5, v17;
	v18 =	vld.idx.msk [tilespmem:v18+s2+$0x0], $0xffff  }
0x313: {  	v55 =	vadd.s32 s29, v4;
	v28 =	vld.idx.msk [tilespmem:v28+s2+$0x0], $0xffff;
	v54 =	vadd.s32 $0x1910, v36;
	[tilespmem:v50+s10+$0x0] =	vst.idx.msk $0xffff, v26  }
0x314: {  	v63 =	vadd.s32 s1, v3;
	v39 =	vshll.u32 v22, $0x2;
	[tilespmem:v41+s10+$0x0] =	vst.idx.msk $0xffff, v34;
	v62 =	vld.idx.msk [tilespmem:v52+s2+$0x0], $0xffff  }
0x315: {  	s30 =	sadd.s32 $0xFFFFFFFE, s22;
	v53 =	vadd.s32 s0, v3;
	v57 =	vadd.s32 $0x19E4, v39;
	v37 =	vld.idx.msk [tilespmem:v42+s2+$0x0], $0xffff;
	[tilespmem:v48+s10+$0x0] =	vst.idx.msk $0xffff, v47  }
0x316: {  	v49 =	vadd.s32 s30, v1;
	v61 =	vadd.s32 s4, v11;
	[tilespmem:v44+s10+$0x0] =	vst.idx.msk $0xffff, v43;
	v59 =	vld.idx.msk [tilespmem:v51+s2+$0x0], $0xffff  }
0x317: {  	s31 =	sadd.s32 $0xFFFFFFC6, s17;
	v56 =	vadd.s32 $0x1913, v21;
	v58 =	vadd.s32 s20, v2;
	[tilespmem:v45+s10+$0x0] =	vst.idx.msk $0xffff, v18;
	v18 =	vld.idx.msk [tilespmem:v46+s2+$0x0], $0xffff  }
0x318: {  	v60 =	vadd.s32 $0x1EE6, v17;
	v38 =	vadd.s32 s31, v0;
	v24 =	vld.idx.msk [tilespmem:v54+s2+$0x0], $0xffff;
	[tilespmem:v55+s10+$0x0] =	vst.idx.msk $0xffff, v28  }
0x319: {  	v40 =	vadd.s32 $0x1911, v36;
	[tilespmem:v63+s10+$0x0] =	vst.idx.msk $0xffff, v62  }
0x31a: {  	v27 =	vld.idx.msk [tilespmem:v57+s2+$0x0], $0xffff;
	[tilespmem:v53+s10+$0x0] =	vst.idx.msk $0xffff, v37  }
0x31b: {  	v19 =	vld.idx.msk [tilespmem:v49+s9+$0x0], $0xffff;
	[tilespmem:v61+s10+$0x0] =	vst.idx.msk $0xffff, v59  }
0x31c: {  	v22 =	vld.idx.msk [tilespmem:v56+s2+$0x0], $0xffff;
	[tilespmem:v58+s10+$0x0] =	vst.idx.msk $0xffff, v18  }
0x31d: {  	v18 =	vld.idx.msk [tilespmem:v60+s2+$0x0], $0xffff;
	[tilespmem:v38+s10+$0x0] =	vst.idx.msk $0xffff, v24  }
0x31e: {  	v41 =	vadd.s32 s31, v2;
	v24 =	vld.idx.msk [tilespmem:v40+s2+$0x0], $0xffff  }
0x31f: {  	v42 =	vadd.s32 $0x1912, v36;
	_ =	sdelay $0x3  }
0x320: {  	[tilespmem:v41+s10+$0x0] =	vst.idx.msk $0xffff, v24  }
0x321: {  	v43 =	vadd.s32 s31, v3;
	v24 =	vld.idx.msk [tilespmem:v42+s2+$0x0], $0xffff  }
0x322: {  	v44 =	vadd.s32 $0x1913, v36;
	_ =	sdelay $0x3  }
0x323: {  	[tilespmem:v43+s10+$0x0] =	vst.idx.msk $0xffff, v24  }
0x324: {  	v45 =	vadd.s32 s31, v4;
	v24 =	vld.idx.msk [tilespmem:v44+s2+$0x0], $0xffff  }
0x325: {  	v46 =	vadd.s32 $0x1914, v36;
	_ =	sdelay $0x3  }
0x326: {  	[tilespmem:v45+s10+$0x0] =	vst.idx.msk $0xffff, v24  }
0x327: {  	v47 =	vadd.s32 s31, v5;
	v24 =	vld.idx.msk [tilespmem:v46+s2+$0x0], $0xffff  }
0x328: {  	v48 =	vadd.s32 $0x1915, v36;
	_ =	sdelay $0x3  }
0x329: {  	[tilespmem:v47+s10+$0x0] =	vst.idx.msk $0xffff, v24  }
0x32a: {  	s5 =	sadd.s32 $0xFFFFFFF3, s26;
	v49 =	vadd.s32 s31, v6;
	v24 =	vld.idx.msk [tilespmem:v48+s2+$0x0], $0xffff  }
0x32b: {  	v50 =	vadd.s32 s5, v1;
	_ =	sdelay $0x3  }
0x32c: {  	[tilespmem:v49+s10+$0x0] =	vst.idx.msk $0xffff, v24  }
0x32d: {  	v24 =	vld.idx.msk [tilespmem:v50+s9+$0x0], $0xffff;
	_ =	sdelay $0x4  }
0x32e: {  	v24 =	vadd.s32 $0x19DC, v24;
	_ =	sdelay $0x3  }
0x32f: {  	s6 =	sadd.s32 $0xFFFFFFCC, s17  }
0x330: {  	s7 =	sadd.s32 $0xFFFFFFF4, s26;
	v51 =	vadd.s32 s6, v0;
	v24 =	vld.idx.msk [tilespmem:v24+s2+$0x0], $0xffff  }
0x331: {  	v52 =	vadd.s32 s7, v1;
	_ =	sdelay $0x3  }
0x332: {  	[tilespmem:v51+s10+$0x0] =	vst.idx.msk $0xffff, v24  }
0x333: {  	v24 =	vld.idx.msk [tilespmem:v52+s9+$0x0], $0xffff;
	_ =	sdelay $0x4  }
0x334: {  	v24 =	vadd.s32 $0x19E0, v24;
	_ =	sdelay $0x3  }
0x335: {  	s11 =	sadd.s32 $0xFFFFFFCD, s17  }
0x336: {  	s28 =	sadd.s32 $0xFFFFFFF5, s26;
	v53 =	vadd.s32 s11, v0;
	v24 =	vld.idx.msk [tilespmem:v24+s2+$0x0], $0xffff  }
0x337: {  	v54 =	vadd.s32 s28, v1;
	_ =	sdelay $0x3  }
0x338: {  	[tilespmem:v53+s10+$0x0] =	vst.idx.msk $0xffff, v24  }
0x339: {  	v24 =	vld.idx.msk [tilespmem:v54+s9+$0x0], $0xffff;
	_ =	sdelay $0x4  }
0x33a: {  	v24 =	vshll.u32 v24, $0x2  }
0x33b: {  	v55 =	vadd.s32 $0x19E4, v24;
	_ =	sdelay $0x1  }
0x33c: {  	s29 =	sadd.s32 $0xFFFFFFCE, s19  }
0x33d: {  	v56 =	vadd.s32 s29, v0  }
0x33e: {  	s30 =	sadd.s32 $0xFFFFFFCE, s17;
	v57 =	vadd.s32 $0x19E5, v39  }
0x33f: {  	v58 =	vadd.s32 s30, v0;
	v25 =	vld.idx.msk [tilespmem:v55+s2+$0x0], $0xffff  }
0x340: {  	v59 =	vadd.s32 $0x19E5, v24;
	_ =	sdelay $0x1  }
0x341: {  	[tilespmem:v56+s10+$0x0] =	vst.idx.msk $0xffff, v27  }
0x342: {  	v60 =	vadd.s32 s29, v2;
	v26 =	vld.idx.msk [tilespmem:v57+s2+$0x0], $0xffff  }
0x343: {  	v61 =	vadd.s32 $0x19E6, v39;
	[tilespmem:v58+s10+$0x0] =	vst.idx.msk $0xffff, v25  }
0x344: {  	v63 =	vadd.s32 s30, v2;
	v62 =	vld.idx.msk [tilespmem:v59+s2+$0x0], $0xffff  }
0x345: {  	v33 =	vadd.s32 $0x19E6, v24;
	_ =	sdelay $0x1  }
0x346: {  	[tilespmem:v60+s10+$0x0] =	vst.idx.msk $0xffff, v26  }
0x347: {  	v34 =	vadd.s32 s29, v3;
	v25 =	vld.idx.msk [tilespmem:v61+s2+$0x0], $0xffff  }
0x348: {  	v35 =	vadd.s32 $0x19E7, v39;
	[tilespmem:v63+s10+$0x0] =	vst.idx.msk $0xffff, v62  }
0x349: {  	v36 =	vadd.s32 s30, v3;
	v28 =	vld.idx.msk [tilespmem:v33+s2+$0x0], $0xffff  }
0x34a: {  	v24 =	vadd.s32 $0x19E7, v24;
	_ =	sdelay $0x1  }
0x34b: {  	[tilespmem:v34+s10+$0x0] =	vst.idx.msk $0xffff, v25  }
0x34c: {  	s31 =	sadd.s32 $0xFFFFFFF6, s23;
	v37 =	vadd.s32 s29, v4;
	v25 =	vld.idx.msk [tilespmem:v35+s2+$0x0], $0xffff  }
0x34d: {  	v38 =	vadd.s32 s31, v1;
	[tilespmem:v36+s10+$0x0] =	vst.idx.msk $0xffff, v28  }
0x34e: {  	s6 =	sadd.s32 $0xFFFFFFF6, s26;
	v39 =	vadd.s32 s30, v4;
	v24 =	vld.idx.msk [tilespmem:v24+s2+$0x0], $0xffff  }
0x34f: {  	v40 =	vadd.s32 s6, v1;
	_ =	sdelay $0x1  }
0x350: {  	[tilespmem:v37+s10+$0x0] =	vst.idx.msk $0xffff, v25  }
0x351: {  	v25 =	vld.idx.msk [tilespmem:v38+s9+$0x0], $0xffff  }
0x352: {  	[tilespmem:v39+s10+$0x0] =	vst.idx.msk $0xffff, v24  }
0x353: {  	v24 =	vld.idx.msk [tilespmem:v40+s9+$0x0], $0xffff;
	_ =	sdelay $0x2  }
0x354: {  	v25 =	vshll.u32 v25, $0x2  }
0x355: {  	v41 =	vadd.s32 $0x1BE4, v25  }
0x356: {  	v24 =	vshll.u32 v24, $0x2  }
0x357: {  	v42 =	vadd.s32 $0x1BE4, v24;
	_ =	sdelay $0x1  }
0x358: {  	s7 =	sadd.s32 $0xFFFFFFD2, s19  }
0x359: {  	v43 =	vadd.s32 s7, v0;
	v26 =	vld.idx.msk [tilespmem:v41+s2+$0x0], $0xffff  }
0x35a: {  	s11 =	sadd.s32 $0xFFFFFFD2, s17;
	v44 =	vadd.s32 $0x1BE5, v25  }
0x35b: {  	v45 =	vadd.s32 s11, v0;
	v27 =	vld.idx.msk [tilespmem:v42+s2+$0x0], $0xffff  }
0x35c: {  	v46 =	vadd.s32 $0x1BE5, v24;
	_ =	sdelay $0x1  }
0x35d: {  	[tilespmem:v43+s10+$0x0] =	vst.idx.msk $0xffff, v26  }
0x35e: {  	v47 =	vadd.s32 s7, v2;
	v26 =	vld.idx.msk [tilespmem:v44+s2+$0x0], $0xffff  }
0x35f: {  	v48 =	vadd.s32 $0x1BE6, v25;
	[tilespmem:v45+s10+$0x0] =	vst.idx.msk $0xffff, v27  }
0x360: {  	v50 =	vadd.s32 s11, v2;
	v49 =	vld.idx.msk [tilespmem:v46+s2+$0x0], $0xffff  }
0x361: {  	v51 =	vadd.s32 $0x1BE6, v24;
	_ =	sdelay $0x1  }
0x362: {  	[tilespmem:v47+s10+$0x0] =	vst.idx.msk $0xffff, v26  }
0x363: {  	v52 =	vadd.s32 s7, v3;
	v26 =	vld.idx.msk [tilespmem:v48+s2+$0x0], $0xffff  }
0x364: {  	v25 =	vadd.s32 $0x1BE7, v25;
	[tilespmem:v50+s10+$0x0] =	vst.idx.msk $0xffff, v49  }
0x365: {  	v54 =	vadd.s32 s11, v3;
	v53 =	vld.idx.msk [tilespmem:v51+s2+$0x0], $0xffff  }
0x366: {  	v24 =	vadd.s32 $0x1BE7, v24;
	_ =	sdelay $0x1  }
0x367: {  	[tilespmem:v52+s10+$0x0] =	vst.idx.msk $0xffff, v26  }
0x368: {  	s28 =	sadd.s32 $0xFFFFFFF7, s23;
	v55 =	vadd.s32 s7, v4;
	v25 =	vld.idx.msk [tilespmem:v25+s2+$0x0], $0xffff  }
0x369: {  	v56 =	vadd.s32 s28, v1;
	[tilespmem:v54+s10+$0x0] =	vst.idx.msk $0xffff, v53  }
0x36a: {  	s29 =	sadd.s32 $0xFFFFFFF7, s26;
	v57 =	vadd.s32 s11, v4;
	v24 =	vld.idx.msk [tilespmem:v24+s2+$0x0], $0xffff  }
0x36b: {  	v58 =	vadd.s32 s29, v1;
	_ =	sdelay $0x1  }
0x36c: {  	[tilespmem:v55+s10+$0x0] =	vst.idx.msk $0xffff, v25  }
0x36d: {  	v25 =	vld.idx.msk [tilespmem:v56+s9+$0x0], $0xffff  }
0x36e: {  	[tilespmem:v57+s10+$0x0] =	vst.idx.msk $0xffff, v24  }
0x36f: {  	v24 =	vld.idx.msk [tilespmem:v58+s9+$0x0], $0xffff;
	_ =	sdelay $0x2  }
0x370: {  	v25 =	vshll.u32 v25, $0x2  }
0x371: {  	v59 =	vadd.s32 $0x1CE4, v25  }
0x372: {  	v24 =	vshll.u32 v24, $0x2  }
0x373: {  	v60 =	vadd.s32 $0x1CE4, v24;
	_ =	sdelay $0x1  }
0x374: {  	s30 =	sadd.s32 $0xFFFFFFD6, s19  }
0x375: {  	v61 =	vadd.s32 s30, v0;
	v26 =	vld.idx.msk [tilespmem:v59+s2+$0x0], $0xffff  }
0x376: {  	s31 =	sadd.s32 $0xFFFFFFD6, s17;
	v62 =	vadd.s32 $0x1CE5, v25  }
0x377: {  	v63 =	vadd.s32 s31, v0;
	v27 =	vld.idx.msk [tilespmem:v60+s2+$0x0], $0xffff  }
0x378: {  	v33 =	vadd.s32 $0x1CE5, v24;
	_ =	sdelay $0x1  }
0x379: {  	[tilespmem:v61+s10+$0x0] =	vst.idx.msk $0xffff, v26  }
0x37a: {  	v34 =	vadd.s32 s30, v2;
	v26 =	vld.idx.msk [tilespmem:v62+s2+$0x0], $0xffff  }
0x37b: {  	v35 =	vadd.s32 $0x1CE6, v25;
	[tilespmem:v63+s10+$0x0] =	vst.idx.msk $0xffff, v27  }
0x37c: {  	v37 =	vadd.s32 s31, v2;
	v36 =	vld.idx.msk [tilespmem:v33+s2+$0x0], $0xffff  }
0x37d: {  	v38 =	vadd.s32 $0x1CE6, v24;
	_ =	sdelay $0x1  }
0x37e: {  	[tilespmem:v34+s10+$0x0] =	vst.idx.msk $0xffff, v26  }
0x37f: {  	v23 =	vadd.s32 $0x1CE7, v23;
	v39 =	vadd.s32 s30, v3;
	v26 =	vld.idx.msk [tilespmem:v35+s2+$0x0], $0xffff  }
0x380: {  	v25 =	vadd.s32 $0x1CE7, v25;
	[tilespmem:v37+s10+$0x0] =	vst.idx.msk $0xffff, v36  }
0x381: {  	v41 =	vadd.s32 s31, v3;
	v40 =	vld.idx.msk [tilespmem:v38+s2+$0x0], $0xffff  }
0x382: {  	v24 =	vadd.s32 $0x1CE7, v24;
	_ =	sdelay $0x1  }
0x383: {  	v23 =	vld.idx.msk [tilespmem:v23+s2+$0x0], $0xffff;
	s6 =	sadd.s32 $0xFFFFFFF8, s24;
	v42 =	vadd.s32 s1, v4;
	[tilespmem:v39+s10+$0x0] =	vst.idx.msk $0xffff, v26  }
0x384: {  	s7 =	sadd.s32 $0xFFFFFFF8, s23;
	v43 =	vadd.s32 s6, v1;
	v44 =	vadd.s32 s30, v4;
	v25 =	vld.idx.msk [tilespmem:v25+s2+$0x0], $0xffff  }
0x385: {  	v45 =	vadd.s32 s7, v1;
	[tilespmem:v41+s10+$0x0] =	vst.idx.msk $0xffff, v40  }
0x386: {  	s11 =	sadd.s32 $0xFFFFFFF8, s26;
	v46 =	vadd.s32 s31, v4;
	v24 =	vld.idx.msk [tilespmem:v24+s2+$0x0], $0xffff  }
0x387: {  	v47 =	vadd.s32 s11, v1  }
0x388: {  	[tilespmem:v42+s10+$0x0] =	vst.idx.msk $0xffff, v23  }
0x389: {  	v23 =	vld.idx.msk [tilespmem:v43+s9+$0x0], $0xffff;
	[tilespmem:v44+s10+$0x0] =	vst.idx.msk $0xffff, v25  }
0x38a: {  	v48 =	vld.idx.msk [tilespmem:v45+s9+$0x0], $0xffff  }
0x38b: {  	[tilespmem:v46+s10+$0x0] =	vst.idx.msk $0xffff, v24  }
0x38c: {  	v49 =	vld.idx.msk [tilespmem:v47+s9+$0x0], $0xffff;
	_ =	sdelay $0x1  }
0x38d: {  	v25 =	vshll.u32 v23, $0x4  }
0x38e: {  	v24 =	vshll.u32 v48, $0x4;
	_ =	sdelay $0x1  }
0x38f: {  	v23 =	vshll.u32 v49, $0x4  }
0x390: {  	s28 =	sadd.s32 $0xFFFFFFDA, s16  }
0x391: {  	s29 =	sadd.s32 $0xFFFFFFDA, s19;
	v51 =	vadd.s32 s28, v0;
	v50 =	vld.idx.msk [tilespmem:v25+s2+$0x0], $0xffff  }
0x392: {  	v54 =	vadd.s32 s29, v0;
	v52 =	vor.u32 $0x1, v25;
	v53 =	vld.idx.msk [tilespmem:v24+s2+$0x0], $0xffff  }
0x393: {  	s30 =	sadd.s32 $0xFFFFFFDA, s17;
	v55 =	vor.u32 $0x1, v24  }
0x394: {  	v57 =	vadd.s32 s30, v0;
	v56 =	vld.idx.msk [tilespmem:v23+s2+$0x0], $0xffff  }
0x395: {  	v58 =	vor.u32 $0x1, v23  }
0x396: {  	[tilespmem:v51+s10+$0x0] =	vst.idx.msk $0xffff, v50  }
0x397: {  	v59 =	vadd.s32 s28, v2;
	v26 =	vld.idx.msk [tilespmem:v52+s2+$0x0], $0xffff;
	[tilespmem:v54+s10+$0x0] =	vst.idx.msk $0xffff, v53  }
0x398: {  	v61 =	vadd.s32 s29, v2;
	v60 =	vor.u32 $0x2, v25;
	v29 =	vld.idx.msk [tilespmem:v55+s2+$0x0], $0xffff  }
0x399: {  	v62 =	vor.u32 $0x2, v24;
	[tilespmem:v57+s10+$0x0] =	vst.idx.msk $0xffff, v56  }
0x39a: {  	v63 =	vadd.s32 s30, v2;
	v32 =	vld.idx.msk [tilespmem:v58+s2+$0x0], $0xffff  }
0x39b: {  	v36 =	vor.u32 $0x2, v23  }
0x39c: {  	[tilespmem:v59+s10+$0x0] =	vst.idx.msk $0xffff, v26  }
0x39d: {  	v37 =	vadd.s32 s28, v3;
	v26 =	vld.idx.msk [tilespmem:v60+s2+$0x0], $0xffff;
	[tilespmem:v61+s10+$0x0] =	vst.idx.msk $0xffff, v29  }
0x39e: {  	v39 =	vadd.s32 s29, v3;
	v38 =	vor.u32 $0x3, v25;
	v29 =	vld.idx.msk [tilespmem:v62+s2+$0x0], $0xffff  }
0x39f: {  	v40 =	vor.u32 $0x3, v24;
	[tilespmem:v63+s10+$0x0] =	vst.idx.msk $0xffff, v32  }
0x3a0: {  	v41 =	vadd.s32 s30, v3;
	v32 =	vld.idx.msk [tilespmem:v36+s2+$0x0], $0xffff  }
0x3a1: {  	v42 =	vor.u32 $0x3, v23  }
0x3a2: {  	[tilespmem:v37+s10+$0x0] =	vst.idx.msk $0xffff, v26  }
0x3a3: {  	v43 =	vadd.s32 s28, v4;
	v26 =	vld.idx.msk [tilespmem:v38+s2+$0x0], $0xffff;
	[tilespmem:v39+s10+$0x0] =	vst.idx.msk $0xffff, v29  }
0x3a4: {  	v44 =	vor.u32 $0x4, v25;
	v45 =	vadd.s32 s29, v4;
	v29 =	vld.idx.msk [tilespmem:v40+s2+$0x0], $0xffff  }
0x3a5: {  	v46 =	vor.u32 $0x4, v24;
	[tilespmem:v41+s10+$0x0] =	vst.idx.msk $0xffff, v32  }
0x3a6: {  	v47 =	vadd.s32 s30, v4;
	v32 =	vld.idx.msk [tilespmem:v42+s2+$0x0], $0xffff  }
0x3a7: {  	v48 =	vor.u32 $0x4, v23  }
0x3a8: {  	[tilespmem:v43+s10+$0x0] =	vst.idx.msk $0xffff, v26  }
0x3a9: {  	v49 =	vadd.s32 s28, v5;
	v26 =	vld.idx.msk [tilespmem:v44+s2+$0x0], $0xffff;
	[tilespmem:v45+s10+$0x0] =	vst.idx.msk $0xffff, v29  }
0x3aa: {  	v50 =	vor.u32 $0x5, v25;
	v51 =	vadd.s32 s29, v5;
	v29 =	vld.idx.msk [tilespmem:v46+s2+$0x0], $0xffff  }
0x3ab: {  	v52 =	vor.u32 $0x5, v24;
	[tilespmem:v47+s10+$0x0] =	vst.idx.msk $0xffff, v32  }
0x3ac: {  	v53 =	vadd.s32 s30, v5;
	v32 =	vld.idx.msk [tilespmem:v48+s2+$0x0], $0xffff  }
0x3ad: {  	v54 =	vor.u32 $0x5, v23  }
0x3ae: {  	[tilespmem:v49+s10+$0x0] =	vst.idx.msk $0xffff, v26  }
0x3af: {  	v55 =	vadd.s32 s28, v6;
	v26 =	vld.idx.msk [tilespmem:v50+s2+$0x0], $0xffff;
	[tilespmem:v51+s10+$0x0] =	vst.idx.msk $0xffff, v29  }
0x3b0: {  	v56 =	vor.u32 $0x6, v25;
	v57 =	vadd.s32 s29, v6;
	v29 =	vld.idx.msk [tilespmem:v52+s2+$0x0], $0xffff  }
0x3b1: {  	v58 =	vor.u32 $0x6, v24;
	[tilespmem:v53+s10+$0x0] =	vst.idx.msk $0xffff, v32  }
0x3b2: {  	v59 =	vadd.s32 s30, v6;
	v32 =	vld.idx.msk [tilespmem:v54+s2+$0x0], $0xffff  }
0x3b3: {  	v60 =	vor.u32 $0x6, v23  }
0x3b4: {  	[tilespmem:v55+s10+$0x0] =	vst.idx.msk $0xffff, v26  }
0x3b5: {  	v61 =	vadd.s32 s28, v7;
	v26 =	vld.idx.msk [tilespmem:v56+s2+$0x0], $0xffff;
	[tilespmem:v57+s10+$0x0] =	vst.idx.msk $0xffff, v29  }
0x3b6: {  	v62 =	vor.u32 $0x7, v25;
	v63 =	vadd.s32 s29, v7;
	v29 =	vld.idx.msk [tilespmem:v58+s2+$0x0], $0xffff  }
0x3b7: {  	v36 =	vor.u32 $0x7, v24;
	[tilespmem:v59+s10+$0x0] =	vst.idx.msk $0xffff, v32  }
0x3b8: {  	v37 =	vadd.s32 s30, v7;
	v32 =	vld.idx.msk [tilespmem:v60+s2+$0x0], $0xffff  }
0x3b9: {  	v38 =	vor.u32 $0x7, v23  }
0x3ba: {  	[tilespmem:v61+s10+$0x0] =	vst.idx.msk $0xffff, v26  }
0x3bb: {  	v39 =	vadd.s32 s28, v8;
	v26 =	vld.idx.msk [tilespmem:v62+s2+$0x0], $0xffff;
	[tilespmem:v63+s10+$0x0] =	vst.idx.msk $0xffff, v29  }
0x3bc: {  	v40 =	vor.u32 $0x8, v25;
	v41 =	vadd.s32 s29, v8;
	v29 =	vld.idx.msk [tilespmem:v36+s2+$0x0], $0xffff  }
0x3bd: {  	v42 =	vor.u32 $0x8, v24;
	[tilespmem:v37+s10+$0x0] =	vst.idx.msk $0xffff, v32  }
0x3be: {  	v43 =	vadd.s32 s30, v8;
	v32 =	vld.idx.msk [tilespmem:v38+s2+$0x0], $0xffff  }
0x3bf: {  	v44 =	vor.u32 $0x8, v23  }
0x3c0: {  	[tilespmem:v39+s10+$0x0] =	vst.idx.msk $0xffff, v26  }
0x3c1: {  	v45 =	vadd.s32 s28, v9;
	v26 =	vld.idx.msk [tilespmem:v40+s2+$0x0], $0xffff;
	[tilespmem:v41+s10+$0x0] =	vst.idx.msk $0xffff, v29  }
0x3c2: {  	v46 =	vor.u32 $0x9, v25;
	v47 =	vadd.s32 s29, v9;
	v29 =	vld.idx.msk [tilespmem:v42+s2+$0x0], $0xffff  }
0x3c3: {  	v48 =	vor.u32 $0x9, v24;
	[tilespmem:v43+s10+$0x0] =	vst.idx.msk $0xffff, v32  }
0x3c4: {  	v49 =	vadd.s32 s30, v9;
	v32 =	vld.idx.msk [tilespmem:v44+s2+$0x0], $0xffff  }
0x3c5: {  	v50 =	vor.u32 $0x9, v23  }
0x3c6: {  	[tilespmem:v45+s10+$0x0] =	vst.idx.msk $0xffff, v26  }
0x3c7: {  	v51 =	vadd.s32 s28, v10;
	v26 =	vld.idx.msk [tilespmem:v46+s2+$0x0], $0xffff;
	[tilespmem:v47+s10+$0x0] =	vst.idx.msk $0xffff, v29  }
0x3c8: {  	v52 =	vor.u32 $0xA, v25;
	v53 =	vadd.s32 s29, v10;
	v29 =	vld.idx.msk [tilespmem:v48+s2+$0x0], $0xffff  }
0x3c9: {  	v54 =	vor.u32 $0xA, v24;
	[tilespmem:v49+s10+$0x0] =	vst.idx.msk $0xffff, v32  }
0x3ca: {  	v55 =	vadd.s32 s30, v10;
	v32 =	vld.idx.msk [tilespmem:v50+s2+$0x0], $0xffff  }
0x3cb: {  	v56 =	vor.u32 $0xA, v23  }
0x3cc: {  	[tilespmem:v51+s10+$0x0] =	vst.idx.msk $0xffff, v26  }
0x3cd: {  	v57 =	vor.u32 $0xB, v20;
	v58 =	vadd.s32 s28, v11;
	v27 =	vld.idx.msk [tilespmem:v52+s2+$0x0], $0xffff;
	[tilespmem:v53+s10+$0x0] =	vst.idx.msk $0xffff, v29  }
0x3ce: {  	v59 =	vor.u32 $0xB, v25;
	v60 =	vadd.s32 s29, v11;
	v30 =	vld.idx.msk [tilespmem:v54+s2+$0x0], $0xffff  }
0x3cf: {  	v61 =	vor.u32 $0xB, v24;
	[tilespmem:v55+s10+$0x0] =	vst.idx.msk $0xffff, v32  }
0x3d0: {  	v62 =	vadd.s32 s30, v11;
	v33 =	vld.idx.msk [tilespmem:v56+s2+$0x0], $0xffff  }
0x3d1: {  	v63 =	vor.u32 $0xB, v23  }
0x3d2: {  	v40 =	vadd.s32 s4, v12;
	v26 =	vld.idx.msk [tilespmem:v57+s2+$0x0], $0xffff;
	[tilespmem:v58+s10+$0x0] =	vst.idx.msk $0xffff, v27  }
0x3d3: {  	v41 =	vor.u32 $0xC, v20;
	v42 =	vadd.s32 s28, v12;
	v28 =	vld.idx.msk [tilespmem:v59+s2+$0x0], $0xffff;
	[tilespmem:v60+s10+$0x0] =	vst.idx.msk $0xffff, v30  }
0x3d4: {  	v43 =	vor.u32 $0xC, v25;
	v44 =	vadd.s32 s29, v12;
	v31 =	vld.idx.msk [tilespmem:v61+s2+$0x0], $0xffff  }
0x3d5: {  	v45 =	vor.u32 $0xC, v24;
	[tilespmem:v62+s10+$0x0] =	vst.idx.msk $0xffff, v33  }
0x3d6: {  	v46 =	vadd.s32 s30, v12;
	v34 =	vld.idx.msk [tilespmem:v63+s2+$0x0], $0xffff  }
0x3d7: {  	v47 =	vor.u32 $0xC, v23;
	[tilespmem:v40+s10+$0x0] =	vst.idx.msk $0xffff, v26  }
0x3d8: {  	v48 =	vadd.s32 s4, v13;
	v26 =	vld.idx.msk [tilespmem:v41+s2+$0x0], $0xffff;
	[tilespmem:v42+s10+$0x0] =	vst.idx.msk $0xffff, v28  }
0x3d9: {  	v49 =	vor.u32 $0xD, v20;
	v50 =	vadd.s32 s28, v13;
	v29 =	vld.idx.msk [tilespmem:v43+s2+$0x0], $0xffff;
	[tilespmem:v44+s10+$0x0] =	vst.idx.msk $0xffff, v31  }
0x3da: {  	v51 =	vor.u32 $0xD, v25;
	v52 =	vadd.s32 s29, v13;
	v32 =	vld.idx.msk [tilespmem:v45+s2+$0x0], $0xffff  }
0x3db: {  	v53 =	vor.u32 $0xD, v24;
	[tilespmem:v46+s10+$0x0] =	vst.idx.msk $0xffff, v34  }
0x3dc: {  	v54 =	vadd.s32 s30, v13;
	v35 =	vld.idx.msk [tilespmem:v47+s2+$0x0], $0xffff  }
0x3dd: {  	[tilespmem:v48+s10+$0x0] =	vst.idx.msk $0xffff, v26;
	v55 =	vor.u32 $0xD, v23  }
0x3de: {  	v26 =	vld.idx.msk [tilespmem:v49+s2+$0x0], $0xffff;
	v56 =	vadd.s32 s4, v14;
	[tilespmem:v50+s10+$0x0] =	vst.idx.msk $0xffff, v29  }
0x3df: {  	v57 =	vor.u32 $0xE, v20;
	v58 =	vadd.s32 s28, v14;
	v29 =	vld.idx.msk [tilespmem:v51+s2+$0x0], $0xffff;
	[tilespmem:v52+s10+$0x0] =	vst.idx.msk $0xffff, v32  }
0x3e0: {  	v59 =	vor.u32 $0xE, v25;
	v60 =	vadd.s32 s29, v14;
	v32 =	vld.idx.msk [tilespmem:v53+s2+$0x0], $0xffff  }
0x3e1: {  	v61 =	vor.u32 $0xE, v24;
	[tilespmem:v54+s10+$0x0] =	vst.idx.msk $0xffff, v35  }
0x3e2: {  	v62 =	vadd.s32 s30, v14;
	v35 =	vld.idx.msk [tilespmem:v55+s2+$0x0], $0xffff  }
0x3e3: {  	[tilespmem:v56+s10+$0x0] =	vst.idx.msk $0xffff, v26;
	v63 =	vor.u32 $0xE, v23  }
0x3e4: {  	v39 =	vadd.s32 s4, v15;
	v26 =	vld.idx.msk [tilespmem:v57+s2+$0x0], $0xffff;
	[tilespmem:v58+s10+$0x0] =	vst.idx.msk $0xffff, v29  }
0x3e5: {  	v41 =	vadd.s32 s28, v15;
	v20 =	vor.u32 $0xF, v20;
	v40 =	vld.idx.msk [tilespmem:v59+s2+$0x0], $0xffff;
	[tilespmem:v60+s10+$0x0] =	vst.idx.msk $0xffff, v32  }
0x3e6: {  	v25 =	vor.u32 $0xF, v25;
	v43 =	vadd.s32 s29, v15;
	v42 =	vld.idx.msk [tilespmem:v61+s2+$0x0], $0xffff  }
0x3e7: {  	v24 =	vor.u32 $0xF, v24;
	[tilespmem:v62+s10+$0x0] =	vst.idx.msk $0xffff, v35  }
0x3e8: {  	v45 =	vadd.s32 s30, v15;
	v44 =	vld.idx.msk [tilespmem:v63+s2+$0x0], $0xffff  }
0x3e9: {  	v23 =	vor.u32 $0xF, v23;
	[tilespmem:v39+s10+$0x0] =	vst.idx.msk $0xffff, v26  }
0x3ea: {  	s31 =	sadd.s32 $0xFFFFFFF9, s21;
	v46 =	vadd.s32 s4, v16;
	v20 =	vld.idx.msk [tilespmem:v20+s2+$0x0], $0xffff;
	[tilespmem:v41+s10+$0x0] =	vst.idx.msk $0xffff, v40  }
0x3eb: {  	s5 =	sadd.s32 $0xFFFFFFF9, s24;
	v48 =	vadd.s32 s28, v16;
	v47 =	vadd.s32 s31, v1;
	v25 =	vld.idx.msk [tilespmem:v25+s2+$0x0], $0xffff;
	[tilespmem:v43+s10+$0x0] =	vst.idx.msk $0xffff, v42  }
0x3ec: {  	s6 =	sadd.s32 $0xFFFFFFF9, s23;
	v49 =	vadd.s32 s5, v1;
	v50 =	vadd.s32 s29, v16;
	v24 =	vld.idx.msk [tilespmem:v24+s2+$0x0], $0xffff  }
0x3ed: {  	v51 =	vadd.s32 s6, v1;
	[tilespmem:v45+s10+$0x0] =	vst.idx.msk $0xffff, v44  }
0x3ee: {  	s7 =	sadd.s32 $0xFFFFFFF9, s26;
	v52 =	vadd.s32 s30, v16;
	v23 =	vld.idx.msk [tilespmem:v23+s2+$0x0], $0xffff  }
0x3ef: {  	v53 =	vadd.s32 s7, v1;
	[tilespmem:v46+s10+$0x0] =	vst.idx.msk $0xffff, v20  }
0x3f0: {  	v20 =	vld.idx.msk [tilespmem:v47+s9+$0x0], $0xffff;
	[tilespmem:v48+s10+$0x0] =	vst.idx.msk $0xffff, v25  }
0x3f1: {  	v25 =	vld.idx.msk [tilespmem:v49+s9+$0x0], $0xffff;
	[tilespmem:v50+s10+$0x0] =	vst.idx.msk $0xffff, v24  }
0x3f2: {  	v24 =	vld.idx.msk [tilespmem:v51+s9+$0x0], $0xffff  }
0x3f3: {  	[tilespmem:v52+s10+$0x0] =	vst.idx.msk $0xffff, v23  }
0x3f4: {  	v23 =	vld.idx.msk [tilespmem:v53+s9+$0x0], $0xffff  }
0x3f5: {  	v20 =	vshll.u32 v20, $0x1  }
0x3f6: {  	v54 =	vadd.s32 $0x1900, v20;
	v25 =	vshll.u32 v25, $0x1  }
0x3f7: {  	v55 =	vadd.s32 $0x1900, v25;
	v24 =	vshll.u32 v24, $0x1  }
0x3f8: {  	v56 =	vadd.s32 $0x1900, v24  }
0x3f9: {  	v23 =	vshll.u32 v23, $0x1  }
0x3fa: {  	s11 =	sadd.s32 $0xFFFFFFEA, s15;
	v57 =	vadd.s32 $0x1900, v23  }
0x3fb: {  	s28 =	sadd.s32 $0xFFFFFFEA, s16;
	v58 =	vadd.s32 s11, v0;
	v26 =	vld.idx.msk [tilespmem:v54+s2+$0x0], $0xffff  }
0x3fc: {  	s29 =	sadd.s32 $0xFFFFFFEA, s19;
	v59 =	vadd.s32 s28, v0;
	v20 =	vadd.s32 $0x1901, v20;
	v27 =	vld.idx.msk [tilespmem:v55+s2+$0x0], $0xffff  }
0x3fd: {  	v60 =	vadd.s32 s29, v0;
	v25 =	vadd.s32 $0x1901, v25;
	v28 =	vld.idx.msk [tilespmem:v56+s2+$0x0], $0xffff  }
0x3fe: {  	s30 =	sadd.s32 $0xFFFFFFEA, s17;
	v24 =	vadd.s32 $0x1901, v24  }
0x3ff: {  	v61 =	vadd.s32 s30, v0;
	v29 =	vld.idx.msk [tilespmem:v57+s2+$0x0], $0xffff  }
0x400: {  	[tilespmem:v58+s10+$0x0] =	vst.idx.msk $0xffff, v26;
	v23 =	vadd.s32 $0x1901, v23  }
0x401: {  	s31 =	sadd.s32 $0xFFFFFFFA, s21;
	v62 =	vadd.s32 s11, v2;
	v20 =	vld.idx.msk [tilespmem:v20+s2+$0x0], $0xffff;
	[tilespmem:v59+s10+$0x0] =	vst.idx.msk $0xffff, v27  }
0x402: {  	s3 =	sadd.s32 $0xFFFFFFFA, s24;
	v36 =	vadd.s32 s28, v2;
	v63 =	vadd.s32 s31, v1;
	v25 =	vld.idx.msk [tilespmem:v25+s2+$0x0], $0xffff;
	[tilespmem:v60+s10+$0x0] =	vst.idx.msk $0xffff, v28  }
0x403: {  	v37 =	vadd.s32 s3, v1;
	v38 =	vadd.s32 s29, v2;
	s6 =	sadd.s32 $0xFFFFFFFA, s23;
	v24 =	vld.idx.msk [tilespmem:v24+s2+$0x0], $0xffff  }
0x404: {  	v39 =	vadd.s32 s6, v1;
	[tilespmem:v61+s10+$0x0] =	vst.idx.msk $0xffff, v29  }
0x405: {  	s7 =	sadd.s32 $0xFFFFFFFA, s26;
	v40 =	vadd.s32 s30, v2;
	v23 =	vld.idx.msk [tilespmem:v23+s2+$0x0], $0xffff  }
0x406: {  	v41 =	vadd.s32 s7, v1;
	[tilespmem:v62+s10+$0x0] =	vst.idx.msk $0xffff, v20  }
0x407: {  	v20 =	vld.idx.msk [tilespmem:v63+s9+$0x0], $0xffff;
	[tilespmem:v36+s10+$0x0] =	vst.idx.msk $0xffff, v25  }
0x408: {  	v25 =	vld.idx.msk [tilespmem:v37+s9+$0x0], $0xffff;
	[tilespmem:v38+s10+$0x0] =	vst.idx.msk $0xffff, v24  }
0x409: {  	v24 =	vld.idx.msk [tilespmem:v39+s9+$0x0], $0xffff  }
0x40a: {  	[tilespmem:v40+s10+$0x0] =	vst.idx.msk $0xffff, v23  }
0x40b: {  	v23 =	vld.idx.msk [tilespmem:v41+s9+$0x0], $0xffff  }
0x40c: {  	v20 =	vmul.u32 $0x6, v20  }
0x40d: {  	v25 =	vmul.u32 $0x6, v25  }
0x40e: {  	v42 =	vadd.s32 $0x1910, v20;
	v24 =	vmul.u32 $0x6, v24  }
0x40f: {  	v43 =	vadd.s32 $0x1910, v25  }
0x410: {  	v44 =	vadd.s32 $0x1910, v24;
	v23 =	vmul.u32 $0x6, v23;
	_ =	sdelay $0x1  }
0x411: {  	s11 =	sadd.s32 $0xFFFFFFEC, s15;
	v45 =	vadd.s32 $0x1910, v23  }
0x412: {  	s28 =	sadd.s32 $0xFFFFFFEC, s16;
	v46 =	vadd.s32 s11, v0;
	v26 =	vld.idx.msk [tilespmem:v42+s2+$0x0], $0xffff  }
0x413: {  	s29 =	sadd.s32 $0xFFFFFFEC, s19;
	v48 =	vadd.s32 s28, v0;
	v47 =	vadd.s32 $0x1911, v20;
	v27 =	vld.idx.msk [tilespmem:v43+s2+$0x0], $0xffff  }
0x414: {  	v50 =	vadd.s32 s29, v0;
	v49 =	vadd.s32 $0x1911, v25;
	v28 =	vld.idx.msk [tilespmem:v44+s2+$0x0], $0xffff  }
0x415: {  	s30 =	sadd.s32 $0xFFFFFFEC, s17;
	v51 =	vadd.s32 $0x1911, v24  }
0x416: {  	v52 =	vadd.s32 s30, v0;
	v29 =	vld.idx.msk [tilespmem:v45+s2+$0x0], $0xffff  }
0x417: {  	[tilespmem:v46+s10+$0x0] =	vst.idx.msk $0xffff, v26;
	v53 =	vadd.s32 $0x1911, v23  }
0x418: {  	v54 =	vadd.s32 s11, v2;
	v26 =	vld.idx.msk [tilespmem:v47+s2+$0x0], $0xffff;
	[tilespmem:v48+s10+$0x0] =	vst.idx.msk $0xffff, v27  }
0x419: {  	v57 =	vadd.s32 s28, v2;
	v55 =	vadd.s32 $0x1912, v20;
	v56 =	vld.idx.msk [tilespmem:v49+s2+$0x0], $0xffff;
	[tilespmem:v50+s10+$0x0] =	vst.idx.msk $0xffff, v28  }
0x41a: {  	v60 =	vadd.s32 s29, v2;
	v58 =	vadd.s32 $0x1912, v25;
	v59 =	vld.idx.msk [tilespmem:v51+s2+$0x0], $0xffff  }
0x41b: {  	v61 =	vadd.s32 $0x1912, v24;
	[tilespmem:v52+s10+$0x0] =	vst.idx.msk $0xffff, v29  }
0x41c: {  	v63 =	vadd.s32 s30, v2;
	v62 =	vld.idx.msk [tilespmem:v53+s2+$0x0], $0xffff  }
0x41d: {  	[tilespmem:v54+s10+$0x0] =	vst.idx.msk $0xffff, v26;
	v40 =	vadd.s32 $0x1912, v23  }
0x41e: {  	v41 =	vadd.s32 s11, v3;
	v26 =	vld.idx.msk [tilespmem:v55+s2+$0x0], $0xffff;
	[tilespmem:v57+s10+$0x0] =	vst.idx.msk $0xffff, v56  }
0x41f: {  	v42 =	vadd.s32 $0x1913, v20;
	v43 =	vadd.s32 s28, v3;
	v28 =	vld.idx.msk [tilespmem:v58+s2+$0x0], $0xffff;
	[tilespmem:v60+s10+$0x0] =	vst.idx.msk $0xffff, v59  }
0x420: {  	v44 =	vadd.s32 $0x1913, v25;
	v45 =	vadd.s32 s29, v3;
	v29 =	vld.idx.msk [tilespmem:v61+s2+$0x0], $0xffff  }
0x421: {  	v46 =	vadd.s32 $0x1913, v24;
	[tilespmem:v63+s10+$0x0] =	vst.idx.msk $0xffff, v62  }
0x422: {  	v47 =	vadd.s32 s30, v3;
	v35 =	vld.idx.msk [tilespmem:v40+s2+$0x0], $0xffff  }
0x423: {  	v49 =	vadd.s32 s0, v4;
	v48 =	vadd.s32 $0x1913, v23;
	[tilespmem:v41+s10+$0x0] =	vst.idx.msk $0xffff, v26  }
0x424: {  	v50 =	vadd.s32 $0x1914, v21;
	v27 =	vld.idx.msk [tilespmem:v42+s2+$0x0], $0xffff;
	v51 =	vadd.s32 s11, v4;
	[tilespmem:v43+s10+$0x0] =	vst.idx.msk $0xffff, v28  }
0x425: {  	v52 =	vadd.s32 $0x1914, v20;
	v31 =	vld.idx.msk [tilespmem:v44+s2+$0x0], $0xffff;
	v53 =	vadd.s32 s28, v4;
	[tilespmem:v45+s10+$0x0] =	vst.idx.msk $0xffff, v29  }
0x426: {  	v54 =	vadd.s32 $0x1914, v25;
	v55 =	vadd.s32 s29, v4;
	v33 =	vld.idx.msk [tilespmem:v46+s2+$0x0], $0xffff  }
0x427: {  	v56 =	vadd.s32 $0x1914, v24;
	[tilespmem:v47+s10+$0x0] =	vst.idx.msk $0xffff, v35  }
0x428: {  	v57 =	vadd.s32 s30, v4;
	[tilespmem:v49+s10+$0x0] =	vst.idx.msk $0xffff, v22;
	v36 =	vld.idx.msk [tilespmem:v48+s2+$0x0], $0xffff  }
0x429: {  	v58 =	vadd.s32 $0x1914, v23;
	v26 =	vld.idx.msk [tilespmem:v50+s2+$0x0], $0xffff;
	v59 =	vadd.s32 s0, v5;
	[tilespmem:v51+s10+$0x0] =	vst.idx.msk $0xffff, v27  }
0x42a: {  	v21 =	vadd.s32 $0x1915, v21;
	v60 =	vadd.s32 s11, v5;
	v27 =	vld.idx.msk [tilespmem:v52+s2+$0x0], $0xffff;
	[tilespmem:v53+s10+$0x0] =	vst.idx.msk $0xffff, v31  }
0x42b: {  	v20 =	vadd.s32 $0x1915, v20;
	v61 =	vadd.s32 s28, v5;
	v29 =	vld.idx.msk [tilespmem:v54+s2+$0x0], $0xffff;
	[tilespmem:v55+s10+$0x0] =	vst.idx.msk $0xffff, v33  }
0x42c: {  	v25 =	vadd.s32 $0x1915, v25;
	v63 =	vadd.s32 s29, v5;
	v62 =	vld.idx.msk [tilespmem:v56+s2+$0x0], $0xffff  }
0x42d: {  	v24 =	vadd.s32 $0x1915, v24;
	[tilespmem:v57+s10+$0x0] =	vst.idx.msk $0xffff, v36  }
0x42e: {  	v37 =	vadd.s32 s30, v5;
	[tilespmem:v59+s10+$0x0] =	vst.idx.msk $0xffff, v26;
	v22 =	vld.idx.msk [tilespmem:v58+s2+$0x0], $0xffff  }
0x42f: {  	s31 =	sadd.s32 $0xFFFFFFFB, s25;
	v39 =	vadd.s32 s0, v6;
	v23 =	vadd.s32 $0x1915, v23;
	v21 =	vld.idx.msk [tilespmem:v21+s2+$0x0], $0xffff;
	[tilespmem:v60+s10+$0x0] =	vst.idx.msk $0xffff, v27  }
0x430: {  	s6 =	sadd.s32 $0xFFFFFFFB, s21;
	v41 =	vadd.s32 s11, v6;
	v40 =	vadd.s32 s31, v1;
	v20 =	vld.idx.msk [tilespmem:v20+s2+$0x0], $0xffff;
	[tilespmem:v61+s10+$0x0] =	vst.idx.msk $0xffff, v29  }
0x431: {  	s7 =	sadd.s32 $0xFFFFFFFB, s24;
	v42 =	vadd.s32 s6, v1;
	v43 =	vadd.s32 s28, v6;
	v25 =	vld.idx.msk [tilespmem:v25+s2+$0x0], $0xffff;
	[tilespmem:v63+s10+$0x0] =	vst.idx.msk $0xffff, v62  }
0x432: {  	v44 =	vadd.s32 s7, v1;
	s11 =	sadd.s32 $0xFFFFFFFB, s23;
	v45 =	vadd.s32 s29, v6;
	v24 =	vld.idx.msk [tilespmem:v24+s2+$0x0], $0xffff  }
0x433: {  	v46 =	vadd.s32 s11, v1;
	[tilespmem:v37+s10+$0x0] =	vst.idx.msk $0xffff, v22  }
0x434: {  	s28 =	sadd.s32 $0xFFFFFFFB, s26;
	[tilespmem:v39+s10+$0x0] =	vst.idx.msk $0xffff, v21;
	v47 =	vadd.s32 s30, v6;
	v23 =	vld.idx.msk [tilespmem:v23+s2+$0x0], $0xffff  }
0x435: {  	v26 =	vld.idx.msk [tilespmem:v40+s9+$0x0], $0xffff;
	v48 =	vadd.s32 s28, v1;
	[tilespmem:v41+s10+$0x0] =	vst.idx.msk $0xffff, v20  }
0x436: {  	v20 =	vld.idx.msk [tilespmem:v42+s9+$0x0], $0xffff;
	[tilespmem:v43+s10+$0x0] =	vst.idx.msk $0xffff, v25  }
0x437: {  	v25 =	vld.idx.msk [tilespmem:v44+s9+$0x0], $0xffff;
	[tilespmem:v45+s10+$0x0] =	vst.idx.msk $0xffff, v24  }
0x438: {  	v22 =	vld.idx.msk [tilespmem:v46+s9+$0x0], $0xffff  }
0x439: {  	[tilespmem:v47+s10+$0x0] =	vst.idx.msk $0xffff, v23  }
0x43a: {  	v49 =	vadd.s32 $0x19DC, v26;
	v21 =	vld.idx.msk [tilespmem:v48+s9+$0x0], $0xffff  }
0x43b: {  	v20 =	vadd.s32 $0x19DC, v20  }
0x43c: {  	v50 =	vadd.s32 $0x19DC, v25  }
0x43d: {  	v22 =	vadd.s32 $0x19DC, v22  }
0x43e: {  	s29 =	sadd.s32 $0xFFFFFFF2, s18  }
0x43f: {  	v51 =	vadd.s32 s29, v0;
	s31 =	sadd.s32 $0xFFFFFFF2, s15;
	s30 =	sadd.s32 $0xFFFFFFFC, s25;
	v23 =	vld.idx.msk [tilespmem:v49+s2+$0x0], $0xffff;
	v21 =	vadd.s32 $0x19DC, v21  }
0x440: {  	s3 =	sadd.s32 $0xFFFFFFFC, s21;
	s4 =	sadd.s32 $0xFFFFFFF2, s16;
	v53 =	vadd.s32 s31, v0;
	v52 =	vadd.s32 s30, v1;
	v20 =	vld.idx.msk [tilespmem:v20+s2+$0x0], $0xffff  }
0x441: {  	s5 =	sadd.s32 $0xFFFFFFFC, s24;
	s6 =	sadd.s32 $0xFFFFFFF2, s19;
	v54 =	vadd.s32 s3, v1;
	v55 =	vadd.s32 s4, v0;
	v24 =	vld.idx.msk [tilespmem:v50+s2+$0x0], $0xffff  }
0x442: {  	s7 =	sadd.s32 $0xFFFFFFFC, s23;
	v56 =	vadd.s32 s5, v1;
	v57 =	vadd.s32 s6, v0;
	v22 =	vld.idx.msk [tilespmem:v22+s2+$0x0], $0xffff  }
0x443: {  	s11 =	sadd.s32 $0xFFFFFFF2, s17;
	v58 =	vadd.s32 s7, v1  }
0x444: {  	v59 =	vadd.s32 s11, v0;
	s28 =	sadd.s32 $0xFFFFFFFC, s26;
	[tilespmem:v51+s10+$0x0] =	vst.idx.msk $0xffff, v23;
	v21 =	vld.idx.msk [tilespmem:v21+s2+$0x0], $0xffff  }
0x445: {  	v60 =	vadd.s32 s28, v1;
	[tilespmem:v53+s10+$0x0] =	vst.idx.msk $0xffff, v20;
	v25 =	vld.idx.msk [tilespmem:v52+s9+$0x0], $0xffff  }
0x446: {  	v20 =	vld.idx.msk [tilespmem:v54+s9+$0x0], $0xffff;
	[tilespmem:v55+s10+$0x0] =	vst.idx.msk $0xffff, v24  }
0x447: {  	v24 =	vld.idx.msk [tilespmem:v56+s9+$0x0], $0xffff;
	[tilespmem:v57+s10+$0x0] =	vst.idx.msk $0xffff, v22  }
0x448: {  	v22 =	vld.idx.msk [tilespmem:v58+s9+$0x0], $0xffff  }
0x449: {  	[tilespmem:v59+s10+$0x0] =	vst.idx.msk $0xffff, v21  }
0x44a: {  	v61 =	vadd.s32 $0x19E0, v25;
	v21 =	vld.idx.msk [tilespmem:v60+s9+$0x0], $0xffff  }
0x44b: {  	v20 =	vadd.s32 $0x19E0, v20  }
0x44c: {  	v24 =	vadd.s32 $0x19E0, v24  }
0x44d: {  	v22 =	vadd.s32 $0x19E0, v22  }
0x44e: {  	s29 =	sadd.s32 $0xFFFFFFF3, s18  }
0x44f: {  	s31 =	sadd.s32 $0xFFFFFFF3, s15;
	s30 =	sadd.s32 $0xFFFFFFFD, s25;
	v62 =	vadd.s32 s29, v0;
	v23 =	vld.idx.msk [tilespmem:v61+s2+$0x0], $0xffff;
	v21 =	vadd.s32 $0x19E0, v21  }
0x450: {  	s3 =	sadd.s32 $0xFFFFFFFD, s21;
	s4 =	sadd.s32 $0xFFFFFFF3, s16;
	v63 =	vadd.s32 s30, v1;
	v36 =	vadd.s32 s31, v0;
	v20 =	vld.idx.msk [tilespmem:v20+s2+$0x0], $0xffff  }
0x451: {  	v38 =	vadd.s32 s4, v0;
	s5 =	sadd.s32 $0xFFFFFFFD, s24;
	s6 =	sadd.s32 $0xFFFFFFF3, s19;
	v37 =	vadd.s32 s3, v1;
	v24 =	vld.idx.msk [tilespmem:v24+s2+$0x0], $0xffff  }
0x452: {  	v39 =	vadd.s32 s5, v1;
	v40 =	vadd.s32 s6, v0;
	s7 =	sadd.s32 $0xFFFFFFFD, s23;
	v22 =	vld.idx.msk [tilespmem:v22+s2+$0x0], $0xffff  }
0x453: {  	s11 =	sadd.s32 $0xFFFFFFF3, s17;
	v41 =	vadd.s32 s7, v1  }
0x454: {  	s28 =	sadd.s32 $0xFFFFFFFD, s26;
	v42 =	vadd.s32 s11, v0;
	[tilespmem:v62+s10+$0x0] =	vst.idx.msk $0xffff, v23;
	v21 =	vld.idx.msk [tilespmem:v21+s2+$0x0], $0xffff  }
0x455: {  	v43 =	vadd.s32 s28, v1;
	[tilespmem:v36+s10+$0x0] =	vst.idx.msk $0xffff, v20;
	v25 =	vld.idx.msk [tilespmem:v63+s9+$0x0], $0xffff  }
0x456: {  	v20 =	vld.idx.msk [tilespmem:v37+s9+$0x0], $0xffff;
	[tilespmem:v38+s10+$0x0] =	vst.idx.msk $0xffff, v24  }
0x457: {  	v24 =	vld.idx.msk [tilespmem:v39+s9+$0x0], $0xffff;
	[tilespmem:v40+s10+$0x0] =	vst.idx.msk $0xffff, v22  }
0x458: {  	v22 =	vld.idx.msk [tilespmem:v41+s9+$0x0], $0xffff  }
0x459: {  	[tilespmem:v42+s10+$0x0] =	vst.idx.msk $0xffff, v21  }
0x45a: {  	v23 =	vshll.u32 v25, $0x2;
	v21 =	vld.idx.msk [tilespmem:v43+s9+$0x0], $0xffff  }
0x45b: {  	v20 =	vshll.u32 v20, $0x2;
	v25 =	vadd.s32 $0x19E4, v23  }
0x45c: {  	v44 =	vadd.s32 $0x19E4, v20;
	v24 =	vshll.u32 v24, $0x2  }
0x45d: {  	v45 =	vadd.s32 $0x19E4, v24;
	v22 =	vshll.u32 v22, $0x2  }
0x45e: {  	v46 =	vadd.s32 $0x19E4, v22  }
0x45f: {  	s29 =	sadd.s32 $0xFFFFFFF4, s18;
	v21 =	vshll.u32 v21, $0x2  }
0x460: {  	s30 =	sadd.s32 $0xFFFFFFF4, s15;
	v48 =	vadd.s32 s29, v0;
	v25 =	vld.idx.msk [tilespmem:v25+s2+$0x0], $0xffff;
	v47 =	vadd.s32 $0x19E4, v21  }
0x461: {  	s31 =	sadd.s32 $0xFFFFFFF4, s16;
	v50 =	vadd.s32 s30, v0;
	v49 =	vadd.s32 $0x19E5, v23;
	v26 =	vld.idx.msk [tilespmem:v44+s2+$0x0], $0xffff  }
0x462: {  	s0 =	sadd.s32 $0xFFFFFFF4, s19;
	v52 =	vadd.s32 s31, v0;
	v51 =	vadd.s32 $0x19E5, v20;
	v27 =	vld.idx.msk [tilespmem:v45+s2+$0x0], $0xffff  }
0x463: {  	v54 =	vadd.s32 s0, v0;
	v53 =	vadd.s32 $0x19E5, v24;
	v28 =	vld.idx.msk [tilespmem:v46+s2+$0x0], $0xffff  }
0x464: {  	s6 =	sadd.s32 $0xFFFFFFF4, s17;
	v55 =	vadd.s32 $0x19E5, v22  }
0x465: {  	v56 =	vadd.s32 s6, v0;
	[tilespmem:v48+s10+$0x0] =	vst.idx.msk $0xffff, v25;
	v29 =	vld.idx.msk [tilespmem:v47+s2+$0x0], $0xffff  }
0x466: {  	v58 =	vadd.s32 s29, v2;
	[tilespmem:v50+s10+$0x0] =	vst.idx.msk $0xffff, v26;
	v57 =	vadd.s32 $0x19E5, v21;
	v30 =	vld.idx.msk [tilespmem:v49+s2+$0x0], $0xffff  }
0x467: {  	v60 =	vadd.s32 s30, v2;
	v59 =	vadd.s32 $0x19E6, v23;
	v32 =	vld.idx.msk [tilespmem:v51+s2+$0x0], $0xffff;
	[tilespmem:v52+s10+$0x0] =	vst.idx.msk $0xffff, v27  }
0x468: {  	v62 =	vadd.s32 s31, v2;
	v61 =	vadd.s32 $0x19E6, v20;
	v34 =	vld.idx.msk [tilespmem:v53+s2+$0x0], $0xffff;
	[tilespmem:v54+s10+$0x0] =	vst.idx.msk $0xffff, v28  }
0x469: {  	v40 =	vadd.s32 s0, v2;
	v63 =	vadd.s32 $0x19E6, v24;
	v36 =	vld.idx.msk [tilespmem:v55+s2+$0x0], $0xffff  }
0x46a: {  	v41 =	vadd.s32 $0x19E6, v22;
	[tilespmem:v56+s10+$0x0] =	vst.idx.msk $0xffff, v29  }
0x46b: {  	v42 =	vadd.s32 s6, v2;
	[tilespmem:v58+s10+$0x0] =	vst.idx.msk $0xffff, v30;
	v25 =	vld.idx.msk [tilespmem:v57+s2+$0x0], $0xffff  }
0x46c: {  	v44 =	vadd.s32 s29, v3;
	v43 =	vadd.s32 $0x19E6, v21;
	[tilespmem:v60+s10+$0x0] =	vst.idx.msk $0xffff, v32;
	v26 =	vld.idx.msk [tilespmem:v59+s2+$0x0], $0xffff  }
0x46d: {  	v23 =	vadd.s32 $0x19E7, v23;
	v45 =	vadd.s32 s30, v3;
	v27 =	vld.idx.msk [tilespmem:v61+s2+$0x0], $0xffff;
	[tilespmem:v62+s10+$0x0] =	vst.idx.msk $0xffff, v34  }
0x46e: {  	v20 =	vadd.s32 $0x19E7, v20;
	v46 =	vadd.s32 s31, v3;
	v28 =	vld.idx.msk [tilespmem:v63+s2+$0x0], $0xffff;
	[tilespmem:v40+s10+$0x0] =	vst.idx.msk $0xffff, v36  }
0x46f: {  	v24 =	vadd.s32 $0x19E7, v24;
	v47 =	vadd.s32 s0, v3;
	v29 =	vld.idx.msk [tilespmem:v41+s2+$0x0], $0xffff  }
0x470: {  	v22 =	vadd.s32 $0x19E7, v22;
	[tilespmem:v42+s10+$0x0] =	vst.idx.msk $0xffff, v25  }
0x471: {  	v48 =	vadd.s32 s6, v3;
	[tilespmem:v44+s10+$0x0] =	vst.idx.msk $0xffff, v26;
	v25 =	vld.idx.msk [tilespmem:v43+s2+$0x0], $0xffff  }
0x472: {  	s7 =	sadd.s32 $0xFFFFFFFE, s25;
	v21 =	vadd.s32 $0x19E7, v21;
	v49 =	vadd.s32 s29, v4;
	[tilespmem:v45+s10+$0x0] =	vst.idx.msk $0xffff, v27;
	v23 =	vld.idx.msk [tilespmem:v23+s2+$0x0], $0xffff  }
0x473: {  	s11 =	sadd.s32 $0xFFFFFFFE, s21;
	v50 =	vadd.s32 s7, v1;
	v51 =	vadd.s32 s30, v4;
	v20 =	vld.idx.msk [tilespmem:v20+s2+$0x0], $0xffff;
	[tilespmem:v46+s10+$0x0] =	vst.idx.msk $0xffff, v28  }
0x474: {  	s28 =	sadd.s32 $0xFFFFFFFE, s24;
	v52 =	vadd.s32 s11, v1;
	v53 =	vadd.s32 s31, v4;
	v24 =	vld.idx.msk [tilespmem:v24+s2+$0x0], $0xffff;
	[tilespmem:v47+s10+$0x0] =	vst.idx.msk $0xffff, v29  }
0x475: {  	s29 =	sadd.s32 $0xFFFFFFFE, s23;
	v54 =	vadd.s32 s28, v1;
	v55 =	vadd.s32 s0, v4;
	v22 =	vld.idx.msk [tilespmem:v22+s2+$0x0], $0xffff  }
0x476: {  	v56 =	vadd.s32 s29, v1;
	[tilespmem:v48+s10+$0x0] =	vst.idx.msk $0xffff, v25  }
0x477: {  	s30 =	sadd.s32 $0xFFFFFFFE, s26;
	v57 =	vadd.s32 s6, v4;
	[tilespmem:v49+s10+$0x0] =	vst.idx.msk $0xffff, v23;
	v21 =	vld.idx.msk [tilespmem:v21+s2+$0x0], $0xffff  }
0x478: {  	v58 =	vadd.s32 s30, v1;
	[tilespmem:v51+s10+$0x0] =	vst.idx.msk $0xffff, v20;
	v26 =	vld.idx.msk [tilespmem:v50+s9+$0x0], $0xffff  }
0x479: {  	v20 =	vld.idx.msk [tilespmem:v52+s9+$0x0], $0xffff;
	[tilespmem:v53+s10+$0x0] =	vst.idx.msk $0xffff, v24  }
0x47a: {  	v24 =	vld.idx.msk [tilespmem:v54+s9+$0x0], $0xffff;
	[tilespmem:v55+s10+$0x0] =	vst.idx.msk $0xffff, v22  }
0x47b: {  	v19 =	vshll.u32 v19, $0x2;
	v22 =	vld.idx.msk [tilespmem:v56+s9+$0x0], $0xffff  }
0x47c: {  	v59 =	vadd.s32 $0x1BE4, v19;
	[tilespmem:v57+s10+$0x0] =	vst.idx.msk $0xffff, v21  }
0x47d: {  	v25 =	vshll.u32 v26, $0x2;
	v21 =	vld.idx.msk [tilespmem:v58+s9+$0x0], $0xffff  }
0x47e: {  	v20 =	vshll.u32 v20, $0x2;
	v26 =	vadd.s32 $0x1BE4, v25  }
0x47f: {  	v60 =	vadd.s32 $0x1BE4, v20;
	v24 =	vshll.u32 v24, $0x2  }
0x480: {  	s6 =	sadd.s32 $0xFFFFFFF8, s14;
	v61 =	vadd.s32 $0x1BE4, v24;
	v22 =	vshll.u32 v22, $0x2  }
0x481: {  	v63 =	vadd.s32 s6, v0;
	v23 =	vld.idx.msk [tilespmem:v59+s2+$0x0], $0xffff;
	v62 =	vadd.s32 $0x1BE4, v22  }
0x482: {  	s31 =	sadd.s32 $0xFFFFFFF8, s18;
	v43 =	vadd.s32 $0x1BE5, v19;
	v21 =	vshll.u32 v21, $0x2  }
0x483: {  	s0 =	sadd.s32 $0xFFFFFFF8, s15;
	v44 =	vadd.s32 s31, v0;
	v26 =	vld.idx.msk [tilespmem:v26+s2+$0x0], $0xffff;
	v42 =	vadd.s32 $0x1BE4, v21  }
0x484: {  	s1 =	sadd.s32 $0xFFFFFFF8, s16;
	v46 =	vadd.s32 s0, v0;
	v45 =	vadd.s32 $0x1BE5, v25;
	v27 =	vld.idx.msk [tilespmem:v60+s2+$0x0], $0xffff  }
0x485: {  	s7 =	sadd.s32 $0xFFFFFFF8, s19;
	v47 =	vadd.s32 $0x1BE5, v20;
	v48 =	vadd.s32 s1, v0;
	v28 =	vld.idx.msk [tilespmem:v61+s2+$0x0], $0xffff  }
0x486: {  	v50 =	vadd.s32 s7, v0;
	[tilespmem:v63+s10+$0x0] =	vst.idx.msk $0xffff, v23;
	v49 =	vadd.s32 $0x1BE5, v24;
	v29 =	vld.idx.msk [tilespmem:v62+s2+$0x0], $0xffff  }
0x487: {  	s11 =	sadd.s32 $0xFFFFFFF8, s17;
	v54 =	vadd.s32 s6, v2;
	v32 =	vld.idx.msk [tilespmem:v43+s2+$0x0], $0xffff;
	v51 =	vadd.s32 $0x1BE5, v22  }
0x488: {  	v53 =	vadd.s32 s11, v0;
	v56 =	vadd.s32 $0x1BE6, v19;
	[tilespmem:v44+s10+$0x0] =	vst.idx.msk $0xffff, v26;
	v52 =	vld.idx.msk [tilespmem:v42+s2+$0x0], $0xffff  }
0x489: {  	v57 =	vadd.s32 s31, v2;
	[tilespmem:v46+s10+$0x0] =	vst.idx.msk $0xffff, v27;
	v55 =	vadd.s32 $0x1BE5, v21;
	v34 =	vld.idx.msk [tilespmem:v45+s2+$0x0], $0xffff  }
0x48a: {  	v59 =	vadd.s32 s0, v2;
	v58 =	vadd.s32 $0x1BE6, v25;
	v36 =	vld.idx.msk [tilespmem:v47+s2+$0x0], $0xffff;
	[tilespmem:v48+s10+$0x0] =	vst.idx.msk $0xffff, v28  }
0x48b: {  	v60 =	vadd.s32 $0x1BE6, v20;
	v61 =	vadd.s32 s1, v2;
	v38 =	vld.idx.msk [tilespmem:v49+s2+$0x0], $0xffff;
	[tilespmem:v50+s10+$0x0] =	vst.idx.msk $0xffff, v29  }
0x48c: {  	v63 =	vadd.s32 s7, v2;
	[tilespmem:v54+s10+$0x0] =	vst.idx.msk $0xffff, v32;
	v62 =	vadd.s32 $0x1BE6, v24;
	v23 =	vld.idx.msk [tilespmem:v51+s2+$0x0], $0xffff  }
0x48d: {  	v33 =	vld.idx.msk [tilespmem:v56+s2+$0x0], $0xffff;
	v46 =	vadd.s32 s6, v3;
	v44 =	vadd.s32 $0x1BE6, v22;
	[tilespmem:v53+s10+$0x0] =	vst.idx.msk $0xffff, v52  }
0x48e: {  	v19 =	vadd.s32 $0x1BE7, v19;
	v45 =	vadd.s32 s11, v2;
	[tilespmem:v57+s10+$0x0] =	vst.idx.msk $0xffff, v34;
	v26 =	vld.idx.msk [tilespmem:v55+s2+$0x0], $0xffff  }
0x48f: {  	v48 =	vadd.s32 s31, v3;
	v47 =	vadd.s32 $0x1BE6, v21;
	[tilespmem:v59+s10+$0x0] =	vst.idx.msk $0xffff, v36;
	v34 =	vld.idx.msk [tilespmem:v58+s2+$0x0], $0xffff  }
0x490: {  	v25 =	vadd.s32 $0x1BE7, v25;
	v49 =	vadd.s32 s0, v3;
	v28 =	vld.idx.msk [tilespmem:v60+s2+$0x0], $0xffff;
	[tilespmem:v61+s10+$0x0] =	vst.idx.msk $0xffff, v38  }
0x491: {  	v20 =	vadd.s32 $0x1BE7, v20;
	v50 =	vadd.s32 s1, v3;
	v29 =	vld.idx.msk [tilespmem:v62+s2+$0x0], $0xffff;
	[tilespmem:v63+s10+$0x0] =	vst.idx.msk $0xffff, v23  }
0x492: {  	[tilespmem:v46+s10+$0x0] =	vst.idx.msk $0xffff, v33;
	v51 =	vadd.s32 $0x1BE7, v24;
	v53 =	vadd.s32 s7, v3;
	v52 =	vld.idx.msk [tilespmem:v44+s2+$0x0], $0xffff  }
0x493: {  	v19 =	vld.idx.msk [tilespmem:v19+s2+$0x0], $0xffff;
	v55 =	vadd.s32 s6, v4;
	[tilespmem:v45+s10+$0x0] =	vst.idx.msk $0xffff, v26  }
0x494: {  	v54 =	vadd.s32 s11, v3;
	v22 =	vadd.s32 $0x1BE7, v22;
	[tilespmem:v48+s10+$0x0] =	vst.idx.msk $0xffff, v34;
	v26 =	vld.idx.msk [tilespmem:v47+s2+$0x0], $0xffff  }
0x495: {  	s29 =	sadd.s32 $0xFFFFFFFF, s25;
	v21 =	vadd.s32 $0x1BE7, v21;
	v57 =	vadd.s32 s31, v4;
	[tilespmem:v49+s10+$0x0] =	vst.idx.msk $0xffff, v28;
	v25 =	vld.idx.msk [tilespmem:v25+s2+$0x0], $0xffff  }
0x496: {  	s30 =	sadd.s32 $0xFFFFFFFF, s21;
	v59 =	vadd.s32 s0, v4;
	v58 =	vadd.s32 s29, v1;
	v20 =	vld.idx.msk [tilespmem:v20+s2+$0x0], $0xffff;
	[tilespmem:v50+s10+$0x0] =	vst.idx.msk $0xffff, v29  }
0x497: {  	v60 =	vadd.s32 s30, v1;
	v61 =	vadd.s32 s1, v4;
	s31 =	sadd.s32 $0xFFFFFFFF, s24;
	v23 =	vld.idx.msk [tilespmem:v51+s2+$0x0], $0xffff;
	[tilespmem:v53+s10+$0x0] =	vst.idx.msk $0xffff, v52  }
0x498: {  	s28 =	sadd.s32 $0xFFFFFFFF, s22;
	v62 =	vadd.s32 s31, v1;
	[tilespmem:v55+s10+$0x0] =	vst.idx.msk $0xffff, v19  }
0x499: {  	s3 =	sadd.s32 $0xFFFFFFFF, s23;
	v56 =	vadd.s32 s28, v1;
	v63 =	vadd.s32 s7, v4;
	v22 =	vld.idx.msk [tilespmem:v22+s2+$0x0], $0xffff;
	[tilespmem:v54+s10+$0x0] =	vst.idx.msk $0xffff, v26  }
0x49a: {  	s4 =	sadd.s32 $0xFFFFFFFF, s26;
	v36 =	vadd.s32 s11, v4;
	v19 =	vadd.s32 s3, v1;
	[tilespmem:v57+s10+$0x0] =	vst.idx.msk $0xffff, v25;
	v21 =	vld.idx.msk [tilespmem:v21+s2+$0x0], $0xffff  }
0x49b: {  	v38 =	vadd.s32 s4, v1;
	[tilespmem:v59+s10+$0x0] =	vst.idx.msk $0xffff, v20;
	v28 =	vld.idx.msk [tilespmem:v58+s9+$0x0], $0xffff  }
0x49c: {  	v20 =	vld.idx.msk [tilespmem:v60+s9+$0x0], $0xffff;
	[tilespmem:v61+s10+$0x0] =	vst.idx.msk $0xffff, v23  }
0x49d: {  	v23 =	vld.idx.msk [tilespmem:v62+s9+$0x0], $0xffff  }
0x49e: {  	v37 =	vld.idx.msk [tilespmem:v56+s9+$0x0], $0xffff;
	[tilespmem:v63+s10+$0x0] =	vst.idx.msk $0xffff, v22  }
0x49f: {  	v19 =	vld.idx.msk [tilespmem:v19+s9+$0x0], $0xffff;
	[tilespmem:v36+s10+$0x0] =	vst.idx.msk $0xffff, v21  }
0x4a0: {  	v25 =	vshll.u32 v28, $0x2;
	v39 =	vld.idx.msk [tilespmem:v38+s9+$0x0], $0xffff  }
0x4a1: {  	v20 =	vshll.u32 v20, $0x2;
	v41 =	vadd.s32 $0x1CE4, v25  }
0x4a2: {  	v42 =	vadd.s32 $0x1CE4, v20;
	v23 =	vshll.u32 v23, $0x2  }
0x4a3: {  	v43 =	vadd.s32 $0x1CE4, v23;
	v21 =	vshll.u32 v37, $0x2  }
0x4a4: {  	v19 =	vshll.u32 v19, $0x2;
	v40 =	vadd.s32 $0x1CE4, v21  }
0x4a5: {  	s6 =	sadd.s32 $0xFFFFFFFC, s18;
	v44 =	vadd.s32 $0x1CE4, v19;
	v22 =	vshll.u32 v39, $0x2  }
0x4a6: {  	s7 =	sadd.s32 $0xFFFFFFFC, s15;
	v48 =	vadd.s32 s6, v0;
	v26 =	vld.idx.msk [tilespmem:v41+s2+$0x0], $0xffff;
	v46 =	vadd.s32 $0x1CE4, v22  }
0x4a7: {  	s11 =	sadd.s32 $0xFFFFFFFC, s16;
	v50 =	vadd.s32 s7, v0;
	v49 =	vadd.s32 $0x1CE5, v25;
	v27 =	vld.idx.msk [tilespmem:v42+s2+$0x0], $0xffff  }
0x4a8: {  	s5 =	sadd.s32 $0xFFFFFFFC, s14;
	v52 =	vadd.s32 s11, v0;
	v51 =	vadd.s32 $0x1CE5, v20;
	v28 =	vld.idx.msk [tilespmem:v43+s2+$0x0], $0xffff  }
0x4a9: {  	s28 =	sadd.s32 $0xFFFFFFFC, s19;
	v45 =	vadd.s32 s5, v0;
	v53 =	vadd.s32 $0x1CE5, v23;
	v24 =	vld.idx.msk [tilespmem:v40+s2+$0x0], $0xffff  }
0x4aa: {  	s29 =	sadd.s32 $0xFFFFFFFC, s17;
	v54 =	vadd.s32 s28, v0;
	v47 =	vadd.s32 $0x1CE5, v21;
	v29 =	vld.idx.msk [tilespmem:v44+s2+$0x0], $0xffff  }
0x4ab: {  	v57 =	vadd.s32 s29, v0;
	v55 =	vadd.s32 $0x1CE5, v19;
	[tilespmem:v48+s10+$0x0] =	vst.idx.msk $0xffff, v26;
	v56 =	vld.idx.msk [tilespmem:v46+s2+$0x0], $0xffff  }
0x4ac: {  	v61 =	vadd.s32 s6, v2;
	[tilespmem:v50+s10+$0x0] =	vst.idx.msk $0xffff, v27;
	v59 =	vadd.s32 $0x1CE5, v22;
	v34 =	vld.idx.msk [tilespmem:v49+s2+$0x0], $0xffff  }
0x4ad: {  	v63 =	vadd.s32 s7, v2;
	v62 =	vadd.s32 $0x1CE6, v25;
	v36 =	vld.idx.msk [tilespmem:v51+s2+$0x0], $0xffff;
	[tilespmem:v52+s10+$0x0] =	vst.idx.msk $0xffff, v28  }
0x4ae: {  	v44 =	vadd.s32 $0x1CE6, v20;
	v38 =	vld.idx.msk [tilespmem:v53+s2+$0x0], $0xffff;
	[tilespmem:v45+s10+$0x0] =	vst.idx.msk $0xffff, v24;
	v45 =	vadd.s32 s11, v2  }
0x4af: {  	v58 =	vadd.s32 s5, v2;
	[tilespmem:v54+s10+$0x0] =	vst.idx.msk $0xffff, v29;
	v32 =	vld.idx.msk [tilespmem:v47+s2+$0x0], $0xffff;
	v46 =	vadd.s32 $0x1CE6, v23  }
0x4b0: {  	v60 =	vadd.s32 $0x1CE6, v21;
	v24 =	vld.idx.msk [tilespmem:v55+s2+$0x0], $0xffff;
	v47 =	vadd.s32 s28, v2;
	[tilespmem:v57+s10+$0x0] =	vst.idx.msk $0xffff, v56  }
0x4b1: {  	v48 =	vadd.s32 $0x1CE6, v19;
	v49 =	vadd.s32 s29, v2;
	[tilespmem:v61+s10+$0x0] =	vst.idx.msk $0xffff, v34;
	v26 =	vld.idx.msk [tilespmem:v59+s2+$0x0], $0xffff  }
0x4b2: {  	v52 =	vadd.s32 s6, v3;
	v51 =	vadd.s32 $0x1CE6, v22;
	[tilespmem:v63+s10+$0x0] =	vst.idx.msk $0xffff, v36;
	v34 =	vld.idx.msk [tilespmem:v62+s2+$0x0], $0xffff  }
0x4b3: {  	v25 =	vadd.s32 $0x1CE7, v25;
	v53 =	vadd.s32 s7, v3;
	v28 =	vld.idx.msk [tilespmem:v44+s2+$0x0], $0xffff;
	[tilespmem:v45+s10+$0x0] =	vst.idx.msk $0xffff, v38  }
0x4b4: {  	v20 =	vadd.s32 $0x1CE7, v20;
	v54 =	vadd.s32 s11, v3;
	[tilespmem:v58+s10+$0x0] =	vst.idx.msk $0xffff, v32;
	v29 =	vld.idx.msk [tilespmem:v46+s2+$0x0], $0xffff  }
0x4b5: {  	v50 =	vadd.s32 s5, v3;
	v23 =	vadd.s32 $0x1CE7, v23;
	[tilespmem:v47+s10+$0x0] =	vst.idx.msk $0xffff, v24;
	v33 =	vld.idx.msk [tilespmem:v60+s2+$0x0], $0xffff  }
0x4b6: {  	v21 =	vadd.s32 $0x1CE7, v21;
	v55 =	vadd.s32 s28, v3;
	v24 =	vld.idx.msk [tilespmem:v48+s2+$0x0], $0xffff;
	[tilespmem:v49+s10+$0x0] =	vst.idx.msk $0xffff, v26  }
0x4b7: {  	v19 =	vadd.s32 $0x1CE7, v19;
	v56 =	vadd.s32 s29, v3;
	[tilespmem:v52+s10+$0x0] =	vst.idx.msk $0xffff, v34;
	v26 =	vld.idx.msk [tilespmem:v51+s2+$0x0], $0xffff  }
0x4b8: {  	v22 =	vadd.s32 $0x1CE7, v22;
	[tilespmem:v53+s10+$0x0] =	vst.idx.msk $0xffff, v28;
	v59 =	vadd.s32 s6, v4;
	v25 =	vld.idx.msk [tilespmem:v25+s2+$0x0], $0xffff  }
0x4b9: {  	v61 =	vadd.s32 s7, v4;
	v20 =	vld.idx.msk [tilespmem:v20+s2+$0x0], $0xffff;
	v60 =	vadd.s32 s25, v1;
	[tilespmem:v54+s10+$0x0] =	vst.idx.msk $0xffff, v29  }
0x4ba: {  	v63 =	vadd.s32 s11, v4;
	v62 =	vadd.s32 s21, v1;
	[tilespmem:v50+s10+$0x0] =	vst.idx.msk $0xffff, v33;
	v23 =	vld.idx.msk [tilespmem:v23+s2+$0x0], $0xffff  }
0x4bb: {  	v36 =	vadd.s32 s24, v1;
	v57 =	vadd.s32 s5, v4;
	[tilespmem:v55+s10+$0x0] =	vst.idx.msk $0xffff, v24;
	v21 =	vld.idx.msk [tilespmem:v21+s2+$0x0], $0xffff  }
0x4bc: {  	v37 =	vadd.s32 s28, v4;
	v58 =	vadd.s32 s22, v1;
	v19 =	vld.idx.msk [tilespmem:v19+s2+$0x0], $0xffff;
	[tilespmem:v56+s10+$0x0] =	vst.idx.msk $0xffff, v26  }
0x4bd: {  	v39 =	vadd.s32 s29, v4;
	v38 =	vadd.s32 s23, v1;
	[tilespmem:v59+s10+$0x0] =	vst.idx.msk $0xffff, v25;
	v40 =	vld.idx.msk [tilespmem:v22+s2+$0x0], $0xffff  }
0x4be: {  	v41 =	vadd.s32 s26, v1;
	[tilespmem:v61+s10+$0x0] =	vst.idx.msk $0xffff, v20;
	v25 =	vld.idx.msk [tilespmem:v60+s9+$0x0], $0xffff  }
0x4bf: {  	v20 =	vld.idx.msk [tilespmem:v62+s9+$0x0], $0xffff;
	[tilespmem:v63+s10+$0x0] =	vst.idx.msk $0xffff, v23  }
0x4c0: {  	[tilespmem:v57+s10+$0x0] =	vst.idx.msk $0xffff, v21;
	v23 =	vld.idx.msk [tilespmem:v36+s9+$0x0], $0xffff  }
0x4c1: {  	[tilespmem:v37+s10+$0x0] =	vst.idx.msk $0xffff, v19;
	v19 =	vadd.s32 s20, v3;
	v31 =	vld.idx.msk [tilespmem:v58+s9+$0x0], $0xffff  }
0x4c2: {  	v17 =	vadd.s32 $0x1EE7, v17;
	v42 =	vld.idx.msk [tilespmem:v38+s9+$0x0], $0xffff;
	[tilespmem:v39+s10+$0x0] =	vst.idx.msk $0xffff, v40  }
0x4c3: {  	v25 =	vshll.u32 v25, $0x2;
	v22 =	vld.idx.msk [tilespmem:v41+s9+$0x0], $0xffff  }
0x4c4: {  	v20 =	vshll.u32 v20, $0x2;
	v44 =	vadd.s32 $0x1EE4, v25  }
0x4c5: {  	v45 =	vadd.s32 $0x1EE4, v20;
	v23 =	vshll.u32 v23, $0x2  }
0x4c6: {  	[tilespmem:v19+s10+$0x0] =	vst.idx.msk $0xffff, v18;
	v21 =	vshll.u32 v31, $0x2;
	v18 =	vadd.s32 $0x1EE4, v23  }
0x4c7: {  	v46 =	vadd.s32 s20, v4;
	v19 =	vshll.u32 v42, $0x2;
	v17 =	vld.idx.msk [tilespmem:v17+s2+$0x0], $0xffff;
	v43 =	vadd.s32 $0x1EE4, v21  }
0x4c8: {  	v47 =	vadd.s32 $0x1EE4, v19;
	v22 =	vshll.u32 v22, $0x2  }
0x4c9: {  	v51 =	vadd.s32 s18, v0;
	v27 =	vld.idx.msk [tilespmem:v44+s2+$0x0], $0xffff;
	v49 =	vadd.s32 $0x1EE4, v22  }
0x4ca: {  	v53 =	vadd.s32 s15, v0;
	v52 =	vadd.s32 $0x1EE5, v25;
	v28 =	vld.idx.msk [tilespmem:v45+s2+$0x0], $0xffff  }
0x4cb: {  	v55 =	vadd.s32 s16, v0;
	v54 =	vadd.s32 $0x1EE5, v20;
	v18 =	vld.idx.msk [tilespmem:v18+s2+$0x0], $0xffff  }
0x4cc: {  	v48 =	vadd.s32 s14, v0;
	[tilespmem:v46+s10+$0x0] =	vst.idx.msk $0xffff, v17;
	v17 =	vadd.s32 $0x1EE5, v23;
	v26 =	vld.idx.msk [tilespmem:v43+s2+$0x0], $0xffff  }
0x4cd: {  	v57 =	vadd.s32 s19, v0;
	v50 =	vadd.s32 $0x1EE5, v21;
	v56 =	vld.idx.msk [tilespmem:v47+s2+$0x0], $0xffff  }
0x4ce: {  	v60 =	vadd.s32 s17, v0;
	v58 =	vadd.s32 $0x1EE5, v19;
	[tilespmem:v51+s10+$0x0] =	vst.idx.msk $0xffff, v27;
	v59 =	vld.idx.msk [tilespmem:v49+s2+$0x0], $0xffff  }
0x4cf: {  	v42 =	vadd.s32 s18, v2;
	[tilespmem:v53+s10+$0x0] =	vst.idx.msk $0xffff, v28;
	v62 =	vadd.s32 $0x1EE5, v22;
	v34 =	vld.idx.msk [tilespmem:v52+s2+$0x0], $0xffff  }
0x4d0: {  	v44 =	vadd.s32 s15, v2;
	v35 =	vld.idx.msk [tilespmem:v54+s2+$0x0], $0xffff;
	v43 =	vadd.s32 $0x1EE6, v25;
	[tilespmem:v55+s10+$0x0] =	vst.idx.msk $0xffff, v18  }
0x4d1: {  	v45 =	vadd.s32 s16, v2;
	v18 =	vadd.s32 $0x1EE6, v20;
	[tilespmem:v48+s10+$0x0] =	vst.idx.msk $0xffff, v26;
	v17 =	vld.idx.msk [tilespmem:v17+s2+$0x0], $0xffff  }
0x4d2: {  	v61 =	vadd.s32 s14, v2;
	v46 =	vadd.s32 $0x1EE6, v23;
	[tilespmem:v57+s10+$0x0] =	vst.idx.msk $0xffff, v56;
	v32 =	vld.idx.msk [tilespmem:v50+s2+$0x0], $0xffff  }
0x4d3: {  	v63 =	vadd.s32 $0x1EE6, v21;
	v47 =	vadd.s32 s19, v2;
	v26 =	vld.idx.msk [tilespmem:v58+s2+$0x0], $0xffff;
	[tilespmem:v60+s10+$0x0] =	vst.idx.msk $0xffff, v59  }
0x4d4: {  	v48 =	vadd.s32 $0x1EE6, v19;
	v49 =	vadd.s32 s17, v2;
	[tilespmem:v42+s10+$0x0] =	vst.idx.msk $0xffff, v34;
	v27 =	vld.idx.msk [tilespmem:v62+s2+$0x0], $0xffff  }
0x4d5: {  	v51 =	vadd.s32 $0x1EE6, v22;
	v52 =	vadd.s32 s18, v3;
	[tilespmem:v44+s10+$0x0] =	vst.idx.msk $0xffff, v35;
	v28 =	vld.idx.msk [tilespmem:v43+s2+$0x0], $0xffff  }
0x4d6: {  	v53 =	vadd.s32 s15, v3;
	v25 =	vadd.s32 $0x1EE7, v25;
	v18 =	vld.idx.msk [tilespmem:v18+s2+$0x0], $0xffff;
	[tilespmem:v45+s10+$0x0] =	vst.idx.msk $0xffff, v17  }
0x4d7: {  	v55 =	vadd.s32 s16, v3;
	v17 =	vadd.s32 $0x1EE7, v20;
	[tilespmem:v61+s10+$0x0] =	vst.idx.msk $0xffff, v32;
	v54 =	vld.idx.msk [tilespmem:v46+s2+$0x0], $0xffff  }
0x4d8: {  	v23 =	vadd.s32 $0x1EE7, v23;
	v50 =	vadd.s32 s14, v3;
	[tilespmem:v47+s10+$0x0] =	vst.idx.msk $0xffff, v26;
	v32 =	vld.idx.msk [tilespmem:v63+s2+$0x0], $0xffff  }
0x4d9: {  	v21 =	vadd.s32 $0x1EE7, v21;
	v56 =	vadd.s32 s19, v3;
	v26 =	vld.idx.msk [tilespmem:v48+s2+$0x0], $0xffff;
	[tilespmem:v49+s10+$0x0] =	vst.idx.msk $0xffff, v27  }
0x4da: {  	v19 =	vadd.s32 $0x1EE7, v19;
	v57 =	vadd.s32 s17, v3;
	[tilespmem:v52+s10+$0x0] =	vst.idx.msk $0xffff, v28;
	v27 =	vld.idx.msk [tilespmem:v51+s2+$0x0], $0xffff  }
0x4db: {  	v22 =	vadd.s32 $0x1EE7, v22;
	v59 =	vadd.s32 s18, v4;
	v25 =	vld.idx.msk [tilespmem:v25+s2+$0x0], $0xffff;
	[tilespmem:v53+s10+$0x0] =	vst.idx.msk $0xffff, v18  }
0x4dc: {  	v18 =	vadd.s32 s15, v4;
	v17 =	vld.idx.msk [tilespmem:v17+s2+$0x0], $0xffff;
	[tilespmem:v55+s10+$0x0] =	vst.idx.msk $0xffff, v54  }
0x4dd: {  	v60 =	vadd.s32 s16, v4;
	[tilespmem:v50+s10+$0x0] =	vst.idx.msk $0xffff, v32;
	v23 =	vld.idx.msk [tilespmem:v23+s2+$0x0], $0xffff  }
0x4de: {  	v58 =	vadd.s32 s14, v4;
	[tilespmem:v56+s10+$0x0] =	vst.idx.msk $0xffff, v26;
	v21 =	vld.idx.msk [tilespmem:v21+s2+$0x0], $0xffff  }
0x4df: {  	v61 =	vadd.s32 s19, v4;
	v19 =	vld.idx.msk [tilespmem:v19+s2+$0x0], $0xffff;
	[tilespmem:v57+s10+$0x0] =	vst.idx.msk $0xffff, v27  }
0x4e0: {  	v62 =	vadd.s32 s17, v4;
	[tilespmem:v59+s10+$0x0] =	vst.idx.msk $0xffff, v25;
	v63 =	vld.idx.msk [tilespmem:v22+s2+$0x0], $0xffff  }
0x4e1: {  	[tilespmem:v18+s10+$0x0] =	vst.idx.msk $0xffff, v17  }
0x4e2: {  	[tilespmem:v60+s10+$0x0] =	vst.idx.msk $0xffff, v23  }
0x4e3: {  	[tilespmem:v58+s10+$0x0] =	vst.idx.msk $0xffff, v21  }
0x4e4: {  	[tilespmem:v61+s10+$0x0] =	vst.idx.msk $0xffff, v19  }
0x4e5: {  	s12 =	sadd.s32 $0x1, s12;
	s30 =	smul.u32 $0x12C0, s13;
	[tilespmem:v62+s10+$0x0] =	vst.idx.msk $0xffff, v63  }
0x4e6: {  	p0 =	sne.s32 s12, $0x8;
	s31 =	rddreg [dreg:$0x4]  }
.Ltmp1:
0x4e7: {  	s0 =	sadd.s32 s31, s30;
	(pc) =	sbr.rel @p0 .LBB2_2-.Ltmp1, $4  }
0x4e8: {  	[hbm4b:s0+s2] =	stream.linear.scatter [tilespmem:s10], [sflag:$0x1], $0x9600, $0x38;
	[tilespmem:$0xD580] =	vst v63  }
0x4e9: {  	_ =	swait.ge [sflag:s8], $0x9600  }
0x4ea: {  	[sflag:s8] =	ssyncset.done $0x0  }
0x4eb: {  	[sflag:s8] =	ssyncadd.s32 $0xFFFF6A00  }
0x4ec: {  	s1 =	rddreg [dreg:$0x7]  }
0x4ed: {  	s0 =	rddreg [dreg:$0x6];
	s1 =	sadd.s32 $0x1, s1  }
0x4ee: {  	p0 =	sne.s32 s1, s0  }
.Ltmp2:
0x4ef: {  	_ = 	snop;
	(pc) =	sbr.rel @p0 .LBB2_1-.Ltmp2, $1  }
0x4f0: {  	_ =	sdelay $0x3  }
0x4f1: {  	_ =	sfence.sel $0x180000  }
0x4f2: {  	[bflag:$0x0] =	sbarrier.arrive $0xFFFF  }
0x4f3: {  	_ =	strace $0x90000047  }
0x4f4: {  	s0 =	stileid.u32;
	[bflag:$0x2] =	sbarrier.arrive $0xFFFF  }
0x4f5: {  	p0 =	sne.s32 s0, $0x0;
	s0 =	rddreg [dreg:$0x2]  }
0x4f6: {  	s0 =	sadd.s32 @!p0 $0x100000, s0  }
0x4f7: {  	[sflag:s0] =	ssyncadd.tile.s32 @!p0 $0x1;
	_ =	shalt  }
.Lfunc_end2:
_tile_overlayer_lowered:
.L_overlay_start_2:
0x4f8: {  	(tag) =	ssettag $0x2  }
0x4f9: {  	s0 =	rddreg [dreg:$0x0];
	s2 =	stileid.u32  }
0x4fa: {  	s1 =	rddreg [dreg:$0x1];
	p0 =	sne.s32 s2, $0x0  }
0x4fb: {  	s3 =	rddreg [dreg:$0x2];
	[bflag:$0x3] =	sbarrier.arrive $0xFFFF;
	s2 =	simm.s32 @!p0 $0x1C01  }
0x4fc: {  	[timem:s3], [sflag:s2] =	dma.local @!p0 [hbm:s0], s1  }
0x4fd: {  	s0 =	simm.s32 @!p0 $0x1  }
0x4fe: {  	_ =	swait.ge @!p0 [sflag:s0], s1  }
0x4ff: {  	s1 =	ssub.s32 @!p0 $0x0, s1;
	[sflag:s0] =	ssyncset.done @!p0 $0x0  }
0x500: {  	[sflag:s0] =	ssyncadd.s32 @!p0 s1  }
0x501: {  	[bflag:$0x3] =	sbarrier.arrive $0xFFFF  }
0x502: {  	_ =	shalt  }

// kernel: sparse-core-data-format-call.1.cloned.1.call-start
scs
called_computation.1_lowered:
.L_overlay_start_0:
0x0: {  	s1 =	sld [smem:$0x3FD9]  }
0x1: {  	s2 =	sld [smem:$0x3FFE];
	_ =	sdelay $0x1  }
0x2: {  	s3 =	srdreg.scid  }
0x3: {  	s0 =	sand.u32 $0x1, s3  }
0x4: {  	s17 =	sshll.u32 s0, $0xA;
	s1 =	sadd.s32 s2, s1  }
0x5: {  	s1 =	sadd.s32 s1, s17  }
0x6: {  	[smem:$0x3F98] =	sst s1  }
0x7: {  	_ = 	snop  }
0x8: {  	(tm) =	ssettm $0x1  }
0x9: {  	s18 =	sld [smem:$0x3FFB];
	_ =	sdelay $0x3  }
0xa: {  	_ =	strace s18  }
0xb: {  	s1 =	sld [smem:$0x3FFC];
	_ =	sdelay $0x3  }
0xc: {  	_ =	strace s1  }
0xd: {  	s1 =	sld [smem:$0x3FFD];
	_ =	sdelay $0x3  }
0xe: {  	_ =	strace s1  }
0xf: {  	_ =	strace $0x8FFFFFFF  }
0x10: {  	s19 =	sld [smem:$0x3FDB];
	_ =	sdelay $0x1  }
0x11: {  	s20 =	simm.s32 $_scs_section_size  }
0x12: {  	s4 =	simm.s32 $_size__tile_overlayer_lowered;
	s5 =	simm.s32 $_tile_overlayer_lowered  }
0x13: {  	s23 =	simm.s32 $0x1BFF;
	s22 =	sshll.u32 s5, $0x1;
	s1 =	sadd.s32 s20, s19  }
0x14: {  	s6 =	simm.s32 $0x0;
	s21 =	sshll.u32 s4, $0x1;
	s4 =	sadd.s32 s22, s1  }
0x15: {  	[timem:s6], [sflag:s23] =	dma.local [hbm:s4], s21  }
0x16: {  	_ =	swait.ge [sflag:s23], s21  }
0x17: {  	s2 =	ssub.s32 $0x0, s21;
	[sflag:s23] =	ssyncset.done $0x0  }
0x18: {  	[sflag:s23] =	ssyncadd.s32 s2;
	_ =	sdelay $0x1  }
0x19: {  	s24 =	simm.s32 $0x1B8B  }
0x1a: {  	_ =	swait.ge [sflag:s24], $0x1  }
0x1b: {  	[sflag:s24] =	ssyncset.done $0x0  }
0x1c: {  	s26 =	simm.s32 $0x1B8E;
	s25 =	sld [smem:$0x3FFE];
	[sflag:s24] =	ssyncadd.s32 $0xFFFFFFFF  }
0x1d: {  	s27 =	simm.s32 $execute0_lowered;
	[smem:$0x3FD2] =	sst s26  }
0x1e: {  	s4 =	sshll.u32 s27, $0x1;
	_ =	strace $0x80000049;
	[dreg:$0x1] =	wrdreg $0xFFFFFFFF  }
0x1f: {  	s28 =	simm.s32 $_size_execute0_lowered;
	s1 =	sadd.s32 s1, s4;
	[dreg:$0x0] =	wrdreg $0x0  }
0x20: {  	s4 =	sshll.u32 s28, $0x1;
	[dreg:$0x2] =	wrdreg s1  }
0x21: {  	[dreg:$0x3] =	wrdreg s4  }
0x22: {  	[dreg:$0x4] =	wrdreg $0xC0  }
0x23: {  	_ =	task [dreg:s6], $0x5FFFF  }
0x24: {  	[dreg:$0x1] =	wrdreg $0xFFFFFFFF  }
0x25: {  	[dreg:$0x0] =	wrdreg $0x60  }
0x26: {  	[dreg:$0x2] =	wrdreg s25  }
0x27: {  	[dreg:$0x3] =	wrdreg $0x9  }
0x28: {  	_ =	task.clear_ibuf [dreg:s6], $0x4FFFF;
	_ =	strace $0x90000049  }
0x29: {  	s29 =	simm.s32 $0x9;
	_ =	strace $0x8000004B  }
0x2a: {  	_ =	swait.ge [sflag:s29], $0x1  }
0x2b: {  	[sflag:s29] =	ssyncadd.s32 $0xFFFFFFFF  }
0x2c: {  	_ =	strace $0x9000004B  }
0x2d: {  	_ =	sfence  }
0x2e: {  	s30 =	sld [smem:$0x0];
	_ =	sdelay $0x2  }
0x2f: {  	s31 =	sshll.u32 s3, $0xD;
	s3 =	sshrl.u32 s3, $0x2  }
0x30: {  	s2 =	sand.u32 $0x4000, s31;
	s1 =	sadd.s32 s3, s30  }
0x31: {  	s0 =	sor.u32 s2, s0;
	s1 =	sshll.u32 s1, $0x11  }
0x32: {  	s0 =	sor.u32 s1, s0  }
0x33: {  	s0 =	sadd.s32 $0x8F2B, s0  }
0x34: {  	[sflag:s0] =	ssyncadd.remote.s32 $0x1  }
0x35: {  	_ =	sfence.sel $0xFFFF  }
0x36: {  	[dreg:$0x0] =	wrdreg $0xFFFFFFFF;
	(pc) =	sbr.abs _section_cstart, $3  }
0x37: {  	[dreg:$0x1] =	wrdreg $0xFFFFFFFF  }
0x38: {  	_ =	task.clear_ibuf [dreg:s6], $0x2FFFF;
	_ =	strace $0x9FFFFFFF  }
0x39: {  	(tm) =	ssettm $0x7FFFFFFF  }
tec
execute0_lowered:
.L_overlay_start_1:
0x0: {  	(tag) =	ssettag $0x1  }
0x1: {  	s0 =	srdreg.scid  }
0x2: {  	s1 =	sshll.u32 s0, $0x4  }
0x3: {  	s0 =	stileid.u32;
	s1 =	sand.u32 $0x10, s1  }
0x4: {  	s6 =	rddreg [dreg:$0x0];
	s4 =	simm.s32 $0x1;
	s1 =	sor.u32 s0, s1  }
0x5: {  	s7 =	simm.s32 $0x2;
	s15 =	simm.s32 $0x0;
	s2 =	sshll.u32 s1, $0x7  }
0x6: {  	s8 =	simm.s32 $0x8000;
	s14 =	simm.s32 $0x0;
	s3 =	ssub.s32 $0x1000, s2  }
0x7: {  	s9 =	simm.s32 $0x0;
	s10 =	simm.s32 $0x0;
	s31 =	sand.u32 $0xF80, s3  }
0x8: {  	s11 =	simm.s32 $0x0;
	s1 =	rddreg [dreg:$0x1];
	p0 =	sne.s32 s31, $0x0  }
.Ltmp0:
0x9: {  	s5 =	sshrl.u32 s3, $0xC;
	s4 =	simm.s32 @!p0 $0x0;
	(pc) =	sbr.rel .LBB1_1-.Ltmp0, $4  }
0xa: {  	_ =	strace $0x8000004A;
	s3 =	simm.s32 $0x1;
	s4 =	sadd.s32 s4, s5  }
0xb: {  	s13 =	simm.s32 $0x0;
	[sflag:s3] =	ssyncpa.u1 $0x0;
	s4 =	smul.u32 $0x13, s4  }
0xc: {  	s12 =	smov.u32 s2;
	[sflag:s7] =	ssyncpa.u1 $0x0;
	p0 =	por $0x0, $0x0  }
0xd: {  	s5 =	sadd.s32 $0x25CC00, s6;
	s6 =	sadd.s32 $0x4C00, s6;
	s7 =	sadd.s32 $0x1, s4  }
.LBB1_4:
0xe: {  	s20 =	sshra.s32 s20, $0x2  }
0xf: {  	s28 =	sand.u32 $0x78, s10;
	s21 =	sshll.u32 s9, $0xC;
	s22 =	sshll.u32 s10, $0x3  }
0x10: {  	s24 =	sshll.u32 s9, $0x7;
	p1 =	sgt.s32 s9, $0x8E0;
	s30 =	sshra.s32 s9, $0x1F  }
0x11: {  	s26 =	sshra.s32 s10, $0x1F;
	s19 =	sadd.s32 s20, s19;
	s21 =	sand.u32 $0xFFFF8000, s21  }
0x12: {  	v5 =	vld [tilespmem:s17+$0xFFFFFFD0];
	[tilespmem:s18+$0x2040 ss:$0x81] =	vst.msk $0xffff, v4;
	s23 =	sand.u32 $0xFFFFFC00, s22;
	s29 =	sand.u32 $0x380, s24;
	s22 =	sand.u32 $0xC00, s22  }
0x13: {  	v58 =	vld [tilespmem:s17+$0xFFFFFFE0];
	[tilespmem:s18+$0x2850 ss:$0x81] =	vst.msk $0xffff, v3;
	s21 =	sadd.s32 s23, s21;
	s20 =	sor.u32 s28, s22;
	s22 =	smov.u32 s9  }
0x14: {  	v59 =	vld [tilespmem:s17+$0xFFFFFFF0];
	[tilespmem:s18+$0x3060 ss:$0x81] =	vst.msk $0xffff, v2;
	s24 =	sand.u32 s30, s9;
	s21 =	sshrl.u32 s21, $0xC;
	s22 =	simm.s32 @!p1 $0x8E0  }
0x15: {  	v60 =	vld [tilespmem:s17+$0x0];
	[tilespmem:s18+$0x0 ss:$0x81] =	vst.msk $0xffff, v1;
	p1 =	sgt.s32 s10, $0xF80;
	s31 =	ssub.s32 s22, s24;
	s22 =	smov.u32 s10  }
0x16: {  	v61 =	vld [tilespmem:s17+$0x10];
	[tilespmem:s19+$0x3870 ss:$0x81] =	vst.msk $0xffff, v0;
	s25 =	smulhi.u32 $0x1B4E82, s21;
	s24 =	sand.u32 s26, s10;
	s22 =	simm.s32 @!p1 $0xF80  }
0x17: {  	v62 =	vld [tilespmem:s17+$0x20];
	s20 =	sor.u32 s29, s20;
	[tilespmem:s19+$0x810 ss:$0x81] =	vst.msk $0xffff, v5;
	s27 =	sadd.s32 $0xFFFFF720, s31;
	s22 =	ssub.s32 s22, s24  }
0x18: {  	v63 =	vld [tilespmem:s17+$0xFFFFFFC0];
	[tilespmem:s19+$0x1020 ss:$0x81] =	vst.msk $0xffff, v58;
	s18 =	ssub.s32 $0x960, s31;
	s28 =	smul.u32 $0x960, s25;
	s29 =	sadd.s32 $0xFFFFF080, s22  }
0x19: {  	[tilespmem:s19+$0x1830 ss:$0x81] =	vst.msk $0xffff, v59;
	p1 =	sgt.s32 s27, $0x7F;
	s22 =	ssub.s32 $0x1000, s22;
	p2 =	sgt.s32 s29, $0x7F  }
0x1a: {  	s30 =	sand.u32 $0x7, s10;
	[tilespmem:s19+$0x2040 ss:$0x81] =	vst.msk $0xffff, v60;
	s18 =	simm.s32 @p1 $0x0;
	s22 =	simm.s32 @p2 $0x0  }
0x1b: {  	s20 =	sshrl.u32 s20, $0x3;
	[tilespmem:s19+$0x2850 ss:$0x81] =	vst.msk $0xffff, v61;
	s17 =	ssub.s32 s21, s28;
	s18 =	smul.u32 s22, s18  }
0x1c: {  	[tilespmem:s19+$0x3060 ss:$0x81] =	vst.msk $0xffff, v62;
	s20 =	sadd.s32 s6, s20;
	s21 =	sshll.u32 s30, $0x12;
	s17 =	sshll.u32 s17, $0x9  }
0x1d: {  	[tilespmem:s19+$0x0 ss:$0x81] =	vst.msk $0xffff, v63;
	s31 =	sor.u32 $0x400, s21;
	s17 =	sadd.s32 s17, s20;
	s18 =	sand.u32 $0x3FFFFFFF, s18  }
0x1e: {  	[hbm4b:s17+s31] =	stream.strided.scatter [tilespmem:s16], [sflag:$0x2], s18, s8, s31, $0x20;
	[tilespmem:$0x10100] =	vst v63  }
.LBB1_5:
0x1f: {  	p1 =	slt.u32 s13, $0x2  }
0x20: {  	s17 =	smov.u32 s15;
	p2 =	sgt.s32 @!p1 s15, $0x8E0;
	s16 =	sshra.s32 @!p1 s15, $0x1F  }
0x21: {  	p3 =	sgt.s32 @!p1 s14, $0xF80;
	s18 =	sshra.s32 @!p1 s14, $0x1F;
	p2 =	por !p2, p1  }
0x22: {  	s15 =	sand.u32 @!p1 s16, s15;
	p3 =	por !p3, p1;
	s16 =	smov.u32 s14  }
0x23: {  	s14 =	sand.u32 @!p1 s18, s14;
	s17 =	simm.s32 @p2 $0x8E0;
	s16 =	simm.s32 @p3 $0xF80  }
0x24: {  	s15 =	ssub.s32 @!p1 s17, s15;
	s14 =	ssub.s32 @!p1 s16, s14  }
0x25: {  	s18 =	smov.u32 s12;
	s16 =	sadd.s32 @!p1 $0xFFFFF720, s15;
	s17 =	sadd.s32 @!p1 $0xFFFFF080, s14  }
0x26: {  	s15 =	ssub.s32 @!p1 $0x960, s15;
	p2 =	sgt.s32 @!p1 s16, $0x7F;
	p3 =	sgt.s32 @!p1 s17, $0x7F  }
0x27: {  	s14 =	ssub.s32 @!p1 $0x1000, s14;
	p2 =	por !p2, p1;
	p3 =	por !p3, p1  }
0x28: {  	s16 =	sadd.s32 $0x80, s11;
	s15 =	simm.s32 @!p2 $0x0;
	s14 =	simm.s32 @!p3 $0x0  }
0x29: {  	p2 =	sgt.s32 s16, $0x95F;
	s14 =	smul.u32 @!p1 s14, s15;
	s15 =	sadd.s32 $0x1000, s12  }
0x2a: {  	s18 =	smov.u32 @p2 s15  }
0x2b: {  	s16 =	simm.s32 @p2 $0x0;
	p2 =	sgt.s32 s18, $0xFFF  }
0x2c: {  	s18 =	smov.u32 @p2 s2;
	p2 =	sne.s32 s13, s7  }
.Ltmp1:
0x2d: {  	p0 =	por !p0, !p0;
	s17 =	simm.s32 @!p1 $0x2;
	(pc) =	sbr.rel @!p2 .LBB1_6-.Ltmp1, $4  }
0x2e: {  	s15 =	smov.u32 s9;
	s9 =	smov.u32 s11;
	s14 =	sand.u32 @!p1 $0x3FFFFFFF, s14  }
0x2f: {  	s11 =	smov.u32 s16;
	_ =	swait.ge @!p1 [sflag:s17], s14;
	s19 =	ssub.s32 @!p1 $0x0, s14  }
0x30: {  	s14 =	smov.u32 s10;
	s13 =	sadd.s32 $0x1, s13;
	[sflag:s17] =	ssyncset.done @!p1 $0x0  }
0x31: {  	s10 =	smov.u32 s12;
	s12 =	smov.u32 s18;
	[sflag:s17] =	ssyncadd.s32 @!p1 s19  }
.LBB1_1:
0x32: {  	p1 =	sge.u32 s13, s4  }
0x33: {  	s16 =	sshrl.u32 @!p1 s12, $0x3  }
0x34: {  	s17 =	sshll.u32 @!p1 s11, $0x3;
	s16 =	smul.u32 @!p1 $0x4C00, s16  }
0x35: {  	s18 =	sshll.u32 @!p1 s12, $0x7;
	s17 =	sand.u32 @!p1 $0xFFFFFC00, s17  }
0x36: {  	s16 =	sadd.s32 @!p1 s16, s17;
	s17 =	sand.u32 @!p1 $0x380, s18  }
0x37: {  	s16 =	sor.u32 @!p1 s17, s16  }
0x38: {  	s17 =	sshrl.u32 @!p1 s16, $0x7  }
0x39: {  	s17 =	smulhi.u32 @!p1 $0xD79435F, s17;
	_ =	sdelay $0x1  }
0x3a: {  	s18 =	sand.u32 @!p1 $0x7F, s11;
	s19 =	smul.u32 @!p1 $0x980, s17  }
0x3b: {  	s31 =	sadd.s32 $0xFFFFFFFF, s13;
	s16 =	sor.u32 @!p1 s18, s16;
	s18 =	sxor.u32 @!p1 $0xFFFFFFFF, s13  }
0x3c: {  	s18 =	sshll.u32 @!p1 s18, $0xE;
	s17 =	sand.u32 @!p1 $0xFFF, s17;
	s16 =	ssub.s32 @!p1 s16, s19  }
0x3d: {  	s17 =	smul.u32 @!p1 $0x130, s17;
	s19 =	sshrl.u32 @!p1 s16, $0x3;
	s16 =	sand.u32 @!p1 $0x7, s16  }
0x3e: {  	s18 =	sand.u32 @!p1 $0x4000, s18;
	s19 =	sadd.s32 @!p1 s5, s19;
	s16 =	sshll.u32 @!p1 s16, $0x12  }
0x3f: {  	s17 =	sadd.s32 @!p1 s17, s19;
	s16 =	sor.u32 @!p1 $0x400, s16;
	s19 =	simm.s32 @!p1 $0x4C00  }
0x40: {  	[tilespmem:s18], [sflag:$0x1] =	stream.strided.gather @!p1 [hbm4b:s17+s16], $0x4000, s19, s16, $0x38;
	[tilespmem:$0x10100] =	vst v63  }
0x41: {  	p1 =	sge.u32 s31, s4  }
.Ltmp2:
0x42: {  	_ = 	snop;
	(pc) =	sbr.rel @p1 .LBB1_5-.Ltmp2, $1  }
0x43: {  	_ =	sdelay $0x3  }
0x44: {  	s16 =	simm.s32 $0x1  }
0x45: {  	_ =	swait.ge [sflag:s3], $0x4000;
	s16 =	simm.s32 @!p0 $0x0  }
0x46: {  	[sflag:s3] =	ssyncset.done $0x0;
	s17 =	sshll.u32 s16, $0xE  }
0x47: {  	[sflag:s3] =	ssyncadd.s32 $0xFFFFC000;
	s17 =	sor.u32 $0x40, s17  }
0x48: {  	s16 =	smul.u32 $0x10200, s16;
	v0 =	vld [tilespmem:s17+$0x30]  }
0x49: {  	v1 =	vld [tilespmem:s17+$0xFFFFFFD0]  }
0x4a: {  	s16 =	sshrl.u32 s16, $0x2;
	v5 =	vld [tilespmem:s17+$0xFFFFFFE0]  }
0x4b: {  	v6 =	vld [tilespmem:s17+$0xFFFFFFF0];
	s19 =	sor.u32 $0x8000, s16  }
0x4c: {  	s31 =	sand.u32 $0x1, s13;
	v4 =	vld [tilespmem:s17+$0x0];
	s18 =	sadd.s32 $0x0, s19  }
0x4d: {  	v3 =	vld [tilespmem:s17+$0x10];
	s16 =	smul.u32 $0x10200, s31;
	[tilespmem:s18+$0x3870 ss:$0x81] =	vst.msk $0xffff, v0  }
0x4e: {  	v2 =	vld [tilespmem:s17+$0x20];
	[tilespmem:s18+$0x810 ss:$0x81] =	vst.msk $0xffff, v1  }
0x4f: {  	s16 =	sshrl.u32 s16, $0x2;
	v1 =	vld [tilespmem:s17+$0xFFFFFFC0];
	[tilespmem:s18+$0x1020 ss:$0x81] =	vst.msk $0xffff, v5;
	s17 =	sadd.s32 $0x80, s17  }
0x50: {  	s20 =	simm.s32 $0x4;
	s21 =	simm.s32 $0x8;
	s16 =	sor.u32 $0x8000, s16;
	[tilespmem:s18+$0x1830 ss:$0x81] =	vst.msk $0xffff, v6;
	v0 =	vld [tilespmem:s17+$0x30]  }
.LBB1_3:
0x51: {  	p1 =	sne.s32 s21, $0x1FC;
	v5 =	vld [tilespmem:s17+$0xFFFFFFD0];
	[tilespmem:s18+$0x2040 ss:$0x81] =	vst.msk $0xffff, v4  }
0x52: {  	v6 =	vld [tilespmem:s17+$0xFFFFFFE0];
	[tilespmem:s18+$0x2850 ss:$0x81] =	vst.msk $0xffff, v3  }
0x53: {  	s22 =	sshra.s32 s20, $0x2;
	s20 =	smov.u32 s21;
	v7 =	vld [tilespmem:s17+$0xFFFFFFF0];
	[tilespmem:s18+$0x3060 ss:$0x81] =	vst.msk $0xffff, v2  }
.Ltmp3:
0x54: {  	v4 =	vld [tilespmem:s17+$0x0];
	[tilespmem:s18+$0x0 ss:$0x81] =	vst.msk $0xffff, v1;
	s18 =	sadd.s32 s22, s19;
	(pc) =	sbr.rel @p1 .LBB1_3-.Ltmp3, $4  }
0x55: {  	v3 =	vld [tilespmem:s17+$0x10];
	[tilespmem:s18+$0x3870 ss:$0x81] =	vst.msk $0xffff, v0  }
0x56: {  	[tilespmem:s18+$0x810 ss:$0x81] =	vst.msk $0xffff, v5;
	v2 =	vld [tilespmem:s17+$0x20]  }
0x57: {  	v1 =	vld [tilespmem:s17+$0xFFFFFFC0];
	[tilespmem:s18+$0x1020 ss:$0x81] =	vst.msk $0xffff, v6;
	s17 =	sadd.s32 $0x80, s17  }
0x58: {  	s21 =	sadd.s32 $0x4, s21;
	v0 =	vld [tilespmem:s17+$0x30];
	[tilespmem:s18+$0x1830 ss:$0x81] =	vst.msk $0xffff, v7  }
.Ltmp4:
0x59: {  	_ = 	snop;
	(pc) =	sbr.rel .LBB1_4-.Ltmp4, $1  }
0x5a: {  	_ =	sdelay $0x3  }
.LBB1_6:
0x5b: {  	_ =	sfence.sel $0x180000  }
0x5c: {  	s2 =	simm.s32 $0x1;
	[bflag:$0x0] =	sbarrier.arrive $0xFFFF  }
0x5d: {  	s31 =	simm.s32 $0x2;
	[sflag:s2] =	ssyncpa.u1 $0x1  }
0x5e: {  	[sflag:s31] =	ssyncpa.u1 $0x1  }
0x5f: {  	p0 =	sne.s32 s0, $0x0;
	_ =	strace $0x9000004A  }
0x60: {  	s0 =	sadd.s32 @!p0 $0x100000, s1;
	[bflag:$0x2] =	sbarrier.arrive $0xFFFF  }
0x61: {  	[sflag:s0] =	ssyncadd.tile.s32 @!p0 $0x1;
	_ =	shalt  }
.Lfunc_end1:
_tile_overlayer_lowered:
.L_overlay_start_2:
0x62: {  	(tag) =	ssettag $0x2  }
0x63: {  	s0 =	rddreg [dreg:$0x0];
	s2 =	stileid.u32  }
0x64: {  	s1 =	rddreg [dreg:$0x1];
	p0 =	sne.s32 s2, $0x0  }
0x65: {  	s3 =	rddreg [dreg:$0x2];
	[bflag:$0x3] =	sbarrier.arrive $0xFFFF;
	s2 =	simm.s32 @!p0 $0x1C01  }
0x66: {  	[timem:s3], [sflag:s2] =	dma.local @!p0 [hbm:s0], s1  }
0x67: {  	s0 =	simm.s32 @!p0 $0x1  }
0x68: {  	_ =	swait.ge @!p0 [sflag:s0], s1  }
0x69: {  	s1 =	ssub.s32 @!p0 $0x0, s1;
	[sflag:s0] =	ssyncset.done @!p0 $0x0  }
0x6a: {  	[sflag:s0] =	ssyncadd.s32 @!p0 s1  }
0x6b: {  	[bflag:$0x3] =	sbarrier.arrive $0xFFFF  }
0x6c: {  	_ =	shalt  }

// kernel: sparse-core-data-format-call.cloned.1.call-start
scs
called_computation_lowered:
.L_overlay_start_0:
0x0: {  	s1 =	sld [smem:$0x3FD9]  }
0x1: {  	s2 =	sld [smem:$0x3FFE];
	_ =	sdelay $0x1  }
0x2: {  	s3 =	srdreg.scid  }
0x3: {  	s0 =	sand.u32 $0x1, s3  }
0x4: {  	s17 =	sshll.u32 s0, $0xA;
	s1 =	sadd.s32 s2, s1  }
0x5: {  	s1 =	sadd.s32 s1, s17  }
0x6: {  	[smem:$0x3F98] =	sst s1  }
0x7: {  	_ = 	snop  }
0x8: {  	(tm) =	ssettm $0x1  }
0x9: {  	s18 =	sld [smem:$0x3FFB];
	_ =	sdelay $0x3  }
0xa: {  	_ =	strace s18  }
0xb: {  	s1 =	sld [smem:$0x3FFC];
	_ =	sdelay $0x3  }
0xc: {  	_ =	strace s1  }
0xd: {  	s1 =	sld [smem:$0x3FFD];
	_ =	sdelay $0x3  }
0xe: {  	_ =	strace s1  }
0xf: {  	_ =	strace $0x8FFFFFFF  }
0x10: {  	s19 =	sld [smem:$0x3FDB];
	_ =	sdelay $0x1  }
0x11: {  	s20 =	simm.s32 $_scs_section_size  }
0x12: {  	s4 =	simm.s32 $_size__tile_overlayer_lowered;
	s5 =	simm.s32 $_tile_overlayer_lowered  }
0x13: {  	s23 =	simm.s32 $0x1BFF;
	s22 =	sshll.u32 s5, $0x1;
	s1 =	sadd.s32 s20, s19  }
0x14: {  	s6 =	simm.s32 $0x0;
	s21 =	sshll.u32 s4, $0x1;
	s4 =	sadd.s32 s22, s1  }
0x15: {  	[timem:s6], [sflag:s23] =	dma.local [hbm:s4], s21  }
0x16: {  	_ =	swait.ge [sflag:s23], s21  }
0x17: {  	s2 =	ssub.s32 $0x0, s21;
	[sflag:s23] =	ssyncset.done $0x0  }
0x18: {  	[sflag:s23] =	ssyncadd.s32 s2;
	_ =	sdelay $0x1  }
0x19: {  	s24 =	simm.s32 $0x1B8B  }
0x1a: {  	_ =	swait.ge [sflag:s24], $0x1  }
0x1b: {  	[sflag:s24] =	ssyncset.done $0x0  }
0x1c: {  	s26 =	simm.s32 $0x1B8E;
	s25 =	sld [smem:$0x3FFE];
	[sflag:s24] =	ssyncadd.s32 $0xFFFFFFFF  }
0x1d: {  	s27 =	simm.s32 $execute0_lowered;
	[smem:$0x3FD2] =	sst s26  }
0x1e: {  	s4 =	sshll.u32 s27, $0x1;
	_ =	strace $0x8000004C;
	[dreg:$0x1] =	wrdreg $0xFFFFFFFF  }
0x1f: {  	s28 =	simm.s32 $_size_execute0_lowered;
	s1 =	sadd.s32 s1, s4;
	[dreg:$0x0] =	wrdreg $0x0  }
0x20: {  	s4 =	sshll.u32 s28, $0x1;
	[dreg:$0x2] =	wrdreg s1  }
0x21: {  	[dreg:$0x3] =	wrdreg s4  }
0x22: {  	[dreg:$0x4] =	wrdreg $0xC0  }
0x23: {  	_ =	task [dreg:s6], $0x5FFFF  }
0x24: {  	[dreg:$0x1] =	wrdreg $0xFFFFFFFF  }
0x25: {  	[dreg:$0x0] =	wrdreg $0x60  }
0x26: {  	[dreg:$0x2] =	wrdreg s25  }
0x27: {  	[dreg:$0x3] =	wrdreg $0x9  }
0x28: {  	_ =	task.clear_ibuf [dreg:s6], $0x4FFFF;
	_ =	strace $0x9000004C  }
0x29: {  	s29 =	simm.s32 $0x9;
	_ =	strace $0x8000004E  }
0x2a: {  	_ =	swait.ge [sflag:s29], $0x1  }
0x2b: {  	[sflag:s29] =	ssyncadd.s32 $0xFFFFFFFF  }
0x2c: {  	_ =	strace $0x9000004E  }
0x2d: {  	_ =	sfence  }
0x2e: {  	s30 =	sld [smem:$0x0];
	_ =	sdelay $0x2  }
0x2f: {  	s31 =	sshll.u32 s3, $0xD;
	s3 =	sshrl.u32 s3, $0x2  }
0x30: {  	s2 =	sand.u32 $0x4000, s31;
	s1 =	sadd.s32 s3, s30  }
0x31: {  	s0 =	sor.u32 s2, s0;
	s1 =	sshll.u32 s1, $0x11  }
0x32: {  	s0 =	sor.u32 s1, s0  }
0x33: {  	s0 =	sadd.s32 $0x8F2B, s0  }
0x34: {  	[sflag:s0] =	ssyncadd.remote.s32 $0x1  }
0x35: {  	_ =	sfence.sel $0xFFFF  }
0x36: {  	[dreg:$0x0] =	wrdreg $0xFFFFFFFF;
	(pc) =	sbr.abs _section_cstart, $3  }
0x37: {  	[dreg:$0x1] =	wrdreg $0xFFFFFFFF  }
0x38: {  	_ =	task.clear_ibuf [dreg:s6], $0x2FFFF;
	_ =	strace $0x9FFFFFFF  }
0x39: {  	(tm) =	ssettm $0x7FFFFFFF  }
tec
execute0_lowered:
.L_overlay_start_1:
0x0: {  	(tag) =	ssettag $0x1  }
0x1: {  	s0 =	srdreg.scid  }
0x2: {  	s1 =	sshll.u32 s0, $0x4  }
0x3: {  	s0 =	stileid.u32;
	s1 =	sand.u32 $0x10, s1  }
0x4: {  	s4 =	rddreg [dreg:$0x0];
	s7 =	sor.u32 s0, s1  }
0x5: {  	s5 =	simm.s32 $0x1;
	s8 =	simm.s32 $0x2;
	s2 =	sshll.u32 s7, $0x7  }
0x6: {  	s14 =	simm.s32 $0x0;
	s10 =	simm.s32 $0x9800;
	s3 =	ssub.s32 $0x1000, s2  }
0x7: {  	s13 =	simm.s32 $0x0;
	s11 =	simm.s32 $0x0;
	s31 =	sand.u32 $0xF80, s3  }
0x8: {  	s12 =	simm.s32 $0x0;
	s1 =	rddreg [dreg:$0x1];
	p0 =	sne.s32 s31, $0x0  }
.Ltmp0:
0x9: {  	s6 =	sshrl.u32 s3, $0xC;
	s5 =	simm.s32 @!p0 $0x0;
	(pc) =	sbr.rel .LBB1_1-.Ltmp0, $4  }
0xa: {  	_ =	strace $0x8000004D;
	s7 =	sshll.u32 s7, $0xA;
	s6 =	sadd.s32 s5, s6  }
0xb: {  	s3 =	sadd.s32 $0x388C00, s4;
	s5 =	simm.s32 $0x1;
	s6 =	smul.u32 $0x26, s6  }
0xc: {  	s4 =	sadd.s32 $0x4C00, s4;
	p0 =	por $0x0, $0x0;
	[sflag:s5] =	ssyncpa.u1 $0x0  }
0xd: {  	[sflag:s8] =	ssyncpa.u1 $0x0;
	s8 =	sand.u32 $0xC00, s7;
	s9 =	sor.u32 $0x1, s6  }
.LBB1_4:
0xe: {  	s14 =	sshrl.u32 s14, $0x3  }
0xf: {  	v5 =	vld [tilespmem:s18+$0xFFFFFFD0];
	[tilespmem:s17+$0x2040 ss:$0x81] =	vst.msk $0xffff, v4;
	s20 =	sshll.u32 s13, $0x3;
	s14 =	smul.u32 $0x9800, s14  }
0x10: {  	v58 =	vld [tilespmem:s18+$0xFFFFFFE0];
	[tilespmem:s17+$0x2850 ss:$0x81] =	vst.msk $0xffff, v3;
	s20 =	sand.u32 $0xFFFFFC00, s20  }
0x11: {  	s19 =	sshra.s32 s19, $0x2;
	v59 =	vld [tilespmem:s18+$0xFFFFFFF0];
	[tilespmem:s17+$0x3060 ss:$0x81] =	vst.msk $0xffff, v2;
	s14 =	sadd.s32 s20, s14  }
0x12: {  	v60 =	vld [tilespmem:s18+$0x0];
	[tilespmem:s17+$0x0 ss:$0x81] =	vst.msk $0xffff, v0;
	s16 =	sadd.s32 s19, s16;
	s27 =	sshrl.u32 s14, $0x8  }
0x13: {  	v61 =	vld [tilespmem:s18+$0x10];
	[tilespmem:s16+$0x3870 ss:$0x81] =	vst.msk $0xffff, v1;
	s17 =	smulhi.u32 $0xD79435F, s27  }
0x14: {  	v62 =	vld [tilespmem:s18+$0x20];
	[tilespmem:s16+$0x810 ss:$0x81] =	vst.msk $0xffff, v5  }
0x15: {  	v63 =	vld [tilespmem:s18+$0xFFFFFFC0];
	s28 =	sand.u32 $0x7F, s13;
	[tilespmem:s16+$0x1020 ss:$0x81] =	vst.msk $0xffff, v58;
	s29 =	smul.u32 $0x1300, s17  }
0x16: {  	s13 =	sor.u32 s28, s14;
	[tilespmem:s16+$0x1830 ss:$0x81] =	vst.msk $0xffff, v59  }
0x17: {  	[tilespmem:s16+$0x2040 ss:$0x81] =	vst.msk $0xffff, v60;
	s30 =	sand.u32 $0xFFF, s17;
	s13 =	ssub.s32 s13, s29  }
0x18: {  	[tilespmem:s16+$0x2850 ss:$0x81] =	vst.msk $0xffff, v61;
	s14 =	smul.u32 $0x260, s30;
	s31 =	sshrl.u32 s13, $0x3;
	s13 =	sand.u32 $0x7, s13  }
0x19: {  	[tilespmem:s16+$0x3060 ss:$0x81] =	vst.msk $0xffff, v62;
	s17 =	sadd.s32 s4, s31;
	s13 =	sshll.u32 s13, $0x12  }
0x1a: {  	[tilespmem:s16+$0x0 ss:$0x81] =	vst.msk $0xffff, v63;
	s14 =	sadd.s32 s14, s17;
	s13 =	sor.u32 $0x400, s13  }
0x1b: {  	[hbm4b:s14+s13] =	stream.strided.scatter [tilespmem:s15], [sflag:$0x2], $0x4000, s10, s13, $0x20;
	[tilespmem:$0x10100] =	vst v63  }
.LBB1_5:
0x1c: {  	s15 =	sadd.s32 $0x80, s11  }
0x1d: {  	p2 =	sgt.s32 s15, $0x12BF  }
0x1e: {  	s15 =	simm.s32 @p2 $0x0;
	p2 =	sne.s32 s12, s9  }
.Ltmp1:
0x1f: {  	p1 =	slt.u32 s12, $0x2;
	(pc) =	sbr.rel @!p2 .LBB1_6-.Ltmp1, $4  }
0x20: {  	s14 =	simm.s32 @!p1 $0x2  }
0x21: {  	s16 =	sadd.s32 $0x1, s12;
	s13 =	smov.u32 s11;
	_ =	swait.ge @!p1 [sflag:s14], $0x4000  }
0x22: {  	p0 =	por !p0, !p0;
	s12 =	smov.u32 s16;
	[sflag:s14] =	ssyncset.done @!p1 $0x0  }
0x23: {  	s11 =	smov.u32 s15;
	[sflag:s14] =	ssyncadd.s32 @!p1 $0xFFFFC000;
	s14 =	smov.u32 s2  }
.LBB1_1:
0x24: {  	p1 =	sge.u32 s12, s6  }
0x25: {  	s15 =	sshll.u32 @!p1 s11, $0xC  }
0x26: {  	s17 =	smov.u32 s11;
	p2 =	sgt.s32 @!p1 s11, $0x1240;
	s15 =	sand.u32 @!p1 $0xFFFF8000, s15  }
0x27: {  	s18 =	sshra.s32 @!p1 s11, $0x1F;
	s19 =	sxor.u32 @!p1 $0xFFFFFFFF, s12;
	s15 =	sor.u32 @!p1 s7, s15  }
0x28: {  	p2 =	por !p2, p1;
	s18 =	sand.u32 @!p1 s18, s11;
	s15 =	sshrl.u32 @!p1 s15, $0xC  }
0x29: {  	s19 =	sshll.u32 @!p1 s19, $0xE;
	s17 =	simm.s32 @p2 $0x1240;
	s16 =	smulhi.u32 @!p1 $0xDA741, s15  }
0x2a: {  	s17 =	ssub.s32 @!p1 s17, s18;
	s18 =	sand.u32 @!p1 $0x4000, s19;
	s19 =	sshll.u32 @!p1 s11, $0x7  }
0x2b: {  	s17 =	sadd.s32 @!p1 $0xFFFFEDC0, s17;
	s19 =	sand.u32 @!p1 $0x380, s19;
	s16 =	smul.u32 @!p1 $0x12C0, s16  }
0x2c: {  	s31 =	sadd.s32 $0xFFFFFFFF, s12;
	s19 =	sor.u32 @!p1 s8, s19;
	p2 =	sgt.s32 @!p1 s17, $0x7F  }
0x2d: {  	p2 =	por !p2, p1;
	s15 =	ssub.s32 @!p1 s15, s16;
	s16 =	sshll.u32 @!p1 s17, $0x7  }
0x2e: {  	s17 =	sshrl.u32 @!p1 s19, $0x3;
	s19 =	simm.s32 @!p1 $0x8000;
	s16 =	ssub.s32 @!p1 $0x4000, s16  }
0x2f: {  	s15 =	sshll.u32 @!p1 s15, $0x9;
	s17 =	sadd.s32 @!p1 s3, s17;
	s16 =	sand.u32 @!p1 $0x3FFFFF80, s16  }
0x30: {  	s15 =	sadd.s32 @!p1 s15, s17;
	s17 =	simm.s32 @!p1 $0x400;
	s16 =	simm.s32 @!p2 $0x0  }
0x31: {  	[tilespmem:s18], [sflag:$0x1] =	stream.strided.gather @!p1 [hbm4b:s15+s17], s16, s19, s17, $0x38;
	[tilespmem:$0x10100] =	vst v63  }
0x32: {  	p1 =	sge.u32 s31, s6  }
.Ltmp2:
0x33: {  	_ = 	snop;
	(pc) =	sbr.rel @p1 .LBB1_5-.Ltmp2, $1  }
0x34: {  	_ =	sdelay $0x3  }
0x35: {  	p1 =	sgt.s32 s13, $0x1240;
	s15 =	smov.u32 s13;
	s16 =	sshra.s32 s13, $0x1F  }
0x36: {  	s15 =	simm.s32 @!p1 $0x1240;
	s16 =	sand.u32 s16, s13  }
0x37: {  	s15 =	ssub.s32 s15, s16  }
0x38: {  	s15 =	sadd.s32 $0xFFFFEDC0, s15  }
0x39: {  	s29 =	sshll.u32 s15, $0x7  }
0x3a: {  	s16 =	ssub.s32 $0x4000, s29  }
0x3b: {  	p1 =	sgt.s32 s15, $0x7F;
	s15 =	sand.u32 $0x3FFFFF80, s16  }
0x3c: {  	s16 =	simm.s32 $0x1;
	s15 =	simm.s32 @p1 $0x0  }
0x3d: {  	s16 =	simm.s32 @!p0 $0x0;
	_ =	swait.ge [sflag:s5], s15  }
0x3e: {  	s17 =	sshll.u32 s16, $0xE;
	s15 =	ssub.s32 $0x0, s15;
	[sflag:s5] =	ssyncset.done $0x0  }
0x3f: {  	s18 =	sor.u32 $0x40, s17;
	[sflag:s5] =	ssyncadd.s32 s15  }
0x40: {  	s30 =	smul.u32 $0x10200, s16;
	v0 =	vld [tilespmem:s18+$0x30]  }
0x41: {  	v1 =	vld [tilespmem:s18+$0xFFFFFFD0]  }
0x42: {  	s15 =	sshrl.u32 s30, $0x2;
	v5 =	vld [tilespmem:s18+$0xFFFFFFE0]  }
0x43: {  	s16 =	sor.u32 $0x8000, s15;
	v6 =	vld [tilespmem:s18+$0xFFFFFFF0]  }
0x44: {  	s31 =	sand.u32 $0x1, s12;
	v4 =	vld [tilespmem:s18+$0x0];
	s17 =	sadd.s32 $0x0, s16  }
0x45: {  	s15 =	smul.u32 $0x10200, s31;
	v3 =	vld [tilespmem:s18+$0x10];
	[tilespmem:s17+$0x3870 ss:$0x81] =	vst.msk $0xffff, v0  }
0x46: {  	v2 =	vld [tilespmem:s18+$0x20];
	[tilespmem:s17+$0x810 ss:$0x81] =	vst.msk $0xffff, v1  }
0x47: {  	s15 =	sshrl.u32 s15, $0x2;
	v0 =	vld [tilespmem:s18+$0xFFFFFFC0];
	[tilespmem:s17+$0x1020 ss:$0x81] =	vst.msk $0xffff, v5;
	s18 =	sadd.s32 $0x80, s18  }
0x48: {  	s19 =	simm.s32 $0x4;
	s20 =	simm.s32 $0x8;
	s15 =	sor.u32 $0x8000, s15;
	[tilespmem:s17+$0x1830 ss:$0x81] =	vst.msk $0xffff, v6;
	v1 =	vld [tilespmem:s18+$0x30]  }
.LBB1_3:
0x49: {  	p1 =	sne.s32 s20, $0x1FC;
	v5 =	vld [tilespmem:s18+$0xFFFFFFD0];
	[tilespmem:s17+$0x2040 ss:$0x81] =	vst.msk $0xffff, v4  }
0x4a: {  	v6 =	vld [tilespmem:s18+$0xFFFFFFE0];
	[tilespmem:s17+$0x2850 ss:$0x81] =	vst.msk $0xffff, v3  }
0x4b: {  	s21 =	sshra.s32 s19, $0x2;
	s19 =	smov.u32 s20;
	v7 =	vld [tilespmem:s18+$0xFFFFFFF0];
	[tilespmem:s17+$0x3060 ss:$0x81] =	vst.msk $0xffff, v2  }
.Ltmp3:
0x4c: {  	v4 =	vld [tilespmem:s18+$0x0];
	[tilespmem:s17+$0x0 ss:$0x81] =	vst.msk $0xffff, v0;
	s17 =	sadd.s32 s21, s16;
	(pc) =	sbr.rel @p1 .LBB1_3-.Ltmp3, $4  }
0x4d: {  	v3 =	vld [tilespmem:s18+$0x10];
	[tilespmem:s17+$0x3870 ss:$0x81] =	vst.msk $0xffff, v1  }
0x4e: {  	[tilespmem:s17+$0x810 ss:$0x81] =	vst.msk $0xffff, v5;
	v2 =	vld [tilespmem:s18+$0x20]  }
0x4f: {  	v0 =	vld [tilespmem:s18+$0xFFFFFFC0];
	[tilespmem:s17+$0x1020 ss:$0x81] =	vst.msk $0xffff, v6;
	s18 =	sadd.s32 $0x80, s18  }
0x50: {  	s20 =	sadd.s32 $0x4, s20;
	v1 =	vld [tilespmem:s18+$0x30];
	[tilespmem:s17+$0x1830 ss:$0x81] =	vst.msk $0xffff, v7  }
.Ltmp4:
0x51: {  	_ = 	snop;
	(pc) =	sbr.rel .LBB1_4-.Ltmp4, $1  }
0x52: {  	_ =	sdelay $0x3  }
.LBB1_6:
0x53: {  	_ =	sfence.sel $0x180000  }
0x54: {  	s2 =	simm.s32 $0x1;
	[bflag:$0x0] =	sbarrier.arrive $0xFFFF  }
0x55: {  	s31 =	simm.s32 $0x2;
	[sflag:s2] =	ssyncpa.u1 $0x1  }
0x56: {  	[sflag:s31] =	ssyncpa.u1 $0x1  }
0x57: {  	p0 =	sne.s32 s0, $0x0;
	_ =	strace $0x9000004D  }
0x58: {  	s0 =	sadd.s32 @!p0 $0x100000, s1;
	[bflag:$0x2] =	sbarrier.arrive $0xFFFF  }
0x59: {  	[sflag:s0] =	ssyncadd.tile.s32 @!p0 $0x1;
	_ =	shalt  }
.Lfunc_end1:
_tile_overlayer_lowered:
.L_overlay_start_2:
0x5a: {  	(tag) =	ssettag $0x2  }
0x5b: {  	s0 =	rddreg [dreg:$0x0];
	s2 =	stileid.u32  }
0x5c: {  	s1 =	rddreg [dreg:$0x1];
	p0 =	sne.s32 s2, $0x0  }
0x5d: {  	s3 =	rddreg [dreg:$0x2];
	[bflag:$0x3] =	sbarrier.arrive $0xFFFF;
	s2 =	simm.s32 @!p0 $0x1C01  }
0x5e: {  	[timem:s3], [sflag:s2] =	dma.local @!p0 [hbm:s0], s1  }
0x5f: {  	s0 =	simm.s32 @!p0 $0x1  }
0x60: {  	_ =	swait.ge @!p0 [sflag:s0], s1  }
0x61: {  	s1 =	ssub.s32 @!p0 $0x0, s1;
	[sflag:s0] =	ssyncset.done @!p0 $0x0  }
0x62: {  	[sflag:s0] =	ssyncadd.s32 @!p0 s1  }
0x63: {  	[bflag:$0x3] =	sbarrier.arrive $0xFFFF  }
0x64: {  	_ =	shalt  }

</sc_bundles>
